<compile_context>
chip_gen: v7x
topology: tpu7x:2x2x1
jax: 0.10.2.dev20260603
libtpu: 0.0.44.dev20260713+nightly
codegen_flags: <defaults>
</compile_context>

<pallas_src>
import functools

import jax
import jax.numpy as jnp
from jax import lax
from jax.experimental import pallas as pl
from jax.experimental.pallas import tpu as pltpu
from jax.experimental.pallas import tpu_sc as plsc

_B = 4
_N = 100000
_EMB = 128
_NC = 2
_NS = 16
_NW = _NC * _NS
_PER_W = (_B * _N) // _NW
_SCH = 125
_SNCH = _PER_W // _SCH
_LAG = 16
_NSTRIDE = 102400
_CNT = _B * _NSTRIDE
_SLICE = _CNT // _NS
_KBLK = 19200
_KMAIN = 96000
_KSTEPS = _KMAIN // _KBLK
_KTAIL = 4096


def _sc_histogram(xw, zeros_sl, ones_ch, idx16, emb):
    mesh = plsc.VectorSubcoreMesh(core_axis_name="c", subcore_axis_name="s")

    @functools.partial(
        pl.kernel,
        out_type=[
            jax.ShapeDtypeStruct((_NC, _NS, _SLICE), jnp.float32),
            jax.ShapeDtypeStruct((16, _EMB), jnp.float32),
        ],
        mesh=mesh,
        scratch_types=[
            pltpu.VMEM((_SNCH, _SCH), jnp.int32),
            pltpu.VMEM((_SCH,), jnp.float32),
            pltpu.VMEM_SHARED((_CNT,), jnp.float32),
            pltpu.VMEM((16,), jnp.int32),
            pltpu.VMEM((16, _EMB), jnp.float32),
            pltpu.SemaphoreType.DMA,
            pltpu.SemaphoreType.DMA,
        ],
    )
    def sc_kernel(xw_hbm, zeros_hbm, ones_hbm, idx16_hbm, emb_hbm,
                  counts_hbm, rows16_hbm,
                  idx_v, ones_v, cnt_sp, idx16_v, rows16_v, sem_s, sem_g):
        sid = lax.axis_index("s")
        scid = lax.axis_index("c")
        wid = sid * _NC + scid

        z = pltpu.async_copy(zeros_hbm.at[0],
                             cnt_sp.at[pl.ds(sid * _SLICE, _SLICE)], sem_g)
        xc = pltpu.async_copy(xw_hbm.at[wid], idx_v, sem_g)
        oc = pltpu.async_copy(ones_hbm.at[0], ones_v, sem_g)
        z.wait()
        xc.wait()
        oc.wait()
        plsc.subcore_barrier()

        @pl.when(wid == 0)
        def _():
            pltpu.sync_copy(idx16_hbm, idx16_v)
            pltpu.async_copy(emb_hbm.at[idx16_v], rows16_v, sem_g)

        pending = []
        for j in range(_SNCH):
            pending.append(
                pltpu.async_copy(ones_v, cnt_sp.at[idx_v.at[j]], sem_s,
                                 add=True))
            if len(pending) > _LAG:
                pending.pop(0).wait()
        for c in pending:
            c.wait()
        plsc.subcore_barrier()

        pltpu.sync_copy(cnt_sp.at[pl.ds(sid * _SLICE, _SLICE)],
                        counts_hbm.at[scid, sid])

        @pl.when(wid == 0)
        def _():
            pltpu.make_async_copy(emb_hbm.at[idx16_v], rows16_v,
                                  sem_g).wait()
            pltpu.sync_copy(rows16_v, rows16_hbm)

    return sc_kernel(xw, zeros_sl, ones_ch, idx16, emb)


def _tc_weighted_sum_head(cm, emb, ct, rows16, W1_rel, b1, W1_root,
                          W2_rel, b2, W2_root, W_fc, b_fc):

    def body(c_ref, e_ref, ct_ref, et_ref, r16_ref, w1r_ref, b1_ref,
             w1o_ref, w2r_ref, b2_ref, w2o_ref, wfc_ref, bfc_ref, out_ref,
             acc_ref):
        k = pl.program_id(0)
        hi = jax.lax.Precision.HIGHEST
        dn = (((1,), (0,)), ((), ()))

        @pl.when(k == 0)
        def _():
            acc_ref[...] = jnp.zeros_like(acc_ref)

        acc_ref[...] += lax.dot_general(
            c_ref[...], e_ref[...], dn, precision=hi,
            preferred_element_type=jnp.float32)

        @pl.when(k == _KSTEPS - 1)
        def _():
            inv_n = jnp.float32(1.0 / _N)
            acc8 = acc_ref[...] + lax.dot_general(
                ct_ref[:, 0:_N - _KMAIN], et_ref[...], dn, precision=hi,
                preferred_element_type=jnp.float32)
            S = acc8[0:_B] + acc8[_B:2 * _B]
            r16 = r16_ref[...]
            u = r16[0:_B] + r16[_B:2 * _B]
            b1v = b1_ref[...]
            w1r = w1r_ref[...]
            w1o = w1o_ref[...]
            mean0 = S * inv_n
            mean1 = (jnp.dot(u, w1r, precision=hi) * inv_n + b1v
                     + jnp.dot(mean0, w1o, precision=hi))
            sumh1 = jnp.dot(u, w1r + w1o, precision=hi) + 2.0 * b1v
            mean2 = (jnp.dot(sumh1, w2r_ref[...], precision=hi) * inv_n
                     + b2_ref[...]
                     + jnp.dot(mean1, w2o_ref[...], precision=hi))
            out_ref[...] = (jnp.dot(mean2, wfc_ref[...], precision=hi)
                            + bfc_ref[...])

    const = lambda k: (0, 0)
    return pl.pallas_call(
        body,
        grid=(_KSTEPS,),
        in_specs=[
            pl.BlockSpec((_NC * _B, _KBLK), lambda k: (0, k)),
            pl.BlockSpec((_KBLK, _EMB), lambda k: (k, 0)),
            pl.BlockSpec((_NC * _B, _KTAIL), const),
            pl.BlockSpec((_N - _KMAIN, _EMB), lambda k: (_KMAIN // (_N - _KMAIN), 0)),
            pl.BlockSpec((16, _EMB), const),
            pl.BlockSpec((_EMB, 256), const),
            pl.BlockSpec((1, 256), const),
            pl.BlockSpec((_EMB, 256), const),
            pl.BlockSpec((256, 64), const),
            pl.BlockSpec((1, 64), const),
            pl.BlockSpec((256, 64), const),
            pl.BlockSpec((64, 2), const),
            pl.BlockSpec((1, 2), const),
        ],
        out_specs=pl.BlockSpec((_B, 2), const),
        out_shape=jax.ShapeDtypeStruct((_B, 2), jnp.float32),
        scratch_shapes=[pltpu.VMEM((_NC * _B, _EMB), jnp.float32)],
    )(cm, emb, ct, emb, rows16, W1_rel, b1, W1_root, W2_rel, b2, W2_root,
      W_fc, b_fc)


def kernel(x, emb, W1_rel, b1, W1_root, W2_rel, b2, W2_root, W_fc, b_fc,
           edge_index):
    del edge_index
    xoff = x + (jnp.arange(_B, dtype=jnp.int32) * _NSTRIDE)[:, None]
    xw = xoff.reshape(_NW, _SNCH, _SCH)
    idx16 = jnp.concatenate([x[:, 0], x[:, 1], x[:, 0], x[:, 1]])
    zeros_sl = jnp.zeros((1, _SLICE), jnp.float32)
    ones_ch = jnp.ones((1, _SCH), jnp.float32)
    counts, rows16 = _sc_histogram(xw, zeros_sl, ones_ch, idx16, emb)
    cm = counts.reshape(_NC * _B, _NSTRIDE)
    ct = cm[:, _KMAIN:_KMAIN + _KTAIL]
    return _tc_weighted_sum_head(cm, emb, ct, rows16,
                                 W1_rel, b1.reshape(1, -1), W1_root,
                                 W2_rel, b2.reshape(1, -1), W2_root,
                                 W_fc, b_fc.reshape(1, -1))

# --- scband reference (transcript-rebuilt; emitter-appended) ---
"""Pipeline reference for scband-character-gnn-1589137899613 (READ-ONLY COPY).

The authoritative reference and input builder live on the scoring server;
editing this copy changes nothing except your own understanding.
"""

import jax, jax.numpy as jnp
import numpy as np

NUM_NODES = 100000
EMB = 128
HID = 256
NCLS = 64
B = 4
N = 100000


def setup_inputs(seed: int = 0) -> dict:
    key = jax.random.key(seed)
    ks = jax.random.split(key, 12)
    x = jax.random.randint(ks[0], (B, N), 0, NUM_NODES, dtype=jnp.int32)
    emb = jax.random.normal(ks[1], (NUM_NODES, EMB), dtype=jnp.float32) * 0.02
    W1_rel = jax.random.normal(ks[2], (EMB, HID), dtype=jnp.float32) * (1.0 / np.sqrt(EMB))
    b1 = jnp.zeros((HID,), dtype=jnp.float32)
    W1_root = jax.random.normal(ks[3], (EMB, HID), dtype=jnp.float32) * (1.0 / np.sqrt(EMB))
    W2_rel = jax.random.normal(ks[4], (HID, NCLS), dtype=jnp.float32) * (1.0 / np.sqrt(HID))
    b2 = jnp.zeros((NCLS,), dtype=jnp.float32)
    W2_root = jax.random.normal(ks[5], (HID, NCLS), dtype=jnp.float32) * (1.0 / np.sqrt(HID))
    W_fc = jax.random.normal(ks[6], (NCLS, 2), dtype=jnp.float32) * (1.0 / np.sqrt(NCLS))
    b_fc = jnp.zeros((2,), dtype=jnp.float32)
    # Hardcoded in the torch module __init__: torch.tensor([[0,1],[1,0]]).t() -> [[0,1],[1,0]]
    edge_index = jnp.array([[0, 1], [1, 0]], dtype=jnp.int32)
    return {"x": x, "emb": emb, "W1_rel": W1_rel, "b1": b1, "W1_root": W1_root,
            "W2_rel": W2_rel, "b2": b2, "W2_root": W2_root, "W_fc": W_fc, "b_fc": b_fc,
            "edge_index": edge_index}


def _graph_conv(h, edge_index, W_rel, b_rel, W_root):
    # PyG GraphConv (aggr='add'): out = lin_rel(sum_{j->i} x_j) + lin_root(x_i)
    src = edge_index[0]
    dst = edge_index[1]
    msgs = jnp.take(h, src, axis=1)              # gather along node dim (node_dim=-2)
    agg = jnp.zeros_like(h).at[:, dst, :].add(msgs)  # scatter-add into dst nodes
    return agg @ W_rel + b_rel + h @ W_root


def reference(x, emb, W1_rel, b1, W1_root, W2_rel, b2, W2_root, W_fc, b_fc, edge_index):
    h = jnp.take(emb, x, axis=0)                 # embedding lookup -> [B, N, EMB]
    h = _graph_conv(h, edge_index, W1_rel, b1, W1_root)   # [B, N, HID]
    h = _graph_conv(h, edge_index, W2_rel, b2, W2_root)   # [B, N, NCLS]
    h = jnp.mean(h, axis=1)                      # [B, NCLS]
    out = h @ W_fc + b_fc                        # [B, 2]
    return out

if __name__ == "__main__":
    import jax
    _d = setup_inputs()
    print(jax.jit(kernel)(*tuple(_d.values())))

</pallas_src>

<mosaic_0001>
#map = affine_map<(d0, d1) -> (0, 0, 0)>
#map1 = affine_map<(d0, d1) -> (0, 0)>
#map2 = affine_map<(d0, d1) -> (0)>
module attributes {stable_mosaic.version = 14 : i64} {
  func.func @sc_kernel(%arg0: i32, %arg1: i32, %arg2: memref<32x100x125xi32, #tpu.memory_space<hbm>>, %arg3: memref<1x25600xf32, #tpu.memory_space<hbm>>, %arg4: memref<1x125xf32, #tpu.memory_space<hbm>>, %arg5: memref<16xi32, #tpu.memory_space<hbm>>, %arg6: memref<100000x128xf32, #tpu.memory_space<hbm>>, %arg7: memref<2x16x25600xf32, #tpu.memory_space<hbm>>, %arg8: memref<16x128xf32, #tpu.memory_space<hbm>>, %arg9: memref<100x125xi32, #tpu.memory_space<vmem>>, %arg10: memref<125xf32, #tpu.memory_space<vmem>>, %arg11: memref<409600xf32, #tpu.memory_space<vmem_shared>>, %arg12: memref<16xi32, #tpu.memory_space<vmem>>, %arg13: memref<16x128xf32, #tpu.memory_space<vmem>>, %arg14: memref<!tpu.dma_semaphore, #tpu.memory_space<semaphore_mem>>, %arg15: memref<!tpu.dma_semaphore, #tpu.memory_space<semaphore_mem>>) attributes {dimension_semantics = [#tpu.dimension_semantics<core_parallel>, #tpu.dimension_semantics<subcore_parallel>], iteration_bounds = array<i64: 2, 16>, scalar_prefetch = 0 : i64, scratch_operands = 7 : i64, tpu.core_type = #tpu.core_type<sc_vector_subcore>, window_params = [{transform_indices = #map}, {transform_indices = #map1}, {transform_indices = #map1}, {transform_indices = #map2}, {transform_indices = #map1}, {transform_indices = #map}, {transform_indices = #map1}]} {
    %mul3A = arith.constant 2 : i32
    %mul3A_0 = arith.muli %arg1, %mul3A : i32
    %add3A = arith.addi %mul3A_0, %arg0 : i32
    %mul3A_1 = arith.constant 25600 : i32
    %mul3A_2 = arith.muli %arg1, %mul3A_1 : i32
    %dma_start3A = arith.constant 0 : i32
    %dma_start3A_3 = tpu.memref_slice %arg11[%mul3A_2] : memref<409600xf32, #tpu.memory_space<vmem_shared>> -> memref<25600xf32, #tpu.memory_space<vmem_shared>>
    %dma_start3A_4 = arith.constant 0 : i32
    %dma_start3A_5 = tpu.memref_slice %arg3[%dma_start3A, %dma_start3A_4] : memref<1x25600xf32, #tpu.memory_space<hbm>> -> memref<1x25600xf32, #tpu.memory_space<hbm>>
    %dma_start3A_6 = tpu.memref_squeeze %dma_start3A_5 : memref<1x25600xf32, #tpu.memory_space<hbm>> -> memref<25600xf32, #tpu.memory_space<hbm>>
    tpu.enqueue_dma source(%dma_start3A_6 : memref<25600xf32, #tpu.memory_space<hbm>>) target(%dma_start3A_3 : memref<25600xf32, #tpu.memory_space<vmem_shared>>) target_semaphore(%arg15 : memref<!tpu.dma_semaphore, #tpu.memory_space<semaphore_mem>>)
    %dma_start3A_7 = arith.constant 0 : i32
    %dma_start3A_8 = arith.constant 0 : i32
    %dma_start3A_9 = tpu.memref_slice %arg2[%add3A, %dma_start3A_7, %dma_start3A_8] : memref<32x100x125xi32, #tpu.memory_space<hbm>> -> memref<1x100x125xi32, #tpu.memory_space<hbm>>
    %dma_start3A_10 = tpu.memref_squeeze %dma_start3A_9 : memref<1x100x125xi32, #tpu.memory_space<hbm>> -> memref<100x125xi32, #tpu.memory_space<hbm>>
    %dma_start3A_11 = arith.constant 0 : i32
    %dma_start3A_12 = arith.constant 0 : i32
    %dma_start3A_13 = tpu.memref_slice %arg2[%add3A, %dma_start3A_11, %dma_start3A_12] : memref<32x100x125xi32, #tpu.memory_space<hbm>> -> memref<1x100x125xi32, #tpu.memory_space<hbm>>
    %dma_start3A_14 = tpu.memref_squeeze %dma_start3A_13 : memref<1x100x125xi32, #tpu.memory_space<hbm>> -> memref<100x125xi32, #tpu.memory_space<hbm>>
    tpu.enqueue_dma source(%dma_start3A_14 : memref<100x125xi32, #tpu.memory_space<hbm>>) target(%arg9 : memref<100x125xi32, #tpu.memory_space<vmem>>) target_semaphore(%arg15 : memref<!tpu.dma_semaphore, #tpu.memory_space<semaphore_mem>>)
    %dma_start3A_15 = arith.constant 0 : i32
    %dma_start3A_16 = arith.constant 0 : i32
    %dma_start3A_17 = tpu.memref_slice %arg4[%dma_start3A_15, %dma_start3A_16] : memref<1x125xf32, #tpu.memory_space<hbm>> -> memref<1x125xf32, #tpu.memory_space<hbm>>
    %dma_start3A_18 = tpu.memref_squeeze %dma_start3A_17 : memref<1x125xf32, #tpu.memory_space<hbm>> -> memref<125xf32, #tpu.memory_space<hbm>>
    %dma_start3A_19 = arith.constant 0 : i32
    %dma_start3A_20 = tpu.memref_slice %arg4[%dma_start3A_15, %dma_start3A_19] : memref<1x125xf32, #tpu.memory_space<hbm>> -> memref<1x125xf32, #tpu.memory_space<hbm>>
    %dma_start3A_21 = tpu.memref_squeeze %dma_start3A_20 : memref<1x125xf32, #tpu.memory_space<hbm>> -> memref<125xf32, #tpu.memory_space<hbm>>
    tpu.enqueue_dma source(%dma_start3A_21 : memref<125xf32, #tpu.memory_space<hbm>>) target(%arg10 : memref<125xf32, #tpu.memory_space<vmem>>) target_semaphore(%arg15 : memref<!tpu.dma_semaphore, #tpu.memory_space<semaphore_mem>>)
    %dma_wait3A = arith.constant 0 : i32
    %dma_wait3A_22 = tpu.memref_slice %arg11[%mul3A_2] : memref<409600xf32, #tpu.memory_space<vmem_shared>> -> memref<25600xf32, #tpu.memory_space<vmem_shared>>
    %dma_wait3A_23 = arith.constant 0 : i32
    %dma_wait3A_24 = tpu.memref_slice %arg3[%dma_wait3A, %dma_wait3A_23] : memref<1x25600xf32, #tpu.memory_space<hbm>> -> memref<1x25600xf32, #tpu.memory_space<hbm>>
    %dma_wait3A_25 = tpu.memref_squeeze %dma_wait3A_24 : memref<1x25600xf32, #tpu.memory_space<hbm>> -> memref<25600xf32, #tpu.memory_space<hbm>>
    tpu.wait_dma2 semaphore(%arg15 : memref<!tpu.dma_semaphore, #tpu.memory_space<semaphore_mem>>) src(%dma_wait3A_25 : memref<25600xf32, #tpu.memory_space<hbm>>) dst(%dma_wait3A_22 : memref<25600xf32, #tpu.memory_space<vmem_shared>>)
    %dma_wait3A_26 = arith.constant 0 : i32
    %dma_wait3A_27 = arith.constant 0 : i32
    %dma_wait3A_28 = tpu.memref_slice %arg2[%add3A, %dma_wait3A_26, %dma_wait3A_27] : memref<32x100x125xi32, #tpu.memory_space<hbm>> -> memref<1x100x125xi32, #tpu.memory_space<hbm>>
    %dma_wait3A_29 = tpu.memref_squeeze %dma_wait3A_28 : memref<1x100x125xi32, #tpu.memory_space<hbm>> -> memref<100x125xi32, #tpu.memory_space<hbm>>
    %dma_wait3A_30 = arith.constant 0 : i32
    %dma_wait3A_31 = arith.constant 0 : i32
    %dma_wait3A_32 = tpu.memref_slice %arg2[%add3A, %dma_wait3A_30, %dma_wait3A_31] : memref<32x100x125xi32, #tpu.memory_space<hbm>> -> memref<1x100x125xi32, #tpu.memory_space<hbm>>
    %dma_wait3A_33 = tpu.memref_squeeze %dma_wait3A_32 : memref<1x100x125xi32, #tpu.memory_space<hbm>> -> memref<100x125xi32, #tpu.memory_space<hbm>>
    tpu.wait_dma2 semaphore(%arg15 : memref<!tpu.dma_semaphore, #tpu.memory_space<semaphore_mem>>) src(%dma_wait3A_33 : memref<100x125xi32, #tpu.memory_space<hbm>>) dst(%arg9 : memref<100x125xi32, #tpu.memory_space<vmem>>)
    %dma_wait3A_34 = arith.constant 0 : i32
    %dma_wait3A_35 = arith.constant 0 : i32
    %dma_wait3A_36 = tpu.memref_slice %arg4[%dma_wait3A_34, %dma_wait3A_35] : memref<1x125xf32, #tpu.memory_space<hbm>> -> memref<1x125xf32, #tpu.memory_space<hbm>>
    %dma_wait3A_37 = tpu.memref_squeeze %dma_wait3A_36 : memref<1x125xf32, #tpu.memory_space<hbm>> -> memref<125xf32, #tpu.memory_space<hbm>>
    %dma_wait3A_38 = arith.constant 0 : i32
    %dma_wait3A_39 = tpu.memref_slice %arg4[%dma_wait3A_34, %dma_wait3A_38] : memref<1x125xf32, #tpu.memory_space<hbm>> -> memref<1x125xf32, #tpu.memory_space<hbm>>
    %dma_wait3A_40 = tpu.memref_squeeze %dma_wait3A_39 : memref<1x125xf32, #tpu.memory_space<hbm>> -> memref<125xf32, #tpu.memory_space<hbm>>
    tpu.wait_dma2 semaphore(%arg15 : memref<!tpu.dma_semaphore, #tpu.memory_space<semaphore_mem>>) src(%dma_wait3A_40 : memref<125xf32, #tpu.memory_space<hbm>>) dst(%arg10 : memref<125xf32, #tpu.memory_space<vmem>>)
    %barrier3A = arith.constant 0 : index
    tpu.barrier barrier_id(%barrier3A)
    %eq3A = arith.constant 0 : i32
    %eq3A_41 = arith.cmpi eq, %add3A, %eq3A : i32
    %convert_element_type3A = arith.extui %eq3A_41 : i1 to i32
    %cond3A = arith.constant 0 : i32
    %cond3A_42 = arith.cmpi ne, %convert_element_type3A, %cond3A : i32
    scf.if %cond3A_42 {
      "tpu.region"() ({
        %run_scoped3A = tpu.sem_alloc : memref<!tpu.dma_semaphore, #tpu.memory_space<semaphore_mem>>
        tpu.enqueue_dma source(%arg5 : memref<16xi32, #tpu.memory_space<hbm>>) target(%arg12 : memref<16xi32, #tpu.memory_space<vmem>>) target_semaphore(%run_scoped3A : memref<!tpu.dma_semaphore, #tpu.memory_space<semaphore_mem>>)
        tpu.wait_dma2 semaphore(%run_scoped3A : memref<!tpu.dma_semaphore, #tpu.memory_space<semaphore_mem>>) src(%arg5 : memref<16xi32, #tpu.memory_space<hbm>>) dst(%arg12 : memref<16xi32, #tpu.memory_space<vmem>>)
        tpu.yield
      }) : () -> ()
      %dma_start3A_1251 = arith.constant 0 : i32
      %dma_start3A_1252 = arith.constant 0 : i32
      %dma_start3A_1253 = tpu.memref_slice %arg6[%dma_start3A_1251, %dma_start3A_1252] : memref<100000x128xf32, #tpu.memory_space<hbm>> -> memref<100000x128xf32, #tpu.memory_space<hbm>>
      tpu.enqueue_indirect_dma source(%dma_start3A_1253 : memref<100000x128xf32, #tpu.memory_space<hbm>>) target(%arg13 : memref<16x128xf32, #tpu.memory_space<vmem>>) offsets(%arg12 : memref<16xi32, #tpu.memory_space<vmem>>) semaphore(%arg15 : memref<!tpu.dma_semaphore, #tpu.memory_space<semaphore_mem>>)
    } else {
    }
    %dma_start3A_43 = arith.constant 0 : i32
    %dma_start3A_44 = arith.constant 0 : i32
    %dma_start3A_45 = tpu.memref_slice %arg9[%dma_start3A_43, %dma_start3A_44] : memref<100x125xi32, #tpu.memory_space<vmem>> -> memref<1x125xi32, #tpu.memory_space<vmem>>
    %dma_start3A_46 = tpu.memref_squeeze %dma_start3A_45 : memref<1x125xi32, #tpu.memory_space<vmem>> -> memref<125xi32, #tpu.memory_space<vmem>>
    %dma_start3A_47 = arith.constant 0 : i32
    %dma_start3A_48 = tpu.memref_slice %arg11[%dma_start3A_47] : memref<409600xf32, #tpu.memory_space<vmem_shared>> -> memref<409600xf32, #tpu.memory_space<vmem_shared>>
    tpu.enqueue_indirect_dma source(%arg10 : memref<125xf32, #tpu.memory_space<vmem>>) target(%dma_start3A_48 : memref<409600xf32, #tpu.memory_space<vmem_shared>>) offsets(%dma_start3A_46 : memref<125xi32, #tpu.memory_space<vmem>>) semaphore(%arg14 : memref<!tpu.dma_semaphore, #tpu.memory_space<semaphore_mem>>) {add = true}
    %dma_start3A_49 = arith.constant 1 : i32
    %dma_start3A_50 = arith.constant 0 : i32
    %dma_start3A_51 = tpu.memref_slice %arg9[%dma_start3A_49, %dma_start3A_50] : memref<100x125xi32, #tpu.memory_space<vmem>> -> memref<1x125xi32, #tpu.memory_space<vmem>>
    %dma_start3A_52 = tpu.memref_squeeze %dma_start3A_51 : memref<1x125xi32, #tpu.memory_space<vmem>> -> memref<125xi32, #tpu.memory_space<vmem>>
    %dma_start3A_53 = arith.constant 0 : i32
    %dma_start3A_54 = tpu.memref_slice %arg11[%dma_start3A_53] : memref<409600xf32, #tpu.memory_space<vmem_shared>> -> memref<409600xf32, #tpu.memory_space<vmem_shared>>
    tpu.enqueue_indirect_dma source(%arg10 : memref<125xf32, #tpu.memory_space<vmem>>) target(%dma_start3A_54 : memref<409600xf32, #tpu.memory_space<vmem_shared>>) offsets(%dma_start3A_52 : memref<125xi32, #tpu.memory_space<vmem>>) semaphore(%arg14 : memref<!tpu.dma_semaphore, #tpu.memory_space<semaphore_mem>>) {add = true}
    %dma_start3A_55 = arith.constant 2 : i32
    %dma_start3A_56 = arith.constant 0 : i32
    %dma_start3A_57 = tpu.memref_slice %arg9[%dma_start3A_55, %dma_start3A_56] : memref<100x125xi32, #tpu.memory_space<vmem>> -> memref<1x125xi32, #tpu.memory_space<vmem>>
    %dma_start3A_58 = tpu.memref_squeeze %dma_start3A_57 : memref<1x125xi32, #tpu.memory_space<vmem>> -> memref<125xi32, #tpu.memory_space<vmem>>
    %dma_start3A_59 = arith.constant 0 : i32
    %dma_start3A_60 = tpu.memref_slice %arg11[%dma_start3A_59] : memref<409600xf32, #tpu.memory_space<vmem_shared>> -> memref<409600xf32, #tpu.memory_space<vmem_shared>>
    tpu.enqueue_indirect_dma source(%arg10 : memref<125xf32, #tpu.memory_space<vmem>>) target(%dma_start3A_60 : memref<409600xf32, #tpu.memory_space<vmem_shared>>) offsets(%dma_start3A_58 : memref<125xi32, #tpu.memory_space<vmem>>) semaphore(%arg14 : memref<!tpu.dma_semaphore, #tpu.memory_space<semaphore_mem>>) {add = true}
    %dma_start3A_61 = arith.constant 3 : i32
    %dma_start3A_62 = arith.constant 0 : i32
    %dma_start3A_63 = tpu.memref_slice %arg9[%dma_start3A_61, %dma_start3A_62] : memref<100x125xi32, #tpu.memory_space<vmem>> -> memref<1x125xi32, #tpu.memory_space<vmem>>
    %dma_start3A_64 = tpu.memref_squeeze %dma_start3A_63 : memref<1x125xi32, #tpu.memory_space<vmem>> -> memref<125xi32, #tpu.memory_space<vmem>>
    %dma_start3A_65 = arith.constant 0 : i32
    %dma_start3A_66 = tpu.memref_slice %arg11[%dma_start3A_65] : memref<409600xf32, #tpu.memory_space<vmem_shared>> -> memref<409600xf32, #tpu.memory_space<vmem_shared>>
    tpu.enqueue_indirect_dma source(%arg10 : memref<125xf32, #tpu.memory_space<vmem>>) target(%dma_start3A_66 : memref<409600xf32, #tpu.memory_space<vmem_shared>>) offsets(%dma_start3A_64 : memref<125xi32, #tpu.memory_space<vmem>>) semaphore(%arg14 : memref<!tpu.dma_semaphore, #tpu.memory_space<semaphore_mem>>) {add = true}
    %dma_start3A_67 = arith.constant 4 : i32
    %dma_start3A_68 = arith.constant 0 : i32
    %dma_start3A_69 = tpu.memref_slice %arg9[%dma_start3A_67, %dma_start3A_68] : memref<100x125xi32, #tpu.memory_space<vmem>> -> memref<1x125xi32, #tpu.memory_space<vmem>>
    %dma_start3A_70 = tpu.memref_squeeze %dma_start3A_69 : memref<1x125xi32, #tpu.memory_space<vmem>> -> memref<125xi32, #tpu.memory_space<vmem>>
    %dma_start3A_71 = arith.constant 0 : i32
    %dma_start3A_72 = tpu.memref_slice %arg11[%dma_start3A_71] : memref<409600xf32, #tpu.memory_space<vmem_shared>> -> memref<409600xf32, #tpu.memory_space<vmem_shared>>
    tpu.enqueue_indirect_dma source(%arg10 : memref<125xf32, #tpu.memory_space<vmem>>) target(%dma_start3A_72 : memref<409600xf32, #tpu.memory_space<vmem_shared>>) offsets(%dma_start3A_70 : memref<125xi32, #tpu.memory_space<vmem>>) semaphore(%arg14 : memref<!tpu.dma_semaphore, #tpu.memory_space<semaphore_mem>>) {add = true}
    %dma_start3A_73 = arith.constant 5 : i32
    %dma_start3A_74 = arith.constant 0 : i32
    %dma_start3A_75 = tpu.memref_slice %arg9[%dma_start3A_73, %dma_start3A_74] : memref<100x125xi32, #tpu.memory_space<vmem>> -> memref<1x125xi32, #tpu.memory_space<vmem>>
    %dma_start3A_76 = tpu.memref_squeeze %dma_start3A_75 : memref<1x125xi32, #tpu.memory_space<vmem>> -> memref<125xi32, #tpu.memory_space<vmem>>
    %dma_start3A_77 = arith.constant 0 : i32
    %dma_start3A_78 = tpu.memref_slice %arg11[%dma_start3A_77] : memref<409600xf32, #tpu.memory_space<vmem_shared>> -> memref<409600xf32, #tpu.memory_space<vmem_shared>>
    tpu.enqueue_indirect_dma source(%arg10 : memref<125xf32, #tpu.memory_space<vmem>>) target(%dma_start3A_78 : memref<409600xf32, #tpu.memory_space<vmem_shared>>) offsets(%dma_start3A_76 : memref<125xi32, #tpu.memory_space<vmem>>) semaphore(%arg14 : memref<!tpu.dma_semaphore, #tpu.memory_space<semaphore_mem>>) {add = true}
    %dma_start3A_79 = arith.constant 6 : i32
    %dma_start3A_80 = arith.constant 0 : i32
    %dma_start3A_81 = tpu.memref_slice %arg9[%dma_start3A_79, %dma_start3A_80] : memref<100x125xi32, #tpu.memory_space<vmem>> -> memref<1x125xi32, #tpu.memory_space<vmem>>
    %dma_start3A_82 = tpu.memref_squeeze %dma_start3A_81 : memref<1x125xi32, #tpu.memory_space<vmem>> -> memref<125xi32, #tpu.memory_space<vmem>>
    %dma_start3A_83 = arith.constant 0 : i32
    %dma_start3A_84 = tpu.memref_slice %arg11[%dma_start3A_83] : memref<409600xf32, #tpu.memory_space<vmem_shared>> -> memref<409600xf32, #tpu.memory_space<vmem_shared>>
    tpu.enqueue_indirect_dma source(%arg10 : memref<125xf32, #tpu.memory_space<vmem>>) target(%dma_start3A_84 : memref<409600xf32, #tpu.memory_space<vmem_shared>>) offsets(%dma_start3A_82 : memref<125xi32, #tpu.memory_space<vmem>>) semaphore(%arg14 : memref<!tpu.dma_semaphore, #tpu.memory_space<semaphore_mem>>) {add = true}
    %dma_start3A_85 = arith.constant 7 : i32
    %dma_start3A_86 = arith.constant 0 : i32
    %dma_start3A_87 = tpu.memref_slice %arg9[%dma_start3A_85, %dma_start3A_86] : memref<100x125xi32, #tpu.memory_space<vmem>> -> memref<1x125xi32, #tpu.memory_space<vmem>>
    %dma_start3A_88 = tpu.memref_squeeze %dma_start3A_87 : memref<1x125xi32, #tpu.memory_space<vmem>> -> memref<125xi32, #tpu.memory_space<vmem>>
    %dma_start3A_89 = arith.constant 0 : i32
    %dma_start3A_90 = tpu.memref_slice %arg11[%dma_start3A_89] : memref<409600xf32, #tpu.memory_space<vmem_shared>> -> memref<409600xf32, #tpu.memory_space<vmem_shared>>
    tpu.enqueue_indirect_dma source(%arg10 : memref<125xf32, #tpu.memory_space<vmem>>) target(%dma_start3A_90 : memref<409600xf32, #tpu.memory_space<vmem_shared>>) offsets(%dma_start3A_88 : memref<125xi32, #tpu.memory_space<vmem>>) semaphore(%arg14 : memref<!tpu.dma_semaphore, #tpu.memory_space<semaphore_mem>>) {add = true}
    %dma_start3A_91 = arith.constant 8 : i32
    %dma_start3A_92 = arith.constant 0 : i32
    %dma_start3A_93 = tpu.memref_slice %arg9[%dma_start3A_91, %dma_start3A_92] : memref<100x125xi32, #tpu.memory_space<vmem>> -> memref<1x125xi32, #tpu.memory_space<vmem>>
    %dma_start3A_94 = tpu.memref_squeeze %dma_start3A_93 : memref<1x125xi32, #tpu.memory_space<vmem>> -> memref<125xi32, #tpu.memory_space<vmem>>
    %dma_start3A_95 = arith.constant 0 : i32
    %dma_start3A_96 = tpu.memref_slice %arg11[%dma_start3A_95] : memref<409600xf32, #tpu.memory_space<vmem_shared>> -> memref<409600xf32, #tpu.memory_space<vmem_shared>>
    tpu.enqueue_indirect_dma source(%arg10 : memref<125xf32, #tpu.memory_space<vmem>>) target(%dma_start3A_96 : memref<409600xf32, #tpu.memory_space<vmem_shared>>) offsets(%dma_start3A_94 : memref<125xi32, #tpu.memory_space<vmem>>) semaphore(%arg14 : memref<!tpu.dma_semaphore, #tpu.memory_space<semaphore_mem>>) {add = true}
    %dma_start3A_97 = arith.constant 9 : i32
    %dma_start3A_98 = arith.constant 0 : i32
    %dma_start3A_99 = tpu.memref_slice %arg9[%dma_start3A_97, %dma_start3A_98] : memref<100x125xi32, #tpu.memory_space<vmem>> -> memref<1x125xi32, #tpu.memory_space<vmem>>
    %dma_start3A_100 = tpu.memref_squeeze %dma_start3A_99 : memref<1x125xi32, #tpu.memory_space<vmem>> -> memref<125xi32, #tpu.memory_space<vmem>>
    %dma_start3A_101 = arith.constant 0 : i32
    %dma_start3A_102 = tpu.memref_slice %arg11[%dma_start3A_101] : memref<409600xf32, #tpu.memory_space<vmem_shared>> -> memref<409600xf32, #tpu.memory_space<vmem_shared>>
    tpu.enqueue_indirect_dma source(%arg10 : memref<125xf32, #tpu.memory_space<vmem>>) target(%dma_start3A_102 : memref<409600xf32, #tpu.memory_space<vmem_shared>>) offsets(%dma_start3A_100 : memref<125xi32, #tpu.memory_space<vmem>>) semaphore(%arg14 : memref<!tpu.dma_semaphore, #tpu.memory_space<semaphore_mem>>) {add = true}
    %dma_start3A_103 = arith.constant 10 : i32
    %dma_start3A_104 = arith.constant 0 : i32
    %dma_start3A_105 = tpu.memref_slice %arg9[%dma_start3A_103, %dma_start3A_104] : memref<100x125xi32, #tpu.memory_space<vmem>> -> memref<1x125xi32, #tpu.memory_space<vmem>>
    %dma_start3A_106 = tpu.memref_squeeze %dma_start3A_105 : memref<1x125xi32, #tpu.memory_space<vmem>> -> memref<125xi32, #tpu.memory_space<vmem>>
    %dma_start3A_107 = arith.constant 0 : i32
    %dma_start3A_108 = tpu.memref_slice %arg11[%dma_start3A_107] : memref<409600xf32, #tpu.memory_space<vmem_shared>> -> memref<409600xf32, #tpu.memory_space<vmem_shared>>
    tpu.enqueue_indirect_dma source(%arg10 : memref<125xf32, #tpu.memory_space<vmem>>) target(%dma_start3A_108 : memref<409600xf32, #tpu.memory_space<vmem_shared>>) offsets(%dma_start3A_106 : memref<125xi32, #tpu.memory_space<vmem>>) semaphore(%arg14 : memref<!tpu.dma_semaphore, #tpu.memory_space<semaphore_mem>>) {add = true}
    %dma_start3A_109 = arith.constant 11 : i32
    %dma_start3A_110 = arith.constant 0 : i32
    %dma_start3A_111 = tpu.memref_slice %arg9[%dma_start3A_109, %dma_start3A_110] : memref<100x125xi32, #tpu.memory_space<vmem>> -> memref<1x125xi32, #tpu.memory_space<vmem>>
    %dma_start3A_112 = tpu.memref_squeeze %dma_start3A_111 : memref<1x125xi32, #tpu.memory_space<vmem>> -> memref<125xi32, #tpu.memory_space<vmem>>
    %dma_start3A_113 = arith.constant 0 : i32
    %dma_start3A_114 = tpu.memref_slice %arg11[%dma_start3A_113] : memref<409600xf32, #tpu.memory_space<vmem_shared>> -> memref<409600xf32, #tpu.memory_space<vmem_shared>>
    tpu.enqueue_indirect_dma source(%arg10 : memref<125xf32, #tpu.memory_space<vmem>>) target(%dma_start3A_114 : memref<409600xf32, #tpu.memory_space<vmem_shared>>) offsets(%dma_start3A_112 : memref<125xi32, #tpu.memory_space<vmem>>) semaphore(%arg14 : memref<!tpu.dma_semaphore, #tpu.memory_space<semaphore_mem>>) {add = true}
    %dma_start3A_115 = arith.constant 12 : i32
    %dma_start3A_116 = arith.constant 0 : i32
    %dma_start3A_117 = tpu.memref_slice %arg9[%dma_start3A_115, %dma_start3A_116] : memref<100x125xi32, #tpu.memory_space<vmem>> -> memref<1x125xi32, #tpu.memory_space<vmem>>
    %dma_start3A_118 = tpu.memref_squeeze %dma_start3A_117 : memref<1x125xi32, #tpu.memory_space<vmem>> -> memref<125xi32, #tpu.memory_space<vmem>>
    %dma_start3A_119 = arith.constant 0 : i32
    %dma_start3A_120 = tpu.memref_slice %arg11[%dma_start3A_119] : memref<409600xf32, #tpu.memory_space<vmem_shared>> -> memref<409600xf32, #tpu.memory_space<vmem_shared>>
    tpu.enqueue_indirect_dma source(%arg10 : memref<125xf32, #tpu.memory_space<vmem>>) target(%dma_start3A_120 : memref<409600xf32, #tpu.memory_space<vmem_shared>>) offsets(%dma_start3A_118 : memref<125xi32, #tpu.memory_space<vmem>>) semaphore(%arg14 : memref<!tpu.dma_semaphore, #tpu.memory_space<semaphore_mem>>) {add = true}
    %dma_start3A_121 = arith.constant 13 : i32
    %dma_start3A_122 = arith.constant 0 : i32
    %dma_start3A_123 = tpu.memref_slice %arg9[%dma_start3A_121, %dma_start3A_122] : memref<100x125xi32, #tpu.memory_space<vmem>> -> memref<1x125xi32, #tpu.memory_space<vmem>>
    %dma_start3A_124 = tpu.memref_squeeze %dma_start3A_123 : memref<1x125xi32, #tpu.memory_space<vmem>> -> memref<125xi32, #tpu.memory_space<vmem>>
    %dma_start3A_125 = arith.constant 0 : i32
    %dma_start3A_126 = tpu.memref_slice %arg11[%dma_start3A_125] : memref<409600xf32, #tpu.memory_space<vmem_shared>> -> memref<409600xf32, #tpu.memory_space<vmem_shared>>
    tpu.enqueue_indirect_dma source(%arg10 : memref<125xf32, #tpu.memory_space<vmem>>) target(%dma_start3A_126 : memref<409600xf32, #tpu.memory_space<vmem_shared>>) offsets(%dma_start3A_124 : memref<125xi32, #tpu.memory_space<vmem>>) semaphore(%arg14 : memref<!tpu.dma_semaphore, #tpu.memory_space<semaphore_mem>>) {add = true}
    %dma_start3A_127 = arith.constant 14 : i32
    %dma_start3A_128 = arith.constant 0 : i32
    %dma_start3A_129 = tpu.memref_slice %arg9[%dma_start3A_127, %dma_start3A_128] : memref<100x125xi32, #tpu.memory_space<vmem>> -> memref<1x125xi32, #tpu.memory_space<vmem>>
    %dma_start3A_130 = tpu.memref_squeeze %dma_start3A_129 : memref<1x125xi32, #tpu.memory_space<vmem>> -> memref<125xi32, #tpu.memory_space<vmem>>
    %dma_start3A_131 = arith.constant 0 : i32
    %dma_start3A_132 = tpu.memref_slice %arg11[%dma_start3A_131] : memref<409600xf32, #tpu.memory_space<vmem_shared>> -> memref<409600xf32, #tpu.memory_space<vmem_shared>>
    tpu.enqueue_indirect_dma source(%arg10 : memref<125xf32, #tpu.memory_space<vmem>>) target(%dma_start3A_132 : memref<409600xf32, #tpu.memory_space<vmem_shared>>) offsets(%dma_start3A_130 : memref<125xi32, #tpu.memory_space<vmem>>) semaphore(%arg14 : memref<!tpu.dma_semaphore, #tpu.memory_space<semaphore_mem>>) {add = true}
    %dma_start3A_133 = arith.constant 15 : i32
    %dma_start3A_134 = arith.constant 0 : i32
    %dma_start3A_135 = tpu.memref_slice %arg9[%dma_start3A_133, %dma_start3A_134] : memref<100x125xi32, #tpu.memory_space<vmem>> -> memref<1x125xi32, #tpu.memory_space<vmem>>
    %dma_start3A_136 = tpu.memref_squeeze %dma_start3A_135 : memref<1x125xi32, #tpu.memory_space<vmem>> -> memref<125xi32, #tpu.memory_space<vmem>>
    %dma_start3A_137 = arith.constant 0 : i32
    %dma_start3A_138 = tpu.memref_slice %arg11[%dma_start3A_137] : memref<409600xf32, #tpu.memory_space<vmem_shared>> -> memref<409600xf32, #tpu.memory_space<vmem_shared>>
    tpu.enqueue_indirect_dma source(%arg10 : memref<125xf32, #tpu.memory_space<vmem>>) target(%dma_start3A_138 : memref<409600xf32, #tpu.memory_space<vmem_shared>>) offsets(%dma_start3A_136 : memref<125xi32, #tpu.memory_space<vmem>>) semaphore(%arg14 : memref<!tpu.dma_semaphore, #tpu.memory_space<semaphore_mem>>) {add = true}
    %dma_start3A_139 = arith.constant 16 : i32
    %dma_start3A_140 = arith.constant 0 : i32
    %dma_start3A_141 = tpu.memref_slice %arg9[%dma_start3A_139, %dma_start3A_140] : memref<100x125xi32, #tpu.memory_space<vmem>> -> memref<1x125xi32, #tpu.memory_space<vmem>>
    %dma_start3A_142 = tpu.memref_squeeze %dma_start3A_141 : memref<1x125xi32, #tpu.memory_space<vmem>> -> memref<125xi32, #tpu.memory_space<vmem>>
    %dma_start3A_143 = arith.constant 0 : i32
    %dma_start3A_144 = tpu.memref_slice %arg11[%dma_start3A_143] : memref<409600xf32, #tpu.memory_space<vmem_shared>> -> memref<409600xf32, #tpu.memory_space<vmem_shared>>
    tpu.enqueue_indirect_dma source(%arg10 : memref<125xf32, #tpu.memory_space<vmem>>) target(%dma_start3A_144 : memref<409600xf32, #tpu.memory_space<vmem_shared>>) offsets(%dma_start3A_142 : memref<125xi32, #tpu.memory_space<vmem>>) semaphore(%arg14 : memref<!tpu.dma_semaphore, #tpu.memory_space<semaphore_mem>>) {add = true}
    %dma_wait3A_145 = arith.constant 0 : i32
    %dma_wait3A_146 = arith.constant 0 : i32
    %dma_wait3A_147 = tpu.memref_slice %arg9[%dma_wait3A_145, %dma_wait3A_146] : memref<100x125xi32, #tpu.memory_space<vmem>> -> memref<1x125xi32, #tpu.memory_space<vmem>>
    %dma_wait3A_148 = tpu.memref_squeeze %dma_wait3A_147 : memref<1x125xi32, #tpu.memory_space<vmem>> -> memref<125xi32, #tpu.memory_space<vmem>>
    %dma_wait3A_149 = arith.constant 0 : i32
    %dma_wait3A_150 = tpu.memref_slice %arg11[%dma_wait3A_149] : memref<409600xf32, #tpu.memory_space<vmem_shared>> -> memref<409600xf32, #tpu.memory_space<vmem_shared>>
    tpu.wait_indirect_dma semaphore(%arg14 : memref<!tpu.dma_semaphore, #tpu.memory_space<semaphore_mem>>) src(%arg10 : memref<125xf32, #tpu.memory_space<vmem>>) dst(%dma_wait3A_150 : memref<409600xf32, #tpu.memory_space<vmem_shared>>)
    %dma_start3A_151 = arith.constant 17 : i32
    %dma_start3A_152 = arith.constant 0 : i32
    %dma_start3A_153 = tpu.memref_slice %arg9[%dma_start3A_151, %dma_start3A_152] : memref<100x125xi32, #tpu.memory_space<vmem>> -> memref<1x125xi32, #tpu.memory_space<vmem>>
    %dma_start3A_154 = tpu.memref_squeeze %dma_start3A_153 : memref<1x125xi32, #tpu.memory_space<vmem>> -> memref<125xi32, #tpu.memory_space<vmem>>
    %dma_start3A_155 = arith.constant 0 : i32
    %dma_start3A_156 = tpu.memref_slice %arg11[%dma_start3A_155] : memref<409600xf32, #tpu.memory_space<vmem_shared>> -> memref<409600xf32, #tpu.memory_space<vmem_shared>>
    tpu.enqueue_indirect_dma source(%arg10 : memref<125xf32, #tpu.memory_space<vmem>>) target(%dma_start3A_156 : memref<409600xf32, #tpu.memory_space<vmem_shared>>) offsets(%dma_start3A_154 : memref<125xi32, #tpu.memory_space<vmem>>) semaphore(%arg14 : memref<!tpu.dma_semaphore, #tpu.memory_space<semaphore_mem>>) {add = true}
    %dma_wait3A_157 = arith.constant 1 : i32
    %dma_wait3A_158 = arith.constant 0 : i32
    %dma_wait3A_159 = tpu.memref_slice %arg9[%dma_wait3A_157, %dma_wait3A_158] : memref<100x125xi32, #tpu.memory_space<vmem>> -> memref<1x125xi32, #tpu.memory_space<vmem>>
    %dma_wait3A_160 = tpu.memref_squeeze %dma_wait3A_159 : memref<1x125xi32, #tpu.memory_space<vmem>> -> memref<125xi32, #tpu.memory_space<vmem>>
    %dma_wait3A_161 = arith.constant 0 : i32
    %dma_wait3A_162 = tpu.memref_slice %arg11[%dma_wait3A_161] : memref<409600xf32, #tpu.memory_space<vmem_shared>> -> memref<409600xf32, #tpu.memory_space<vmem_shared>>
    tpu.wait_indirect_dma semaphore(%arg14 : memref<!tpu.dma_semaphore, #tpu.memory_space<semaphore_mem>>) src(%arg10 : memref<125xf32, #tpu.memory_space<vmem>>) dst(%dma_wait3A_162 : memref<409600xf32, #tpu.memory_space<vmem_shared>>)
    %dma_start3A_163 = arith.constant 18 : i32
    %dma_start3A_164 = arith.constant 0 : i32
    %dma_start3A_165 = tpu.memref_slice %arg9[%dma_start3A_163, %dma_start3A_164] : memref<100x125xi32, #tpu.memory_space<vmem>> -> memref<1x125xi32, #tpu.memory_space<vmem>>
    %dma_start3A_166 = tpu.memref_squeeze %dma_start3A_165 : memref<1x125xi32, #tpu.memory_space<vmem>> -> memref<125xi32, #tpu.memory_space<vmem>>
    %dma_start3A_167 = arith.constant 0 : i32
    %dma_start3A_168 = tpu.memref_slice %arg11[%dma_start3A_167] : memref<409600xf32, #tpu.memory_space<vmem_shared>> -> memref<409600xf32, #tpu.memory_space<vmem_shared>>
    tpu.enqueue_indirect_dma source(%arg10 : memref<125xf32, #tpu.memory_space<vmem>>) target(%dma_start3A_168 : memref<409600xf32, #tpu.memory_space<vmem_shared>>) offsets(%dma_start3A_166 : memref<125xi32, #tpu.memory_space<vmem>>) semaphore(%arg14 : memref<!tpu.dma_semaphore, #tpu.memory_space<semaphore_mem>>) {add = true}
    %dma_wait3A_169 = arith.constant 2 : i32
    %dma_wait3A_170 = arith.constant 0 : i32
    %dma_wait3A_171 = tpu.memref_slice %arg9[%dma_wait3A_169, %dma_wait3A_170] : memref<100x125xi32, #tpu.memory_space<vmem>> -> memref<1x125xi32, #tpu.memory_space<vmem>>
    %dma_wait3A_172 = tpu.memref_squeeze %dma_wait3A_171 : memref<1x125xi32, #tpu.memory_space<vmem>> -> memref<125xi32, #tpu.memory_space<vmem>>
    %dma_wait3A_173 = arith.constant 0 : i32
    %dma_wait3A_174 = tpu.memref_slice %arg11[%dma_wait3A_173] : memref<409600xf32, #tpu.memory_space<vmem_shared>> -> memref<409600xf32, #tpu.memory_space<vmem_shared>>
    tpu.wait_indirect_dma semaphore(%arg14 : memref<!tpu.dma_semaphore, #tpu.memory_space<semaphore_mem>>) src(%arg10 : memref<125xf32, #tpu.memory_space<vmem>>) dst(%dma_wait3A_174 : memref<409600xf32, #tpu.memory_space<vmem_shared>>)
    %dma_start3A_175 = arith.constant 19 : i32
    %dma_start3A_176 = arith.constant 0 : i32
    %dma_start3A_177 = tpu.memref_slice %arg9[%dma_start3A_175, %dma_start3A_176] : memref<100x125xi32, #tpu.memory_space<vmem>> -> memref<1x125xi32, #tpu.memory_space<vmem>>
    %dma_start3A_178 = tpu.memref_squeeze %dma_start3A_177 : memref<1x125xi32, #tpu.memory_space<vmem>> -> memref<125xi32, #tpu.memory_space<vmem>>
    %dma_start3A_179 = arith.constant 0 : i32
    %dma_start3A_180 = tpu.memref_slice %arg11[%dma_start3A_179] : memref<409600xf32, #tpu.memory_space<vmem_shared>> -> memref<409600xf32, #tpu.memory_space<vmem_shared>>
    tpu.enqueue_indirect_dma source(%arg10 : memref<125xf32, #tpu.memory_space<vmem>>) target(%dma_start3A_180 : memref<409600xf32, #tpu.memory_space<vmem_shared>>) offsets(%dma_start3A_178 : memref<125xi32, #tpu.memory_space<vmem>>) semaphore(%arg14 : memref<!tpu.dma_semaphore, #tpu.memory_space<semaphore_mem>>) {add = true}
    %dma_wait3A_181 = arith.constant 3 : i32
    %dma_wait3A_182 = arith.constant 0 : i32
    %dma_wait3A_183 = tpu.memref_slice %arg9[%dma_wait3A_181, %dma_wait3A_182] : memref<100x125xi32, #tpu.memory_space<vmem>> -> memref<1x125xi32, #tpu.memory_space<vmem>>
    %dma_wait3A_184 = tpu.memref_squeeze %dma_wait3A_183 : memref<1x125xi32, #tpu.memory_space<vmem>> -> memref<125xi32, #tpu.memory_space<vmem>>
    %dma_wait3A_185 = arith.constant 0 : i32
    %dma_wait3A_186 = tpu.memref_slice %arg11[%dma_wait3A_185] : memref<409600xf32, #tpu.memory_space<vmem_shared>> -> memref<409600xf32, #tpu.memory_space<vmem_shared>>
    tpu.wait_indirect_dma semaphore(%arg14 : memref<!tpu.dma_semaphore, #tpu.memory_space<semaphore_mem>>) src(%arg10 : memref<125xf32, #tpu.memory_space<vmem>>) dst(%dma_wait3A_186 : memref<409600xf32, #tpu.memory_space<vmem_shared>>)
    %dma_start3A_187 = arith.constant 20 : i32
    %dma_start3A_188 = arith.constant 0 : i32
    %dma_start3A_189 = tpu.memref_slice %arg9[%dma_start3A_187, %dma_start3A_188] : memref<100x125xi32, #tpu.memory_space<vmem>> -> memref<1x125xi32, #tpu.memory_space<vmem>>
    %dma_start3A_190 = tpu.memref_squeeze %dma_start3A_189 : memref<1x125xi32, #tpu.memory_space<vmem>> -> memref<125xi32, #tpu.memory_space<vmem>>
    %dma_start3A_191 = arith.constant 0 : i32
    %dma_start3A_192 = tpu.memref_slice %arg11[%dma_start3A_191] : memref<409600xf32, #tpu.memory_space<vmem_shared>> -> memref<409600xf32, #tpu.memory_space<vmem_shared>>
    tpu.enqueue_indirect_dma source(%arg10 : memref<125xf32, #tpu.memory_space<vmem>>) target(%dma_start3A_192 : memref<409600xf32, #tpu.memory_space<vmem_shared>>) offsets(%dma_start3A_190 : memref<125xi32, #tpu.memory_space<vmem>>) semaphore(%arg14 : memref<!tpu.dma_semaphore, #tpu.memory_space<semaphore_mem>>) {add = true}
    %dma_wait3A_193 = arith.constant 4 : i32
    %dma_wait3A_194 = arith.constant 0 : i32
    %dma_wait3A_195 = tpu.memref_slice %arg9[%dma_wait3A_193, %dma_wait3A_194] : memref<100x125xi32, #tpu.memory_space<vmem>> -> memref<1x125xi32, #tpu.memory_space<vmem>>
    %dma_wait3A_196 = tpu.memref_squeeze %dma_wait3A_195 : memref<1x125xi32, #tpu.memory_space<vmem>> -> memref<125xi32, #tpu.memory_space<vmem>>
    %dma_wait3A_197 = arith.constant 0 : i32
    %dma_wait3A_198 = tpu.memref_slice %arg11[%dma_wait3A_197] : memref<409600xf32, #tpu.memory_space<vmem_shared>> -> memref<409600xf32, #tpu.memory_space<vmem_shared>>
    tpu.wait_indirect_dma semaphore(%arg14 : memref<!tpu.dma_semaphore, #tpu.memory_space<semaphore_mem>>) src(%arg10 : memref<125xf32, #tpu.memory_space<vmem>>) dst(%dma_wait3A_198 : memref<409600xf32, #tpu.memory_space<vmem_shared>>)
    %dma_start3A_199 = arith.constant 21 : i32
    %dma_start3A_200 = arith.constant 0 : i32
    %dma_start3A_201 = tpu.memref_slice %arg9[%dma_start3A_199, %dma_start3A_200] : memref<100x125xi32, #tpu.memory_space<vmem>> -> memref<1x125xi32, #tpu.memory_space<vmem>>
    %dma_start3A_202 = tpu.memref_squeeze %dma_start3A_201 : memref<1x125xi32, #tpu.memory_space<vmem>> -> memref<125xi32, #tpu.memory_space<vmem>>
    %dma_start3A_203 = arith.constant 0 : i32
    %dma_start3A_204 = tpu.memref_slice %arg11[%dma_start3A_203] : memref<409600xf32, #tpu.memory_space<vmem_shared>> -> memref<409600xf32, #tpu.memory_space<vmem_shared>>
    tpu.enqueue_indirect_dma source(%arg10 : memref<125xf32, #tpu.memory_space<vmem>>) target(%dma_start3A_204 : memref<409600xf32, #tpu.memory_space<vmem_shared>>) offsets(%dma_start3A_202 : memref<125xi32, #tpu.memory_space<vmem>>) semaphore(%arg14 : memref<!tpu.dma_semaphore, #tpu.memory_space<semaphore_mem>>) {add = true}
    %dma_wait3A_205 = arith.constant 5 : i32
    %dma_wait3A_206 = arith.constant 0 : i32
    %dma_wait3A_207 = tpu.memref_slice %arg9[%dma_wait3A_205, %dma_wait3A_206] : memref<100x125xi32, #tpu.memory_space<vmem>> -> memref<1x125xi32, #tpu.memory_space<vmem>>
    %dma_wait3A_208 = tpu.memref_squeeze %dma_wait3A_207 : memref<1x125xi32, #tpu.memory_space<vmem>> -> memref<125xi32, #tpu.memory_space<vmem>>
    %dma_wait3A_209 = arith.constant 0 : i32
    %dma_wait3A_210 = tpu.memref_slice %arg11[%dma_wait3A_209] : memref<409600xf32, #tpu.memory_space<vmem_shared>> -> memref<409600xf32, #tpu.memory_space<vmem_shared>>
    tpu.wait_indirect_dma semaphore(%arg14 : memref<!tpu.dma_semaphore, #tpu.memory_space<semaphore_mem>>) src(%arg10 : memref<125xf32, #tpu.memory_space<vmem>>) dst(%dma_wait3A_210 : memref<409600xf32, #tpu.memory_space<vmem_shared>>)
    %dma_start3A_211 = arith.constant 22 : i32
    %dma_start3A_212 = arith.constant 0 : i32
    %dma_start3A_213 = tpu.memref_slice %arg9[%dma_start3A_211, %dma_start3A_212] : memref<100x125xi32, #tpu.memory_space<vmem>> -> memref<1x125xi32, #tpu.memory_space<vmem>>
    %dma_start3A_214 = tpu.memref_squeeze %dma_start3A_213 : memref<1x125xi32, #tpu.memory_space<vmem>> -> memref<125xi32, #tpu.memory_space<vmem>>
    %dma_start3A_215 = arith.constant 0 : i32
    %dma_start3A_216 = tpu.memref_slice %arg11[%dma_start3A_215] : memref<409600xf32, #tpu.memory_space<vmem_shared>> -> memref<409600xf32, #tpu.memory_space<vmem_shared>>
    tpu.enqueue_indirect_dma source(%arg10 : memref<125xf32, #tpu.memory_space<vmem>>) target(%dma_start3A_216 : memref<409600xf32, #tpu.memory_space<vmem_shared>>) offsets(%dma_start3A_214 : memref<125xi32, #tpu.memory_space<vmem>>) semaphore(%arg14 : memref<!tpu.dma_semaphore, #tpu.memory_space<semaphore_mem>>) {add = true}
    %dma_wait3A_217 = arith.constant 6 : i32
    %dma_wait3A_218 = arith.constant 0 : i32
    %dma_wait3A_219 = tpu.memref_slice %arg9[%dma_wait3A_217, %dma_wait3A_218] : memref<100x125xi32, #tpu.memory_space<vmem>> -> memref<1x125xi32, #tpu.memory_space<vmem>>
    %dma_wait3A_220 = tpu.memref_squeeze %dma_wait3A_219 : memref<1x125xi32, #tpu.memory_space<vmem>> -> memref<125xi32, #tpu.memory_space<vmem>>
    %dma_wait3A_221 = arith.constant 0 : i32
    %dma_wait3A_222 = tpu.memref_slice %arg11[%dma_wait3A_221] : memref<409600xf32, #tpu.memory_space<vmem_shared>> -> memref<409600xf32, #tpu.memory_space<vmem_shared>>
    tpu.wait_indirect_dma semaphore(%arg14 : memref<!tpu.dma_semaphore, #tpu.memory_space<semaphore_mem>>) src(%arg10 : memref<125xf32, #tpu.memory_space<vmem>>) dst(%dma_wait3A_222 : memref<409600xf32, #tpu.memory_space<vmem_shared>>)
    %dma_start3A_223 = arith.constant 23 : i32
    %dma_start3A_224 = arith.constant 0 : i32
    %dma_start3A_225 = tpu.memref_slice %arg9[%dma_start3A_223, %dma_start3A_224] : memref<100x125xi32, #tpu.memory_space<vmem>> -> memref<1x125xi32, #tpu.memory_space<vmem>>
    %dma_start3A_226 = tpu.memref_squeeze %dma_start3A_225 : memref<1x125xi32, #tpu.memory_space<vmem>> -> memref<125xi32, #tpu.memory_space<vmem>>
    %dma_start3A_227 = arith.constant 0 : i32
    %dma_start3A_228 = tpu.memref_slice %arg11[%dma_start3A_227] : memref<409600xf32, #tpu.memory_space<vmem_shared>> -> memref<409600xf32, #tpu.memory_space<vmem_shared>>
    tpu.enqueue_indirect_dma source(%arg10 : memref<125xf32, #tpu.memory_space<vmem>>) target(%dma_start3A_228 : memref<409600xf32, #tpu.memory_space<vmem_shared>>) offsets(%dma_start3A_226 : memref<125xi32, #tpu.memory_space<vmem>>) semaphore(%arg14 : memref<!tpu.dma_semaphore, #tpu.memory_space<semaphore_mem>>) {add = true}
    %dma_wait3A_229 = arith.constant 7 : i32
    %dma_wait3A_230 = arith.constant 0 : i32
    %dma_wait3A_231 = tpu.memref_slice %arg9[%dma_wait3A_229, %dma_wait3A_230] : memref<100x125xi32, #tpu.memory_space<vmem>> -> memref<1x125xi32, #tpu.memory_space<vmem>>
    %dma_wait3A_232 = tpu.memref_squeeze %dma_wait3A_231 : memref<1x125xi32, #tpu.memory_space<vmem>> -> memref<125xi32, #tpu.memory_space<vmem>>
    %dma_wait3A_233 = arith.constant 0 : i32
    %dma_wait3A_234 = tpu.memref_slice %arg11[%dma_wait3A_233] : memref<409600xf32, #tpu.memory_space<vmem_shared>> -> memref<409600xf32, #tpu.memory_space<vmem_shared>>
    tpu.wait_indirect_dma semaphore(%arg14 : memref<!tpu.dma_semaphore, #tpu.memory_space<semaphore_mem>>) src(%arg10 : memref<125xf32, #tpu.memory_space<vmem>>) dst(%dma_wait3A_234 : memref<409600xf32, #tpu.memory_space<vmem_shared>>)
    %dma_start3A_235 = arith.constant 24 : i32
    %dma_start3A_236 = arith.constant 0 : i32
    %dma_start3A_237 = tpu.memref_slice %arg9[%dma_start3A_235, %dma_start3A_236] : memref<100x125xi32, #tpu.memory_space<vmem>> -> memref<1x125xi32, #tpu.memory_space<vmem>>
    %dma_start3A_238 = tpu.memref_squeeze %dma_start3A_237 : memref<1x125xi32, #tpu.memory_space<vmem>> -> memref<125xi32, #tpu.memory_space<vmem>>
    %dma_start3A_239 = arith.constant 0 : i32
    %dma_start3A_240 = tpu.memref_slice %arg11[%dma_start3A_239] : memref<409600xf32, #tpu.memory_space<vmem_shared>> -> memref<409600xf32, #tpu.memory_space<vmem_shared>>
    tpu.enqueue_indirect_dma source(%arg10 : memref<125xf32, #tpu.memory_space<vmem>>) target(%dma_start3A_240 : memref<409600xf32, #tpu.memory_space<vmem_shared>>) offsets(%dma_start3A_238 : memref<125xi32, #tpu.memory_space<vmem>>) semaphore(%arg14 : memref<!tpu.dma_semaphore, #tpu.memory_space<semaphore_mem>>) {add = true}
    %dma_wait3A_241 = arith.constant 8 : i32
    %dma_wait3A_242 = arith.constant 0 : i32
    %dma_wait3A_243 = tpu.memref_slice %arg9[%dma_wait3A_241, %dma_wait3A_242] : memref<100x125xi32, #tpu.memory_space<vmem>> -> memref<1x125xi32, #tpu.memory_space<vmem>>
    %dma_wait3A_244 = tpu.memref_squeeze %dma_wait3A_243 : memref<1x125xi32, #tpu.memory_space<vmem>> -> memref<125xi32, #tpu.memory_space<vmem>>
    %dma_wait3A_245 = arith.constant 0 : i32
    %dma_wait3A_246 = tpu.memref_slice %arg11[%dma_wait3A_245] : memref<409600xf32, #tpu.memory_space<vmem_shared>> -> memref<409600xf32, #tpu.memory_space<vmem_shared>>
    tpu.wait_indirect_dma semaphore(%arg14 : memref<!tpu.dma_semaphore, #tpu.memory_space<semaphore_mem>>) src(%arg10 : memref<125xf32, #tpu.memory_space<vmem>>) dst(%dma_wait3A_246 : memref<409600xf32, #tpu.memory_space<vmem_shared>>)
    %dma_start3A_247 = arith.constant 25 : i32
    %dma_start3A_248 = arith.constant 0 : i32
    %dma_start3A_249 = tpu.memref_slice %arg9[%dma_start3A_247, %dma_start3A_248] : memref<100x125xi32, #tpu.memory_space<vmem>> -> memref<1x125xi32, #tpu.memory_space<vmem>>
    %dma_start3A_250 = tpu.memref_squeeze %dma_start3A_249 : memref<1x125xi32, #tpu.memory_space<vmem>> -> memref<125xi32, #tpu.memory_space<vmem>>
    %dma_start3A_251 = arith.constant 0 : i32
    %dma_start3A_252 = tpu.memref_slice %arg11[%dma_start3A_251] : memref<409600xf32, #tpu.memory_space<vmem_shared>> -> memref<409600xf32, #tpu.memory_space<vmem_shared>>
    tpu.enqueue_indirect_dma source(%arg10 : memref<125xf32, #tpu.memory_space<vmem>>) target(%dma_start3A_252 : memref<409600xf32, #tpu.memory_space<vmem_shared>>) offsets(%dma_start3A_250 : memref<125xi32, #tpu.memory_space<vmem>>) semaphore(%arg14 : memref<!tpu.dma_semaphore, #tpu.memory_space<semaphore_mem>>) {add = true}
    %dma_wait3A_253 = arith.constant 9 : i32
    %dma_wait3A_254 = arith.constant 0 : i32
    %dma_wait3A_255 = tpu.memref_slice %arg9[%dma_wait3A_253, %dma_wait3A_254] : memref<100x125xi32, #tpu.memory_space<vmem>> -> memref<1x125xi32, #tpu.memory_space<vmem>>
    %dma_wait3A_256 = tpu.memref_squeeze %dma_wait3A_255 : memref<1x125xi32, #tpu.memory_space<vmem>> -> memref<125xi32, #tpu.memory_space<vmem>>
    %dma_wait3A_257 = arith.constant 0 : i32
    %dma_wait3A_258 = tpu.memref_slice %arg11[%dma_wait3A_257] : memref<409600xf32, #tpu.memory_space<vmem_shared>> -> memref<409600xf32, #tpu.memory_space<vmem_shared>>
    tpu.wait_indirect_dma semaphore(%arg14 : memref<!tpu.dma_semaphore, #tpu.memory_space<semaphore_mem>>) src(%arg10 : memref<125xf32, #tpu.memory_space<vmem>>) dst(%dma_wait3A_258 : memref<409600xf32, #tpu.memory_space<vmem_shared>>)
    %dma_start3A_259 = arith.constant 26 : i32
    %dma_start3A_260 = arith.constant 0 : i32
    %dma_start3A_261 = tpu.memref_slice %arg9[%dma_start3A_259, %dma_start3A_260] : memref<100x125xi32, #tpu.memory_space<vmem>> -> memref<1x125xi32, #tpu.memory_space<vmem>>
    %dma_start3A_262 = tpu.memref_squeeze %dma_start3A_261 : memref<1x125xi32, #tpu.memory_space<vmem>> -> memref<125xi32, #tpu.memory_space<vmem>>
    %dma_start3A_263 = arith.constant 0 : i32
    %dma_start3A_264 = tpu.memref_slice %arg11[%dma_start3A_263] : memref<409600xf32, #tpu.memory_space<vmem_shared>> -> memref<409600xf32, #tpu.memory_space<vmem_shared>>
    tpu.enqueue_indirect_dma source(%arg10 : memref<125xf32, #tpu.memory_space<vmem>>) target(%dma_start3A_264 : memref<409600xf32, #tpu.memory_space<vmem_shared>>) offsets(%dma_start3A_262 : memref<125xi32, #tpu.memory_space<vmem>>) semaphore(%arg14 : memref<!tpu.dma_semaphore, #tpu.memory_space<semaphore_mem>>) {add = true}
    %dma_wait3A_265 = arith.constant 10 : i32
    %dma_wait3A_266 = arith.constant 0 : i32
    %dma_wait3A_267 = tpu.memref_slice %arg9[%dma_wait3A_265, %dma_wait3A_266] : memref<100x125xi32, #tpu.memory_space<vmem>> -> memref<1x125xi32, #tpu.memory_space<vmem>>
    %dma_wait3A_268 = tpu.memref_squeeze %dma_wait3A_267 : memref<1x125xi32, #tpu.memory_space<vmem>> -> memref<125xi32, #tpu.memory_space<vmem>>
    %dma_wait3A_269 = arith.constant 0 : i32
    %dma_wait3A_270 = tpu.memref_slice %arg11[%dma_wait3A_269] : memref<409600xf32, #tpu.memory_space<vmem_shared>> -> memref<409600xf32, #tpu.memory_space<vmem_shared>>
    tpu.wait_indirect_dma semaphore(%arg14 : memref<!tpu.dma_semaphore, #tpu.memory_space<semaphore_mem>>) src(%arg10 : memref<125xf32, #tpu.memory_space<vmem>>) dst(%dma_wait3A_270 : memref<409600xf32, #tpu.memory_space<vmem_shared>>)
    %dma_start3A_271 = arith.constant 27 : i32
    %dma_start3A_272 = arith.constant 0 : i32
    %dma_start3A_273 = tpu.memref_slice %arg9[%dma_start3A_271, %dma_start3A_272] : memref<100x125xi32, #tpu.memory_space<vmem>> -> memref<1x125xi32, #tpu.memory_space<vmem>>
    %dma_start3A_274 = tpu.memref_squeeze %dma_start3A_273 : memref<1x125xi32, #tpu.memory_space<vmem>> -> memref<125xi32, #tpu.memory_space<vmem>>
    %dma_start3A_275 = arith.constant 0 : i32
    %dma_start3A_276 = tpu.memref_slice %arg11[%dma_start3A_275] : memref<409600xf32, #tpu.memory_space<vmem_shared>> -> memref<409600xf32, #tpu.memory_space<vmem_shared>>
    tpu.enqueue_indirect_dma source(%arg10 : memref<125xf32, #tpu.memory_space<vmem>>) target(%dma_start3A_276 : memref<409600xf32, #tpu.memory_space<vmem_shared>>) offsets(%dma_start3A_274 : memref<125xi32, #tpu.memory_space<vmem>>) semaphore(%arg14 : memref<!tpu.dma_semaphore, #tpu.memory_space<semaphore_mem>>) {add = true}
    %dma_wait3A_277 = arith.constant 11 : i32
    %dma_wait3A_278 = arith.constant 0 : i32
    %dma_wait3A_279 = tpu.memref_slice %arg9[%dma_wait3A_277, %dma_wait3A_278] : memref<100x125xi32, #tpu.memory_space<vmem>> -> memref<1x125xi32, #tpu.memory_space<vmem>>
    %dma_wait3A_280 = tpu.memref_squeeze %dma_wait3A_279 : memref<1x125xi32, #tpu.memory_space<vmem>> -> memref<125xi32, #tpu.memory_space<vmem>>
    %dma_wait3A_281 = arith.constant 0 : i32
    %dma_wait3A_282 = tpu.memref_slice %arg11[%dma_wait3A_281] : memref<409600xf32, #tpu.memory_space<vmem_shared>> -> memref<409600xf32, #tpu.memory_space<vmem_shared>>
    tpu.wait_indirect_dma semaphore(%arg14 : memref<!tpu.dma_semaphore, #tpu.memory_space<semaphore_mem>>) src(%arg10 : memref<125xf32, #tpu.memory_space<vmem>>) dst(%dma_wait3A_282 : memref<409600xf32, #tpu.memory_space<vmem_shared>>)
    %dma_start3A_283 = arith.constant 28 : i32
    %dma_start3A_284 = arith.constant 0 : i32
    %dma_start3A_285 = tpu.memref_slice %arg9[%dma_start3A_283, %dma_start3A_284] : memref<100x125xi32, #tpu.memory_space<vmem>> -> memref<1x125xi32, #tpu.memory_space<vmem>>
    %dma_start3A_286 = tpu.memref_squeeze %dma_start3A_285 : memref<1x125xi32, #tpu.memory_space<vmem>> -> memref<125xi32, #tpu.memory_space<vmem>>
    %dma_start3A_287 = arith.constant 0 : i32
    %dma_start3A_288 = tpu.memref_slice %arg11[%dma_start3A_287] : memref<409600xf32, #tpu.memory_space<vmem_shared>> -> memref<409600xf32, #tpu.memory_space<vmem_shared>>
    tpu.enqueue_indirect_dma source(%arg10 : memref<125xf32, #tpu.memory_space<vmem>>) target(%dma_start3A_288 : memref<409600xf32, #tpu.memory_space<vmem_shared>>) offsets(%dma_start3A_286 : memref<125xi32, #tpu.memory_space<vmem>>) semaphore(%arg14 : memref<!tpu.dma_semaphore, #tpu.memory_space<semaphore_mem>>) {add = true}
    %dma_wait3A_289 = arith.constant 12 : i32
    %dma_wait3A_290 = arith.constant 0 : i32
    %dma_wait3A_291 = tpu.memref_slice %arg9[%dma_wait3A_289, %dma_wait3A_290] : memref<100x125xi32, #tpu.memory_space<vmem>> -> memref<1x125xi32, #tpu.memory_space<vmem>>
    %dma_wait3A_292 = tpu.memref_squeeze %dma_wait3A_291 : memref<1x125xi32, #tpu.memory_space<vmem>> -> memref<125xi32, #tpu.memory_space<vmem>>
    %dma_wait3A_293 = arith.constant 0 : i32
    %dma_wait3A_294 = tpu.memref_slice %arg11[%dma_wait3A_293] : memref<409600xf32, #tpu.memory_space<vmem_shared>> -> memref<409600xf32, #tpu.memory_space<vmem_shared>>
    tpu.wait_indirect_dma semaphore(%arg14 : memref<!tpu.dma_semaphore, #tpu.memory_space<semaphore_mem>>) src(%arg10 : memref<125xf32, #tpu.memory_space<vmem>>) dst(%dma_wait3A_294 : memref<409600xf32, #tpu.memory_space<vmem_shared>>)
    %dma_start3A_295 = arith.constant 29 : i32
    %dma_start3A_296 = arith.constant 0 : i32
    %dma_start3A_297 = tpu.memref_slice %arg9[%dma_start3A_295, %dma_start3A_296] : memref<100x125xi32, #tpu.memory_space<vmem>> -> memref<1x125xi32, #tpu.memory_space<vmem>>
    %dma_start3A_298 = tpu.memref_squeeze %dma_start3A_297 : memref<1x125xi32, #tpu.memory_space<vmem>> -> memref<125xi32, #tpu.memory_space<vmem>>
    %dma_start3A_299 = arith.constant 0 : i32
    %dma_start3A_300 = tpu.memref_slice %arg11[%dma_start3A_299] : memref<409600xf32, #tpu.memory_space<vmem_shared>> -> memref<409600xf32, #tpu.memory_space<vmem_shared>>
    tpu.enqueue_indirect_dma source(%arg10 : memref<125xf32, #tpu.memory_space<vmem>>) target(%dma_start3A_300 : memref<409600xf32, #tpu.memory_space<vmem_shared>>) offsets(%dma_start3A_298 : memref<125xi32, #tpu.memory_space<vmem>>) semaphore(%arg14 : memref<!tpu.dma_semaphore, #tpu.memory_space<semaphore_mem>>) {add = true}
    %dma_wait3A_301 = arith.constant 13 : i32
    %dma_wait3A_302 = arith.constant 0 : i32
    %dma_wait3A_303 = tpu.memref_slice %arg9[%dma_wait3A_301, %dma_wait3A_302] : memref<100x125xi32, #tpu.memory_space<vmem>> -> memref<1x125xi32, #tpu.memory_space<vmem>>
    %dma_wait3A_304 = tpu.memref_squeeze %dma_wait3A_303 : memref<1x125xi32, #tpu.memory_space<vmem>> -> memref<125xi32, #tpu.memory_space<vmem>>
    %dma_wait3A_305 = arith.constant 0 : i32
    %dma_wait3A_306 = tpu.memref_slice %arg11[%dma_wait3A_305] : memref<409600xf32, #tpu.memory_space<vmem_shared>> -> memref<409600xf32, #tpu.memory_space<vmem_shared>>
    tpu.wait_indirect_dma semaphore(%arg14 : memref<!tpu.dma_semaphore, #tpu.memory_space<semaphore_mem>>) src(%arg10 : memref<125xf32, #tpu.memory_space<vmem>>) dst(%dma_wait3A_306 : memref<409600xf32, #tpu.memory_space<vmem_shared>>)
    %dma_start3A_307 = arith.constant 30 : i32
    %dma_start3A_308 = arith.constant 0 : i32
    %dma_start3A_309 = tpu.memref_slice %arg9[%dma_start3A_307, %dma_start3A_308] : memref<100x125xi32, #tpu.memory_space<vmem>> -> memref<1x125xi32, #tpu.memory_space<vmem>>
    %dma_start3A_310 = tpu.memref_squeeze %dma_start3A_309 : memref<1x125xi32, #tpu.memory_space<vmem>> -> memref<125xi32, #tpu.memory_space<vmem>>
    %dma_start3A_311 = arith.constant 0 : i32
    %dma_start3A_312 = tpu.memref_slice %arg11[%dma_start3A_311] : memref<409600xf32, #tpu.memory_space<vmem_shared>> -> memref<409600xf32, #tpu.memory_space<vmem_shared>>
    tpu.enqueue_indirect_dma source(%arg10 : memref<125xf32, #tpu.memory_space<vmem>>) target(%dma_start3A_312 : memref<409600xf32, #tpu.memory_space<vmem_shared>>) offsets(%dma_start3A_310 : memref<125xi32, #tpu.memory_space<vmem>>) semaphore(%arg14 : memref<!tpu.dma_semaphore, #tpu.memory_space<semaphore_mem>>) {add = true}
    %dma_wait3A_313 = arith.constant 14 : i32
    %dma_wait3A_314 = arith.constant 0 : i32
    %dma_wait3A_315 = tpu.memref_slice %arg9[%dma_wait3A_313, %dma_wait3A_314] : memref<100x125xi32, #tpu.memory_space<vmem>> -> memref<1x125xi32, #tpu.memory_space<vmem>>
    %dma_wait3A_316 = tpu.memref_squeeze %dma_wait3A_315 : memref<1x125xi32, #tpu.memory_space<vmem>> -> memref<125xi32, #tpu.memory_space<vmem>>
    %dma_wait3A_317 = arith.constant 0 : i32
    %dma_wait3A_318 = tpu.memref_slice %arg11[%dma_wait3A_317] : memref<409600xf32, #tpu.memory_space<vmem_shared>> -> memref<409600xf32, #tpu.memory_space<vmem_shared>>
    tpu.wait_indirect_dma semaphore(%arg14 : memref<!tpu.dma_semaphore, #tpu.memory_space<semaphore_mem>>) src(%arg10 : memref<125xf32, #tpu.memory_space<vmem>>) dst(%dma_wait3A_318 : memref<409600xf32, #tpu.memory_space<vmem_shared>>)
    %dma_start3A_319 = arith.constant 31 : i32
    %dma_start3A_320 = arith.constant 0 : i32
    %dma_start3A_321 = tpu.memref_slice %arg9[%dma_start3A_319, %dma_start3A_320] : memref<100x125xi32, #tpu.memory_space<vmem>> -> memref<1x125xi32, #tpu.memory_space<vmem>>
    %dma_start3A_322 = tpu.memref_squeeze %dma_start3A_321 : memref<1x125xi32, #tpu.memory_space<vmem>> -> memref<125xi32, #tpu.memory_space<vmem>>
    %dma_start3A_323 = arith.constant 0 : i32
    %dma_start3A_324 = tpu.memref_slice %arg11[%dma_start3A_323] : memref<409600xf32, #tpu.memory_space<vmem_shared>> -> memref<409600xf32, #tpu.memory_space<vmem_shared>>
    tpu.enqueue_indirect_dma source(%arg10 : memref<125xf32, #tpu.memory_space<vmem>>) target(%dma_start3A_324 : memref<409600xf32, #tpu.memory_space<vmem_shared>>) offsets(%dma_start3A_322 : memref<125xi32, #tpu.memory_space<vmem>>) semaphore(%arg14 : memref<!tpu.dma_semaphore, #tpu.memory_space<semaphore_mem>>) {add = true}
    %dma_wait3A_325 = arith.constant 15 : i32
    %dma_wait3A_326 = arith.constant 0 : i32
    %dma_wait3A_327 = tpu.memref_slice %arg9[%dma_wait3A_325, %dma_wait3A_326] : memref<100x125xi32, #tpu.memory_space<vmem>> -> memref<1x125xi32, #tpu.memory_space<vmem>>
    %dma_wait3A_328 = tpu.memref_squeeze %dma_wait3A_327 : memref<1x125xi32, #tpu.memory_space<vmem>> -> memref<125xi32, #tpu.memory_space<vmem>>
    %dma_wait3A_329 = arith.constant 0 : i32
    %dma_wait3A_330 = tpu.memref_slice %arg11[%dma_wait3A_329] : memref<409600xf32, #tpu.memory_space<vmem_shared>> -> memref<409600xf32, #tpu.memory_space<vmem_shared>>
    tpu.wait_indirect_dma semaphore(%arg14 : memref<!tpu.dma_semaphore, #tpu.memory_space<semaphore_mem>>) src(%arg10 : memref<125xf32, #tpu.memory_space<vmem>>) dst(%dma_wait3A_330 : memref<409600xf32, #tpu.memory_space<vmem_shared>>)
    %dma_start3A_331 = arith.constant 32 : i32
    %dma_start3A_332 = arith.constant 0 : i32
    %dma_start3A_333 = tpu.memref_slice %arg9[%dma_start3A_331, %dma_start3A_332] : memref<100x125xi32, #tpu.memory_space<vmem>> -> memref<1x125xi32, #tpu.memory_space<vmem>>
    %dma_start3A_334 = tpu.memref_squeeze %dma_start3A_333 : memref<1x125xi32, #tpu.memory_space<vmem>> -> memref<125xi32, #tpu.memory_space<vmem>>
    %dma_start3A_335 = arith.constant 0 : i32
    %dma_start3A_336 = tpu.memref_slice %arg11[%dma_start3A_335] : memref<409600xf32, #tpu.memory_space<vmem_shared>> -> memref<409600xf32, #tpu.memory_space<vmem_shared>>
    tpu.enqueue_indirect_dma source(%arg10 : memref<125xf32, #tpu.memory_space<vmem>>) target(%dma_start3A_336 : memref<409600xf32, #tpu.memory_space<vmem_shared>>) offsets(%dma_start3A_334 : memref<125xi32, #tpu.memory_space<vmem>>) semaphore(%arg14 : memref<!tpu.dma_semaphore, #tpu.memory_space<semaphore_mem>>) {add = true}
    %dma_wait3A_337 = arith.constant 16 : i32
    %dma_wait3A_338 = arith.constant 0 : i32
    %dma_wait3A_339 = tpu.memref_slice %arg9[%dma_wait3A_337, %dma_wait3A_338] : memref<100x125xi32, #tpu.memory_space<vmem>> -> memref<1x125xi32, #tpu.memory_space<vmem>>
    %dma_wait3A_340 = tpu.memref_squeeze %dma_wait3A_339 : memref<1x125xi32, #tpu.memory_space<vmem>> -> memref<125xi32, #tpu.memory_space<vmem>>
    %dma_wait3A_341 = arith.constant 0 : i32
    %dma_wait3A_342 = tpu.memref_slice %arg11[%dma_wait3A_341] : memref<409600xf32, #tpu.memory_space<vmem_shared>> -> memref<409600xf32, #tpu.memory_space<vmem_shared>>
    tpu.wait_indirect_dma semaphore(%arg14 : memref<!tpu.dma_semaphore, #tpu.memory_space<semaphore_mem>>) src(%arg10 : memref<125xf32, #tpu.memory_space<vmem>>) dst(%dma_wait3A_342 : memref<409600xf32, #tpu.memory_space<vmem_shared>>)
    %dma_start3A_343 = arith.constant 33 : i32
    %dma_start3A_344 = arith.constant 0 : i32
    %dma_start3A_345 = tpu.memref_slice %arg9[%dma_start3A_343, %dma_start3A_344] : memref<100x125xi32, #tpu.memory_space<vmem>> -> memref<1x125xi32, #tpu.memory_space<vmem>>
    %dma_start3A_346 = tpu.memref_squeeze %dma_start3A_345 : memref<1x125xi32, #tpu.memory_space<vmem>> -> memref<125xi32, #tpu.memory_space<vmem>>
    %dma_start3A_347 = arith.constant 0 : i32
    %dma_start3A_348 = tpu.memref_slice %arg11[%dma_start3A_347] : memref<409600xf32, #tpu.memory_space<vmem_shared>> -> memref<409600xf32, #tpu.memory_space<vmem_shared>>
    tpu.enqueue_indirect_dma source(%arg10 : memref<125xf32, #tpu.memory_space<vmem>>) target(%dma_start3A_348 : memref<409600xf32, #tpu.memory_space<vmem_shared>>) offsets(%dma_start3A_346 : memref<125xi32, #tpu.memory_space<vmem>>) semaphore(%arg14 : memref<!tpu.dma_semaphore, #tpu.memory_space<semaphore_mem>>) {add = true}
    %dma_wait3A_349 = arith.constant 17 : i32
    %dma_wait3A_350 = arith.constant 0 : i32
    %dma_wait3A_351 = tpu.memref_slice %arg9[%dma_wait3A_349, %dma_wait3A_350] : memref<100x125xi32, #tpu.memory_space<vmem>> -> memref<1x125xi32, #tpu.memory_space<vmem>>
    %dma_wait3A_352 = tpu.memref_squeeze %dma_wait3A_351 : memref<1x125xi32, #tpu.memory_space<vmem>> -> memref<125xi32, #tpu.memory_space<vmem>>
    %dma_wait3A_353 = arith.constant 0 : i32
    %dma_wait3A_354 = tpu.memref_slice %arg11[%dma_wait3A_353] : memref<409600xf32, #tpu.memory_space<vmem_shared>> -> memref<409600xf32, #tpu.memory_space<vmem_shared>>
    tpu.wait_indirect_dma semaphore(%arg14 : memref<!tpu.dma_semaphore, #tpu.memory_space<semaphore_mem>>) src(%arg10 : memref<125xf32, #tpu.memory_space<vmem>>) dst(%dma_wait3A_354 : memref<409600xf32, #tpu.memory_space<vmem_shared>>)
    %dma_start3A_355 = arith.constant 34 : i32
    %dma_start3A_356 = arith.constant 0 : i32
    %dma_start3A_357 = tpu.memref_slice %arg9[%dma_start3A_355, %dma_start3A_356] : memref<100x125xi32, #tpu.memory_space<vmem>> -> memref<1x125xi32, #tpu.memory_space<vmem>>
    %dma_start3A_358 = tpu.memref_squeeze %dma_start3A_357 : memref<1x125xi32, #tpu.memory_space<vmem>> -> memref<125xi32, #tpu.memory_space<vmem>>
    %dma_start3A_359 = arith.constant 0 : i32
    %dma_start3A_360 = tpu.memref_slice %arg11[%dma_start3A_359] : memref<409600xf32, #tpu.memory_space<vmem_shared>> -> memref<409600xf32, #tpu.memory_space<vmem_shared>>
    tpu.enqueue_indirect_dma source(%arg10 : memref<125xf32, #tpu.memory_space<vmem>>) target(%dma_start3A_360 : memref<409600xf32, #tpu.memory_space<vmem_shared>>) offsets(%dma_start3A_358 : memref<125xi32, #tpu.memory_space<vmem>>) semaphore(%arg14 : memref<!tpu.dma_semaphore, #tpu.memory_space<semaphore_mem>>) {add = true}
    %dma_wait3A_361 = arith.constant 18 : i32
    %dma_wait3A_362 = arith.constant 0 : i32
    %dma_wait3A_363 = tpu.memref_slice %arg9[%dma_wait3A_361, %dma_wait3A_362] : memref<100x125xi32, #tpu.memory_space<vmem>> -> memref<1x125xi32, #tpu.memory_space<vmem>>
    %dma_wait3A_364 = tpu.memref_squeeze %dma_wait3A_363 : memref<1x125xi32, #tpu.memory_space<vmem>> -> memref<125xi32, #tpu.memory_space<vmem>>
    %dma_wait3A_365 = arith.constant 0 : i32
    %dma_wait3A_366 = tpu.memref_slice %arg11[%dma_wait3A_365] : memref<409600xf32, #tpu.memory_space<vmem_shared>> -> memref<409600xf32, #tpu.memory_space<vmem_shared>>
    tpu.wait_indirect_dma semaphore(%arg14 : memref<!tpu.dma_semaphore, #tpu.memory_space<semaphore_mem>>) src(%arg10 : memref<125xf32, #tpu.memory_space<vmem>>) dst(%dma_wait3A_366 : memref<409600xf32, #tpu.memory_space<vmem_shared>>)
    %dma_start3A_367 = arith.constant 35 : i32
    %dma_start3A_368 = arith.constant 0 : i32
    %dma_start3A_369 = tpu.memref_slice %arg9[%dma_start3A_367, %dma_start3A_368] : memref<100x125xi32, #tpu.memory_space<vmem>> -> memref<1x125xi32, #tpu.memory_space<vmem>>
    %dma_start3A_370 = tpu.memref_squeeze %dma_start3A_369 : memref<1x125xi32, #tpu.memory_space<vmem>> -> memref<125xi32, #tpu.memory_space<vmem>>
    %dma_start3A_371 = arith.constant 0 : i32
    %dma_start3A_372 = tpu.memref_slice %arg11[%dma_start3A_371] : memref<409600xf32, #tpu.memory_space<vmem_shared>> -> memref<409600xf32, #tpu.memory_space<vmem_shared>>
    tpu.enqueue_indirect_dma source(%arg10 : memref<125xf32, #tpu.memory_space<vmem>>) target(%dma_start3A_372 : memref<409600xf32, #tpu.memory_space<vmem_shared>>) offsets(%dma_start3A_370 : memref<125xi32, #tpu.memory_space<vmem>>) semaphore(%arg14 : memref<!tpu.dma_semaphore, #tpu.memory_space<semaphore_mem>>) {add = true}
    %dma_wait3A_373 = arith.constant 19 : i32
    %dma_wait3A_374 = arith.constant 0 : i32
    %dma_wait3A_375 = tpu.memref_slice %arg9[%dma_wait3A_373, %dma_wait3A_374] : memref<100x125xi32, #tpu.memory_space<vmem>> -> memref<1x125xi32, #tpu.memory_space<vmem>>
    %dma_wait3A_376 = tpu.memref_squeeze %dma_wait3A_375 : memref<1x125xi32, #tpu.memory_space<vmem>> -> memref<125xi32, #tpu.memory_space<vmem>>
    %dma_wait3A_377 = arith.constant 0 : i32
    %dma_wait3A_378 = tpu.memref_slice %arg11[%dma_wait3A_377] : memref<409600xf32, #tpu.memory_space<vmem_shared>> -> memref<409600xf32, #tpu.memory_space<vmem_shared>>
    tpu.wait_indirect_dma semaphore(%arg14 : memref<!tpu.dma_semaphore, #tpu.memory_space<semaphore_mem>>) src(%arg10 : memref<125xf32, #tpu.memory_space<vmem>>) dst(%dma_wait3A_378 : memref<409600xf32, #tpu.memory_space<vmem_shared>>)
    %dma_start3A_379 = arith.constant 36 : i32
    %dma_start3A_380 = arith.constant 0 : i32
    %dma_start3A_381 = tpu.memref_slice %arg9[%dma_start3A_379, %dma_start3A_380] : memref<100x125xi32, #tpu.memory_space<vmem>> -> memref<1x125xi32, #tpu.memory_space<vmem>>
    %dma_start3A_382 = tpu.memref_squeeze %dma_start3A_381 : memref<1x125xi32, #tpu.memory_space<vmem>> -> memref<125xi32, #tpu.memory_space<vmem>>
    %dma_start3A_383 = arith.constant 0 : i32
    %dma_start3A_384 = tpu.memref_slice %arg11[%dma_start3A_383] : memref<409600xf32, #tpu.memory_space<vmem_shared>> -> memref<409600xf32, #tpu.memory_space<vmem_shared>>
    tpu.enqueue_indirect_dma source(%arg10 : memref<125xf32, #tpu.memory_space<vmem>>) target(%dma_start3A_384 : memref<409600xf32, #tpu.memory_space<vmem_shared>>) offsets(%dma_start3A_382 : memref<125xi32, #tpu.memory_space<vmem>>) semaphore(%arg14 : memref<!tpu.dma_semaphore, #tpu.memory_space<semaphore_mem>>) {add = true}
    %dma_wait3A_385 = arith.constant 20 : i32
    %dma_wait3A_386 = arith.constant 0 : i32
    %dma_wait3A_387 = tpu.memref_slice %arg9[%dma_wait3A_385, %dma_wait3A_386] : memref<100x125xi32, #tpu.memory_space<vmem>> -> memref<1x125xi32, #tpu.memory_space<vmem>>
    %dma_wait3A_388 = tpu.memref_squeeze %dma_wait3A_387 : memref<1x125xi32, #tpu.memory_space<vmem>> -> memref<125xi32, #tpu.memory_space<vmem>>
    %dma_wait3A_389 = arith.constant 0 : i32
    %dma_wait3A_390 = tpu.memref_slice %arg11[%dma_wait3A_389] : memref<409600xf32, #tpu.memory_space<vmem_shared>> -> memref<409600xf32, #tpu.memory_space<vmem_shared>>
    tpu.wait_indirect_dma semaphore(%arg14 : memref<!tpu.dma_semaphore, #tpu.memory_space<semaphore_mem>>) src(%arg10 : memref<125xf32, #tpu.memory_space<vmem>>) dst(%dma_wait3A_390 : memref<409600xf32, #tpu.memory_space<vmem_shared>>)
    %dma_start3A_391 = arith.constant 37 : i32
    %dma_start3A_392 = arith.constant 0 : i32
    %dma_start3A_393 = tpu.memref_slice %arg9[%dma_start3A_391, %dma_start3A_392] : memref<100x125xi32, #tpu.memory_space<vmem>> -> memref<1x125xi32, #tpu.memory_space<vmem>>
    %dma_start3A_394 = tpu.memref_squeeze %dma_start3A_393 : memref<1x125xi32, #tpu.memory_space<vmem>> -> memref<125xi32, #tpu.memory_space<vmem>>
    %dma_start3A_395 = arith.constant 0 : i32
    %dma_start3A_396 = tpu.memref_slice %arg11[%dma_start3A_395] : memref<409600xf32, #tpu.memory_space<vmem_shared>> -> memref<409600xf32, #tpu.memory_space<vmem_shared>>
    tpu.enqueue_indirect_dma source(%arg10 : memref<125xf32, #tpu.memory_space<vmem>>) target(%dma_start3A_396 : memref<409600xf32, #tpu.memory_space<vmem_shared>>) offsets(%dma_start3A_394 : memref<125xi32, #tpu.memory_space<vmem>>) semaphore(%arg14 : memref<!tpu.dma_semaphore, #tpu.memory_space<semaphore_mem>>) {add = true}
    %dma_wait3A_397 = arith.constant 21 : i32
    %dma_wait3A_398 = arith.constant 0 : i32
    %dma_wait3A_399 = tpu.memref_slice %arg9[%dma_wait3A_397, %dma_wait3A_398] : memref<100x125xi32, #tpu.memory_space<vmem>> -> memref<1x125xi32, #tpu.memory_space<vmem>>
    %dma_wait3A_400 = tpu.memref_squeeze %dma_wait3A_399 : memref<1x125xi32, #tpu.memory_space<vmem>> -> memref<125xi32, #tpu.memory_space<vmem>>
    %dma_wait3A_401 = arith.constant 0 : i32
    %dma_wait3A_402 = tpu.memref_slice %arg11[%dma_wait3A_401] : memref<409600xf32, #tpu.memory_space<vmem_shared>> -> memref<409600xf32, #tpu.memory_space<vmem_shared>>
    tpu.wait_indirect_dma semaphore(%arg14 : memref<!tpu.dma_semaphore, #tpu.memory_space<semaphore_mem>>) src(%arg10 : memref<125xf32, #tpu.memory_space<vmem>>) dst(%dma_wait3A_402 : memref<409600xf32, #tpu.memory_space<vmem_shared>>)
    %dma_start3A_403 = arith.constant 38 : i32
    %dma_start3A_404 = arith.constant 0 : i32
    %dma_start3A_405 = tpu.memref_slice %arg9[%dma_start3A_403, %dma_start3A_404] : memref<100x125xi32, #tpu.memory_space<vmem>> -> memref<1x125xi32, #tpu.memory_space<vmem>>
    %dma_start3A_406 = tpu.memref_squeeze %dma_start3A_405 : memref<1x125xi32, #tpu.memory_space<vmem>> -> memref<125xi32, #tpu.memory_space<vmem>>
    %dma_start3A_407 = arith.constant 0 : i32
    %dma_start3A_408 = tpu.memref_slice %arg11[%dma_start3A_407] : memref<409600xf32, #tpu.memory_space<vmem_shared>> -> memref<409600xf32, #tpu.memory_space<vmem_shared>>
    tpu.enqueue_indirect_dma source(%arg10 : memref<125xf32, #tpu.memory_space<vmem>>) target(%dma_start3A_408 : memref<409600xf32, #tpu.memory_space<vmem_shared>>) offsets(%dma_start3A_406 : memref<125xi32, #tpu.memory_space<vmem>>) semaphore(%arg14 : memref<!tpu.dma_semaphore, #tpu.memory_space<semaphore_mem>>) {add = true}
    %dma_wait3A_409 = arith.constant 22 : i32
    %dma_wait3A_410 = arith.constant 0 : i32
    %dma_wait3A_411 = tpu.memref_slice %arg9[%dma_wait3A_409, %dma_wait3A_410] : memref<100x125xi32, #tpu.memory_space<vmem>> -> memref<1x125xi32, #tpu.memory_space<vmem>>
    %dma_wait3A_412 = tpu.memref_squeeze %dma_wait3A_411 : memref<1x125xi32, #tpu.memory_space<vmem>> -> memref<125xi32, #tpu.memory_space<vmem>>
    %dma_wait3A_413 = arith.constant 0 : i32
    %dma_wait3A_414 = tpu.memref_slice %arg11[%dma_wait3A_413] : memref<409600xf32, #tpu.memory_space<vmem_shared>> -> memref<409600xf32, #tpu.memory_space<vmem_shared>>
    tpu.wait_indirect_dma semaphore(%arg14 : memref<!tpu.dma_semaphore, #tpu.memory_space<semaphore_mem>>) src(%arg10 : memref<125xf32, #tpu.memory_space<vmem>>) dst(%dma_wait3A_414 : memref<409600xf32, #tpu.memory_space<vmem_shared>>)
    %dma_start3A_415 = arith.constant 39 : i32
    %dma_start3A_416 = arith.constant 0 : i32
    %dma_start3A_417 = tpu.memref_slice %arg9[%dma_start3A_415, %dma_start3A_416] : memref<100x125xi32, #tpu.memory_space<vmem>> -> memref<1x125xi32, #tpu.memory_space<vmem>>
    %dma_start3A_418 = tpu.memref_squeeze %dma_start3A_417 : memref<1x125xi32, #tpu.memory_space<vmem>> -> memref<125xi32, #tpu.memory_space<vmem>>
    %dma_start3A_419 = arith.constant 0 : i32
    %dma_start3A_420 = tpu.memref_slice %arg11[%dma_start3A_419] : memref<409600xf32, #tpu.memory_space<vmem_shared>> -> memref<409600xf32, #tpu.memory_space<vmem_shared>>
    tpu.enqueue_indirect_dma source(%arg10 : memref<125xf32, #tpu.memory_space<vmem>>) target(%dma_start3A_420 : memref<409600xf32, #tpu.memory_space<vmem_shared>>) offsets(%dma_start3A_418 : memref<125xi32, #tpu.memory_space<vmem>>) semaphore(%arg14 : memref<!tpu.dma_semaphore, #tpu.memory_space<semaphore_mem>>) {add = true}
    %dma_wait3A_421 = arith.constant 23 : i32
    %dma_wait3A_422 = arith.constant 0 : i32
    %dma_wait3A_423 = tpu.memref_slice %arg9[%dma_wait3A_421, %dma_wait3A_422] : memref<100x125xi32, #tpu.memory_space<vmem>> -> memref<1x125xi32, #tpu.memory_space<vmem>>
    %dma_wait3A_424 = tpu.memref_squeeze %dma_wait3A_423 : memref<1x125xi32, #tpu.memory_space<vmem>> -> memref<125xi32, #tpu.memory_space<vmem>>
    %dma_wait3A_425 = arith.constant 0 : i32
    %dma_wait3A_426 = tpu.memref_slice %arg11[%dma_wait3A_425] : memref<409600xf32, #tpu.memory_space<vmem_shared>> -> memref<409600xf32, #tpu.memory_space<vmem_shared>>
    tpu.wait_indirect_dma semaphore(%arg14 : memref<!tpu.dma_semaphore, #tpu.memory_space<semaphore_mem>>) src(%arg10 : memref<125xf32, #tpu.memory_space<vmem>>) dst(%dma_wait3A_426 : memref<409600xf32, #tpu.memory_space<vmem_shared>>)
    %dma_start3A_427 = arith.constant 40 : i32
    %dma_start3A_428 = arith.constant 0 : i32
    %dma_start3A_429 = tpu.memref_slice %arg9[%dma_start3A_427, %dma_start3A_428] : memref<100x125xi32, #tpu.memory_space<vmem>> -> memref<1x125xi32, #tpu.memory_space<vmem>>
    %dma_start3A_430 = tpu.memref_squeeze %dma_start3A_429 : memref<1x125xi32, #tpu.memory_space<vmem>> -> memref<125xi32, #tpu.memory_space<vmem>>
    %dma_start3A_431 = arith.constant 0 : i32
    %dma_start3A_432 = tpu.memref_slice %arg11[%dma_start3A_431] : memref<409600xf32, #tpu.memory_space<vmem_shared>> -> memref<409600xf32, #tpu.memory_space<vmem_shared>>
    tpu.enqueue_indirect_dma source(%arg10 : memref<125xf32, #tpu.memory_space<vmem>>) target(%dma_start3A_432 : memref<409600xf32, #tpu.memory_space<vmem_shared>>) offsets(%dma_start3A_430 : memref<125xi32, #tpu.memory_space<vmem>>) semaphore(%arg14 : memref<!tpu.dma_semaphore, #tpu.memory_space<semaphore_mem>>) {add = true}
    %dma_wait3A_433 = arith.constant 24 : i32
    %dma_wait3A_434 = arith.constant 0 : i32
    %dma_wait3A_435 = tpu.memref_slice %arg9[%dma_wait3A_433, %dma_wait3A_434] : memref<100x125xi32, #tpu.memory_space<vmem>> -> memref<1x125xi32, #tpu.memory_space<vmem>>
    %dma_wait3A_436 = tpu.memref_squeeze %dma_wait3A_435 : memref<1x125xi32, #tpu.memory_space<vmem>> -> memref<125xi32, #tpu.memory_space<vmem>>
    %dma_wait3A_437 = arith.constant 0 : i32
    %dma_wait3A_438 = tpu.memref_slice %arg11[%dma_wait3A_437] : memref<409600xf32, #tpu.memory_space<vmem_shared>> -> memref<409600xf32, #tpu.memory_space<vmem_shared>>
    tpu.wait_indirect_dma semaphore(%arg14 : memref<!tpu.dma_semaphore, #tpu.memory_space<semaphore_mem>>) src(%arg10 : memref<125xf32, #tpu.memory_space<vmem>>) dst(%dma_wait3A_438 : memref<409600xf32, #tpu.memory_space<vmem_shared>>)
    %dma_start3A_439 = arith.constant 41 : i32
    %dma_start3A_440 = arith.constant 0 : i32
    %dma_start3A_441 = tpu.memref_slice %arg9[%dma_start3A_439, %dma_start3A_440] : memref<100x125xi32, #tpu.memory_space<vmem>> -> memref<1x125xi32, #tpu.memory_space<vmem>>
    %dma_start3A_442 = tpu.memref_squeeze %dma_start3A_441 : memref<1x125xi32, #tpu.memory_space<vmem>> -> memref<125xi32, #tpu.memory_space<vmem>>
    %dma_start3A_443 = arith.constant 0 : i32
    %dma_start3A_444 = tpu.memref_slice %arg11[%dma_start3A_443] : memref<409600xf32, #tpu.memory_space<vmem_shared>> -> memref<409600xf32, #tpu.memory_space<vmem_shared>>
    tpu.enqueue_indirect_dma source(%arg10 : memref<125xf32, #tpu.memory_space<vmem>>) target(%dma_start3A_444 : memref<409600xf32, #tpu.memory_space<vmem_shared>>) offsets(%dma_start3A_442 : memref<125xi32, #tpu.memory_space<vmem>>) semaphore(%arg14 : memref<!tpu.dma_semaphore, #tpu.memory_space<semaphore_mem>>) {add = true}
    %dma_wait3A_445 = arith.constant 25 : i32
    %dma_wait3A_446 = arith.constant 0 : i32
    %dma_wait3A_447 = tpu.memref_slice %arg9[%dma_wait3A_445, %dma_wait3A_446] : memref<100x125xi32, #tpu.memory_space<vmem>> -> memref<1x125xi32, #tpu.memory_space<vmem>>
    %dma_wait3A_448 = tpu.memref_squeeze %dma_wait3A_447 : memref<1x125xi32, #tpu.memory_space<vmem>> -> memref<125xi32, #tpu.memory_space<vmem>>
    %dma_wait3A_449 = arith.constant 0 : i32
    %dma_wait3A_450 = tpu.memref_slice %arg11[%dma_wait3A_449] : memref<409600xf32, #tpu.memory_space<vmem_shared>> -> memref<409600xf32, #tpu.memory_space<vmem_shared>>
    tpu.wait_indirect_dma semaphore(%arg14 : memref<!tpu.dma_semaphore, #tpu.memory_space<semaphore_mem>>) src(%arg10 : memref<125xf32, #tpu.memory_space<vmem>>) dst(%dma_wait3A_450 : memref<409600xf32, #tpu.memory_space<vmem_shared>>)
    %dma_start3A_451 = arith.constant 42 : i32
    %dma_start3A_452 = arith.constant 0 : i32
    %dma_start3A_453 = tpu.memref_slice %arg9[%dma_start3A_451, %dma_start3A_452] : memref<100x125xi32, #tpu.memory_space<vmem>> -> memref<1x125xi32, #tpu.memory_space<vmem>>
    %dma_start3A_454 = tpu.memref_squeeze %dma_start3A_453 : memref<1x125xi32, #tpu.memory_space<vmem>> -> memref<125xi32, #tpu.memory_space<vmem>>
    %dma_start3A_455 = arith.constant 0 : i32
    %dma_start3A_456 = tpu.memref_slice %arg11[%dma_start3A_455] : memref<409600xf32, #tpu.memory_space<vmem_shared>> -> memref<409600xf32, #tpu.memory_space<vmem_shared>>
    tpu.enqueue_indirect_dma source(%arg10 : memref<125xf32, #tpu.memory_space<vmem>>) target(%dma_start3A_456 : memref<409600xf32, #tpu.memory_space<vmem_shared>>) offsets(%dma_start3A_454 : memref<125xi32, #tpu.memory_space<vmem>>) semaphore(%arg14 : memref<!tpu.dma_semaphore, #tpu.memory_space<semaphore_mem>>) {add = true}
    %dma_wait3A_457 = arith.constant 26 : i32
    %dma_wait3A_458 = arith.constant 0 : i32
    %dma_wait3A_459 = tpu.memref_slice %arg9[%dma_wait3A_457, %dma_wait3A_458] : memref<100x125xi32, #tpu.memory_space<vmem>> -> memref<1x125xi32, #tpu.memory_space<vmem>>
    %dma_wait3A_460 = tpu.memref_squeeze %dma_wait3A_459 : memref<1x125xi32, #tpu.memory_space<vmem>> -> memref<125xi32, #tpu.memory_space<vmem>>
    %dma_wait3A_461 = arith.constant 0 : i32
    %dma_wait3A_462 = tpu.memref_slice %arg11[%dma_wait3A_461] : memref<409600xf32, #tpu.memory_space<vmem_shared>> -> memref<409600xf32, #tpu.memory_space<vmem_shared>>
    tpu.wait_indirect_dma semaphore(%arg14 : memref<!tpu.dma_semaphore, #tpu.memory_space<semaphore_mem>>) src(%arg10 : memref<125xf32, #tpu.memory_space<vmem>>) dst(%dma_wait3A_462 : memref<409600xf32, #tpu.memory_space<vmem_shared>>)
    %dma_start3A_463 = arith.constant 43 : i32
    %dma_start3A_464 = arith.constant 0 : i32
    %dma_start3A_465 = tpu.memref_slice %arg9[%dma_start3A_463, %dma_start3A_464] : memref<100x125xi32, #tpu.memory_space<vmem>> -> memref<1x125xi32, #tpu.memory_space<vmem>>
    %dma_start3A_466 = tpu.memref_squeeze %dma_start3A_465 : memref<1x125xi32, #tpu.memory_space<vmem>> -> memref<125xi32, #tpu.memory_space<vmem>>
    %dma_start3A_467 = arith.constant 0 : i32
    %dma_start3A_468 = tpu.memref_slice %arg11[%dma_start3A_467] : memref<409600xf32, #tpu.memory_space<vmem_shared>> -> memref<409600xf32, #tpu.memory_space<vmem_shared>>
    tpu.enqueue_indirect_dma source(%arg10 : memref<125xf32, #tpu.memory_space<vmem>>) target(%dma_start3A_468 : memref<409600xf32, #tpu.memory_space<vmem_shared>>) offsets(%dma_start3A_466 : memref<125xi32, #tpu.memory_space<vmem>>) semaphore(%arg14 : memref<!tpu.dma_semaphore, #tpu.memory_space<semaphore_mem>>) {add = true}
    %dma_wait3A_469 = arith.constant 27 : i32
    %dma_wait3A_470 = arith.constant 0 : i32
    %dma_wait3A_471 = tpu.memref_slice %arg9[%dma_wait3A_469, %dma_wait3A_470] : memref<100x125xi32, #tpu.memory_space<vmem>> -> memref<1x125xi32, #tpu.memory_space<vmem>>
    %dma_wait3A_472 = tpu.memref_squeeze %dma_wait3A_471 : memref<1x125xi32, #tpu.memory_space<vmem>> -> memref<125xi32, #tpu.memory_space<vmem>>
    %dma_wait3A_473 = arith.constant 0 : i32
    %dma_wait3A_474 = tpu.memref_slice %arg11[%dma_wait3A_473] : memref<409600xf32, #tpu.memory_space<vmem_shared>> -> memref<409600xf32, #tpu.memory_space<vmem_shared>>
    tpu.wait_indirect_dma semaphore(%arg14 : memref<!tpu.dma_semaphore, #tpu.memory_space<semaphore_mem>>) src(%arg10 : memref<125xf32, #tpu.memory_space<vmem>>) dst(%dma_wait3A_474 : memref<409600xf32, #tpu.memory_space<vmem_shared>>)
    %dma_start3A_475 = arith.constant 44 : i32
    %dma_start3A_476 = arith.constant 0 : i32
    %dma_start3A_477 = tpu.memref_slice %arg9[%dma_start3A_475, %dma_start3A_476] : memref<100x125xi32, #tpu.memory_space<vmem>> -> memref<1x125xi32, #tpu.memory_space<vmem>>
    %dma_start3A_478 = tpu.memref_squeeze %dma_start3A_477 : memref<1x125xi32, #tpu.memory_space<vmem>> -> memref<125xi32, #tpu.memory_space<vmem>>
    %dma_start3A_479 = arith.constant 0 : i32
    %dma_start3A_480 = tpu.memref_slice %arg11[%dma_start3A_479] : memref<409600xf32, #tpu.memory_space<vmem_shared>> -> memref<409600xf32, #tpu.memory_space<vmem_shared>>
    tpu.enqueue_indirect_dma source(%arg10 : memref<125xf32, #tpu.memory_space<vmem>>) target(%dma_start3A_480 : memref<409600xf32, #tpu.memory_space<vmem_shared>>) offsets(%dma_start3A_478 : memref<125xi32, #tpu.memory_space<vmem>>) semaphore(%arg14 : memref<!tpu.dma_semaphore, #tpu.memory_space<semaphore_mem>>) {add = true}
    %dma_wait3A_481 = arith.constant 28 : i32
    %dma_wait3A_482 = arith.constant 0 : i32
    %dma_wait3A_483 = tpu.memref_slice %arg9[%dma_wait3A_481, %dma_wait3A_482] : memref<100x125xi32, #tpu.memory_space<vmem>> -> memref<1x125xi32, #tpu.memory_space<vmem>>
    %dma_wait3A_484 = tpu.memref_squeeze %dma_wait3A_483 : memref<1x125xi32, #tpu.memory_space<vmem>> -> memref<125xi32, #tpu.memory_space<vmem>>
    %dma_wait3A_485 = arith.constant 0 : i32
    %dma_wait3A_486 = tpu.memref_slice %arg11[%dma_wait3A_485] : memref<409600xf32, #tpu.memory_space<vmem_shared>> -> memref<409600xf32, #tpu.memory_space<vmem_shared>>
    tpu.wait_indirect_dma semaphore(%arg14 : memref<!tpu.dma_semaphore, #tpu.memory_space<semaphore_mem>>) src(%arg10 : memref<125xf32, #tpu.memory_space<vmem>>) dst(%dma_wait3A_486 : memref<409600xf32, #tpu.memory_space<vmem_shared>>)
    %dma_start3A_487 = arith.constant 45 : i32
    %dma_start3A_488 = arith.constant 0 : i32
    %dma_start3A_489 = tpu.memref_slice %arg9[%dma_start3A_487, %dma_start3A_488] : memref<100x125xi32, #tpu.memory_space<vmem>> -> memref<1x125xi32, #tpu.memory_space<vmem>>
    %dma_start3A_490 = tpu.memref_squeeze %dma_start3A_489 : memref<1x125xi32, #tpu.memory_space<vmem>> -> memref<125xi32, #tpu.memory_space<vmem>>
    %dma_start3A_491 = arith.constant 0 : i32
    %dma_start3A_492 = tpu.memref_slice %arg11[%dma_start3A_491] : memref<409600xf32, #tpu.memory_space<vmem_shared>> -> memref<409600xf32, #tpu.memory_space<vmem_shared>>
    tpu.enqueue_indirect_dma source(%arg10 : memref<125xf32, #tpu.memory_space<vmem>>) target(%dma_start3A_492 : memref<409600xf32, #tpu.memory_space<vmem_shared>>) offsets(%dma_start3A_490 : memref<125xi32, #tpu.memory_space<vmem>>) semaphore(%arg14 : memref<!tpu.dma_semaphore, #tpu.memory_space<semaphore_mem>>) {add = true}
    %dma_wait3A_493 = arith.constant 29 : i32
    %dma_wait3A_494 = arith.constant 0 : i32
    %dma_wait3A_495 = tpu.memref_slice %arg9[%dma_wait3A_493, %dma_wait3A_494] : memref<100x125xi32, #tpu.memory_space<vmem>> -> memref<1x125xi32, #tpu.memory_space<vmem>>
    %dma_wait3A_496 = tpu.memref_squeeze %dma_wait3A_495 : memref<1x125xi32, #tpu.memory_space<vmem>> -> memref<125xi32, #tpu.memory_space<vmem>>
    %dma_wait3A_497 = arith.constant 0 : i32
    %dma_wait3A_498 = tpu.memref_slice %arg11[%dma_wait3A_497] : memref<409600xf32, #tpu.memory_space<vmem_shared>> -> memref<409600xf32, #tpu.memory_space<vmem_shared>>
    tpu.wait_indirect_dma semaphore(%arg14 : memref<!tpu.dma_semaphore, #tpu.memory_space<semaphore_mem>>) src(%arg10 : memref<125xf32, #tpu.memory_space<vmem>>) dst(%dma_wait3A_498 : memref<409600xf32, #tpu.memory_space<vmem_shared>>)
    %dma_start3A_499 = arith.constant 46 : i32
    %dma_start3A_500 = arith.constant 0 : i32
    %dma_start3A_501 = tpu.memref_slice %arg9[%dma_start3A_499, %dma_start3A_500] : memref<100x125xi32, #tpu.memory_space<vmem>> -> memref<1x125xi32, #tpu.memory_space<vmem>>
    %dma_start3A_502 = tpu.memref_squeeze %dma_start3A_501 : memref<1x125xi32, #tpu.memory_space<vmem>> -> memref<125xi32, #tpu.memory_space<vmem>>
    %dma_start3A_503 = arith.constant 0 : i32
    %dma_start3A_504 = tpu.memref_slice %arg11[%dma_start3A_503] : memref<409600xf32, #tpu.memory_space<vmem_shared>> -> memref<409600xf32, #tpu.memory_space<vmem_shared>>
    tpu.enqueue_indirect_dma source(%arg10 : memref<125xf32, #tpu.memory_space<vmem>>) target(%dma_start3A_504 : memref<409600xf32, #tpu.memory_space<vmem_shared>>) offsets(%dma_start3A_502 : memref<125xi32, #tpu.memory_space<vmem>>) semaphore(%arg14 : memref<!tpu.dma_semaphore, #tpu.memory_space<semaphore_mem>>) {add = true}
    %dma_wait3A_505 = arith.constant 30 : i32
    %dma_wait3A_506 = arith.constant 0 : i32
    %dma_wait3A_507 = tpu.memref_slice %arg9[%dma_wait3A_505, %dma_wait3A_506] : memref<100x125xi32, #tpu.memory_space<vmem>> -> memref<1x125xi32, #tpu.memory_space<vmem>>
    %dma_wait3A_508 = tpu.memref_squeeze %dma_wait3A_507 : memref<1x125xi32, #tpu.memory_space<vmem>> -> memref<125xi32, #tpu.memory_space<vmem>>
    %dma_wait3A_509 = arith.constant 0 : i32
    %dma_wait3A_510 = tpu.memref_slice %arg11[%dma_wait3A_509] : memref<409600xf32, #tpu.memory_space<vmem_shared>> -> memref<409600xf32, #tpu.memory_space<vmem_shared>>
    tpu.wait_indirect_dma semaphore(%arg14 : memref<!tpu.dma_semaphore, #tpu.memory_space<semaphore_mem>>) src(%arg10 : memref<125xf32, #tpu.memory_space<vmem>>) dst(%dma_wait3A_510 : memref<409600xf32, #tpu.memory_space<vmem_shared>>)
    %dma_start3A_511 = arith.constant 47 : i32
    %dma_start3A_512 = arith.constant 0 : i32
    %dma_start3A_513 = tpu.memref_slice %arg9[%dma_start3A_511, %dma_start3A_512] : memref<100x125xi32, #tpu.memory_space<vmem>> -> memref<1x125xi32, #tpu.memory_space<vmem>>
    %dma_start3A_514 = tpu.memref_squeeze %dma_start3A_513 : memref<1x125xi32, #tpu.memory_space<vmem>> -> memref<125xi32, #tpu.memory_space<vmem>>
    %dma_start3A_515 = arith.constant 0 : i32
    %dma_start3A_516 = tpu.memref_slice %arg11[%dma_start3A_515] : memref<409600xf32, #tpu.memory_space<vmem_shared>> -> memref<409600xf32, #tpu.memory_space<vmem_shared>>
    tpu.enqueue_indirect_dma source(%arg10 : memref<125xf32, #tpu.memory_space<vmem>>) target(%dma_start3A_516 : memref<409600xf32, #tpu.memory_space<vmem_shared>>) offsets(%dma_start3A_514 : memref<125xi32, #tpu.memory_space<vmem>>) semaphore(%arg14 : memref<!tpu.dma_semaphore, #tpu.memory_space<semaphore_mem>>) {add = true}
    %dma_wait3A_517 = arith.constant 31 : i32
    %dma_wait3A_518 = arith.constant 0 : i32
    %dma_wait3A_519 = tpu.memref_slice %arg9[%dma_wait3A_517, %dma_wait3A_518] : memref<100x125xi32, #tpu.memory_space<vmem>> -> memref<1x125xi32, #tpu.memory_space<vmem>>
    %dma_wait3A_520 = tpu.memref_squeeze %dma_wait3A_519 : memref<1x125xi32, #tpu.memory_space<vmem>> -> memref<125xi32, #tpu.memory_space<vmem>>
    %dma_wait3A_521 = arith.constant 0 : i32
    %dma_wait3A_522 = tpu.memref_slice %arg11[%dma_wait3A_521] : memref<409600xf32, #tpu.memory_space<vmem_shared>> -> memref<409600xf32, #tpu.memory_space<vmem_shared>>
    tpu.wait_indirect_dma semaphore(%arg14 : memref<!tpu.dma_semaphore, #tpu.memory_space<semaphore_mem>>) src(%arg10 : memref<125xf32, #tpu.memory_space<vmem>>) dst(%dma_wait3A_522 : memref<409600xf32, #tpu.memory_space<vmem_shared>>)
    %dma_start3A_523 = arith.constant 48 : i32
    %dma_start3A_524 = arith.constant 0 : i32
    %dma_start3A_525 = tpu.memref_slice %arg9[%dma_start3A_523, %dma_start3A_524] : memref<100x125xi32, #tpu.memory_space<vmem>> -> memref<1x125xi32, #tpu.memory_space<vmem>>
    %dma_start3A_526 = tpu.memref_squeeze %dma_start3A_525 : memref<1x125xi32, #tpu.memory_space<vmem>> -> memref<125xi32, #tpu.memory_space<vmem>>
    %dma_start3A_527 = arith.constant 0 : i32
    %dma_start3A_528 = tpu.memref_slice %arg11[%dma_start3A_527] : memref<409600xf32, #tpu.memory_space<vmem_shared>> -> memref<409600xf32, #tpu.memory_space<vmem_shared>>
    tpu.enqueue_indirect_dma source(%arg10 : memref<125xf32, #tpu.memory_space<vmem>>) target(%dma_start3A_528 : memref<409600xf32, #tpu.memory_space<vmem_shared>>) offsets(%dma_start3A_526 : memref<125xi32, #tpu.memory_space<vmem>>) semaphore(%arg14 : memref<!tpu.dma_semaphore, #tpu.memory_space<semaphore_mem>>) {add = true}
    %dma_wait3A_529 = arith.constant 32 : i32
    %dma_wait3A_530 = arith.constant 0 : i32
    %dma_wait3A_531 = tpu.memref_slice %arg9[%dma_wait3A_529, %dma_wait3A_530] : memref<100x125xi32, #tpu.memory_space<vmem>> -> memref<1x125xi32, #tpu.memory_space<vmem>>
    %dma_wait3A_532 = tpu.memref_squeeze %dma_wait3A_531 : memref<1x125xi32, #tpu.memory_space<vmem>> -> memref<125xi32, #tpu.memory_space<vmem>>
    %dma_wait3A_533 = arith.constant 0 : i32
    %dma_wait3A_534 = tpu.memref_slice %arg11[%dma_wait3A_533] : memref<409600xf32, #tpu.memory_space<vmem_shared>> -> memref<409600xf32, #tpu.memory_space<vmem_shared>>
    tpu.wait_indirect_dma semaphore(%arg14 : memref<!tpu.dma_semaphore, #tpu.memory_space<semaphore_mem>>) src(%arg10 : memref<125xf32, #tpu.memory_space<vmem>>) dst(%dma_wait3A_534 : memref<409600xf32, #tpu.memory_space<vmem_shared>>)
    %dma_start3A_535 = arith.constant 49 : i32
    %dma_start3A_536 = arith.constant 0 : i32
    %dma_start3A_537 = tpu.memref_slice %arg9[%dma_start3A_535, %dma_start3A_536] : memref<100x125xi32, #tpu.memory_space<vmem>> -> memref<1x125xi32, #tpu.memory_space<vmem>>
    %dma_start3A_538 = tpu.memref_squeeze %dma_start3A_537 : memref<1x125xi32, #tpu.memory_space<vmem>> -> memref<125xi32, #tpu.memory_space<vmem>>
    %dma_start3A_539 = arith.constant 0 : i32
    %dma_start3A_540 = tpu.memref_slice %arg11[%dma_start3A_539] : memref<409600xf32, #tpu.memory_space<vmem_shared>> -> memref<409600xf32, #tpu.memory_space<vmem_shared>>
    tpu.enqueue_indirect_dma source(%arg10 : memref<125xf32, #tpu.memory_space<vmem>>) target(%dma_start3A_540 : memref<409600xf32, #tpu.memory_space<vmem_shared>>) offsets(%dma_start3A_538 : memref<125xi32, #tpu.memory_space<vmem>>) semaphore(%arg14 : memref<!tpu.dma_semaphore, #tpu.memory_space<semaphore_mem>>) {add = true}
    %dma_wait3A_541 = arith.constant 33 : i32
    %dma_wait3A_542 = arith.constant 0 : i32
    %dma_wait3A_543 = tpu.memref_slice %arg9[%dma_wait3A_541, %dma_wait3A_542] : memref<100x125xi32, #tpu.memory_space<vmem>> -> memref<1x125xi32, #tpu.memory_space<vmem>>
    %dma_wait3A_544 = tpu.memref_squeeze %dma_wait3A_543 : memref<1x125xi32, #tpu.memory_space<vmem>> -> memref<125xi32, #tpu.memory_space<vmem>>
    %dma_wait3A_545 = arith.constant 0 : i32
    %dma_wait3A_546 = tpu.memref_slice %arg11[%dma_wait3A_545] : memref<409600xf32, #tpu.memory_space<vmem_shared>> -> memref<409600xf32, #tpu.memory_space<vmem_shared>>
    tpu.wait_indirect_dma semaphore(%arg14 : memref<!tpu.dma_semaphore, #tpu.memory_space<semaphore_mem>>) src(%arg10 : memref<125xf32, #tpu.memory_space<vmem>>) dst(%dma_wait3A_546 : memref<409600xf32, #tpu.memory_space<vmem_shared>>)
    %dma_start3A_547 = arith.constant 50 : i32
    %dma_start3A_548 = arith.constant 0 : i32
    %dma_start3A_549 = tpu.memref_slice %arg9[%dma_start3A_547, %dma_start3A_548] : memref<100x125xi32, #tpu.memory_space<vmem>> -> memref<1x125xi32, #tpu.memory_space<vmem>>
    %dma_start3A_550 = tpu.memref_squeeze %dma_start3A_549 : memref<1x125xi32, #tpu.memory_space<vmem>> -> memref<125xi32, #tpu.memory_space<vmem>>
    %dma_start3A_551 = arith.constant 0 : i32
    %dma_start3A_552 = tpu.memref_slice %arg11[%dma_start3A_551] : memref<409600xf32, #tpu.memory_space<vmem_shared>> -> memref<409600xf32, #tpu.memory_space<vmem_shared>>
    tpu.enqueue_indirect_dma source(%arg10 : memref<125xf32, #tpu.memory_space<vmem>>) target(%dma_start3A_552 : memref<409600xf32, #tpu.memory_space<vmem_shared>>) offsets(%dma_start3A_550 : memref<125xi32, #tpu.memory_space<vmem>>) semaphore(%arg14 : memref<!tpu.dma_semaphore, #tpu.memory_space<semaphore_mem>>) {add = true}
    %dma_wait3A_553 = arith.constant 34 : i32
    %dma_wait3A_554 = arith.constant 0 : i32
    %dma_wait3A_555 = tpu.memref_slice %arg9[%dma_wait3A_553, %dma_wait3A_554] : memref<100x125xi32, #tpu.memory_space<vmem>> -> memref<1x125xi32, #tpu.memory_space<vmem>>
    %dma_wait3A_556 = tpu.memref_squeeze %dma_wait3A_555 : memref<1x125xi32, #tpu.memory_space<vmem>> -> memref<125xi32, #tpu.memory_space<vmem>>
    %dma_wait3A_557 = arith.constant 0 : i32
    %dma_wait3A_558 = tpu.memref_slice %arg11[%dma_wait3A_557] : memref<409600xf32, #tpu.memory_space<vmem_shared>> -> memref<409600xf32, #tpu.memory_space<vmem_shared>>
    tpu.wait_indirect_dma semaphore(%arg14 : memref<!tpu.dma_semaphore, #tpu.memory_space<semaphore_mem>>) src(%arg10 : memref<125xf32, #tpu.memory_space<vmem>>) dst(%dma_wait3A_558 : memref<409600xf32, #tpu.memory_space<vmem_shared>>)
    %dma_start3A_559 = arith.constant 51 : i32
    %dma_start3A_560 = arith.constant 0 : i32
    %dma_start3A_561 = tpu.memref_slice %arg9[%dma_start3A_559, %dma_start3A_560] : memref<100x125xi32, #tpu.memory_space<vmem>> -> memref<1x125xi32, #tpu.memory_space<vmem>>
    %dma_start3A_562 = tpu.memref_squeeze %dma_start3A_561 : memref<1x125xi32, #tpu.memory_space<vmem>> -> memref<125xi32, #tpu.memory_space<vmem>>
    %dma_start3A_563 = arith.constant 0 : i32
    %dma_start3A_564 = tpu.memref_slice %arg11[%dma_start3A_563] : memref<409600xf32, #tpu.memory_space<vmem_shared>> -> memref<409600xf32, #tpu.memory_space<vmem_shared>>
    tpu.enqueue_indirect_dma source(%arg10 : memref<125xf32, #tpu.memory_space<vmem>>) target(%dma_start3A_564 : memref<409600xf32, #tpu.memory_space<vmem_shared>>) offsets(%dma_start3A_562 : memref<125xi32, #tpu.memory_space<vmem>>) semaphore(%arg14 : memref<!tpu.dma_semaphore, #tpu.memory_space<semaphore_mem>>) {add = true}
    %dma_wait3A_565 = arith.constant 35 : i32
    %dma_wait3A_566 = arith.constant 0 : i32
    %dma_wait3A_567 = tpu.memref_slice %arg9[%dma_wait3A_565, %dma_wait3A_566] : memref<100x125xi32, #tpu.memory_space<vmem>> -> memref<1x125xi32, #tpu.memory_space<vmem>>
    %dma_wait3A_568 = tpu.memref_squeeze %dma_wait3A_567 : memref<1x125xi32, #tpu.memory_space<vmem>> -> memref<125xi32, #tpu.memory_space<vmem>>
    %dma_wait3A_569 = arith.constant 0 : i32
    %dma_wait3A_570 = tpu.memref_slice %arg11[%dma_wait3A_569] : memref<409600xf32, #tpu.memory_space<vmem_shared>> -> memref<409600xf32, #tpu.memory_space<vmem_shared>>
    tpu.wait_indirect_dma semaphore(%arg14 : memref<!tpu.dma_semaphore, #tpu.memory_space<semaphore_mem>>) src(%arg10 : memref<125xf32, #tpu.memory_space<vmem>>) dst(%dma_wait3A_570 : memref<409600xf32, #tpu.memory_space<vmem_shared>>)
    %dma_start3A_571 = arith.constant 52 : i32
    %dma_start3A_572 = arith.constant 0 : i32
    %dma_start3A_573 = tpu.memref_slice %arg9[%dma_start3A_571, %dma_start3A_572] : memref<100x125xi32, #tpu.memory_space<vmem>> -> memref<1x125xi32, #tpu.memory_space<vmem>>
    %dma_start3A_574 = tpu.memref_squeeze %dma_start3A_573 : memref<1x125xi32, #tpu.memory_space<vmem>> -> memref<125xi32, #tpu.memory_space<vmem>>
    %dma_start3A_575 = arith.constant 0 : i32
    %dma_start3A_576 = tpu.memref_slice %arg11[%dma_start3A_575] : memref<409600xf32, #tpu.memory_space<vmem_shared>> -> memref<409600xf32, #tpu.memory_space<vmem_shared>>
    tpu.enqueue_indirect_dma source(%arg10 : memref<125xf32, #tpu.memory_space<vmem>>) target(%dma_start3A_576 : memref<409600xf32, #tpu.memory_space<vmem_shared>>) offsets(%dma_start3A_574 : memref<125xi32, #tpu.memory_space<vmem>>) semaphore(%arg14 : memref<!tpu.dma_semaphore, #tpu.memory_space<semaphore_mem>>) {add = true}
    %dma_wait3A_577 = arith.constant 36 : i32
    %dma_wait3A_578 = arith.constant 0 : i32
    %dma_wait3A_579 = tpu.memref_slice %arg9[%dma_wait3A_577, %dma_wait3A_578] : memref<100x125xi32, #tpu.memory_space<vmem>> -> memref<1x125xi32, #tpu.memory_space<vmem>>
    %dma_wait3A_580 = tpu.memref_squeeze %dma_wait3A_579 : memref<1x125xi32, #tpu.memory_space<vmem>> -> memref<125xi32, #tpu.memory_space<vmem>>
    %dma_wait3A_581 = arith.constant 0 : i32
    %dma_wait3A_582 = tpu.memref_slice %arg11[%dma_wait3A_581] : memref<409600xf32, #tpu.memory_space<vmem_shared>> -> memref<409600xf32, #tpu.memory_space<vmem_shared>>
    tpu.wait_indirect_dma semaphore(%arg14 : memref<!tpu.dma_semaphore, #tpu.memory_space<semaphore_mem>>) src(%arg10 : memref<125xf32, #tpu.memory_space<vmem>>) dst(%dma_wait3A_582 : memref<409600xf32, #tpu.memory_space<vmem_shared>>)
    %dma_start3A_583 = arith.constant 53 : i32
    %dma_start3A_584 = arith.constant 0 : i32
    %dma_start3A_585 = tpu.memref_slice %arg9[%dma_start3A_583, %dma_start3A_584] : memref<100x125xi32, #tpu.memory_space<vmem>> -> memref<1x125xi32, #tpu.memory_space<vmem>>
    %dma_start3A_586 = tpu.memref_squeeze %dma_start3A_585 : memref<1x125xi32, #tpu.memory_space<vmem>> -> memref<125xi32, #tpu.memory_space<vmem>>
    %dma_start3A_587 = arith.constant 0 : i32
    %dma_start3A_588 = tpu.memref_slice %arg11[%dma_start3A_587] : memref<409600xf32, #tpu.memory_space<vmem_shared>> -> memref<409600xf32, #tpu.memory_space<vmem_shared>>
    tpu.enqueue_indirect_dma source(%arg10 : memref<125xf32, #tpu.memory_space<vmem>>) target(%dma_start3A_588 : memref<409600xf32, #tpu.memory_space<vmem_shared>>) offsets(%dma_start3A_586 : memref<125xi32, #tpu.memory_space<vmem>>) semaphore(%arg14 : memref<!tpu.dma_semaphore, #tpu.memory_space<semaphore_mem>>) {add = true}
    %dma_wait3A_589 = arith.constant 37 : i32
    %dma_wait3A_590 = arith.constant 0 : i32
    %dma_wait3A_591 = tpu.memref_slice %arg9[%dma_wait3A_589, %dma_wait3A_590] : memref<100x125xi32, #tpu.memory_space<vmem>> -> memref<1x125xi32, #tpu.memory_space<vmem>>
    %dma_wait3A_592 = tpu.memref_squeeze %dma_wait3A_591 : memref<1x125xi32, #tpu.memory_space<vmem>> -> memref<125xi32, #tpu.memory_space<vmem>>
    %dma_wait3A_593 = arith.constant 0 : i32
    %dma_wait3A_594 = tpu.memref_slice %arg11[%dma_wait3A_593] : memref<409600xf32, #tpu.memory_space<vmem_shared>> -> memref<409600xf32, #tpu.memory_space<vmem_shared>>
    tpu.wait_indirect_dma semaphore(%arg14 : memref<!tpu.dma_semaphore, #tpu.memory_space<semaphore_mem>>) src(%arg10 : memref<125xf32, #tpu.memory_space<vmem>>) dst(%dma_wait3A_594 : memref<409600xf32, #tpu.memory_space<vmem_shared>>)
    %dma_start3A_595 = arith.constant 54 : i32
    %dma_start3A_596 = arith.constant 0 : i32
    %dma_start3A_597 = tpu.memref_slice %arg9[%dma_start3A_595, %dma_start3A_596] : memref<100x125xi32, #tpu.memory_space<vmem>> -> memref<1x125xi32, #tpu.memory_space<vmem>>
    %dma_start3A_598 = tpu.memref_squeeze %dma_start3A_597 : memref<1x125xi32, #tpu.memory_space<vmem>> -> memref<125xi32, #tpu.memory_space<vmem>>
    %dma_start3A_599 = arith.constant 0 : i32
    %dma_start3A_600 = tpu.memref_slice %arg11[%dma_start3A_599] : memref<409600xf32, #tpu.memory_space<vmem_shared>> -> memref<409600xf32, #tpu.memory_space<vmem_shared>>
    tpu.enqueue_indirect_dma source(%arg10 : memref<125xf32, #tpu.memory_space<vmem>>) target(%dma_start3A_600 : memref<409600xf32, #tpu.memory_space<vmem_shared>>) offsets(%dma_start3A_598 : memref<125xi32, #tpu.memory_space<vmem>>) semaphore(%arg14 : memref<!tpu.dma_semaphore, #tpu.memory_space<semaphore_mem>>) {add = true}
    %dma_wait3A_601 = arith.constant 38 : i32
    %dma_wait3A_602 = arith.constant 0 : i32
    %dma_wait3A_603 = tpu.memref_slice %arg9[%dma_wait3A_601, %dma_wait3A_602] : memref<100x125xi32, #tpu.memory_space<vmem>> -> memref<1x125xi32, #tpu.memory_space<vmem>>
    %dma_wait3A_604 = tpu.memref_squeeze %dma_wait3A_603 : memref<1x125xi32, #tpu.memory_space<vmem>> -> memref<125xi32, #tpu.memory_space<vmem>>
    %dma_wait3A_605 = arith.constant 0 : i32
    %dma_wait3A_606 = tpu.memref_slice %arg11[%dma_wait3A_605] : memref<409600xf32, #tpu.memory_space<vmem_shared>> -> memref<409600xf32, #tpu.memory_space<vmem_shared>>
    tpu.wait_indirect_dma semaphore(%arg14 : memref<!tpu.dma_semaphore, #tpu.memory_space<semaphore_mem>>) src(%arg10 : memref<125xf32, #tpu.memory_space<vmem>>) dst(%dma_wait3A_606 : memref<409600xf32, #tpu.memory_space<vmem_shared>>)
    %dma_start3A_607 = arith.constant 55 : i32
    %dma_start3A_608 = arith.constant 0 : i32
    %dma_start3A_609 = tpu.memref_slice %arg9[%dma_start3A_607, %dma_start3A_608] : memref<100x125xi32, #tpu.memory_space<vmem>> -> memref<1x125xi32, #tpu.memory_space<vmem>>
    %dma_start3A_610 = tpu.memref_squeeze %dma_start3A_609 : memref<1x125xi32, #tpu.memory_space<vmem>> -> memref<125xi32, #tpu.memory_space<vmem>>
    %dma_start3A_611 = arith.constant 0 : i32
    %dma_start3A_612 = tpu.memref_slice %arg11[%dma_start3A_611] : memref<409600xf32, #tpu.memory_space<vmem_shared>> -> memref<409600xf32, #tpu.memory_space<vmem_shared>>
    tpu.enqueue_indirect_dma source(%arg10 : memref<125xf32, #tpu.memory_space<vmem>>) target(%dma_start3A_612 : memref<409600xf32, #tpu.memory_space<vmem_shared>>) offsets(%dma_start3A_610 : memref<125xi32, #tpu.memory_space<vmem>>) semaphore(%arg14 : memref<!tpu.dma_semaphore, #tpu.memory_space<semaphore_mem>>) {add = true}
    %dma_wait3A_613 = arith.constant 39 : i32
    %dma_wait3A_614 = arith.constant 0 : i32
    %dma_wait3A_615 = tpu.memref_slice %arg9[%dma_wait3A_613, %dma_wait3A_614] : memref<100x125xi32, #tpu.memory_space<vmem>> -> memref<1x125xi32, #tpu.memory_space<vmem>>
    %dma_wait3A_616 = tpu.memref_squeeze %dma_wait3A_615 : memref<1x125xi32, #tpu.memory_space<vmem>> -> memref<125xi32, #tpu.memory_space<vmem>>
    %dma_wait3A_617 = arith.constant 0 : i32
    %dma_wait3A_618 = tpu.memref_slice %arg11[%dma_wait3A_617] : memref<409600xf32, #tpu.memory_space<vmem_shared>> -> memref<409600xf32, #tpu.memory_space<vmem_shared>>
    tpu.wait_indirect_dma semaphore(%arg14 : memref<!tpu.dma_semaphore, #tpu.memory_space<semaphore_mem>>) src(%arg10 : memref<125xf32, #tpu.memory_space<vmem>>) dst(%dma_wait3A_618 : memref<409600xf32, #tpu.memory_space<vmem_shared>>)
    %dma_start3A_619 = arith.constant 56 : i32
    %dma_start3A_620 = arith.constant 0 : i32
    %dma_start3A_621 = tpu.memref_slice %arg9[%dma_start3A_619, %dma_start3A_620] : memref<100x125xi32, #tpu.memory_space<vmem>> -> memref<1x125xi32, #tpu.memory_space<vmem>>
    %dma_start3A_622 = tpu.memref_squeeze %dma_start3A_621 : memref<1x125xi32, #tpu.memory_space<vmem>> -> memref<125xi32, #tpu.memory_space<vmem>>
    %dma_start3A_623 = arith.constant 0 : i32
    %dma_start3A_624 = tpu.memref_slice %arg11[%dma_start3A_623] : memref<409600xf32, #tpu.memory_space<vmem_shared>> -> memref<409600xf32, #tpu.memory_space<vmem_shared>>
    tpu.enqueue_indirect_dma source(%arg10 : memref<125xf32, #tpu.memory_space<vmem>>) target(%dma_start3A_624 : memref<409600xf32, #tpu.memory_space<vmem_shared>>) offsets(%dma_start3A_622 : memref<125xi32, #tpu.memory_space<vmem>>) semaphore(%arg14 : memref<!tpu.dma_semaphore, #tpu.memory_space<semaphore_mem>>) {add = true}
    %dma_wait3A_625 = arith.constant 40 : i32
    %dma_wait3A_626 = arith.constant 0 : i32
    %dma_wait3A_627 = tpu.memref_slice %arg9[%dma_wait3A_625, %dma_wait3A_626] : memref<100x125xi32, #tpu.memory_space<vmem>> -> memref<1x125xi32, #tpu.memory_space<vmem>>
    %dma_wait3A_628 = tpu.memref_squeeze %dma_wait3A_627 : memref<1x125xi32, #tpu.memory_space<vmem>> -> memref<125xi32, #tpu.memory_space<vmem>>
    %dma_wait3A_629 = arith.constant 0 : i32
    %dma_wait3A_630 = tpu.memref_slice %arg11[%dma_wait3A_629] : memref<409600xf32, #tpu.memory_space<vmem_shared>> -> memref<409600xf32, #tpu.memory_space<vmem_shared>>
    tpu.wait_indirect_dma semaphore(%arg14 : memref<!tpu.dma_semaphore, #tpu.memory_space<semaphore_mem>>) src(%arg10 : memref<125xf32, #tpu.memory_space<vmem>>) dst(%dma_wait3A_630 : memref<409600xf32, #tpu.memory_space<vmem_shared>>)
    %dma_start3A_631 = arith.constant 57 : i32
    %dma_start3A_632 = arith.constant 0 : i32
    %dma_start3A_633 = tpu.memref_slice %arg9[%dma_start3A_631, %dma_start3A_632] : memref<100x125xi32, #tpu.memory_space<vmem>> -> memref<1x125xi32, #tpu.memory_space<vmem>>
    %dma_start3A_634 = tpu.memref_squeeze %dma_start3A_633 : memref<1x125xi32, #tpu.memory_space<vmem>> -> memref<125xi32, #tpu.memory_space<vmem>>
    %dma_start3A_635 = arith.constant 0 : i32
    %dma_start3A_636 = tpu.memref_slice %arg11[%dma_start3A_635] : memref<409600xf32, #tpu.memory_space<vmem_shared>> -> memref<409600xf32, #tpu.memory_space<vmem_shared>>
    tpu.enqueue_indirect_dma source(%arg10 : memref<125xf32, #tpu.memory_space<vmem>>) target(%dma_start3A_636 : memref<409600xf32, #tpu.memory_space<vmem_shared>>) offsets(%dma_start3A_634 : memref<125xi32, #tpu.memory_space<vmem>>) semaphore(%arg14 : memref<!tpu.dma_semaphore, #tpu.memory_space<semaphore_mem>>) {add = true}
    %dma_wait3A_637 = arith.constant 41 : i32
    %dma_wait3A_638 = arith.constant 0 : i32
    %dma_wait3A_639 = tpu.memref_slice %arg9[%dma_wait3A_637, %dma_wait3A_638] : memref<100x125xi32, #tpu.memory_space<vmem>> -> memref<1x125xi32, #tpu.memory_space<vmem>>
    %dma_wait3A_640 = tpu.memref_squeeze %dma_wait3A_639 : memref<1x125xi32, #tpu.memory_space<vmem>> -> memref<125xi32, #tpu.memory_space<vmem>>
    %dma_wait3A_641 = arith.constant 0 : i32
    %dma_wait3A_642 = tpu.memref_slice %arg11[%dma_wait3A_641] : memref<409600xf32, #tpu.memory_space<vmem_shared>> -> memref<409600xf32, #tpu.memory_space<vmem_shared>>
    tpu.wait_indirect_dma semaphore(%arg14 : memref<!tpu.dma_semaphore, #tpu.memory_space<semaphore_mem>>) src(%arg10 : memref<125xf32, #tpu.memory_space<vmem>>) dst(%dma_wait3A_642 : memref<409600xf32, #tpu.memory_space<vmem_shared>>)
    %dma_start3A_643 = arith.constant 58 : i32
    %dma_start3A_644 = arith.constant 0 : i32
    %dma_start3A_645 = tpu.memref_slice %arg9[%dma_start3A_643, %dma_start3A_644] : memref<100x125xi32, #tpu.memory_space<vmem>> -> memref<1x125xi32, #tpu.memory_space<vmem>>
    %dma_start3A_646 = tpu.memref_squeeze %dma_start3A_645 : memref<1x125xi32, #tpu.memory_space<vmem>> -> memref<125xi32, #tpu.memory_space<vmem>>
    %dma_start3A_647 = arith.constant 0 : i32
    %dma_start3A_648 = tpu.memref_slice %arg11[%dma_start3A_647] : memref<409600xf32, #tpu.memory_space<vmem_shared>> -> memref<409600xf32, #tpu.memory_space<vmem_shared>>
    tpu.enqueue_indirect_dma source(%arg10 : memref<125xf32, #tpu.memory_space<vmem>>) target(%dma_start3A_648 : memref<409600xf32, #tpu.memory_space<vmem_shared>>) offsets(%dma_start3A_646 : memref<125xi32, #tpu.memory_space<vmem>>) semaphore(%arg14 : memref<!tpu.dma_semaphore, #tpu.memory_space<semaphore_mem>>) {add = true}
    %dma_wait3A_649 = arith.constant 42 : i32
    %dma_wait3A_650 = arith.constant 0 : i32
    %dma_wait3A_651 = tpu.memref_slice %arg9[%dma_wait3A_649, %dma_wait3A_650] : memref<100x125xi32, #tpu.memory_space<vmem>> -> memref<1x125xi32, #tpu.memory_space<vmem>>
    %dma_wait3A_652 = tpu.memref_squeeze %dma_wait3A_651 : memref<1x125xi32, #tpu.memory_space<vmem>> -> memref<125xi32, #tpu.memory_space<vmem>>
    %dma_wait3A_653 = arith.constant 0 : i32
    %dma_wait3A_654 = tpu.memref_slice %arg11[%dma_wait3A_653] : memref<409600xf32, #tpu.memory_space<vmem_shared>> -> memref<409600xf32, #tpu.memory_space<vmem_shared>>
    tpu.wait_indirect_dma semaphore(%arg14 : memref<!tpu.dma_semaphore, #tpu.memory_space<semaphore_mem>>) src(%arg10 : memref<125xf32, #tpu.memory_space<vmem>>) dst(%dma_wait3A_654 : memref<409600xf32, #tpu.memory_space<vmem_shared>>)
    %dma_start3A_655 = arith.constant 59 : i32
    %dma_start3A_656 = arith.constant 0 : i32
    %dma_start3A_657 = tpu.memref_slice %arg9[%dma_start3A_655, %dma_start3A_656] : memref<100x125xi32, #tpu.memory_space<vmem>> -> memref<1x125xi32, #tpu.memory_space<vmem>>
    %dma_start3A_658 = tpu.memref_squeeze %dma_start3A_657 : memref<1x125xi32, #tpu.memory_space<vmem>> -> memref<125xi32, #tpu.memory_space<vmem>>
    %dma_start3A_659 = arith.constant 0 : i32
    %dma_start3A_660 = tpu.memref_slice %arg11[%dma_start3A_659] : memref<409600xf32, #tpu.memory_space<vmem_shared>> -> memref<409600xf32, #tpu.memory_space<vmem_shared>>
    tpu.enqueue_indirect_dma source(%arg10 : memref<125xf32, #tpu.memory_space<vmem>>) target(%dma_start3A_660 : memref<409600xf32, #tpu.memory_space<vmem_shared>>) offsets(%dma_start3A_658 : memref<125xi32, #tpu.memory_space<vmem>>) semaphore(%arg14 : memref<!tpu.dma_semaphore, #tpu.memory_space<semaphore_mem>>) {add = true}
    %dma_wait3A_661 = arith.constant 43 : i32
    %dma_wait3A_662 = arith.constant 0 : i32
    %dma_wait3A_663 = tpu.memref_slice %arg9[%dma_wait3A_661, %dma_wait3A_662] : memref<100x125xi32, #tpu.memory_space<vmem>> -> memref<1x125xi32, #tpu.memory_space<vmem>>
    %dma_wait3A_664 = tpu.memref_squeeze %dma_wait3A_663 : memref<1x125xi32, #tpu.memory_space<vmem>> -> memref<125xi32, #tpu.memory_space<vmem>>
    %dma_wait3A_665 = arith.constant 0 : i32
    %dma_wait3A_666 = tpu.memref_slice %arg11[%dma_wait3A_665] : memref<409600xf32, #tpu.memory_space<vmem_shared>> -> memref<409600xf32, #tpu.memory_space<vmem_shared>>
    tpu.wait_indirect_dma semaphore(%arg14 : memref<!tpu.dma_semaphore, #tpu.memory_space<semaphore_mem>>) src(%arg10 : memref<125xf32, #tpu.memory_space<vmem>>) dst(%dma_wait3A_666 : memref<409600xf32, #tpu.memory_space<vmem_shared>>)
    %dma_start3A_667 = arith.constant 60 : i32
    %dma_start3A_668 = arith.constant 0 : i32
    %dma_start3A_669 = tpu.memref_slice %arg9[%dma_start3A_667, %dma_start3A_668] : memref<100x125xi32, #tpu.memory_space<vmem>> -> memref<1x125xi32, #tpu.memory_space<vmem>>
    %dma_start3A_670 = tpu.memref_squeeze %dma_start3A_669 : memref<1x125xi32, #tpu.memory_space<vmem>> -> memref<125xi32, #tpu.memory_space<vmem>>
    %dma_start3A_671 = arith.constant 0 : i32
    %dma_start3A_672 = tpu.memref_slice %arg11[%dma_start3A_671] : memref<409600xf32, #tpu.memory_space<vmem_shared>> -> memref<409600xf32, #tpu.memory_space<vmem_shared>>
    tpu.enqueue_indirect_dma source(%arg10 : memref<125xf32, #tpu.memory_space<vmem>>) target(%dma_start3A_672 : memref<409600xf32, #tpu.memory_space<vmem_shared>>) offsets(%dma_start3A_670 : memref<125xi32, #tpu.memory_space<vmem>>) semaphore(%arg14 : memref<!tpu.dma_semaphore, #tpu.memory_space<semaphore_mem>>) {add = true}
    %dma_wait3A_673 = arith.constant 44 : i32
    %dma_wait3A_674 = arith.constant 0 : i32
    %dma_wait3A_675 = tpu.memref_slice %arg9[%dma_wait3A_673, %dma_wait3A_674] : memref<100x125xi32, #tpu.memory_space<vmem>> -> memref<1x125xi32, #tpu.memory_space<vmem>>
    %dma_wait3A_676 = tpu.memref_squeeze %dma_wait3A_675 : memref<1x125xi32, #tpu.memory_space<vmem>> -> memref<125xi32, #tpu.memory_space<vmem>>
    %dma_wait3A_677 = arith.constant 0 : i32
    %dma_wait3A_678 = tpu.memref_slice %arg11[%dma_wait3A_677] : memref<409600xf32, #tpu.memory_space<vmem_shared>> -> memref<409600xf32, #tpu.memory_space<vmem_shared>>
    tpu.wait_indirect_dma semaphore(%arg14 : memref<!tpu.dma_semaphore, #tpu.memory_space<semaphore_mem>>) src(%arg10 : memref<125xf32, #tpu.memory_space<vmem>>) dst(%dma_wait3A_678 : memref<409600xf32, #tpu.memory_space<vmem_shared>>)
    %dma_start3A_679 = arith.constant 61 : i32
    %dma_start3A_680 = arith.constant 0 : i32
    %dma_start3A_681 = tpu.memref_slice %arg9[%dma_start3A_679, %dma_start3A_680] : memref<100x125xi32, #tpu.memory_space<vmem>> -> memref<1x125xi32, #tpu.memory_space<vmem>>
    %dma_start3A_682 = tpu.memref_squeeze %dma_start3A_681 : memref<1x125xi32, #tpu.memory_space<vmem>> -> memref<125xi32, #tpu.memory_space<vmem>>
    %dma_start3A_683 = arith.constant 0 : i32
    %dma_start3A_684 = tpu.memref_slice %arg11[%dma_start3A_683] : memref<409600xf32, #tpu.memory_space<vmem_shared>> -> memref<409600xf32, #tpu.memory_space<vmem_shared>>
    tpu.enqueue_indirect_dma source(%arg10 : memref<125xf32, #tpu.memory_space<vmem>>) target(%dma_start3A_684 : memref<409600xf32, #tpu.memory_space<vmem_shared>>) offsets(%dma_start3A_682 : memref<125xi32, #tpu.memory_space<vmem>>) semaphore(%arg14 : memref<!tpu.dma_semaphore, #tpu.memory_space<semaphore_mem>>) {add = true}
    %dma_wait3A_685 = arith.constant 45 : i32
    %dma_wait3A_686 = arith.constant 0 : i32
    %dma_wait3A_687 = tpu.memref_slice %arg9[%dma_wait3A_685, %dma_wait3A_686] : memref<100x125xi32, #tpu.memory_space<vmem>> -> memref<1x125xi32, #tpu.memory_space<vmem>>
    %dma_wait3A_688 = tpu.memref_squeeze %dma_wait3A_687 : memref<1x125xi32, #tpu.memory_space<vmem>> -> memref<125xi32, #tpu.memory_space<vmem>>
    %dma_wait3A_689 = arith.constant 0 : i32
    %dma_wait3A_690 = tpu.memref_slice %arg11[%dma_wait3A_689] : memref<409600xf32, #tpu.memory_space<vmem_shared>> -> memref<409600xf32, #tpu.memory_space<vmem_shared>>
    tpu.wait_indirect_dma semaphore(%arg14 : memref<!tpu.dma_semaphore, #tpu.memory_space<semaphore_mem>>) src(%arg10 : memref<125xf32, #tpu.memory_space<vmem>>) dst(%dma_wait3A_690 : memref<409600xf32, #tpu.memory_space<vmem_shared>>)
    %dma_start3A_691 = arith.constant 62 : i32
    %dma_start3A_692 = arith.constant 0 : i32
    %dma_start3A_693 = tpu.memref_slice %arg9[%dma_start3A_691, %dma_start3A_692] : memref<100x125xi32, #tpu.memory_space<vmem>> -> memref<1x125xi32, #tpu.memory_space<vmem>>
    %dma_start3A_694 = tpu.memref_squeeze %dma_start3A_693 : memref<1x125xi32, #tpu.memory_space<vmem>> -> memref<125xi32, #tpu.memory_space<vmem>>
    %dma_start3A_695 = arith.constant 0 : i32
    %dma_start3A_696 = tpu.memref_slice %arg11[%dma_start3A_695] : memref<409600xf32, #tpu.memory_space<vmem_shared>> -> memref<409600xf32, #tpu.memory_space<vmem_shared>>
    tpu.enqueue_indirect_dma source(%arg10 : memref<125xf32, #tpu.memory_space<vmem>>) target(%dma_start3A_696 : memref<409600xf32, #tpu.memory_space<vmem_shared>>) offsets(%dma_start3A_694 : memref<125xi32, #tpu.memory_space<vmem>>) semaphore(%arg14 : memref<!tpu.dma_semaphore, #tpu.memory_space<semaphore_mem>>) {add = true}
    %dma_wait3A_697 = arith.constant 46 : i32
    %dma_wait3A_698 = arith.constant 0 : i32
    %dma_wait3A_699 = tpu.memref_slice %arg9[%dma_wait3A_697, %dma_wait3A_698] : memref<100x125xi32, #tpu.memory_space<vmem>> -> memref<1x125xi32, #tpu.memory_space<vmem>>
    %dma_wait3A_700 = tpu.memref_squeeze %dma_wait3A_699 : memref<1x125xi32, #tpu.memory_space<vmem>> -> memref<125xi32, #tpu.memory_space<vmem>>
    %dma_wait3A_701 = arith.constant 0 : i32
    %dma_wait3A_702 = tpu.memref_slice %arg11[%dma_wait3A_701] : memref<409600xf32, #tpu.memory_space<vmem_shared>> -> memref<409600xf32, #tpu.memory_space<vmem_shared>>
    tpu.wait_indirect_dma semaphore(%arg14 : memref<!tpu.dma_semaphore, #tpu.memory_space<semaphore_mem>>) src(%arg10 : memref<125xf32, #tpu.memory_space<vmem>>) dst(%dma_wait3A_702 : memref<409600xf32, #tpu.memory_space<vmem_shared>>)
    %dma_start3A_703 = arith.constant 63 : i32
    %dma_start3A_704 = arith.constant 0 : i32
    %dma_start3A_705 = tpu.memref_slice %arg9[%dma_start3A_703, %dma_start3A_704] : memref<100x125xi32, #tpu.memory_space<vmem>> -> memref<1x125xi32, #tpu.memory_space<vmem>>
    %dma_start3A_706 = tpu.memref_squeeze %dma_start3A_705 : memref<1x125xi32, #tpu.memory_space<vmem>> -> memref<125xi32, #tpu.memory_space<vmem>>
    %dma_start3A_707 = arith.constant 0 : i32
    %dma_start3A_708 = tpu.memref_slice %arg11[%dma_start3A_707] : memref<409600xf32, #tpu.memory_space<vmem_shared>> -> memref<409600xf32, #tpu.memory_space<vmem_shared>>
    tpu.enqueue_indirect_dma source(%arg10 : memref<125xf32, #tpu.memory_space<vmem>>) target(%dma_start3A_708 : memref<409600xf32, #tpu.memory_space<vmem_shared>>) offsets(%dma_start3A_706 : memref<125xi32, #tpu.memory_space<vmem>>) semaphore(%arg14 : memref<!tpu.dma_semaphore, #tpu.memory_space<semaphore_mem>>) {add = true}
    %dma_wait3A_709 = arith.constant 47 : i32
    %dma_wait3A_710 = arith.constant 0 : i32
    %dma_wait3A_711 = tpu.memref_slice %arg9[%dma_wait3A_709, %dma_wait3A_710] : memref<100x125xi32, #tpu.memory_space<vmem>> -> memref<1x125xi32, #tpu.memory_space<vmem>>
    %dma_wait3A_712 = tpu.memref_squeeze %dma_wait3A_711 : memref<1x125xi32, #tpu.memory_space<vmem>> -> memref<125xi32, #tpu.memory_space<vmem>>
    %dma_wait3A_713 = arith.constant 0 : i32
    %dma_wait3A_714 = tpu.memref_slice %arg11[%dma_wait3A_713] : memref<409600xf32, #tpu.memory_space<vmem_shared>> -> memref<409600xf32, #tpu.memory_space<vmem_shared>>
    tpu.wait_indirect_dma semaphore(%arg14 : memref<!tpu.dma_semaphore, #tpu.memory_space<semaphore_mem>>) src(%arg10 : memref<125xf32, #tpu.memory_space<vmem>>) dst(%dma_wait3A_714 : memref<409600xf32, #tpu.memory_space<vmem_shared>>)
    %dma_start3A_715 = arith.constant 64 : i32
    %dma_start3A_716 = arith.constant 0 : i32
    %dma_start3A_717 = tpu.memref_slice %arg9[%dma_start3A_715, %dma_start3A_716] : memref<100x125xi32, #tpu.memory_space<vmem>> -> memref<1x125xi32, #tpu.memory_space<vmem>>
    %dma_start3A_718 = tpu.memref_squeeze %dma_start3A_717 : memref<1x125xi32, #tpu.memory_space<vmem>> -> memref<125xi32, #tpu.memory_space<vmem>>
    %dma_start3A_719 = arith.constant 0 : i32
    %dma_start3A_720 = tpu.memref_slice %arg11[%dma_start3A_719] : memref<409600xf32, #tpu.memory_space<vmem_shared>> -> memref<409600xf32, #tpu.memory_space<vmem_shared>>
    tpu.enqueue_indirect_dma source(%arg10 : memref<125xf32, #tpu.memory_space<vmem>>) target(%dma_start3A_720 : memref<409600xf32, #tpu.memory_space<vmem_shared>>) offsets(%dma_start3A_718 : memref<125xi32, #tpu.memory_space<vmem>>) semaphore(%arg14 : memref<!tpu.dma_semaphore, #tpu.memory_space<semaphore_mem>>) {add = true}
    %dma_wait3A_721 = arith.constant 48 : i32
    %dma_wait3A_722 = arith.constant 0 : i32
    %dma_wait3A_723 = tpu.memref_slice %arg9[%dma_wait3A_721, %dma_wait3A_722] : memref<100x125xi32, #tpu.memory_space<vmem>> -> memref<1x125xi32, #tpu.memory_space<vmem>>
    %dma_wait3A_724 = tpu.memref_squeeze %dma_wait3A_723 : memref<1x125xi32, #tpu.memory_space<vmem>> -> memref<125xi32, #tpu.memory_space<vmem>>
    %dma_wait3A_725 = arith.constant 0 : i32
    %dma_wait3A_726 = tpu.memref_slice %arg11[%dma_wait3A_725] : memref<409600xf32, #tpu.memory_space<vmem_shared>> -> memref<409600xf32, #tpu.memory_space<vmem_shared>>
    tpu.wait_indirect_dma semaphore(%arg14 : memref<!tpu.dma_semaphore, #tpu.memory_space<semaphore_mem>>) src(%arg10 : memref<125xf32, #tpu.memory_space<vmem>>) dst(%dma_wait3A_726 : memref<409600xf32, #tpu.memory_space<vmem_shared>>)
    %dma_start3A_727 = arith.constant 65 : i32
    %dma_start3A_728 = arith.constant 0 : i32
    %dma_start3A_729 = tpu.memref_slice %arg9[%dma_start3A_727, %dma_start3A_728] : memref<100x125xi32, #tpu.memory_space<vmem>> -> memref<1x125xi32, #tpu.memory_space<vmem>>
    %dma_start3A_730 = tpu.memref_squeeze %dma_start3A_729 : memref<1x125xi32, #tpu.memory_space<vmem>> -> memref<125xi32, #tpu.memory_space<vmem>>
    %dma_start3A_731 = arith.constant 0 : i32
    %dma_start3A_732 = tpu.memref_slice %arg11[%dma_start3A_731] : memref<409600xf32, #tpu.memory_space<vmem_shared>> -> memref<409600xf32, #tpu.memory_space<vmem_shared>>
    tpu.enqueue_indirect_dma source(%arg10 : memref<125xf32, #tpu.memory_space<vmem>>) target(%dma_start3A_732 : memref<409600xf32, #tpu.memory_space<vmem_shared>>) offsets(%dma_start3A_730 : memref<125xi32, #tpu.memory_space<vmem>>) semaphore(%arg14 : memref<!tpu.dma_semaphore, #tpu.memory_space<semaphore_mem>>) {add = true}
    %dma_wait3A_733 = arith.constant 49 : i32
    %dma_wait3A_734 = arith.constant 0 : i32
    %dma_wait3A_735 = tpu.memref_slice %arg9[%dma_wait3A_733, %dma_wait3A_734] : memref<100x125xi32, #tpu.memory_space<vmem>> -> memref<1x125xi32, #tpu.memory_space<vmem>>
    %dma_wait3A_736 = tpu.memref_squeeze %dma_wait3A_735 : memref<1x125xi32, #tpu.memory_space<vmem>> -> memref<125xi32, #tpu.memory_space<vmem>>
    %dma_wait3A_737 = arith.constant 0 : i32
    %dma_wait3A_738 = tpu.memref_slice %arg11[%dma_wait3A_737] : memref<409600xf32, #tpu.memory_space<vmem_shared>> -> memref<409600xf32, #tpu.memory_space<vmem_shared>>
    tpu.wait_indirect_dma semaphore(%arg14 : memref<!tpu.dma_semaphore, #tpu.memory_space<semaphore_mem>>) src(%arg10 : memref<125xf32, #tpu.memory_space<vmem>>) dst(%dma_wait3A_738 : memref<409600xf32, #tpu.memory_space<vmem_shared>>)
    %dma_start3A_739 = arith.constant 66 : i32
    %dma_start3A_740 = arith.constant 0 : i32
    %dma_start3A_741 = tpu.memref_slice %arg9[%dma_start3A_739, %dma_start3A_740] : memref<100x125xi32, #tpu.memory_space<vmem>> -> memref<1x125xi32, #tpu.memory_space<vmem>>
    %dma_start3A_742 = tpu.memref_squeeze %dma_start3A_741 : memref<1x125xi32, #tpu.memory_space<vmem>> -> memref<125xi32, #tpu.memory_space<vmem>>
    %dma_start3A_743 = arith.constant 0 : i32
    %dma_start3A_744 = tpu.memref_slice %arg11[%dma_start3A_743] : memref<409600xf32, #tpu.memory_space<vmem_shared>> -> memref<409600xf32, #tpu.memory_space<vmem_shared>>
    tpu.enqueue_indirect_dma source(%arg10 : memref<125xf32, #tpu.memory_space<vmem>>) target(%dma_start3A_744 : memref<409600xf32, #tpu.memory_space<vmem_shared>>) offsets(%dma_start3A_742 : memref<125xi32, #tpu.memory_space<vmem>>) semaphore(%arg14 : memref<!tpu.dma_semaphore, #tpu.memory_space<semaphore_mem>>) {add = true}
    %dma_wait3A_745 = arith.constant 50 : i32
    %dma_wait3A_746 = arith.constant 0 : i32
    %dma_wait3A_747 = tpu.memref_slice %arg9[%dma_wait3A_745, %dma_wait3A_746] : memref<100x125xi32, #tpu.memory_space<vmem>> -> memref<1x125xi32, #tpu.memory_space<vmem>>
    %dma_wait3A_748 = tpu.memref_squeeze %dma_wait3A_747 : memref<1x125xi32, #tpu.memory_space<vmem>> -> memref<125xi32, #tpu.memory_space<vmem>>
    %dma_wait3A_749 = arith.constant 0 : i32
    %dma_wait3A_750 = tpu.memref_slice %arg11[%dma_wait3A_749] : memref<409600xf32, #tpu.memory_space<vmem_shared>> -> memref<409600xf32, #tpu.memory_space<vmem_shared>>
    tpu.wait_indirect_dma semaphore(%arg14 : memref<!tpu.dma_semaphore, #tpu.memory_space<semaphore_mem>>) src(%arg10 : memref<125xf32, #tpu.memory_space<vmem>>) dst(%dma_wait3A_750 : memref<409600xf32, #tpu.memory_space<vmem_shared>>)
    %dma_start3A_751 = arith.constant 67 : i32
    %dma_start3A_752 = arith.constant 0 : i32
    %dma_start3A_753 = tpu.memref_slice %arg9[%dma_start3A_751, %dma_start3A_752] : memref<100x125xi32, #tpu.memory_space<vmem>> -> memref<1x125xi32, #tpu.memory_space<vmem>>
    %dma_start3A_754 = tpu.memref_squeeze %dma_start3A_753 : memref<1x125xi32, #tpu.memory_space<vmem>> -> memref<125xi32, #tpu.memory_space<vmem>>
    %dma_start3A_755 = arith.constant 0 : i32
    %dma_start3A_756 = tpu.memref_slice %arg11[%dma_start3A_755] : memref<409600xf32, #tpu.memory_space<vmem_shared>> -> memref<409600xf32, #tpu.memory_space<vmem_shared>>
    tpu.enqueue_indirect_dma source(%arg10 : memref<125xf32, #tpu.memory_space<vmem>>) target(%dma_start3A_756 : memref<409600xf32, #tpu.memory_space<vmem_shared>>) offsets(%dma_start3A_754 : memref<125xi32, #tpu.memory_space<vmem>>) semaphore(%arg14 : memref<!tpu.dma_semaphore, #tpu.memory_space<semaphore_mem>>) {add = true}
    %dma_wait3A_757 = arith.constant 51 : i32
    %dma_wait3A_758 = arith.constant 0 : i32
    %dma_wait3A_759 = tpu.memref_slice %arg9[%dma_wait3A_757, %dma_wait3A_758] : memref<100x125xi32, #tpu.memory_space<vmem>> -> memref<1x125xi32, #tpu.memory_space<vmem>>
    %dma_wait3A_760 = tpu.memref_squeeze %dma_wait3A_759 : memref<1x125xi32, #tpu.memory_space<vmem>> -> memref<125xi32, #tpu.memory_space<vmem>>
    %dma_wait3A_761 = arith.constant 0 : i32
    %dma_wait3A_762 = tpu.memref_slice %arg11[%dma_wait3A_761] : memref<409600xf32, #tpu.memory_space<vmem_shared>> -> memref<409600xf32, #tpu.memory_space<vmem_shared>>
    tpu.wait_indirect_dma semaphore(%arg14 : memref<!tpu.dma_semaphore, #tpu.memory_space<semaphore_mem>>) src(%arg10 : memref<125xf32, #tpu.memory_space<vmem>>) dst(%dma_wait3A_762 : memref<409600xf32, #tpu.memory_space<vmem_shared>>)
    %dma_start3A_763 = arith.constant 68 : i32
    %dma_start3A_764 = arith.constant 0 : i32
    %dma_start3A_765 = tpu.memref_slice %arg9[%dma_start3A_763, %dma_start3A_764] : memref<100x125xi32, #tpu.memory_space<vmem>> -> memref<1x125xi32, #tpu.memory_space<vmem>>
    %dma_start3A_766 = tpu.memref_squeeze %dma_start3A_765 : memref<1x125xi32, #tpu.memory_space<vmem>> -> memref<125xi32, #tpu.memory_space<vmem>>
    %dma_start3A_767 = arith.constant 0 : i32
    %dma_start3A_768 = tpu.memref_slice %arg11[%dma_start3A_767] : memref<409600xf32, #tpu.memory_space<vmem_shared>> -> memref<409600xf32, #tpu.memory_space<vmem_shared>>
    tpu.enqueue_indirect_dma source(%arg10 : memref<125xf32, #tpu.memory_space<vmem>>) target(%dma_start3A_768 : memref<409600xf32, #tpu.memory_space<vmem_shared>>) offsets(%dma_start3A_766 : memref<125xi32, #tpu.memory_space<vmem>>) semaphore(%arg14 : memref<!tpu.dma_semaphore, #tpu.memory_space<semaphore_mem>>) {add = true}
    %dma_wait3A_769 = arith.constant 52 : i32
    %dma_wait3A_770 = arith.constant 0 : i32
    %dma_wait3A_771 = tpu.memref_slice %arg9[%dma_wait3A_769, %dma_wait3A_770] : memref<100x125xi32, #tpu.memory_space<vmem>> -> memref<1x125xi32, #tpu.memory_space<vmem>>
    %dma_wait3A_772 = tpu.memref_squeeze %dma_wait3A_771 : memref<1x125xi32, #tpu.memory_space<vmem>> -> memref<125xi32, #tpu.memory_space<vmem>>
    %dma_wait3A_773 = arith.constant 0 : i32
    %dma_wait3A_774 = tpu.memref_slice %arg11[%dma_wait3A_773] : memref<409600xf32, #tpu.memory_space<vmem_shared>> -> memref<409600xf32, #tpu.memory_space<vmem_shared>>
    tpu.wait_indirect_dma semaphore(%arg14 : memref<!tpu.dma_semaphore, #tpu.memory_space<semaphore_mem>>) src(%arg10 : memref<125xf32, #tpu.memory_space<vmem>>) dst(%dma_wait3A_774 : memref<409600xf32, #tpu.memory_space<vmem_shared>>)
    %dma_start3A_775 = arith.constant 69 : i32
    %dma_start3A_776 = arith.constant 0 : i32
    %dma_start3A_777 = tpu.memref_slice %arg9[%dma_start3A_775, %dma_start3A_776] : memref<100x125xi32, #tpu.memory_space<vmem>> -> memref<1x125xi32, #tpu.memory_space<vmem>>
    %dma_start3A_778 = tpu.memref_squeeze %dma_start3A_777 : memref<1x125xi32, #tpu.memory_space<vmem>> -> memref<125xi32, #tpu.memory_space<vmem>>
    %dma_start3A_779 = arith.constant 0 : i32
    %dma_start3A_780 = tpu.memref_slice %arg11[%dma_start3A_779] : memref<409600xf32, #tpu.memory_space<vmem_shared>> -> memref<409600xf32, #tpu.memory_space<vmem_shared>>
    tpu.enqueue_indirect_dma source(%arg10 : memref<125xf32, #tpu.memory_space<vmem>>) target(%dma_start3A_780 : memref<409600xf32, #tpu.memory_space<vmem_shared>>) offsets(%dma_start3A_778 : memref<125xi32, #tpu.memory_space<vmem>>) semaphore(%arg14 : memref<!tpu.dma_semaphore, #tpu.memory_space<semaphore_mem>>) {add = true}
    %dma_wait3A_781 = arith.constant 53 : i32
    %dma_wait3A_782 = arith.constant 0 : i32
    %dma_wait3A_783 = tpu.memref_slice %arg9[%dma_wait3A_781, %dma_wait3A_782] : memref<100x125xi32, #tpu.memory_space<vmem>> -> memref<1x125xi32, #tpu.memory_space<vmem>>
    %dma_wait3A_784 = tpu.memref_squeeze %dma_wait3A_783 : memref<1x125xi32, #tpu.memory_space<vmem>> -> memref<125xi32, #tpu.memory_space<vmem>>
    %dma_wait3A_785 = arith.constant 0 : i32
    %dma_wait3A_786 = tpu.memref_slice %arg11[%dma_wait3A_785] : memref<409600xf32, #tpu.memory_space<vmem_shared>> -> memref<409600xf32, #tpu.memory_space<vmem_shared>>
    tpu.wait_indirect_dma semaphore(%arg14 : memref<!tpu.dma_semaphore, #tpu.memory_space<semaphore_mem>>) src(%arg10 : memref<125xf32, #tpu.memory_space<vmem>>) dst(%dma_wait3A_786 : memref<409600xf32, #tpu.memory_space<vmem_shared>>)
    %dma_start3A_787 = arith.constant 70 : i32
    %dma_start3A_788 = arith.constant 0 : i32
    %dma_start3A_789 = tpu.memref_slice %arg9[%dma_start3A_787, %dma_start3A_788] : memref<100x125xi32, #tpu.memory_space<vmem>> -> memref<1x125xi32, #tpu.memory_space<vmem>>
    %dma_start3A_790 = tpu.memref_squeeze %dma_start3A_789 : memref<1x125xi32, #tpu.memory_space<vmem>> -> memref<125xi32, #tpu.memory_space<vmem>>
    %dma_start3A_791 = arith.constant 0 : i32
    %dma_start3A_792 = tpu.memref_slice %arg11[%dma_start3A_791] : memref<409600xf32, #tpu.memory_space<vmem_shared>> -> memref<409600xf32, #tpu.memory_space<vmem_shared>>
    tpu.enqueue_indirect_dma source(%arg10 : memref<125xf32, #tpu.memory_space<vmem>>) target(%dma_start3A_792 : memref<409600xf32, #tpu.memory_space<vmem_shared>>) offsets(%dma_start3A_790 : memref<125xi32, #tpu.memory_space<vmem>>) semaphore(%arg14 : memref<!tpu.dma_semaphore, #tpu.memory_space<semaphore_mem>>) {add = true}
    %dma_wait3A_793 = arith.constant 54 : i32
    %dma_wait3A_794 = arith.constant 0 : i32
    %dma_wait3A_795 = tpu.memref_slice %arg9[%dma_wait3A_793, %dma_wait3A_794] : memref<100x125xi32, #tpu.memory_space<vmem>> -> memref<1x125xi32, #tpu.memory_space<vmem>>
    %dma_wait3A_796 = tpu.memref_squeeze %dma_wait3A_795 : memref<1x125xi32, #tpu.memory_space<vmem>> -> memref<125xi32, #tpu.memory_space<vmem>>
    %dma_wait3A_797 = arith.constant 0 : i32
    %dma_wait3A_798 = tpu.memref_slice %arg11[%dma_wait3A_797] : memref<409600xf32, #tpu.memory_space<vmem_shared>> -> memref<409600xf32, #tpu.memory_space<vmem_shared>>
    tpu.wait_indirect_dma semaphore(%arg14 : memref<!tpu.dma_semaphore, #tpu.memory_space<semaphore_mem>>) src(%arg10 : memref<125xf32, #tpu.memory_space<vmem>>) dst(%dma_wait3A_798 : memref<409600xf32, #tpu.memory_space<vmem_shared>>)
    %dma_start3A_799 = arith.constant 71 : i32
    %dma_start3A_800 = arith.constant 0 : i32
    %dma_start3A_801 = tpu.memref_slice %arg9[%dma_start3A_799, %dma_start3A_800] : memref<100x125xi32, #tpu.memory_space<vmem>> -> memref<1x125xi32, #tpu.memory_space<vmem>>
    %dma_start3A_802 = tpu.memref_squeeze %dma_start3A_801 : memref<1x125xi32, #tpu.memory_space<vmem>> -> memref<125xi32, #tpu.memory_space<vmem>>
    %dma_start3A_803 = arith.constant 0 : i32
    %dma_start3A_804 = tpu.memref_slice %arg11[%dma_start3A_803] : memref<409600xf32, #tpu.memory_space<vmem_shared>> -> memref<409600xf32, #tpu.memory_space<vmem_shared>>
    tpu.enqueue_indirect_dma source(%arg10 : memref<125xf32, #tpu.memory_space<vmem>>) target(%dma_start3A_804 : memref<409600xf32, #tpu.memory_space<vmem_shared>>) offsets(%dma_start3A_802 : memref<125xi32, #tpu.memory_space<vmem>>) semaphore(%arg14 : memref<!tpu.dma_semaphore, #tpu.memory_space<semaphore_mem>>) {add = true}
    %dma_wait3A_805 = arith.constant 55 : i32
    %dma_wait3A_806 = arith.constant 0 : i32
    %dma_wait3A_807 = tpu.memref_slice %arg9[%dma_wait3A_805, %dma_wait3A_806] : memref<100x125xi32, #tpu.memory_space<vmem>> -> memref<1x125xi32, #tpu.memory_space<vmem>>
    %dma_wait3A_808 = tpu.memref_squeeze %dma_wait3A_807 : memref<1x125xi32, #tpu.memory_space<vmem>> -> memref<125xi32, #tpu.memory_space<vmem>>
    %dma_wait3A_809 = arith.constant 0 : i32
    %dma_wait3A_810 = tpu.memref_slice %arg11[%dma_wait3A_809] : memref<409600xf32, #tpu.memory_space<vmem_shared>> -> memref<409600xf32, #tpu.memory_space<vmem_shared>>
    tpu.wait_indirect_dma semaphore(%arg14 : memref<!tpu.dma_semaphore, #tpu.memory_space<semaphore_mem>>) src(%arg10 : memref<125xf32, #tpu.memory_space<vmem>>) dst(%dma_wait3A_810 : memref<409600xf32, #tpu.memory_space<vmem_shared>>)
    %dma_start3A_811 = arith.constant 72 : i32
    %dma_start3A_812 = arith.constant 0 : i32
    %dma_start3A_813 = tpu.memref_slice %arg9[%dma_start3A_811, %dma_start3A_812] : memref<100x125xi32, #tpu.memory_space<vmem>> -> memref<1x125xi32, #tpu.memory_space<vmem>>
    %dma_start3A_814 = tpu.memref_squeeze %dma_start3A_813 : memref<1x125xi32, #tpu.memory_space<vmem>> -> memref<125xi32, #tpu.memory_space<vmem>>
    %dma_start3A_815 = arith.constant 0 : i32
    %dma_start3A_816 = tpu.memref_slice %arg11[%dma_start3A_815] : memref<409600xf32, #tpu.memory_space<vmem_shared>> -> memref<409600xf32, #tpu.memory_space<vmem_shared>>
    tpu.enqueue_indirect_dma source(%arg10 : memref<125xf32, #tpu.memory_space<vmem>>) target(%dma_start3A_816 : memref<409600xf32, #tpu.memory_space<vmem_shared>>) offsets(%dma_start3A_814 : memref<125xi32, #tpu.memory_space<vmem>>) semaphore(%arg14 : memref<!tpu.dma_semaphore, #tpu.memory_space<semaphore_mem>>) {add = true}
    %dma_wait3A_817 = arith.constant 56 : i32
    %dma_wait3A_818 = arith.constant 0 : i32
    %dma_wait3A_819 = tpu.memref_slice %arg9[%dma_wait3A_817, %dma_wait3A_818] : memref<100x125xi32, #tpu.memory_space<vmem>> -> memref<1x125xi32, #tpu.memory_space<vmem>>
    %dma_wait3A_820 = tpu.memref_squeeze %dma_wait3A_819 : memref<1x125xi32, #tpu.memory_space<vmem>> -> memref<125xi32, #tpu.memory_space<vmem>>
    %dma_wait3A_821 = arith.constant 0 : i32
    %dma_wait3A_822 = tpu.memref_slice %arg11[%dma_wait3A_821] : memref<409600xf32, #tpu.memory_space<vmem_shared>> -> memref<409600xf32, #tpu.memory_space<vmem_shared>>
    tpu.wait_indirect_dma semaphore(%arg14 : memref<!tpu.dma_semaphore, #tpu.memory_space<semaphore_mem>>) src(%arg10 : memref<125xf32, #tpu.memory_space<vmem>>) dst(%dma_wait3A_822 : memref<409600xf32, #tpu.memory_space<vmem_shared>>)
    %dma_start3A_823 = arith.constant 73 : i32
    %dma_start3A_824 = arith.constant 0 : i32
    %dma_start3A_825 = tpu.memref_slice %arg9[%dma_start3A_823, %dma_start3A_824] : memref<100x125xi32, #tpu.memory_space<vmem>> -> memref<1x125xi32, #tpu.memory_space<vmem>>
    %dma_start3A_826 = tpu.memref_squeeze %dma_start3A_825 : memref<1x125xi32, #tpu.memory_space<vmem>> -> memref<125xi32, #tpu.memory_space<vmem>>
    %dma_start3A_827 = arith.constant 0 : i32
    %dma_start3A_828 = tpu.memref_slice %arg11[%dma_start3A_827] : memref<409600xf32, #tpu.memory_space<vmem_shared>> -> memref<409600xf32, #tpu.memory_space<vmem_shared>>
    tpu.enqueue_indirect_dma source(%arg10 : memref<125xf32, #tpu.memory_space<vmem>>) target(%dma_start3A_828 : memref<409600xf32, #tpu.memory_space<vmem_shared>>) offsets(%dma_start3A_826 : memref<125xi32, #tpu.memory_space<vmem>>) semaphore(%arg14 : memref<!tpu.dma_semaphore, #tpu.memory_space<semaphore_mem>>) {add = true}
    %dma_wait3A_829 = arith.constant 57 : i32
    %dma_wait3A_830 = arith.constant 0 : i32
    %dma_wait3A_831 = tpu.memref_slice %arg9[%dma_wait3A_829, %dma_wait3A_830] : memref<100x125xi32, #tpu.memory_space<vmem>> -> memref<1x125xi32, #tpu.memory_space<vmem>>
    %dma_wait3A_832 = tpu.memref_squeeze %dma_wait3A_831 : memref<1x125xi32, #tpu.memory_space<vmem>> -> memref<125xi32, #tpu.memory_space<vmem>>
    %dma_wait3A_833 = arith.constant 0 : i32
    %dma_wait3A_834 = tpu.memref_slice %arg11[%dma_wait3A_833] : memref<409600xf32, #tpu.memory_space<vmem_shared>> -> memref<409600xf32, #tpu.memory_space<vmem_shared>>
    tpu.wait_indirect_dma semaphore(%arg14 : memref<!tpu.dma_semaphore, #tpu.memory_space<semaphore_mem>>) src(%arg10 : memref<125xf32, #tpu.memory_space<vmem>>) dst(%dma_wait3A_834 : memref<409600xf32, #tpu.memory_space<vmem_shared>>)
    %dma_start3A_835 = arith.constant 74 : i32
    %dma_start3A_836 = arith.constant 0 : i32
    %dma_start3A_837 = tpu.memref_slice %arg9[%dma_start3A_835, %dma_start3A_836] : memref<100x125xi32, #tpu.memory_space<vmem>> -> memref<1x125xi32, #tpu.memory_space<vmem>>
    %dma_start3A_838 = tpu.memref_squeeze %dma_start3A_837 : memref<1x125xi32, #tpu.memory_space<vmem>> -> memref<125xi32, #tpu.memory_space<vmem>>
    %dma_start3A_839 = arith.constant 0 : i32
    %dma_start3A_840 = tpu.memref_slice %arg11[%dma_start3A_839] : memref<409600xf32, #tpu.memory_space<vmem_shared>> -> memref<409600xf32, #tpu.memory_space<vmem_shared>>
    tpu.enqueue_indirect_dma source(%arg10 : memref<125xf32, #tpu.memory_space<vmem>>) target(%dma_start3A_840 : memref<409600xf32, #tpu.memory_space<vmem_shared>>) offsets(%dma_start3A_838 : memref<125xi32, #tpu.memory_space<vmem>>) semaphore(%arg14 : memref<!tpu.dma_semaphore, #tpu.memory_space<semaphore_mem>>) {add = true}
    %dma_wait3A_841 = arith.constant 58 : i32
    %dma_wait3A_842 = arith.constant 0 : i32
    %dma_wait3A_843 = tpu.memref_slice %arg9[%dma_wait3A_841, %dma_wait3A_842] : memref<100x125xi32, #tpu.memory_space<vmem>> -> memref<1x125xi32, #tpu.memory_space<vmem>>
    %dma_wait3A_844 = tpu.memref_squeeze %dma_wait3A_843 : memref<1x125xi32, #tpu.memory_space<vmem>> -> memref<125xi32, #tpu.memory_space<vmem>>
    %dma_wait3A_845 = arith.constant 0 : i32
    %dma_wait3A_846 = tpu.memref_slice %arg11[%dma_wait3A_845] : memref<409600xf32, #tpu.memory_space<vmem_shared>> -> memref<409600xf32, #tpu.memory_space<vmem_shared>>
    tpu.wait_indirect_dma semaphore(%arg14 : memref<!tpu.dma_semaphore, #tpu.memory_space<semaphore_mem>>) src(%arg10 : memref<125xf32, #tpu.memory_space<vmem>>) dst(%dma_wait3A_846 : memref<409600xf32, #tpu.memory_space<vmem_shared>>)
    %dma_start3A_847 = arith.constant 75 : i32
    %dma_start3A_848 = arith.constant 0 : i32
    %dma_start3A_849 = tpu.memref_slice %arg9[%dma_start3A_847, %dma_start3A_848] : memref<100x125xi32, #tpu.memory_space<vmem>> -> memref<1x125xi32, #tpu.memory_space<vmem>>
    %dma_start3A_850 = tpu.memref_squeeze %dma_start3A_849 : memref<1x125xi32, #tpu.memory_space<vmem>> -> memref<125xi32, #tpu.memory_space<vmem>>
    %dma_start3A_851 = arith.constant 0 : i32
    %dma_start3A_852 = tpu.memref_slice %arg11[%dma_start3A_851] : memref<409600xf32, #tpu.memory_space<vmem_shared>> -> memref<409600xf32, #tpu.memory_space<vmem_shared>>
    tpu.enqueue_indirect_dma source(%arg10 : memref<125xf32, #tpu.memory_space<vmem>>) target(%dma_start3A_852 : memref<409600xf32, #tpu.memory_space<vmem_shared>>) offsets(%dma_start3A_850 : memref<125xi32, #tpu.memory_space<vmem>>) semaphore(%arg14 : memref<!tpu.dma_semaphore, #tpu.memory_space<semaphore_mem>>) {add = true}
    %dma_wait3A_853 = arith.constant 59 : i32
    %dma_wait3A_854 = arith.constant 0 : i32
    %dma_wait3A_855 = tpu.memref_slice %arg9[%dma_wait3A_853, %dma_wait3A_854] : memref<100x125xi32, #tpu.memory_space<vmem>> -> memref<1x125xi32, #tpu.memory_space<vmem>>
    %dma_wait3A_856 = tpu.memref_squeeze %dma_wait3A_855 : memref<1x125xi32, #tpu.memory_space<vmem>> -> memref<125xi32, #tpu.memory_space<vmem>>
    %dma_wait3A_857 = arith.constant 0 : i32
    %dma_wait3A_858 = tpu.memref_slice %arg11[%dma_wait3A_857] : memref<409600xf32, #tpu.memory_space<vmem_shared>> -> memref<409600xf32, #tpu.memory_space<vmem_shared>>
    tpu.wait_indirect_dma semaphore(%arg14 : memref<!tpu.dma_semaphore, #tpu.memory_space<semaphore_mem>>) src(%arg10 : memref<125xf32, #tpu.memory_space<vmem>>) dst(%dma_wait3A_858 : memref<409600xf32, #tpu.memory_space<vmem_shared>>)
    %dma_start3A_859 = arith.constant 76 : i32
    %dma_start3A_860 = arith.constant 0 : i32
    %dma_start3A_861 = tpu.memref_slice %arg9[%dma_start3A_859, %dma_start3A_860] : memref<100x125xi32, #tpu.memory_space<vmem>> -> memref<1x125xi32, #tpu.memory_space<vmem>>
    %dma_start3A_862 = tpu.memref_squeeze %dma_start3A_861 : memref<1x125xi32, #tpu.memory_space<vmem>> -> memref<125xi32, #tpu.memory_space<vmem>>
    %dma_start3A_863 = arith.constant 0 : i32
    %dma_start3A_864 = tpu.memref_slice %arg11[%dma_start3A_863] : memref<409600xf32, #tpu.memory_space<vmem_shared>> -> memref<409600xf32, #tpu.memory_space<vmem_shared>>
    tpu.enqueue_indirect_dma source(%arg10 : memref<125xf32, #tpu.memory_space<vmem>>) target(%dma_start3A_864 : memref<409600xf32, #tpu.memory_space<vmem_shared>>) offsets(%dma_start3A_862 : memref<125xi32, #tpu.memory_space<vmem>>) semaphore(%arg14 : memref<!tpu.dma_semaphore, #tpu.memory_space<semaphore_mem>>) {add = true}
    %dma_wait3A_865 = arith.constant 60 : i32
    %dma_wait3A_866 = arith.constant 0 : i32
    %dma_wait3A_867 = tpu.memref_slice %arg9[%dma_wait3A_865, %dma_wait3A_866] : memref<100x125xi32, #tpu.memory_space<vmem>> -> memref<1x125xi32, #tpu.memory_space<vmem>>
    %dma_wait3A_868 = tpu.memref_squeeze %dma_wait3A_867 : memref<1x125xi32, #tpu.memory_space<vmem>> -> memref<125xi32, #tpu.memory_space<vmem>>
    %dma_wait3A_869 = arith.constant 0 : i32
    %dma_wait3A_870 = tpu.memref_slice %arg11[%dma_wait3A_869] : memref<409600xf32, #tpu.memory_space<vmem_shared>> -> memref<409600xf32, #tpu.memory_space<vmem_shared>>
    tpu.wait_indirect_dma semaphore(%arg14 : memref<!tpu.dma_semaphore, #tpu.memory_space<semaphore_mem>>) src(%arg10 : memref<125xf32, #tpu.memory_space<vmem>>) dst(%dma_wait3A_870 : memref<409600xf32, #tpu.memory_space<vmem_shared>>)
    %dma_start3A_871 = arith.constant 77 : i32
    %dma_start3A_872 = arith.constant 0 : i32
    %dma_start3A_873 = tpu.memref_slice %arg9[%dma_start3A_871, %dma_start3A_872] : memref<100x125xi32, #tpu.memory_space<vmem>> -> memref<1x125xi32, #tpu.memory_space<vmem>>
    %dma_start3A_874 = tpu.memref_squeeze %dma_start3A_873 : memref<1x125xi32, #tpu.memory_space<vmem>> -> memref<125xi32, #tpu.memory_space<vmem>>
    %dma_start3A_875 = arith.constant 0 : i32
    %dma_start3A_876 = tpu.memref_slice %arg11[%dma_start3A_875] : memref<409600xf32, #tpu.memory_space<vmem_shared>> -> memref<409600xf32, #tpu.memory_space<vmem_shared>>
    tpu.enqueue_indirect_dma source(%arg10 : memref<125xf32, #tpu.memory_space<vmem>>) target(%dma_start3A_876 : memref<409600xf32, #tpu.memory_space<vmem_shared>>) offsets(%dma_start3A_874 : memref<125xi32, #tpu.memory_space<vmem>>) semaphore(%arg14 : memref<!tpu.dma_semaphore, #tpu.memory_space<semaphore_mem>>) {add = true}
    %dma_wait3A_877 = arith.constant 61 : i32
    %dma_wait3A_878 = arith.constant 0 : i32
    %dma_wait3A_879 = tpu.memref_slice %arg9[%dma_wait3A_877, %dma_wait3A_878] : memref<100x125xi32, #tpu.memory_space<vmem>> -> memref<1x125xi32, #tpu.memory_space<vmem>>
    %dma_wait3A_880 = tpu.memref_squeeze %dma_wait3A_879 : memref<1x125xi32, #tpu.memory_space<vmem>> -> memref<125xi32, #tpu.memory_space<vmem>>
    %dma_wait3A_881 = arith.constant 0 : i32
    %dma_wait3A_882 = tpu.memref_slice %arg11[%dma_wait3A_881] : memref<409600xf32, #tpu.memory_space<vmem_shared>> -> memref<409600xf32, #tpu.memory_space<vmem_shared>>
    tpu.wait_indirect_dma semaphore(%arg14 : memref<!tpu.dma_semaphore, #tpu.memory_space<semaphore_mem>>) src(%arg10 : memref<125xf32, #tpu.memory_space<vmem>>) dst(%dma_wait3A_882 : memref<409600xf32, #tpu.memory_space<vmem_shared>>)
    %dma_start3A_883 = arith.constant 78 : i32
    %dma_start3A_884 = arith.constant 0 : i32
    %dma_start3A_885 = tpu.memref_slice %arg9[%dma_start3A_883, %dma_start3A_884] : memref<100x125xi32, #tpu.memory_space<vmem>> -> memref<1x125xi32, #tpu.memory_space<vmem>>
    %dma_start3A_886 = tpu.memref_squeeze %dma_start3A_885 : memref<1x125xi32, #tpu.memory_space<vmem>> -> memref<125xi32, #tpu.memory_space<vmem>>
    %dma_start3A_887 = arith.constant 0 : i32
    %dma_start3A_888 = tpu.memref_slice %arg11[%dma_start3A_887] : memref<409600xf32, #tpu.memory_space<vmem_shared>> -> memref<409600xf32, #tpu.memory_space<vmem_shared>>
    tpu.enqueue_indirect_dma source(%arg10 : memref<125xf32, #tpu.memory_space<vmem>>) target(%dma_start3A_888 : memref<409600xf32, #tpu.memory_space<vmem_shared>>) offsets(%dma_start3A_886 : memref<125xi32, #tpu.memory_space<vmem>>) semaphore(%arg14 : memref<!tpu.dma_semaphore, #tpu.memory_space<semaphore_mem>>) {add = true}
    %dma_wait3A_889 = arith.constant 62 : i32
    %dma_wait3A_890 = arith.constant 0 : i32
    %dma_wait3A_891 = tpu.memref_slice %arg9[%dma_wait3A_889, %dma_wait3A_890] : memref<100x125xi32, #tpu.memory_space<vmem>> -> memref<1x125xi32, #tpu.memory_space<vmem>>
    %dma_wait3A_892 = tpu.memref_squeeze %dma_wait3A_891 : memref<1x125xi32, #tpu.memory_space<vmem>> -> memref<125xi32, #tpu.memory_space<vmem>>
    %dma_wait3A_893 = arith.constant 0 : i32
    %dma_wait3A_894 = tpu.memref_slice %arg11[%dma_wait3A_893] : memref<409600xf32, #tpu.memory_space<vmem_shared>> -> memref<409600xf32, #tpu.memory_space<vmem_shared>>
    tpu.wait_indirect_dma semaphore(%arg14 : memref<!tpu.dma_semaphore, #tpu.memory_space<semaphore_mem>>) src(%arg10 : memref<125xf32, #tpu.memory_space<vmem>>) dst(%dma_wait3A_894 : memref<409600xf32, #tpu.memory_space<vmem_shared>>)
    %dma_start3A_895 = arith.constant 79 : i32
    %dma_start3A_896 = arith.constant 0 : i32
    %dma_start3A_897 = tpu.memref_slice %arg9[%dma_start3A_895, %dma_start3A_896] : memref<100x125xi32, #tpu.memory_space<vmem>> -> memref<1x125xi32, #tpu.memory_space<vmem>>
    %dma_start3A_898 = tpu.memref_squeeze %dma_start3A_897 : memref<1x125xi32, #tpu.memory_space<vmem>> -> memref<125xi32, #tpu.memory_space<vmem>>
    %dma_start3A_899 = arith.constant 0 : i32
    %dma_start3A_900 = tpu.memref_slice %arg11[%dma_start3A_899] : memref<409600xf32, #tpu.memory_space<vmem_shared>> -> memref<409600xf32, #tpu.memory_space<vmem_shared>>
    tpu.enqueue_indirect_dma source(%arg10 : memref<125xf32, #tpu.memory_space<vmem>>) target(%dma_start3A_900 : memref<409600xf32, #tpu.memory_space<vmem_shared>>) offsets(%dma_start3A_898 : memref<125xi32, #tpu.memory_space<vmem>>) semaphore(%arg14 : memref<!tpu.dma_semaphore, #tpu.memory_space<semaphore_mem>>) {add = true}
    %dma_wait3A_901 = arith.constant 63 : i32
    %dma_wait3A_902 = arith.constant 0 : i32
    %dma_wait3A_903 = tpu.memref_slice %arg9[%dma_wait3A_901, %dma_wait3A_902] : memref<100x125xi32, #tpu.memory_space<vmem>> -> memref<1x125xi32, #tpu.memory_space<vmem>>
    %dma_wait3A_904 = tpu.memref_squeeze %dma_wait3A_903 : memref<1x125xi32, #tpu.memory_space<vmem>> -> memref<125xi32, #tpu.memory_space<vmem>>
    %dma_wait3A_905 = arith.constant 0 : i32
    %dma_wait3A_906 = tpu.memref_slice %arg11[%dma_wait3A_905] : memref<409600xf32, #tpu.memory_space<vmem_shared>> -> memref<409600xf32, #tpu.memory_space<vmem_shared>>
    tpu.wait_indirect_dma semaphore(%arg14 : memref<!tpu.dma_semaphore, #tpu.memory_space<semaphore_mem>>) src(%arg10 : memref<125xf32, #tpu.memory_space<vmem>>) dst(%dma_wait3A_906 : memref<409600xf32, #tpu.memory_space<vmem_shared>>)
    %dma_start3A_907 = arith.constant 80 : i32
    %dma_start3A_908 = arith.constant 0 : i32
    %dma_start3A_909 = tpu.memref_slice %arg9[%dma_start3A_907, %dma_start3A_908] : memref<100x125xi32, #tpu.memory_space<vmem>> -> memref<1x125xi32, #tpu.memory_space<vmem>>
    %dma_start3A_910 = tpu.memref_squeeze %dma_start3A_909 : memref<1x125xi32, #tpu.memory_space<vmem>> -> memref<125xi32, #tpu.memory_space<vmem>>
    %dma_start3A_911 = arith.constant 0 : i32
    %dma_start3A_912 = tpu.memref_slice %arg11[%dma_start3A_911] : memref<409600xf32, #tpu.memory_space<vmem_shared>> -> memref<409600xf32, #tpu.memory_space<vmem_shared>>
    tpu.enqueue_indirect_dma source(%arg10 : memref<125xf32, #tpu.memory_space<vmem>>) target(%dma_start3A_912 : memref<409600xf32, #tpu.memory_space<vmem_shared>>) offsets(%dma_start3A_910 : memref<125xi32, #tpu.memory_space<vmem>>) semaphore(%arg14 : memref<!tpu.dma_semaphore, #tpu.memory_space<semaphore_mem>>) {add = true}
    %dma_wait3A_913 = arith.constant 64 : i32
    %dma_wait3A_914 = arith.constant 0 : i32
    %dma_wait3A_915 = tpu.memref_slice %arg9[%dma_wait3A_913, %dma_wait3A_914] : memref<100x125xi32, #tpu.memory_space<vmem>> -> memref<1x125xi32, #tpu.memory_space<vmem>>
    %dma_wait3A_916 = tpu.memref_squeeze %dma_wait3A_915 : memref<1x125xi32, #tpu.memory_space<vmem>> -> memref<125xi32, #tpu.memory_space<vmem>>
    %dma_wait3A_917 = arith.constant 0 : i32
    %dma_wait3A_918 = tpu.memref_slice %arg11[%dma_wait3A_917] : memref<409600xf32, #tpu.memory_space<vmem_shared>> -> memref<409600xf32, #tpu.memory_space<vmem_shared>>
    tpu.wait_indirect_dma semaphore(%arg14 : memref<!tpu.dma_semaphore, #tpu.memory_space<semaphore_mem>>) src(%arg10 : memref<125xf32, #tpu.memory_space<vmem>>) dst(%dma_wait3A_918 : memref<409600xf32, #tpu.memory_space<vmem_shared>>)
    %dma_start3A_919 = arith.constant 81 : i32
    %dma_start3A_920 = arith.constant 0 : i32
    %dma_start3A_921 = tpu.memref_slice %arg9[%dma_start3A_919, %dma_start3A_920] : memref<100x125xi32, #tpu.memory_space<vmem>> -> memref<1x125xi32, #tpu.memory_space<vmem>>
    %dma_start3A_922 = tpu.memref_squeeze %dma_start3A_921 : memref<1x125xi32, #tpu.memory_space<vmem>> -> memref<125xi32, #tpu.memory_space<vmem>>
    %dma_start3A_923 = arith.constant 0 : i32
    %dma_start3A_924 = tpu.memref_slice %arg11[%dma_start3A_923] : memref<409600xf32, #tpu.memory_space<vmem_shared>> -> memref<409600xf32, #tpu.memory_space<vmem_shared>>
    tpu.enqueue_indirect_dma source(%arg10 : memref<125xf32, #tpu.memory_space<vmem>>) target(%dma_start3A_924 : memref<409600xf32, #tpu.memory_space<vmem_shared>>) offsets(%dma_start3A_922 : memref<125xi32, #tpu.memory_space<vmem>>) semaphore(%arg14 : memref<!tpu.dma_semaphore, #tpu.memory_space<semaphore_mem>>) {add = true}
    %dma_wait3A_925 = arith.constant 65 : i32
    %dma_wait3A_926 = arith.constant 0 : i32
    %dma_wait3A_927 = tpu.memref_slice %arg9[%dma_wait3A_925, %dma_wait3A_926] : memref<100x125xi32, #tpu.memory_space<vmem>> -> memref<1x125xi32, #tpu.memory_space<vmem>>
    %dma_wait3A_928 = tpu.memref_squeeze %dma_wait3A_927 : memref<1x125xi32, #tpu.memory_space<vmem>> -> memref<125xi32, #tpu.memory_space<vmem>>
    %dma_wait3A_929 = arith.constant 0 : i32
    %dma_wait3A_930 = tpu.memref_slice %arg11[%dma_wait3A_929] : memref<409600xf32, #tpu.memory_space<vmem_shared>> -> memref<409600xf32, #tpu.memory_space<vmem_shared>>
    tpu.wait_indirect_dma semaphore(%arg14 : memref<!tpu.dma_semaphore, #tpu.memory_space<semaphore_mem>>) src(%arg10 : memref<125xf32, #tpu.memory_space<vmem>>) dst(%dma_wait3A_930 : memref<409600xf32, #tpu.memory_space<vmem_shared>>)
    %dma_start3A_931 = arith.constant 82 : i32
    %dma_start3A_932 = arith.constant 0 : i32
    %dma_start3A_933 = tpu.memref_slice %arg9[%dma_start3A_931, %dma_start3A_932] : memref<100x125xi32, #tpu.memory_space<vmem>> -> memref<1x125xi32, #tpu.memory_space<vmem>>
    %dma_start3A_934 = tpu.memref_squeeze %dma_start3A_933 : memref<1x125xi32, #tpu.memory_space<vmem>> -> memref<125xi32, #tpu.memory_space<vmem>>
    %dma_start3A_935 = arith.constant 0 : i32
    %dma_start3A_936 = tpu.memref_slice %arg11[%dma_start3A_935] : memref<409600xf32, #tpu.memory_space<vmem_shared>> -> memref<409600xf32, #tpu.memory_space<vmem_shared>>
    tpu.enqueue_indirect_dma source(%arg10 : memref<125xf32, #tpu.memory_space<vmem>>) target(%dma_start3A_936 : memref<409600xf32, #tpu.memory_space<vmem_shared>>) offsets(%dma_start3A_934 : memref<125xi32, #tpu.memory_space<vmem>>) semaphore(%arg14 : memref<!tpu.dma_semaphore, #tpu.memory_space<semaphore_mem>>) {add = true}
    %dma_wait3A_937 = arith.constant 66 : i32
    %dma_wait3A_938 = arith.constant 0 : i32
    %dma_wait3A_939 = tpu.memref_slice %arg9[%dma_wait3A_937, %dma_wait3A_938] : memref<100x125xi32, #tpu.memory_space<vmem>> -> memref<1x125xi32, #tpu.memory_space<vmem>>
    %dma_wait3A_940 = tpu.memref_squeeze %dma_wait3A_939 : memref<1x125xi32, #tpu.memory_space<vmem>> -> memref<125xi32, #tpu.memory_space<vmem>>
    %dma_wait3A_941 = arith.constant 0 : i32
    %dma_wait3A_942 = tpu.memref_slice %arg11[%dma_wait3A_941] : memref<409600xf32, #tpu.memory_space<vmem_shared>> -> memref<409600xf32, #tpu.memory_space<vmem_shared>>
    tpu.wait_indirect_dma semaphore(%arg14 : memref<!tpu.dma_semaphore, #tpu.memory_space<semaphore_mem>>) src(%arg10 : memref<125xf32, #tpu.memory_space<vmem>>) dst(%dma_wait3A_942 : memref<409600xf32, #tpu.memory_space<vmem_shared>>)
    %dma_start3A_943 = arith.constant 83 : i32
    %dma_start3A_944 = arith.constant 0 : i32
    %dma_start3A_945 = tpu.memref_slice %arg9[%dma_start3A_943, %dma_start3A_944] : memref<100x125xi32, #tpu.memory_space<vmem>> -> memref<1x125xi32, #tpu.memory_space<vmem>>
    %dma_start3A_946 = tpu.memref_squeeze %dma_start3A_945 : memref<1x125xi32, #tpu.memory_space<vmem>> -> memref<125xi32, #tpu.memory_space<vmem>>
    %dma_start3A_947 = arith.constant 0 : i32
    %dma_start3A_948 = tpu.memref_slice %arg11[%dma_start3A_947] : memref<409600xf32, #tpu.memory_space<vmem_shared>> -> memref<409600xf32, #tpu.memory_space<vmem_shared>>
    tpu.enqueue_indirect_dma source(%arg10 : memref<125xf32, #tpu.memory_space<vmem>>) target(%dma_start3A_948 : memref<409600xf32, #tpu.memory_space<vmem_shared>>) offsets(%dma_start3A_946 : memref<125xi32, #tpu.memory_space<vmem>>) semaphore(%arg14 : memref<!tpu.dma_semaphore, #tpu.memory_space<semaphore_mem>>) {add = true}
    %dma_wait3A_949 = arith.constant 67 : i32
    %dma_wait3A_950 = arith.constant 0 : i32
    %dma_wait3A_951 = tpu.memref_slice %arg9[%dma_wait3A_949, %dma_wait3A_950] : memref<100x125xi32, #tpu.memory_space<vmem>> -> memref<1x125xi32, #tpu.memory_space<vmem>>
    %dma_wait3A_952 = tpu.memref_squeeze %dma_wait3A_951 : memref<1x125xi32, #tpu.memory_space<vmem>> -> memref<125xi32, #tpu.memory_space<vmem>>
    %dma_wait3A_953 = arith.constant 0 : i32
    %dma_wait3A_954 = tpu.memref_slice %arg11[%dma_wait3A_953] : memref<409600xf32, #tpu.memory_space<vmem_shared>> -> memref<409600xf32, #tpu.memory_space<vmem_shared>>
    tpu.wait_indirect_dma semaphore(%arg14 : memref<!tpu.dma_semaphore, #tpu.memory_space<semaphore_mem>>) src(%arg10 : memref<125xf32, #tpu.memory_space<vmem>>) dst(%dma_wait3A_954 : memref<409600xf32, #tpu.memory_space<vmem_shared>>)
    %dma_start3A_955 = arith.constant 84 : i32
    %dma_start3A_956 = arith.constant 0 : i32
    %dma_start3A_957 = tpu.memref_slice %arg9[%dma_start3A_955, %dma_start3A_956] : memref<100x125xi32, #tpu.memory_space<vmem>> -> memref<1x125xi32, #tpu.memory_space<vmem>>
    %dma_start3A_958 = tpu.memref_squeeze %dma_start3A_957 : memref<1x125xi32, #tpu.memory_space<vmem>> -> memref<125xi32, #tpu.memory_space<vmem>>
    %dma_start3A_959 = arith.constant 0 : i32
    %dma_start3A_960 = tpu.memref_slice %arg11[%dma_start3A_959] : memref<409600xf32, #tpu.memory_space<vmem_shared>> -> memref<409600xf32, #tpu.memory_space<vmem_shared>>
    tpu.enqueue_indirect_dma source(%arg10 : memref<125xf32, #tpu.memory_space<vmem>>) target(%dma_start3A_960 : memref<409600xf32, #tpu.memory_space<vmem_shared>>) offsets(%dma_start3A_958 : memref<125xi32, #tpu.memory_space<vmem>>) semaphore(%arg14 : memref<!tpu.dma_semaphore, #tpu.memory_space<semaphore_mem>>) {add = true}
    %dma_wait3A_961 = arith.constant 68 : i32
    %dma_wait3A_962 = arith.constant 0 : i32
    %dma_wait3A_963 = tpu.memref_slice %arg9[%dma_wait3A_961, %dma_wait3A_962] : memref<100x125xi32, #tpu.memory_space<vmem>> -> memref<1x125xi32, #tpu.memory_space<vmem>>
    %dma_wait3A_964 = tpu.memref_squeeze %dma_wait3A_963 : memref<1x125xi32, #tpu.memory_space<vmem>> -> memref<125xi32, #tpu.memory_space<vmem>>
    %dma_wait3A_965 = arith.constant 0 : i32
    %dma_wait3A_966 = tpu.memref_slice %arg11[%dma_wait3A_965] : memref<409600xf32, #tpu.memory_space<vmem_shared>> -> memref<409600xf32, #tpu.memory_space<vmem_shared>>
    tpu.wait_indirect_dma semaphore(%arg14 : memref<!tpu.dma_semaphore, #tpu.memory_space<semaphore_mem>>) src(%arg10 : memref<125xf32, #tpu.memory_space<vmem>>) dst(%dma_wait3A_966 : memref<409600xf32, #tpu.memory_space<vmem_shared>>)
    %dma_start3A_967 = arith.constant 85 : i32
    %dma_start3A_968 = arith.constant 0 : i32
    %dma_start3A_969 = tpu.memref_slice %arg9[%dma_start3A_967, %dma_start3A_968] : memref<100x125xi32, #tpu.memory_space<vmem>> -> memref<1x125xi32, #tpu.memory_space<vmem>>
    %dma_start3A_970 = tpu.memref_squeeze %dma_start3A_969 : memref<1x125xi32, #tpu.memory_space<vmem>> -> memref<125xi32, #tpu.memory_space<vmem>>
    %dma_start3A_971 = arith.constant 0 : i32
    %dma_start3A_972 = tpu.memref_slice %arg11[%dma_start3A_971] : memref<409600xf32, #tpu.memory_space<vmem_shared>> -> memref<409600xf32, #tpu.memory_space<vmem_shared>>
    tpu.enqueue_indirect_dma source(%arg10 : memref<125xf32, #tpu.memory_space<vmem>>) target(%dma_start3A_972 : memref<409600xf32, #tpu.memory_space<vmem_shared>>) offsets(%dma_start3A_970 : memref<125xi32, #tpu.memory_space<vmem>>) semaphore(%arg14 : memref<!tpu.dma_semaphore, #tpu.memory_space<semaphore_mem>>) {add = true}
    %dma_wait3A_973 = arith.constant 69 : i32
    %dma_wait3A_974 = arith.constant 0 : i32
    %dma_wait3A_975 = tpu.memref_slice %arg9[%dma_wait3A_973, %dma_wait3A_974] : memref<100x125xi32, #tpu.memory_space<vmem>> -> memref<1x125xi32, #tpu.memory_space<vmem>>
    %dma_wait3A_976 = tpu.memref_squeeze %dma_wait3A_975 : memref<1x125xi32, #tpu.memory_space<vmem>> -> memref<125xi32, #tpu.memory_space<vmem>>
    %dma_wait3A_977 = arith.constant 0 : i32
    %dma_wait3A_978 = tpu.memref_slice %arg11[%dma_wait3A_977] : memref<409600xf32, #tpu.memory_space<vmem_shared>> -> memref<409600xf32, #tpu.memory_space<vmem_shared>>
    tpu.wait_indirect_dma semaphore(%arg14 : memref<!tpu.dma_semaphore, #tpu.memory_space<semaphore_mem>>) src(%arg10 : memref<125xf32, #tpu.memory_space<vmem>>) dst(%dma_wait3A_978 : memref<409600xf32, #tpu.memory_space<vmem_shared>>)
    %dma_start3A_979 = arith.constant 86 : i32
    %dma_start3A_980 = arith.constant 0 : i32
    %dma_start3A_981 = tpu.memref_slice %arg9[%dma_start3A_979, %dma_start3A_980] : memref<100x125xi32, #tpu.memory_space<vmem>> -> memref<1x125xi32, #tpu.memory_space<vmem>>
    %dma_start3A_982 = tpu.memref_squeeze %dma_start3A_981 : memref<1x125xi32, #tpu.memory_space<vmem>> -> memref<125xi32, #tpu.memory_space<vmem>>
    %dma_start3A_983 = arith.constant 0 : i32
    %dma_start3A_984 = tpu.memref_slice %arg11[%dma_start3A_983] : memref<409600xf32, #tpu.memory_space<vmem_shared>> -> memref<409600xf32, #tpu.memory_space<vmem_shared>>
    tpu.enqueue_indirect_dma source(%arg10 : memref<125xf32, #tpu.memory_space<vmem>>) target(%dma_start3A_984 : memref<409600xf32, #tpu.memory_space<vmem_shared>>) offsets(%dma_start3A_982 : memref<125xi32, #tpu.memory_space<vmem>>) semaphore(%arg14 : memref<!tpu.dma_semaphore, #tpu.memory_space<semaphore_mem>>) {add = true}
    %dma_wait3A_985 = arith.constant 70 : i32
    %dma_wait3A_986 = arith.constant 0 : i32
    %dma_wait3A_987 = tpu.memref_slice %arg9[%dma_wait3A_985, %dma_wait3A_986] : memref<100x125xi32, #tpu.memory_space<vmem>> -> memref<1x125xi32, #tpu.memory_space<vmem>>
    %dma_wait3A_988 = tpu.memref_squeeze %dma_wait3A_987 : memref<1x125xi32, #tpu.memory_space<vmem>> -> memref<125xi32, #tpu.memory_space<vmem>>
    %dma_wait3A_989 = arith.constant 0 : i32
    %dma_wait3A_990 = tpu.memref_slice %arg11[%dma_wait3A_989] : memref<409600xf32, #tpu.memory_space<vmem_shared>> -> memref<409600xf32, #tpu.memory_space<vmem_shared>>
    tpu.wait_indirect_dma semaphore(%arg14 : memref<!tpu.dma_semaphore, #tpu.memory_space<semaphore_mem>>) src(%arg10 : memref<125xf32, #tpu.memory_space<vmem>>) dst(%dma_wait3A_990 : memref<409600xf32, #tpu.memory_space<vmem_shared>>)
    %dma_start3A_991 = arith.constant 87 : i32
    %dma_start3A_992 = arith.constant 0 : i32
    %dma_start3A_993 = tpu.memref_slice %arg9[%dma_start3A_991, %dma_start3A_992] : memref<100x125xi32, #tpu.memory_space<vmem>> -> memref<1x125xi32, #tpu.memory_space<vmem>>
    %dma_start3A_994 = tpu.memref_squeeze %dma_start3A_993 : memref<1x125xi32, #tpu.memory_space<vmem>> -> memref<125xi32, #tpu.memory_space<vmem>>
    %dma_start3A_995 = arith.constant 0 : i32
    %dma_start3A_996 = tpu.memref_slice %arg11[%dma_start3A_995] : memref<409600xf32, #tpu.memory_space<vmem_shared>> -> memref<409600xf32, #tpu.memory_space<vmem_shared>>
    tpu.enqueue_indirect_dma source(%arg10 : memref<125xf32, #tpu.memory_space<vmem>>) target(%dma_start3A_996 : memref<409600xf32, #tpu.memory_space<vmem_shared>>) offsets(%dma_start3A_994 : memref<125xi32, #tpu.memory_space<vmem>>) semaphore(%arg14 : memref<!tpu.dma_semaphore, #tpu.memory_space<semaphore_mem>>) {add = true}
    %dma_wait3A_997 = arith.constant 71 : i32
    %dma_wait3A_998 = arith.constant 0 : i32
    %dma_wait3A_999 = tpu.memref_slice %arg9[%dma_wait3A_997, %dma_wait3A_998] : memref<100x125xi32, #tpu.memory_space<vmem>> -> memref<1x125xi32, #tpu.memory_space<vmem>>
    %dma_wait3A_1000 = tpu.memref_squeeze %dma_wait3A_999 : memref<1x125xi32, #tpu.memory_space<vmem>> -> memref<125xi32, #tpu.memory_space<vmem>>
    %dma_wait3A_1001 = arith.constant 0 : i32
    %dma_wait3A_1002 = tpu.memref_slice %arg11[%dma_wait3A_1001] : memref<409600xf32, #tpu.memory_space<vmem_shared>> -> memref<409600xf32, #tpu.memory_space<vmem_shared>>
    tpu.wait_indirect_dma semaphore(%arg14 : memref<!tpu.dma_semaphore, #tpu.memory_space<semaphore_mem>>) src(%arg10 : memref<125xf32, #tpu.memory_space<vmem>>) dst(%dma_wait3A_1002 : memref<409600xf32, #tpu.memory_space<vmem_shared>>)
    %dma_start3A_1003 = arith.constant 88 : i32
    %dma_start3A_1004 = arith.constant 0 : i32
    %dma_start3A_1005 = tpu.memref_slice %arg9[%dma_start3A_1003, %dma_start3A_1004] : memref<100x125xi32, #tpu.memory_space<vmem>> -> memref<1x125xi32, #tpu.memory_space<vmem>>
    %dma_start3A_1006 = tpu.memref_squeeze %dma_start3A_1005 : memref<1x125xi32, #tpu.memory_space<vmem>> -> memref<125xi32, #tpu.memory_space<vmem>>
    %dma_start3A_1007 = arith.constant 0 : i32
    %dma_start3A_1008 = tpu.memref_slice %arg11[%dma_start3A_1007] : memref<409600xf32, #tpu.memory_space<vmem_shared>> -> memref<409600xf32, #tpu.memory_space<vmem_shared>>
    tpu.enqueue_indirect_dma source(%arg10 : memref<125xf32, #tpu.memory_space<vmem>>) target(%dma_start3A_1008 : memref<409600xf32, #tpu.memory_space<vmem_shared>>) offsets(%dma_start3A_1006 : memref<125xi32, #tpu.memory_space<vmem>>) semaphore(%arg14 : memref<!tpu.dma_semaphore, #tpu.memory_space<semaphore_mem>>) {add = true}
    %dma_wait3A_1009 = arith.constant 72 : i32
    %dma_wait3A_1010 = arith.constant 0 : i32
    %dma_wait3A_1011 = tpu.memref_slice %arg9[%dma_wait3A_1009, %dma_wait3A_1010] : memref<100x125xi32, #tpu.memory_space<vmem>> -> memref<1x125xi32, #tpu.memory_space<vmem>>
    %dma_wait3A_1012 = tpu.memref_squeeze %dma_wait3A_1011 : memref<1x125xi32, #tpu.memory_space<vmem>> -> memref<125xi32, #tpu.memory_space<vmem>>
    %dma_wait3A_1013 = arith.constant 0 : i32
    %dma_wait3A_1014 = tpu.memref_slice %arg11[%dma_wait3A_1013] : memref<409600xf32, #tpu.memory_space<vmem_shared>> -> memref<409600xf32, #tpu.memory_space<vmem_shared>>
    tpu.wait_indirect_dma semaphore(%arg14 : memref<!tpu.dma_semaphore, #tpu.memory_space<semaphore_mem>>) src(%arg10 : memref<125xf32, #tpu.memory_space<vmem>>) dst(%dma_wait3A_1014 : memref<409600xf32, #tpu.memory_space<vmem_shared>>)
    %dma_start3A_1015 = arith.constant 89 : i32
    %dma_start3A_1016 = arith.constant 0 : i32
    %dma_start3A_1017 = tpu.memref_slice %arg9[%dma_start3A_1015, %dma_start3A_1016] : memref<100x125xi32, #tpu.memory_space<vmem>> -> memref<1x125xi32, #tpu.memory_space<vmem>>
    %dma_start3A_1018 = tpu.memref_squeeze %dma_start3A_1017 : memref<1x125xi32, #tpu.memory_space<vmem>> -> memref<125xi32, #tpu.memory_space<vmem>>
    %dma_start3A_1019 = arith.constant 0 : i32
    %dma_start3A_1020 = tpu.memref_slice %arg11[%dma_start3A_1019] : memref<409600xf32, #tpu.memory_space<vmem_shared>> -> memref<409600xf32, #tpu.memory_space<vmem_shared>>
    tpu.enqueue_indirect_dma source(%arg10 : memref<125xf32, #tpu.memory_space<vmem>>) target(%dma_start3A_1020 : memref<409600xf32, #tpu.memory_space<vmem_shared>>) offsets(%dma_start3A_1018 : memref<125xi32, #tpu.memory_space<vmem>>) semaphore(%arg14 : memref<!tpu.dma_semaphore, #tpu.memory_space<semaphore_mem>>) {add = true}
    %dma_wait3A_1021 = arith.constant 73 : i32
    %dma_wait3A_1022 = arith.constant 0 : i32
    %dma_wait3A_1023 = tpu.memref_slice %arg9[%dma_wait3A_1021, %dma_wait3A_1022] : memref<100x125xi32, #tpu.memory_space<vmem>> -> memref<1x125xi32, #tpu.memory_space<vmem>>
    %dma_wait3A_1024 = tpu.memref_squeeze %dma_wait3A_1023 : memref<1x125xi32, #tpu.memory_space<vmem>> -> memref<125xi32, #tpu.memory_space<vmem>>
    %dma_wait3A_1025 = arith.constant 0 : i32
    %dma_wait3A_1026 = tpu.memref_slice %arg11[%dma_wait3A_1025] : memref<409600xf32, #tpu.memory_space<vmem_shared>> -> memref<409600xf32, #tpu.memory_space<vmem_shared>>
    tpu.wait_indirect_dma semaphore(%arg14 : memref<!tpu.dma_semaphore, #tpu.memory_space<semaphore_mem>>) src(%arg10 : memref<125xf32, #tpu.memory_space<vmem>>) dst(%dma_wait3A_1026 : memref<409600xf32, #tpu.memory_space<vmem_shared>>)
    %dma_start3A_1027 = arith.constant 90 : i32
    %dma_start3A_1028 = arith.constant 0 : i32
    %dma_start3A_1029 = tpu.memref_slice %arg9[%dma_start3A_1027, %dma_start3A_1028] : memref<100x125xi32, #tpu.memory_space<vmem>> -> memref<1x125xi32, #tpu.memory_space<vmem>>
    %dma_start3A_1030 = tpu.memref_squeeze %dma_start3A_1029 : memref<1x125xi32, #tpu.memory_space<vmem>> -> memref<125xi32, #tpu.memory_space<vmem>>
    %dma_start3A_1031 = arith.constant 0 : i32
    %dma_start3A_1032 = tpu.memref_slice %arg11[%dma_start3A_1031] : memref<409600xf32, #tpu.memory_space<vmem_shared>> -> memref<409600xf32, #tpu.memory_space<vmem_shared>>
    tpu.enqueue_indirect_dma source(%arg10 : memref<125xf32, #tpu.memory_space<vmem>>) target(%dma_start3A_1032 : memref<409600xf32, #tpu.memory_space<vmem_shared>>) offsets(%dma_start3A_1030 : memref<125xi32, #tpu.memory_space<vmem>>) semaphore(%arg14 : memref<!tpu.dma_semaphore, #tpu.memory_space<semaphore_mem>>) {add = true}
    %dma_wait3A_1033 = arith.constant 74 : i32
    %dma_wait3A_1034 = arith.constant 0 : i32
    %dma_wait3A_1035 = tpu.memref_slice %arg9[%dma_wait3A_1033, %dma_wait3A_1034] : memref<100x125xi32, #tpu.memory_space<vmem>> -> memref<1x125xi32, #tpu.memory_space<vmem>>
    %dma_wait3A_1036 = tpu.memref_squeeze %dma_wait3A_1035 : memref<1x125xi32, #tpu.memory_space<vmem>> -> memref<125xi32, #tpu.memory_space<vmem>>
    %dma_wait3A_1037 = arith.constant 0 : i32
    %dma_wait3A_1038 = tpu.memref_slice %arg11[%dma_wait3A_1037] : memref<409600xf32, #tpu.memory_space<vmem_shared>> -> memref<409600xf32, #tpu.memory_space<vmem_shared>>
    tpu.wait_indirect_dma semaphore(%arg14 : memref<!tpu.dma_semaphore, #tpu.memory_space<semaphore_mem>>) src(%arg10 : memref<125xf32, #tpu.memory_space<vmem>>) dst(%dma_wait3A_1038 : memref<409600xf32, #tpu.memory_space<vmem_shared>>)
    %dma_start3A_1039 = arith.constant 91 : i32
    %dma_start3A_1040 = arith.constant 0 : i32
    %dma_start3A_1041 = tpu.memref_slice %arg9[%dma_start3A_1039, %dma_start3A_1040] : memref<100x125xi32, #tpu.memory_space<vmem>> -> memref<1x125xi32, #tpu.memory_space<vmem>>
    %dma_start3A_1042 = tpu.memref_squeeze %dma_start3A_1041 : memref<1x125xi32, #tpu.memory_space<vmem>> -> memref<125xi32, #tpu.memory_space<vmem>>
    %dma_start3A_1043 = arith.constant 0 : i32
    %dma_start3A_1044 = tpu.memref_slice %arg11[%dma_start3A_1043] : memref<409600xf32, #tpu.memory_space<vmem_shared>> -> memref<409600xf32, #tpu.memory_space<vmem_shared>>
    tpu.enqueue_indirect_dma source(%arg10 : memref<125xf32, #tpu.memory_space<vmem>>) target(%dma_start3A_1044 : memref<409600xf32, #tpu.memory_space<vmem_shared>>) offsets(%dma_start3A_1042 : memref<125xi32, #tpu.memory_space<vmem>>) semaphore(%arg14 : memref<!tpu.dma_semaphore, #tpu.memory_space<semaphore_mem>>) {add = true}
    %dma_wait3A_1045 = arith.constant 75 : i32
    %dma_wait3A_1046 = arith.constant 0 : i32
    %dma_wait3A_1047 = tpu.memref_slice %arg9[%dma_wait3A_1045, %dma_wait3A_1046] : memref<100x125xi32, #tpu.memory_space<vmem>> -> memref<1x125xi32, #tpu.memory_space<vmem>>
    %dma_wait3A_1048 = tpu.memref_squeeze %dma_wait3A_1047 : memref<1x125xi32, #tpu.memory_space<vmem>> -> memref<125xi32, #tpu.memory_space<vmem>>
    %dma_wait3A_1049 = arith.constant 0 : i32
    %dma_wait3A_1050 = tpu.memref_slice %arg11[%dma_wait3A_1049] : memref<409600xf32, #tpu.memory_space<vmem_shared>> -> memref<409600xf32, #tpu.memory_space<vmem_shared>>
    tpu.wait_indirect_dma semaphore(%arg14 : memref<!tpu.dma_semaphore, #tpu.memory_space<semaphore_mem>>) src(%arg10 : memref<125xf32, #tpu.memory_space<vmem>>) dst(%dma_wait3A_1050 : memref<409600xf32, #tpu.memory_space<vmem_shared>>)
    %dma_start3A_1051 = arith.constant 92 : i32
    %dma_start3A_1052 = arith.constant 0 : i32
    %dma_start3A_1053 = tpu.memref_slice %arg9[%dma_start3A_1051, %dma_start3A_1052] : memref<100x125xi32, #tpu.memory_space<vmem>> -> memref<1x125xi32, #tpu.memory_space<vmem>>
    %dma_start3A_1054 = tpu.memref_squeeze %dma_start3A_1053 : memref<1x125xi32, #tpu.memory_space<vmem>> -> memref<125xi32, #tpu.memory_space<vmem>>
    %dma_start3A_1055 = arith.constant 0 : i32
    %dma_start3A_1056 = tpu.memref_slice %arg11[%dma_start3A_1055] : memref<409600xf32, #tpu.memory_space<vmem_shared>> -> memref<409600xf32, #tpu.memory_space<vmem_shared>>
    tpu.enqueue_indirect_dma source(%arg10 : memref<125xf32, #tpu.memory_space<vmem>>) target(%dma_start3A_1056 : memref<409600xf32, #tpu.memory_space<vmem_shared>>) offsets(%dma_start3A_1054 : memref<125xi32, #tpu.memory_space<vmem>>) semaphore(%arg14 : memref<!tpu.dma_semaphore, #tpu.memory_space<semaphore_mem>>) {add = true}
    %dma_wait3A_1057 = arith.constant 76 : i32
    %dma_wait3A_1058 = arith.constant 0 : i32
    %dma_wait3A_1059 = tpu.memref_slice %arg9[%dma_wait3A_1057, %dma_wait3A_1058] : memref<100x125xi32, #tpu.memory_space<vmem>> -> memref<1x125xi32, #tpu.memory_space<vmem>>
    %dma_wait3A_1060 = tpu.memref_squeeze %dma_wait3A_1059 : memref<1x125xi32, #tpu.memory_space<vmem>> -> memref<125xi32, #tpu.memory_space<vmem>>
    %dma_wait3A_1061 = arith.constant 0 : i32
    %dma_wait3A_1062 = tpu.memref_slice %arg11[%dma_wait3A_1061] : memref<409600xf32, #tpu.memory_space<vmem_shared>> -> memref<409600xf32, #tpu.memory_space<vmem_shared>>
    tpu.wait_indirect_dma semaphore(%arg14 : memref<!tpu.dma_semaphore, #tpu.memory_space<semaphore_mem>>) src(%arg10 : memref<125xf32, #tpu.memory_space<vmem>>) dst(%dma_wait3A_1062 : memref<409600xf32, #tpu.memory_space<vmem_shared>>)
    %dma_start3A_1063 = arith.constant 93 : i32
    %dma_start3A_1064 = arith.constant 0 : i32
    %dma_start3A_1065 = tpu.memref_slice %arg9[%dma_start3A_1063, %dma_start3A_1064] : memref<100x125xi32, #tpu.memory_space<vmem>> -> memref<1x125xi32, #tpu.memory_space<vmem>>
    %dma_start3A_1066 = tpu.memref_squeeze %dma_start3A_1065 : memref<1x125xi32, #tpu.memory_space<vmem>> -> memref<125xi32, #tpu.memory_space<vmem>>
    %dma_start3A_1067 = arith.constant 0 : i32
    %dma_start3A_1068 = tpu.memref_slice %arg11[%dma_start3A_1067] : memref<409600xf32, #tpu.memory_space<vmem_shared>> -> memref<409600xf32, #tpu.memory_space<vmem_shared>>
    tpu.enqueue_indirect_dma source(%arg10 : memref<125xf32, #tpu.memory_space<vmem>>) target(%dma_start3A_1068 : memref<409600xf32, #tpu.memory_space<vmem_shared>>) offsets(%dma_start3A_1066 : memref<125xi32, #tpu.memory_space<vmem>>) semaphore(%arg14 : memref<!tpu.dma_semaphore, #tpu.memory_space<semaphore_mem>>) {add = true}
    %dma_wait3A_1069 = arith.constant 77 : i32
    %dma_wait3A_1070 = arith.constant 0 : i32
    %dma_wait3A_1071 = tpu.memref_slice %arg9[%dma_wait3A_1069, %dma_wait3A_1070] : memref<100x125xi32, #tpu.memory_space<vmem>> -> memref<1x125xi32, #tpu.memory_space<vmem>>
    %dma_wait3A_1072 = tpu.memref_squeeze %dma_wait3A_1071 : memref<1x125xi32, #tpu.memory_space<vmem>> -> memref<125xi32, #tpu.memory_space<vmem>>
    %dma_wait3A_1073 = arith.constant 0 : i32
    %dma_wait3A_1074 = tpu.memref_slice %arg11[%dma_wait3A_1073] : memref<409600xf32, #tpu.memory_space<vmem_shared>> -> memref<409600xf32, #tpu.memory_space<vmem_shared>>
    tpu.wait_indirect_dma semaphore(%arg14 : memref<!tpu.dma_semaphore, #tpu.memory_space<semaphore_mem>>) src(%arg10 : memref<125xf32, #tpu.memory_space<vmem>>) dst(%dma_wait3A_1074 : memref<409600xf32, #tpu.memory_space<vmem_shared>>)
    %dma_start3A_1075 = arith.constant 94 : i32
    %dma_start3A_1076 = arith.constant 0 : i32
    %dma_start3A_1077 = tpu.memref_slice %arg9[%dma_start3A_1075, %dma_start3A_1076] : memref<100x125xi32, #tpu.memory_space<vmem>> -> memref<1x125xi32, #tpu.memory_space<vmem>>
    %dma_start3A_1078 = tpu.memref_squeeze %dma_start3A_1077 : memref<1x125xi32, #tpu.memory_space<vmem>> -> memref<125xi32, #tpu.memory_space<vmem>>
    %dma_start3A_1079 = arith.constant 0 : i32
    %dma_start3A_1080 = tpu.memref_slice %arg11[%dma_start3A_1079] : memref<409600xf32, #tpu.memory_space<vmem_shared>> -> memref<409600xf32, #tpu.memory_space<vmem_shared>>
    tpu.enqueue_indirect_dma source(%arg10 : memref<125xf32, #tpu.memory_space<vmem>>) target(%dma_start3A_1080 : memref<409600xf32, #tpu.memory_space<vmem_shared>>) offsets(%dma_start3A_1078 : memref<125xi32, #tpu.memory_space<vmem>>) semaphore(%arg14 : memref<!tpu.dma_semaphore, #tpu.memory_space<semaphore_mem>>) {add = true}
    %dma_wait3A_1081 = arith.constant 78 : i32
    %dma_wait3A_1082 = arith.constant 0 : i32
    %dma_wait3A_1083 = tpu.memref_slice %arg9[%dma_wait3A_1081, %dma_wait3A_1082] : memref<100x125xi32, #tpu.memory_space<vmem>> -> memref<1x125xi32, #tpu.memory_space<vmem>>
    %dma_wait3A_1084 = tpu.memref_squeeze %dma_wait3A_1083 : memref<1x125xi32, #tpu.memory_space<vmem>> -> memref<125xi32, #tpu.memory_space<vmem>>
    %dma_wait3A_1085 = arith.constant 0 : i32
    %dma_wait3A_1086 = tpu.memref_slice %arg11[%dma_wait3A_1085] : memref<409600xf32, #tpu.memory_space<vmem_shared>> -> memref<409600xf32, #tpu.memory_space<vmem_shared>>
    tpu.wait_indirect_dma semaphore(%arg14 : memref<!tpu.dma_semaphore, #tpu.memory_space<semaphore_mem>>) src(%arg10 : memref<125xf32, #tpu.memory_space<vmem>>) dst(%dma_wait3A_1086 : memref<409600xf32, #tpu.memory_space<vmem_shared>>)
    %dma_start3A_1087 = arith.constant 95 : i32
    %dma_start3A_1088 = arith.constant 0 : i32
    %dma_start3A_1089 = tpu.memref_slice %arg9[%dma_start3A_1087, %dma_start3A_1088] : memref<100x125xi32, #tpu.memory_space<vmem>> -> memref<1x125xi32, #tpu.memory_space<vmem>>
    %dma_start3A_1090 = tpu.memref_squeeze %dma_start3A_1089 : memref<1x125xi32, #tpu.memory_space<vmem>> -> memref<125xi32, #tpu.memory_space<vmem>>
    %dma_start3A_1091 = arith.constant 0 : i32
    %dma_start3A_1092 = tpu.memref_slice %arg11[%dma_start3A_1091] : memref<409600xf32, #tpu.memory_space<vmem_shared>> -> memref<409600xf32, #tpu.memory_space<vmem_shared>>
    tpu.enqueue_indirect_dma source(%arg10 : memref<125xf32, #tpu.memory_space<vmem>>) target(%dma_start3A_1092 : memref<409600xf32, #tpu.memory_space<vmem_shared>>) offsets(%dma_start3A_1090 : memref<125xi32, #tpu.memory_space<vmem>>) semaphore(%arg14 : memref<!tpu.dma_semaphore, #tpu.memory_space<semaphore_mem>>) {add = true}
    %dma_wait3A_1093 = arith.constant 79 : i32
    %dma_wait3A_1094 = arith.constant 0 : i32
    %dma_wait3A_1095 = tpu.memref_slice %arg9[%dma_wait3A_1093, %dma_wait3A_1094] : memref<100x125xi32, #tpu.memory_space<vmem>> -> memref<1x125xi32, #tpu.memory_space<vmem>>
    %dma_wait3A_1096 = tpu.memref_squeeze %dma_wait3A_1095 : memref<1x125xi32, #tpu.memory_space<vmem>> -> memref<125xi32, #tpu.memory_space<vmem>>
    %dma_wait3A_1097 = arith.constant 0 : i32
    %dma_wait3A_1098 = tpu.memref_slice %arg11[%dma_wait3A_1097] : memref<409600xf32, #tpu.memory_space<vmem_shared>> -> memref<409600xf32, #tpu.memory_space<vmem_shared>>
    tpu.wait_indirect_dma semaphore(%arg14 : memref<!tpu.dma_semaphore, #tpu.memory_space<semaphore_mem>>) src(%arg10 : memref<125xf32, #tpu.memory_space<vmem>>) dst(%dma_wait3A_1098 : memref<409600xf32, #tpu.memory_space<vmem_shared>>)
    %dma_start3A_1099 = arith.constant 96 : i32
    %dma_start3A_1100 = arith.constant 0 : i32
    %dma_start3A_1101 = tpu.memref_slice %arg9[%dma_start3A_1099, %dma_start3A_1100] : memref<100x125xi32, #tpu.memory_space<vmem>> -> memref<1x125xi32, #tpu.memory_space<vmem>>
    %dma_start3A_1102 = tpu.memref_squeeze %dma_start3A_1101 : memref<1x125xi32, #tpu.memory_space<vmem>> -> memref<125xi32, #tpu.memory_space<vmem>>
    %dma_start3A_1103 = arith.constant 0 : i32
    %dma_start3A_1104 = tpu.memref_slice %arg11[%dma_start3A_1103] : memref<409600xf32, #tpu.memory_space<vmem_shared>> -> memref<409600xf32, #tpu.memory_space<vmem_shared>>
    tpu.enqueue_indirect_dma source(%arg10 : memref<125xf32, #tpu.memory_space<vmem>>) target(%dma_start3A_1104 : memref<409600xf32, #tpu.memory_space<vmem_shared>>) offsets(%dma_start3A_1102 : memref<125xi32, #tpu.memory_space<vmem>>) semaphore(%arg14 : memref<!tpu.dma_semaphore, #tpu.memory_space<semaphore_mem>>) {add = true}
    %dma_wait3A_1105 = arith.constant 80 : i32
    %dma_wait3A_1106 = arith.constant 0 : i32
    %dma_wait3A_1107 = tpu.memref_slice %arg9[%dma_wait3A_1105, %dma_wait3A_1106] : memref<100x125xi32, #tpu.memory_space<vmem>> -> memref<1x125xi32, #tpu.memory_space<vmem>>
    %dma_wait3A_1108 = tpu.memref_squeeze %dma_wait3A_1107 : memref<1x125xi32, #tpu.memory_space<vmem>> -> memref<125xi32, #tpu.memory_space<vmem>>
    %dma_wait3A_1109 = arith.constant 0 : i32
    %dma_wait3A_1110 = tpu.memref_slice %arg11[%dma_wait3A_1109] : memref<409600xf32, #tpu.memory_space<vmem_shared>> -> memref<409600xf32, #tpu.memory_space<vmem_shared>>
    tpu.wait_indirect_dma semaphore(%arg14 : memref<!tpu.dma_semaphore, #tpu.memory_space<semaphore_mem>>) src(%arg10 : memref<125xf32, #tpu.memory_space<vmem>>) dst(%dma_wait3A_1110 : memref<409600xf32, #tpu.memory_space<vmem_shared>>)
    %dma_start3A_1111 = arith.constant 97 : i32
    %dma_start3A_1112 = arith.constant 0 : i32
    %dma_start3A_1113 = tpu.memref_slice %arg9[%dma_start3A_1111, %dma_start3A_1112] : memref<100x125xi32, #tpu.memory_space<vmem>> -> memref<1x125xi32, #tpu.memory_space<vmem>>
    %dma_start3A_1114 = tpu.memref_squeeze %dma_start3A_1113 : memref<1x125xi32, #tpu.memory_space<vmem>> -> memref<125xi32, #tpu.memory_space<vmem>>
    %dma_start3A_1115 = arith.constant 0 : i32
    %dma_start3A_1116 = tpu.memref_slice %arg11[%dma_start3A_1115] : memref<409600xf32, #tpu.memory_space<vmem_shared>> -> memref<409600xf32, #tpu.memory_space<vmem_shared>>
    tpu.enqueue_indirect_dma source(%arg10 : memref<125xf32, #tpu.memory_space<vmem>>) target(%dma_start3A_1116 : memref<409600xf32, #tpu.memory_space<vmem_shared>>) offsets(%dma_start3A_1114 : memref<125xi32, #tpu.memory_space<vmem>>) semaphore(%arg14 : memref<!tpu.dma_semaphore, #tpu.memory_space<semaphore_mem>>) {add = true}
    %dma_wait3A_1117 = arith.constant 81 : i32
    %dma_wait3A_1118 = arith.constant 0 : i32
    %dma_wait3A_1119 = tpu.memref_slice %arg9[%dma_wait3A_1117, %dma_wait3A_1118] : memref<100x125xi32, #tpu.memory_space<vmem>> -> memref<1x125xi32, #tpu.memory_space<vmem>>
    %dma_wait3A_1120 = tpu.memref_squeeze %dma_wait3A_1119 : memref<1x125xi32, #tpu.memory_space<vmem>> -> memref<125xi32, #tpu.memory_space<vmem>>
    %dma_wait3A_1121 = arith.constant 0 : i32
    %dma_wait3A_1122 = tpu.memref_slice %arg11[%dma_wait3A_1121] : memref<409600xf32, #tpu.memory_space<vmem_shared>> -> memref<409600xf32, #tpu.memory_space<vmem_shared>>
    tpu.wait_indirect_dma semaphore(%arg14 : memref<!tpu.dma_semaphore, #tpu.memory_space<semaphore_mem>>) src(%arg10 : memref<125xf32, #tpu.memory_space<vmem>>) dst(%dma_wait3A_1122 : memref<409600xf32, #tpu.memory_space<vmem_shared>>)
    %dma_start3A_1123 = arith.constant 98 : i32
    %dma_start3A_1124 = arith.constant 0 : i32
    %dma_start3A_1125 = tpu.memref_slice %arg9[%dma_start3A_1123, %dma_start3A_1124] : memref<100x125xi32, #tpu.memory_space<vmem>> -> memref<1x125xi32, #tpu.memory_space<vmem>>
    %dma_start3A_1126 = tpu.memref_squeeze %dma_start3A_1125 : memref<1x125xi32, #tpu.memory_space<vmem>> -> memref<125xi32, #tpu.memory_space<vmem>>
    %dma_start3A_1127 = arith.constant 0 : i32
    %dma_start3A_1128 = tpu.memref_slice %arg11[%dma_start3A_1127] : memref<409600xf32, #tpu.memory_space<vmem_shared>> -> memref<409600xf32, #tpu.memory_space<vmem_shared>>
    tpu.enqueue_indirect_dma source(%arg10 : memref<125xf32, #tpu.memory_space<vmem>>) target(%dma_start3A_1128 : memref<409600xf32, #tpu.memory_space<vmem_shared>>) offsets(%dma_start3A_1126 : memref<125xi32, #tpu.memory_space<vmem>>) semaphore(%arg14 : memref<!tpu.dma_semaphore, #tpu.memory_space<semaphore_mem>>) {add = true}
    %dma_wait3A_1129 = arith.constant 82 : i32
    %dma_wait3A_1130 = arith.constant 0 : i32
    %dma_wait3A_1131 = tpu.memref_slice %arg9[%dma_wait3A_1129, %dma_wait3A_1130] : memref<100x125xi32, #tpu.memory_space<vmem>> -> memref<1x125xi32, #tpu.memory_space<vmem>>
    %dma_wait3A_1132 = tpu.memref_squeeze %dma_wait3A_1131 : memref<1x125xi32, #tpu.memory_space<vmem>> -> memref<125xi32, #tpu.memory_space<vmem>>
    %dma_wait3A_1133 = arith.constant 0 : i32
    %dma_wait3A_1134 = tpu.memref_slice %arg11[%dma_wait3A_1133] : memref<409600xf32, #tpu.memory_space<vmem_shared>> -> memref<409600xf32, #tpu.memory_space<vmem_shared>>
    tpu.wait_indirect_dma semaphore(%arg14 : memref<!tpu.dma_semaphore, #tpu.memory_space<semaphore_mem>>) src(%arg10 : memref<125xf32, #tpu.memory_space<vmem>>) dst(%dma_wait3A_1134 : memref<409600xf32, #tpu.memory_space<vmem_shared>>)
    %dma_start3A_1135 = arith.constant 99 : i32
    %dma_start3A_1136 = arith.constant 0 : i32
    %dma_start3A_1137 = tpu.memref_slice %arg9[%dma_start3A_1135, %dma_start3A_1136] : memref<100x125xi32, #tpu.memory_space<vmem>> -> memref<1x125xi32, #tpu.memory_space<vmem>>
    %dma_start3A_1138 = tpu.memref_squeeze %dma_start3A_1137 : memref<1x125xi32, #tpu.memory_space<vmem>> -> memref<125xi32, #tpu.memory_space<vmem>>
    %dma_start3A_1139 = arith.constant 0 : i32
    %dma_start3A_1140 = tpu.memref_slice %arg11[%dma_start3A_1139] : memref<409600xf32, #tpu.memory_space<vmem_shared>> -> memref<409600xf32, #tpu.memory_space<vmem_shared>>
    tpu.enqueue_indirect_dma source(%arg10 : memref<125xf32, #tpu.memory_space<vmem>>) target(%dma_start3A_1140 : memref<409600xf32, #tpu.memory_space<vmem_shared>>) offsets(%dma_start3A_1138 : memref<125xi32, #tpu.memory_space<vmem>>) semaphore(%arg14 : memref<!tpu.dma_semaphore, #tpu.memory_space<semaphore_mem>>) {add = true}
    %dma_wait3A_1141 = arith.constant 83 : i32
    %dma_wait3A_1142 = arith.constant 0 : i32
    %dma_wait3A_1143 = tpu.memref_slice %arg9[%dma_wait3A_1141, %dma_wait3A_1142] : memref<100x125xi32, #tpu.memory_space<vmem>> -> memref<1x125xi32, #tpu.memory_space<vmem>>
    %dma_wait3A_1144 = tpu.memref_squeeze %dma_wait3A_1143 : memref<1x125xi32, #tpu.memory_space<vmem>> -> memref<125xi32, #tpu.memory_space<vmem>>
    %dma_wait3A_1145 = arith.constant 0 : i32
    %dma_wait3A_1146 = tpu.memref_slice %arg11[%dma_wait3A_1145] : memref<409600xf32, #tpu.memory_space<vmem_shared>> -> memref<409600xf32, #tpu.memory_space<vmem_shared>>
    tpu.wait_indirect_dma semaphore(%arg14 : memref<!tpu.dma_semaphore, #tpu.memory_space<semaphore_mem>>) src(%arg10 : memref<125xf32, #tpu.memory_space<vmem>>) dst(%dma_wait3A_1146 : memref<409600xf32, #tpu.memory_space<vmem_shared>>)
    %dma_wait3A_1147 = arith.constant 84 : i32
    %dma_wait3A_1148 = arith.constant 0 : i32
    %dma_wait3A_1149 = tpu.memref_slice %arg9[%dma_wait3A_1147, %dma_wait3A_1148] : memref<100x125xi32, #tpu.memory_space<vmem>> -> memref<1x125xi32, #tpu.memory_space<vmem>>
    %dma_wait3A_1150 = tpu.memref_squeeze %dma_wait3A_1149 : memref<1x125xi32, #tpu.memory_space<vmem>> -> memref<125xi32, #tpu.memory_space<vmem>>
    %dma_wait3A_1151 = arith.constant 0 : i32
    %dma_wait3A_1152 = tpu.memref_slice %arg11[%dma_wait3A_1151] : memref<409600xf32, #tpu.memory_space<vmem_shared>> -> memref<409600xf32, #tpu.memory_space<vmem_shared>>
    tpu.wait_indirect_dma semaphore(%arg14 : memref<!tpu.dma_semaphore, #tpu.memory_space<semaphore_mem>>) src(%arg10 : memref<125xf32, #tpu.memory_space<vmem>>) dst(%dma_wait3A_1152 : memref<409600xf32, #tpu.memory_space<vmem_shared>>)
    %dma_wait3A_1153 = arith.constant 85 : i32
    %dma_wait3A_1154 = arith.constant 0 : i32
    %dma_wait3A_1155 = tpu.memref_slice %arg9[%dma_wait3A_1153, %dma_wait3A_1154] : memref<100x125xi32, #tpu.memory_space<vmem>> -> memref<1x125xi32, #tpu.memory_space<vmem>>
    %dma_wait3A_1156 = tpu.memref_squeeze %dma_wait3A_1155 : memref<1x125xi32, #tpu.memory_space<vmem>> -> memref<125xi32, #tpu.memory_space<vmem>>
    %dma_wait3A_1157 = arith.constant 0 : i32
    %dma_wait3A_1158 = tpu.memref_slice %arg11[%dma_wait3A_1157] : memref<409600xf32, #tpu.memory_space<vmem_shared>> -> memref<409600xf32, #tpu.memory_space<vmem_shared>>
    tpu.wait_indirect_dma semaphore(%arg14 : memref<!tpu.dma_semaphore, #tpu.memory_space<semaphore_mem>>) src(%arg10 : memref<125xf32, #tpu.memory_space<vmem>>) dst(%dma_wait3A_1158 : memref<409600xf32, #tpu.memory_space<vmem_shared>>)
    %dma_wait3A_1159 = arith.constant 86 : i32
    %dma_wait3A_1160 = arith.constant 0 : i32
    %dma_wait3A_1161 = tpu.memref_slice %arg9[%dma_wait3A_1159, %dma_wait3A_1160] : memref<100x125xi32, #tpu.memory_space<vmem>> -> memref<1x125xi32, #tpu.memory_space<vmem>>
    %dma_wait3A_1162 = tpu.memref_squeeze %dma_wait3A_1161 : memref<1x125xi32, #tpu.memory_space<vmem>> -> memref<125xi32, #tpu.memory_space<vmem>>
    %dma_wait3A_1163 = arith.constant 0 : i32
    %dma_wait3A_1164 = tpu.memref_slice %arg11[%dma_wait3A_1163] : memref<409600xf32, #tpu.memory_space<vmem_shared>> -> memref<409600xf32, #tpu.memory_space<vmem_shared>>
    tpu.wait_indirect_dma semaphore(%arg14 : memref<!tpu.dma_semaphore, #tpu.memory_space<semaphore_mem>>) src(%arg10 : memref<125xf32, #tpu.memory_space<vmem>>) dst(%dma_wait3A_1164 : memref<409600xf32, #tpu.memory_space<vmem_shared>>)
    %dma_wait3A_1165 = arith.constant 87 : i32
    %dma_wait3A_1166 = arith.constant 0 : i32
    %dma_wait3A_1167 = tpu.memref_slice %arg9[%dma_wait3A_1165, %dma_wait3A_1166] : memref<100x125xi32, #tpu.memory_space<vmem>> -> memref<1x125xi32, #tpu.memory_space<vmem>>
    %dma_wait3A_1168 = tpu.memref_squeeze %dma_wait3A_1167 : memref<1x125xi32, #tpu.memory_space<vmem>> -> memref<125xi32, #tpu.memory_space<vmem>>
    %dma_wait3A_1169 = arith.constant 0 : i32
    %dma_wait3A_1170 = tpu.memref_slice %arg11[%dma_wait3A_1169] : memref<409600xf32, #tpu.memory_space<vmem_shared>> -> memref<409600xf32, #tpu.memory_space<vmem_shared>>
    tpu.wait_indirect_dma semaphore(%arg14 : memref<!tpu.dma_semaphore, #tpu.memory_space<semaphore_mem>>) src(%arg10 : memref<125xf32, #tpu.memory_space<vmem>>) dst(%dma_wait3A_1170 : memref<409600xf32, #tpu.memory_space<vmem_shared>>)
    %dma_wait3A_1171 = arith.constant 88 : i32
    %dma_wait3A_1172 = arith.constant 0 : i32
    %dma_wait3A_1173 = tpu.memref_slice %arg9[%dma_wait3A_1171, %dma_wait3A_1172] : memref<100x125xi32, #tpu.memory_space<vmem>> -> memref<1x125xi32, #tpu.memory_space<vmem>>
    %dma_wait3A_1174 = tpu.memref_squeeze %dma_wait3A_1173 : memref<1x125xi32, #tpu.memory_space<vmem>> -> memref<125xi32, #tpu.memory_space<vmem>>
    %dma_wait3A_1175 = arith.constant 0 : i32
    %dma_wait3A_1176 = tpu.memref_slice %arg11[%dma_wait3A_1175] : memref<409600xf32, #tpu.memory_space<vmem_shared>> -> memref<409600xf32, #tpu.memory_space<vmem_shared>>
    tpu.wait_indirect_dma semaphore(%arg14 : memref<!tpu.dma_semaphore, #tpu.memory_space<semaphore_mem>>) src(%arg10 : memref<125xf32, #tpu.memory_space<vmem>>) dst(%dma_wait3A_1176 : memref<409600xf32, #tpu.memory_space<vmem_shared>>)
    %dma_wait3A_1177 = arith.constant 89 : i32
    %dma_wait3A_1178 = arith.constant 0 : i32
    %dma_wait3A_1179 = tpu.memref_slice %arg9[%dma_wait3A_1177, %dma_wait3A_1178] : memref<100x125xi32, #tpu.memory_space<vmem>> -> memref<1x125xi32, #tpu.memory_space<vmem>>
    %dma_wait3A_1180 = tpu.memref_squeeze %dma_wait3A_1179 : memref<1x125xi32, #tpu.memory_space<vmem>> -> memref<125xi32, #tpu.memory_space<vmem>>
    %dma_wait3A_1181 = arith.constant 0 : i32
    %dma_wait3A_1182 = tpu.memref_slice %arg11[%dma_wait3A_1181] : memref<409600xf32, #tpu.memory_space<vmem_shared>> -> memref<409600xf32, #tpu.memory_space<vmem_shared>>
    tpu.wait_indirect_dma semaphore(%arg14 : memref<!tpu.dma_semaphore, #tpu.memory_space<semaphore_mem>>) src(%arg10 : memref<125xf32, #tpu.memory_space<vmem>>) dst(%dma_wait3A_1182 : memref<409600xf32, #tpu.memory_space<vmem_shared>>)
    %dma_wait3A_1183 = arith.constant 90 : i32
    %dma_wait3A_1184 = arith.constant 0 : i32
    %dma_wait3A_1185 = tpu.memref_slice %arg9[%dma_wait3A_1183, %dma_wait3A_1184] : memref<100x125xi32, #tpu.memory_space<vmem>> -> memref<1x125xi32, #tpu.memory_space<vmem>>
    %dma_wait3A_1186 = tpu.memref_squeeze %dma_wait3A_1185 : memref<1x125xi32, #tpu.memory_space<vmem>> -> memref<125xi32, #tpu.memory_space<vmem>>
    %dma_wait3A_1187 = arith.constant 0 : i32
    %dma_wait3A_1188 = tpu.memref_slice %arg11[%dma_wait3A_1187] : memref<409600xf32, #tpu.memory_space<vmem_shared>> -> memref<409600xf32, #tpu.memory_space<vmem_shared>>
    tpu.wait_indirect_dma semaphore(%arg14 : memref<!tpu.dma_semaphore, #tpu.memory_space<semaphore_mem>>) src(%arg10 : memref<125xf32, #tpu.memory_space<vmem>>) dst(%dma_wait3A_1188 : memref<409600xf32, #tpu.memory_space<vmem_shared>>)
    %dma_wait3A_1189 = arith.constant 91 : i32
    %dma_wait3A_1190 = arith.constant 0 : i32
    %dma_wait3A_1191 = tpu.memref_slice %arg9[%dma_wait3A_1189, %dma_wait3A_1190] : memref<100x125xi32, #tpu.memory_space<vmem>> -> memref<1x125xi32, #tpu.memory_space<vmem>>
    %dma_wait3A_1192 = tpu.memref_squeeze %dma_wait3A_1191 : memref<1x125xi32, #tpu.memory_space<vmem>> -> memref<125xi32, #tpu.memory_space<vmem>>
    %dma_wait3A_1193 = arith.constant 0 : i32
    %dma_wait3A_1194 = tpu.memref_slice %arg11[%dma_wait3A_1193] : memref<409600xf32, #tpu.memory_space<vmem_shared>> -> memref<409600xf32, #tpu.memory_space<vmem_shared>>
    tpu.wait_indirect_dma semaphore(%arg14 : memref<!tpu.dma_semaphore, #tpu.memory_space<semaphore_mem>>) src(%arg10 : memref<125xf32, #tpu.memory_space<vmem>>) dst(%dma_wait3A_1194 : memref<409600xf32, #tpu.memory_space<vmem_shared>>)
    %dma_wait3A_1195 = arith.constant 92 : i32
    %dma_wait3A_1196 = arith.constant 0 : i32
    %dma_wait3A_1197 = tpu.memref_slice %arg9[%dma_wait3A_1195, %dma_wait3A_1196] : memref<100x125xi32, #tpu.memory_space<vmem>> -> memref<1x125xi32, #tpu.memory_space<vmem>>
    %dma_wait3A_1198 = tpu.memref_squeeze %dma_wait3A_1197 : memref<1x125xi32, #tpu.memory_space<vmem>> -> memref<125xi32, #tpu.memory_space<vmem>>
    %dma_wait3A_1199 = arith.constant 0 : i32
    %dma_wait3A_1200 = tpu.memref_slice %arg11[%dma_wait3A_1199] : memref<409600xf32, #tpu.memory_space<vmem_shared>> -> memref<409600xf32, #tpu.memory_space<vmem_shared>>
    tpu.wait_indirect_dma semaphore(%arg14 : memref<!tpu.dma_semaphore, #tpu.memory_space<semaphore_mem>>) src(%arg10 : memref<125xf32, #tpu.memory_space<vmem>>) dst(%dma_wait3A_1200 : memref<409600xf32, #tpu.memory_space<vmem_shared>>)
    %dma_wait3A_1201 = arith.constant 93 : i32
    %dma_wait3A_1202 = arith.constant 0 : i32
    %dma_wait3A_1203 = tpu.memref_slice %arg9[%dma_wait3A_1201, %dma_wait3A_1202] : memref<100x125xi32, #tpu.memory_space<vmem>> -> memref<1x125xi32, #tpu.memory_space<vmem>>
    %dma_wait3A_1204 = tpu.memref_squeeze %dma_wait3A_1203 : memref<1x125xi32, #tpu.memory_space<vmem>> -> memref<125xi32, #tpu.memory_space<vmem>>
    %dma_wait3A_1205 = arith.constant 0 : i32
    %dma_wait3A_1206 = tpu.memref_slice %arg11[%dma_wait3A_1205] : memref<409600xf32, #tpu.memory_space<vmem_shared>> -> memref<409600xf32, #tpu.memory_space<vmem_shared>>
    tpu.wait_indirect_dma semaphore(%arg14 : memref<!tpu.dma_semaphore, #tpu.memory_space<semaphore_mem>>) src(%arg10 : memref<125xf32, #tpu.memory_space<vmem>>) dst(%dma_wait3A_1206 : memref<409600xf32, #tpu.memory_space<vmem_shared>>)
    %dma_wait3A_1207 = arith.constant 94 : i32
    %dma_wait3A_1208 = arith.constant 0 : i32
    %dma_wait3A_1209 = tpu.memref_slice %arg9[%dma_wait3A_1207, %dma_wait3A_1208] : memref<100x125xi32, #tpu.memory_space<vmem>> -> memref<1x125xi32, #tpu.memory_space<vmem>>
    %dma_wait3A_1210 = tpu.memref_squeeze %dma_wait3A_1209 : memref<1x125xi32, #tpu.memory_space<vmem>> -> memref<125xi32, #tpu.memory_space<vmem>>
    %dma_wait3A_1211 = arith.constant 0 : i32
    %dma_wait3A_1212 = tpu.memref_slice %arg11[%dma_wait3A_1211] : memref<409600xf32, #tpu.memory_space<vmem_shared>> -> memref<409600xf32, #tpu.memory_space<vmem_shared>>
    tpu.wait_indirect_dma semaphore(%arg14 : memref<!tpu.dma_semaphore, #tpu.memory_space<semaphore_mem>>) src(%arg10 : memref<125xf32, #tpu.memory_space<vmem>>) dst(%dma_wait3A_1212 : memref<409600xf32, #tpu.memory_space<vmem_shared>>)
    %dma_wait3A_1213 = arith.constant 95 : i32
    %dma_wait3A_1214 = arith.constant 0 : i32
    %dma_wait3A_1215 = tpu.memref_slice %arg9[%dma_wait3A_1213, %dma_wait3A_1214] : memref<100x125xi32, #tpu.memory_space<vmem>> -> memref<1x125xi32, #tpu.memory_space<vmem>>
    %dma_wait3A_1216 = tpu.memref_squeeze %dma_wait3A_1215 : memref<1x125xi32, #tpu.memory_space<vmem>> -> memref<125xi32, #tpu.memory_space<vmem>>
    %dma_wait3A_1217 = arith.constant 0 : i32
    %dma_wait3A_1218 = tpu.memref_slice %arg11[%dma_wait3A_1217] : memref<409600xf32, #tpu.memory_space<vmem_shared>> -> memref<409600xf32, #tpu.memory_space<vmem_shared>>
    tpu.wait_indirect_dma semaphore(%arg14 : memref<!tpu.dma_semaphore, #tpu.memory_space<semaphore_mem>>) src(%arg10 : memref<125xf32, #tpu.memory_space<vmem>>) dst(%dma_wait3A_1218 : memref<409600xf32, #tpu.memory_space<vmem_shared>>)
    %dma_wait3A_1219 = arith.constant 96 : i32
    %dma_wait3A_1220 = arith.constant 0 : i32
    %dma_wait3A_1221 = tpu.memref_slice %arg9[%dma_wait3A_1219, %dma_wait3A_1220] : memref<100x125xi32, #tpu.memory_space<vmem>> -> memref<1x125xi32, #tpu.memory_space<vmem>>
    %dma_wait3A_1222 = tpu.memref_squeeze %dma_wait3A_1221 : memref<1x125xi32, #tpu.memory_space<vmem>> -> memref<125xi32, #tpu.memory_space<vmem>>
    %dma_wait3A_1223 = arith.constant 0 : i32
    %dma_wait3A_1224 = tpu.memref_slice %arg11[%dma_wait3A_1223] : memref<409600xf32, #tpu.memory_space<vmem_shared>> -> memref<409600xf32, #tpu.memory_space<vmem_shared>>
    tpu.wait_indirect_dma semaphore(%arg14 : memref<!tpu.dma_semaphore, #tpu.memory_space<semaphore_mem>>) src(%arg10 : memref<125xf32, #tpu.memory_space<vmem>>) dst(%dma_wait3A_1224 : memref<409600xf32, #tpu.memory_space<vmem_shared>>)
    %dma_wait3A_1225 = arith.constant 97 : i32
    %dma_wait3A_1226 = arith.constant 0 : i32
    %dma_wait3A_1227 = tpu.memref_slice %arg9[%dma_wait3A_1225, %dma_wait3A_1226] : memref<100x125xi32, #tpu.memory_space<vmem>> -> memref<1x125xi32, #tpu.memory_space<vmem>>
    %dma_wait3A_1228 = tpu.memref_squeeze %dma_wait3A_1227 : memref<1x125xi32, #tpu.memory_space<vmem>> -> memref<125xi32, #tpu.memory_space<vmem>>
    %dma_wait3A_1229 = arith.constant 0 : i32
    %dma_wait3A_1230 = tpu.memref_slice %arg11[%dma_wait3A_1229] : memref<409600xf32, #tpu.memory_space<vmem_shared>> -> memref<409600xf32, #tpu.memory_space<vmem_shared>>
    tpu.wait_indirect_dma semaphore(%arg14 : memref<!tpu.dma_semaphore, #tpu.memory_space<semaphore_mem>>) src(%arg10 : memref<125xf32, #tpu.memory_space<vmem>>) dst(%dma_wait3A_1230 : memref<409600xf32, #tpu.memory_space<vmem_shared>>)
    %dma_wait3A_1231 = arith.constant 98 : i32
    %dma_wait3A_1232 = arith.constant 0 : i32
    %dma_wait3A_1233 = tpu.memref_slice %arg9[%dma_wait3A_1231, %dma_wait3A_1232] : memref<100x125xi32, #tpu.memory_space<vmem>> -> memref<1x125xi32, #tpu.memory_space<vmem>>
    %dma_wait3A_1234 = tpu.memref_squeeze %dma_wait3A_1233 : memref<1x125xi32, #tpu.memory_space<vmem>> -> memref<125xi32, #tpu.memory_space<vmem>>
    %dma_wait3A_1235 = arith.constant 0 : i32
    %dma_wait3A_1236 = tpu.memref_slice %arg11[%dma_wait3A_1235] : memref<409600xf32, #tpu.memory_space<vmem_shared>> -> memref<409600xf32, #tpu.memory_space<vmem_shared>>
    tpu.wait_indirect_dma semaphore(%arg14 : memref<!tpu.dma_semaphore, #tpu.memory_space<semaphore_mem>>) src(%arg10 : memref<125xf32, #tpu.memory_space<vmem>>) dst(%dma_wait3A_1236 : memref<409600xf32, #tpu.memory_space<vmem_shared>>)
    %dma_wait3A_1237 = arith.constant 99 : i32
    %dma_wait3A_1238 = arith.constant 0 : i32
    %dma_wait3A_1239 = tpu.memref_slice %arg9[%dma_wait3A_1237, %dma_wait3A_1238] : memref<100x125xi32, #tpu.memory_space<vmem>> -> memref<1x125xi32, #tpu.memory_space<vmem>>
    %dma_wait3A_1240 = tpu.memref_squeeze %dma_wait3A_1239 : memref<1x125xi32, #tpu.memory_space<vmem>> -> memref<125xi32, #tpu.memory_space<vmem>>
    %dma_wait3A_1241 = arith.constant 0 : i32
    %dma_wait3A_1242 = tpu.memref_slice %arg11[%dma_wait3A_1241] : memref<409600xf32, #tpu.memory_space<vmem_shared>> -> memref<409600xf32, #tpu.memory_space<vmem_shared>>
    tpu.wait_indirect_dma semaphore(%arg14 : memref<!tpu.dma_semaphore, #tpu.memory_space<semaphore_mem>>) src(%arg10 : memref<125xf32, #tpu.memory_space<vmem>>) dst(%dma_wait3A_1242 : memref<409600xf32, #tpu.memory_space<vmem_shared>>)
    %barrier3A_1243 = arith.constant 0 : index
    tpu.barrier barrier_id(%barrier3A_1243)
    %mul3A_1244 = arith.constant 25600 : i32
    %mul3A_1245 = arith.muli %arg1, %mul3A_1244 : i32
    "tpu.region"() ({
      %run_scoped3A = tpu.sem_alloc : memref<!tpu.dma_semaphore, #tpu.memory_space<semaphore_mem>>
      %dma_start3A_1251 = arith.constant 0 : i32
      %dma_start3A_1252 = tpu.memref_slice %arg7[%arg0, %arg1, %dma_start3A_1251] : memref<2x16x25600xf32, #tpu.memory_space<hbm>> -> memref<1x1x25600xf32, #tpu.memory_space<hbm>>
      %dma_start3A_1253 = tpu.memref_squeeze %dma_start3A_1252 : memref<1x1x25600xf32, #tpu.memory_space<hbm>> -> memref<25600xf32, #tpu.memory_space<hbm>>
      %dma_start3A_1254 = tpu.memref_slice %arg11[%mul3A_1245] : memref<409600xf32, #tpu.memory_space<vmem_shared>> -> memref<25600xf32, #tpu.memory_space<vmem_shared>>
      tpu.enqueue_dma source(%dma_start3A_1254 : memref<25600xf32, #tpu.memory_space<vmem_shared>>) target(%dma_start3A_1253 : memref<25600xf32, #tpu.memory_space<hbm>>) target_semaphore(%run_scoped3A : memref<!tpu.dma_semaphore, #tpu.memory_space<semaphore_mem>>)
      %dma_wait3A_1255 = arith.constant 0 : i32
      %dma_wait3A_1256 = tpu.memref_slice %arg7[%arg0, %arg1, %dma_wait3A_1255] : memref<2x16x25600xf32, #tpu.memory_space<hbm>> -> memref<1x1x25600xf32, #tpu.memory_space<hbm>>
      %dma_wait3A_1257 = tpu.memref_squeeze %dma_wait3A_1256 : memref<1x1x25600xf32, #tpu.memory_space<hbm>> -> memref<25600xf32, #tpu.memory_space<hbm>>
      %dma_wait3A_1258 = tpu.memref_slice %arg11[%mul3A_1245] : memref<409600xf32, #tpu.memory_space<vmem_shared>> -> memref<25600xf32, #tpu.memory_space<vmem_shared>>
      tpu.wait_dma2 semaphore(%run_scoped3A : memref<!tpu.dma_semaphore, #tpu.memory_space<semaphore_mem>>) src(%dma_wait3A_1258 : memref<25600xf32, #tpu.memory_space<vmem_shared>>) dst(%dma_wait3A_1257 : memref<25600xf32, #tpu.memory_space<hbm>>)
      tpu.yield
    }) : () -> ()
    %eq3A_1246 = arith.constant 0 : i32
    %eq3A_1247 = arith.cmpi eq, %add3A, %eq3A_1246 : i32
    %convert_element_type3A_1248 = arith.extui %eq3A_1247 : i1 to i32
    %cond3A_1249 = arith.constant 0 : i32
    %cond3A_1250 = arith.cmpi ne, %convert_element_type3A_1248, %cond3A_1249 : i32
    scf.if %cond3A_1250 {
      %dma_wait3A_1251 = arith.constant 0 : i32
      %dma_wait3A_1252 = arith.constant 0 : i32
      %dma_wait3A_1253 = tpu.memref_slice %arg6[%dma_wait3A_1251, %dma_wait3A_1252] : memref<100000x128xf32, #tpu.memory_space<hbm>> -> memref<100000x128xf32, #tpu.memory_space<hbm>>
      tpu.wait_indirect_dma semaphore(%arg15 : memref<!tpu.dma_semaphore, #tpu.memory_space<semaphore_mem>>) src(%dma_wait3A_1253 : memref<100000x128xf32, #tpu.memory_space<hbm>>) dst(%arg13 : memref<16x128xf32, #tpu.memory_space<vmem>>)
      "tpu.region"() ({
        %run_scoped3A = tpu.sem_alloc : memref<!tpu.dma_semaphore, #tpu.memory_space<semaphore_mem>>
        tpu.enqueue_dma source(%arg13 : memref<16x128xf32, #tpu.memory_space<vmem>>) target(%arg8 : memref<16x128xf32, #tpu.memory_space<hbm>>) target_semaphore(%run_scoped3A : memref<!tpu.dma_semaphore, #tpu.memory_space<semaphore_mem>>)
        tpu.wait_dma2 semaphore(%run_scoped3A : memref<!tpu.dma_semaphore, #tpu.memory_space<semaphore_mem>>) src(%arg13 : memref<16x128xf32, #tpu.memory_space<vmem>>) dst(%arg8 : memref<16x128xf32, #tpu.memory_space<hbm>>)
        tpu.yield
      }) : () -> ()
    } else {
    }
    return
  }
}

module attributes {stable_mosaic.version = 14 : i64} {
  func.func @body(%arg0: i32, %arg1: memref<8x19200xf32, #tpu.memory_space<vmem>>, %arg2: memref<19200x128xf32, #tpu.memory_space<vmem>>, %arg3: memref<8x4096xf32, #tpu.memory_space<vmem>>, %arg4: memref<4000x128xf32, #tpu.memory_space<vmem>>, %arg5: memref<16x128xf32, #tpu.memory_space<vmem>>, %arg6: memref<128x256xf32, #tpu.memory_space<vmem>>, %arg7: memref<1x256xf32, #tpu.memory_space<vmem>>, %arg8: memref<128x256xf32, #tpu.memory_space<vmem>>, %arg9: memref<256x64xf32, #tpu.memory_space<vmem>>, %arg10: memref<1x64xf32, #tpu.memory_space<vmem>>, %arg11: memref<256x64xf32, #tpu.memory_space<vmem>>, %arg12: memref<64x2xf32, #tpu.memory_space<vmem>>, %arg13: memref<1x2xf32, #tpu.memory_space<vmem>>, %arg14: memref<4x2xf32, #tpu.memory_space<vmem>>, %arg15: memref<8x128xf32, #tpu.memory_space<vmem>>) attributes {dimension_semantics = [#tpu.dimension_semantics<arbitrary>], iteration_bounds = array<i64: 5>, scalar_prefetch = 0 : i64, scratch_operands = 1 : i64, tpu.core_type = #tpu.core_type<tc>, window_params = [{transform_indices = @transform_0, window_bounds = array<i64: 8, 19200>}, {transform_indices = @transform_1, window_bounds = array<i64: 19200, 128>}, {pipeline_mode = #tpu.pipeline_mode<synchronous>, transform_indices = @transform_2, window_bounds = array<i64: 8, 4096>}, {transform_indices = @transform_3, window_bounds = array<i64: 4000, 128>}, {pipeline_mode = #tpu.pipeline_mode<synchronous>, transform_indices = @transform_4, window_bounds = array<i64: 16, 128>}, {pipeline_mode = #tpu.pipeline_mode<synchronous>, transform_indices = @transform_5, window_bounds = array<i64: 128, 256>}, {pipeline_mode = #tpu.pipeline_mode<synchronous>, transform_indices = @transform_6, window_bounds = array<i64: 1, 256>}, {pipeline_mode = #tpu.pipeline_mode<synchronous>, transform_indices = @transform_7, window_bounds = array<i64: 128, 256>}, {pipeline_mode = #tpu.pipeline_mode<synchronous>, transform_indices = @transform_8, window_bounds = array<i64: 256, 64>}, {pipeline_mode = #tpu.pipeline_mode<synchronous>, transform_indices = @transform_9, window_bounds = array<i64: 1, 64>}, {pipeline_mode = #tpu.pipeline_mode<synchronous>, transform_indices = @transform_10, window_bounds = array<i64: 256, 64>}, {pipeline_mode = #tpu.pipeline_mode<synchronous>, transform_indices = @transform_11, window_bounds = array<i64: 64, 2>}, {pipeline_mode = #tpu.pipeline_mode<synchronous>, transform_indices = @transform_12, window_bounds = array<i64: 1, 2>}, {pipeline_mode = #tpu.pipeline_mode<synchronous>, transform_indices = @transform_13, window_bounds = array<i64: 4, 2>}]} {
    %eq3A = arith.constant 0 : i32
    %eq3A_0 = arith.cmpi eq, %arg0, %eq3A : i32
    %convert_element_type3A = arith.extui %eq3A_0 : i1 to i32
    %cond3A = arith.constant 0 : i32
    %cond3A_1 = arith.cmpi ne, %convert_element_type3A, %cond3A : i32
    scf.if %cond3A_1 {
      %broadcast_in_dim3A = arith.constant 0.000000e+00 : f32
      %broadcast_in_dim3A_18 = vector.broadcast %broadcast_in_dim3A : f32 to vector<8x128xf32>
      %swap3A_19 = arith.constant 0 : index
      %swap3A_20 = arith.constant 0 : index
      %swap3A_21 = vector.load %arg15[%swap3A_19, %swap3A_20] : memref<8x128xf32, #tpu.memory_space<vmem>>, vector<8x128xf32>
      tpu.vector_store %arg15[%swap3A_19, %swap3A_20], %broadcast_in_dim3A_18 {strides = array<i32>} : memref<8x128xf32, #tpu.memory_space<vmem>>, vector<8x128xf32>,
    } else {
    }
    %get3A = arith.constant 0 : index
    %get3A_2 = arith.constant 0 : index
    %get3A_3 = vector.load %arg15[%get3A, %get3A_2] : memref<8x128xf32, #tpu.memory_space<vmem>>, vector<8x128xf32>
    %get3A_4 = arith.constant 0 : index
    %get3A_5 = arith.constant 0 : index
    %get3A_6 = vector.load %arg1[%get3A_4, %get3A_5] : memref<8x19200xf32, #tpu.memory_space<vmem>>, vector<8x19200xf32>
    %get3A_7 = arith.constant 0 : index
    %get3A_8 = arith.constant 0 : index
    %get3A_9 = vector.load %arg2[%get3A_7, %get3A_8] : memref<19200x128xf32, #tpu.memory_space<vmem>>, vector<19200x128xf32>
    %dot_general3A = arith.constant dense<0.000000e+00> : vector<8x128xf32>
    %dot_general3A_10 = tpu.matmul %get3A_6, %get3A_9, %dot_general3A {dimension_numbers = #tpu.dot_dimension_numbers<[1], [0], [0], [1], [0, 0, 1, 1], [], []>, precision = #tpu.contract_precision<fp32>, transpose_lhs_hint = false} : vector<8x19200xf32>, vector<19200x128xf32>, vector<8x128xf32> -> vector<8x128xf32>
    %add3A = arith.addf %get3A_3, %dot_general3A_10 : vector<8x128xf32>
    %swap3A = arith.constant 0 : index
    %swap3A_11 = arith.constant 0 : index
    %swap3A_12 = vector.load %arg15[%swap3A, %swap3A_11] : memref<8x128xf32, #tpu.memory_space<vmem>>, vector<8x128xf32>
    tpu.vector_store %arg15[%swap3A, %swap3A_11], %add3A {strides = array<i32>} : memref<8x128xf32, #tpu.memory_space<vmem>>, vector<8x128xf32>,
    %eq3A_13 = arith.constant 4 : i32
    %eq3A_14 = arith.cmpi eq, %arg0, %eq3A_13 : i32
    %convert_element_type3A_15 = arith.extui %eq3A_14 : i1 to i32
    %cond3A_16 = arith.constant 0 : i32
    %cond3A_17 = arith.cmpi ne, %convert_element_type3A_15, %cond3A_16 : i32
    scf.if %cond3A_17 {
      %get3A_18 = arith.constant 0 : index
      %get3A_19 = arith.constant 0 : index
      %get3A_20 = vector.load %arg15[%get3A_18, %get3A_19] : memref<8x128xf32, #tpu.memory_space<vmem>>, vector<8x128xf32>
      %get3A_21 = arith.constant 0 : index
      %get3A_22 = arith.constant 0 : index
      %get3A_23 = vector.load %arg3[%get3A_21, %get3A_22] : memref<8x4096xf32, #tpu.memory_space<vmem>>, vector<8x4000xf32>
      %get3A_24 = arith.constant 0 : index
      %get3A_25 = arith.constant 0 : index
      %get3A_26 = vector.load %arg4[%get3A_24, %get3A_25] : memref<4000x128xf32, #tpu.memory_space<vmem>>, vector<4000x128xf32>
      %dot_general3A_27 = arith.constant dense<0.000000e+00> : vector<8x128xf32>
      %dot_general3A_28 = tpu.matmul %get3A_23, %get3A_26, %dot_general3A_27 {dimension_numbers = #tpu.dot_dimension_numbers<[1], [0], [0], [1], [0, 0, 1, 1], [], []>, precision = #tpu.contract_precision<fp32>, transpose_lhs_hint = false} : vector<8x4000xf32>, vector<4000x128xf32>, vector<8x128xf32> -> vector<8x128xf32>
      %add3A_29 = arith.addf %get3A_20, %dot_general3A_28 : vector<8x128xf32>
      %slice3A = vector.extract_strided_slice %add3A_29 {offsets = [0, 0], sizes = [4, 128], strides = [1, 1]} : vector<8x128xf32> to vector<4x128xf32>
      %slice3A_30 = vector.extract_strided_slice %add3A_29 {offsets = [4, 0], sizes = [4, 128], strides = [1, 1]} : vector<8x128xf32> to vector<4x128xf32>
      %add3A_31 = arith.addf %slice3A, %slice3A_30 : vector<4x128xf32>
      %get3A_32 = arith.constant 0 : index
      %get3A_33 = arith.constant 0 : index
      %get3A_34 = vector.load %arg5[%get3A_32, %get3A_33] : memref<16x128xf32, #tpu.memory_space<vmem>>, vector<16x128xf32>
      %slice3A_35 = vector.extract_strided_slice %get3A_34 {offsets = [0, 0], sizes = [4, 128], strides = [1, 1]} : vector<16x128xf32> to vector<4x128xf32>
      %slice3A_36 = vector.extract_strided_slice %get3A_34 {offsets = [4, 0], sizes = [4, 128], strides = [1, 1]} : vector<16x128xf32> to vector<4x128xf32>
      %add3A_37 = arith.addf %slice3A_35, %slice3A_36 : vector<4x128xf32>
      %get3A_38 = arith.constant 0 : index
      %get3A_39 = arith.constant 0 : index
      %get3A_40 = vector.load %arg7[%get3A_38, %get3A_39] : memref<1x256xf32, #tpu.memory_space<vmem>>, vector<1x256xf32>
      %get3A_41 = arith.constant 0 : index
      %get3A_42 = arith.constant 0 : index
      %get3A_43 = vector.load %arg6[%get3A_41, %get3A_42] : memref<128x256xf32, #tpu.memory_space<vmem>>, vector<128x256xf32>
      %get3A_44 = arith.constant 0 : index
      %get3A_45 = arith.constant 0 : index
      %get3A_46 = vector.load %arg8[%get3A_44, %get3A_45] : memref<128x256xf32, #tpu.memory_space<vmem>>, vector<128x256xf32>
      %mul3A = arith.constant 9.99999974E-6 : f32
      %mul3A_47 = vector.broadcast %mul3A : f32 to vector<4x128xf32>
      %mul3A_48 = arith.mulf %add3A_31, %mul3A_47 : vector<4x128xf32>
      %dot_general3A_49 = arith.constant dense<0.000000e+00> : vector<4x256xf32>
      %dot_general3A_50 = tpu.matmul %add3A_37, %get3A_43, %dot_general3A_49 {dimension_numbers = #tpu.dot_dimension_numbers<[1], [0], [0], [1], [0, 0, 1, 1], [], []>, precision = #tpu.contract_precision<fp32>, transpose_lhs_hint = false} : vector<4x128xf32>, vector<128x256xf32>, vector<4x256xf32> -> vector<4x256xf32>
      %mul3A_51 = arith.constant 9.99999974E-6 : f32
      %mul3A_52 = vector.broadcast %mul3A_51 : f32 to vector<4x256xf32>
      %mul3A_53 = arith.mulf %dot_general3A_50, %mul3A_52 : vector<4x256xf32>
      %add3A_54 = vector.broadcast %get3A_40 : vector<1x256xf32> to vector<4x256xf32>
      %add3A_55 = arith.addf %mul3A_53, %add3A_54 : vector<4x256xf32>
      %dot_general3A_56 = arith.constant dense<0.000000e+00> : vector<4x256xf32>
      %dot_general3A_57 = tpu.matmul %mul3A_48, %get3A_46, %dot_general3A_56 {dimension_numbers = #tpu.dot_dimension_numbers<[1], [0], [0], [1], [0, 0, 1, 1], [], []>, precision = #tpu.contract_precision<fp32>, transpose_lhs_hint = false} : vector<4x128xf32>, vector<128x256xf32>, vector<4x256xf32> -> vector<4x256xf32>
      %add3A_58 = arith.addf %add3A_55, %dot_general3A_57 : vector<4x256xf32>
      %add3A_59 = arith.addf %get3A_43, %get3A_46 : vector<128x256xf32>
      %dot_general3A_60 = arith.constant dense<0.000000e+00> : vector<4x256xf32>
      %dot_general3A_61 = tpu.matmul %add3A_37, %add3A_59, %dot_general3A_60 {dimension_numbers = #tpu.dot_dimension_numbers<[1], [0], [0], [1], [0, 0, 1, 1], [], []>, precision = #tpu.contract_precision<fp32>, transpose_lhs_hint = false} : vector<4x128xf32>, vector<128x256xf32>, vector<4x256xf32> -> vector<4x256xf32>
      %mul3A_62 = arith.constant 2.000000e+00 : f32
      %mul3A_63 = vector.broadcast %mul3A_62 : f32 to vector<1x256xf32>
      %mul3A_64 = arith.mulf %mul3A_63, %get3A_40 : vector<1x256xf32>
      %add3A_65 = vector.broadcast %mul3A_64 : vector<1x256xf32> to vector<4x256xf32>
      %add3A_66 = arith.addf %dot_general3A_61, %add3A_65 : vector<4x256xf32>
      %get3A_67 = arith.constant 0 : index
      %get3A_68 = arith.constant 0 : index
      %get3A_69 = vector.load %arg9[%get3A_67, %get3A_68] : memref<256x64xf32, #tpu.memory_space<vmem>>, vector<256x64xf32>
      %dot_general3A_70 = arith.constant dense<0.000000e+00> : vector<4x64xf32>
      %dot_general3A_71 = tpu.matmul %add3A_66, %get3A_69, %dot_general3A_70 {dimension_numbers = #tpu.dot_dimension_numbers<[1], [0], [0], [1], [0, 0, 1, 1], [], []>, precision = #tpu.contract_precision<fp32>, transpose_lhs_hint = false} : vector<4x256xf32>, vector<256x64xf32>, vector<4x64xf32> -> vector<4x64xf32>
      %mul3A_72 = arith.constant 9.99999974E-6 : f32
      %mul3A_73 = vector.broadcast %mul3A_72 : f32 to vector<4x64xf32>
      %mul3A_74 = arith.mulf %dot_general3A_71, %mul3A_73 : vector<4x64xf32>
      %get3A_75 = arith.constant 0 : index
      %get3A_76 = arith.constant 0 : index
      %get3A_77 = vector.load %arg10[%get3A_75, %get3A_76] : memref<1x64xf32, #tpu.memory_space<vmem>>, vector<1x64xf32>
      %add3A_78 = vector.broadcast %get3A_77 : vector<1x64xf32> to vector<4x64xf32>
      %add3A_79 = arith.addf %mul3A_74, %add3A_78 : vector<4x64xf32>
      %get3A_80 = arith.constant 0 : index
      %get3A_81 = arith.constant 0 : index
      %get3A_82 = vector.load %arg11[%get3A_80, %get3A_81] : memref<256x64xf32, #tpu.memory_space<vmem>>, vector<256x64xf32>
      %dot_general3A_83 = arith.constant dense<0.000000e+00> : vector<4x64xf32>
      %dot_general3A_84 = tpu.matmul %add3A_58, %get3A_82, %dot_general3A_83 {dimension_numbers = #tpu.dot_dimension_numbers<[1], [0], [0], [1], [0, 0, 1, 1], [], []>, precision = #tpu.contract_precision<fp32>, transpose_lhs_hint = false} : vector<4x256xf32>, vector<256x64xf32>, vector<4x64xf32> -> vector<4x64xf32>
      %add3A_85 = arith.addf %add3A_79, %dot_general3A_84 : vector<4x64xf32>
      %get3A_86 = arith.constant 0 : index
      %get3A_87 = arith.constant 0 : index
      %get3A_88 = vector.load %arg12[%get3A_86, %get3A_87] : memref<64x2xf32, #tpu.memory_space<vmem>>, vector<64x2xf32>
      %dot_general3A_89 = arith.constant dense<0.000000e+00> : vector<4x2xf32>
      %dot_general3A_90 = tpu.matmul %add3A_85, %get3A_88, %dot_general3A_89 {dimension_numbers = #tpu.dot_dimension_numbers<[1], [0], [0], [1], [0, 0, 1, 1], [], []>, precision = #tpu.contract_precision<fp32>, transpose_lhs_hint = false} : vector<4x64xf32>, vector<64x2xf32>, vector<4x2xf32> -> vector<4x2xf32>
      %get3A_91 = arith.constant 0 : index
      %get3A_92 = arith.constant 0 : index
      %get3A_93 = vector.load %arg13[%get3A_91, %get3A_92] : memref<1x2xf32, #tpu.memory_space<vmem>>, vector<1x2xf32>
      %add3A_94 = vector.broadcast %get3A_93 : vector<1x2xf32> to vector<4x2xf32>
      %add3A_95 = arith.addf %dot_general3A_90, %add3A_94 : vector<4x2xf32>
      %swap3A_96 = arith.constant 0 : index
      %swap3A_97 = arith.constant 0 : index
      %swap3A_98 = vector.load %arg14[%swap3A_96, %swap3A_97] : memref<4x2xf32, #tpu.memory_space<vmem>>, vector<4x2xf32>
      tpu.vector_store %arg14[%swap3A_96, %swap3A_97], %add3A_95 {strides = array<i32>} : memref<4x2xf32, #tpu.memory_space<vmem>>, vector<4x2xf32>,
    } else {
    }
    return
  }
  func.func @transform_0(%arg0: i32) -> (i32, i32) {
    %c0_i32 = arith.constant 0 : i32
    %c0_i32_0 = arith.constant 0 : i32
    return %c0_i32, %arg0 : i32, i32
  }
  func.func @transform_1(%arg0: i32) -> (i32, i32) {
    %c0_i32 = arith.constant 0 : i32
    %c0_i32_0 = arith.constant 0 : i32
    return %arg0, %c0_i32 : i32, i32
  }
  func.func @transform_2(%arg0: i32) -> (i32, i32) {
    %c0_i32 = arith.constant 0 : i32
    %c0_i32_0 = arith.constant 0 : i32
    %c0_i32_1 = arith.constant 0 : i32
    return %c0_i32, %c0_i32_0 : i32, i32
  }
  func.func @transform_3(%arg0: i32) -> (i32, i32) {
    %c24_i32 = arith.constant 24 : i32
    %c0_i32 = arith.constant 0 : i32
    %c0_i32_0 = arith.constant 0 : i32
    return %c24_i32, %c0_i32 : i32, i32
  }
  func.func @transform_4(%arg0: i32) -> (i32, i32) {
    %c0_i32 = arith.constant 0 : i32
    %c0_i32_0 = arith.constant 0 : i32
    %c0_i32_1 = arith.constant 0 : i32
    return %c0_i32, %c0_i32_0 : i32, i32
  }
  func.func @transform_5(%arg0: i32) -> (i32, i32) {
    %c0_i32 = arith.constant 0 : i32
    %c0_i32_0 = arith.constant 0 : i32
    %c0_i32_1 = arith.constant 0 : i32
    return %c0_i32, %c0_i32_0 : i32, i32
  }
  func.func @transform_6(%arg0: i32) -> (i32, i32) {
    %c0_i32 = arith.constant 0 : i32
    %c0_i32_0 = arith.constant 0 : i32
    %c0_i32_1 = arith.constant 0 : i32
    return %c0_i32, %c0_i32_0 : i32, i32
  }
  func.func @transform_7(%arg0: i32) -> (i32, i32) {
    %c0_i32 = arith.constant 0 : i32
    %c0_i32_0 = arith.constant 0 : i32
    %c0_i32_1 = arith.constant 0 : i32
    return %c0_i32, %c0_i32_0 : i32, i32
  }
  func.func @transform_8(%arg0: i32) -> (i32, i32) {
    %c0_i32 = arith.constant 0 : i32
    %c0_i32_0 = arith.constant 0 : i32
    %c0_i32_1 = arith.constant 0 : i32
    return %c0_i32, %c0_i32_0 : i32, i32
  }
  func.func @transform_9(%arg0: i32) -> (i32, i32) {
    %c0_i32 = arith.constant 0 : i32
    %c0_i32_0 = arith.constant 0 : i32
    %c0_i32_1 = arith.constant 0 : i32
    return %c0_i32, %c0_i32_0 : i32, i32
  }
  func.func @transform_10(%arg0: i32) -> (i32, i32) {
    %c0_i32 = arith.constant 0 : i32
    %c0_i32_0 = arith.constant 0 : i32
    %c0_i32_1 = arith.constant 0 : i32
    return %c0_i32, %c0_i32_0 : i32, i32
  }
  func.func @transform_11(%arg0: i32) -> (i32, i32) {
    %c0_i32 = arith.constant 0 : i32
    %c0_i32_0 = arith.constant 0 : i32
    %c0_i32_1 = arith.constant 0 : i32
    return %c0_i32, %c0_i32_0 : i32, i32
  }
  func.func @transform_12(%arg0: i32) -> (i32, i32) {
    %c0_i32 = arith.constant 0 : i32
    %c0_i32_0 = arith.constant 0 : i32
    %c0_i32_1 = arith.constant 0 : i32
    return %c0_i32, %c0_i32_0 : i32, i32
  }
  func.func @transform_13(%arg0: i32) -> (i32, i32) {
    %c0_i32 = arith.constant 0 : i32
    %c0_i32_0 = arith.constant 0 : i32
    %c0_i32_1 = arith.constant 0 : i32
    return %c0_i32, %c0_i32_0 : i32, i32
  }
}

</mosaic_0001>

<sc_bundles>
// kernel: kernel.4.cloned.1.call-start
scs
__scs_entry_jumppad:
0x0: {  	(pc) =	sbr.rel $0x88, $3  }
0x1: {  	(tag) =	ssettag $0x0;
	lr =	simm.s32 $0x1  }
0x2: {  	[smem:$0x3F97] =	sst lr;
	_ =	strace $0xD0000000  }
0x3: {  	_ = 	snop  }
0x4: {  	_ = 	snop  }
0x5: {  	_ = 	snop  }
0x6: {  	_ = 	snop  }
0x7: {  	_ = 	snop  }
__scs_overlays_trampoline_lowered:
0x8: {  	[smem:$0x3FA6] =	sst s0  }
0x9: {  	[smem:$0x3FA7] =	sst s1  }
0xa: {  	[smem:$0x3FA8] =	sst s2  }
0xb: {  	[smem:$0x3FA9] =	sst s3  }
0xc: {  	[smem:$0x3FAA] =	sst s4  }
0xd: {  	[smem:$0x3FAB] =	sst s5  }
0xe: {  	[smem:$0x3FAC] =	sst s6  }
0xf: {  	[smem:$0x3FAD] =	sst s7  }
0x10: {  	[smem:$0x3FAE] =	sst s8  }
0x11: {  	[smem:$0x3FAF] =	sst s9;
	s0 =	simm.s32 @!p0 $0x0  }
0x12: {  	s1 =	sld [smem:$0x3F95];
	s0 =	simm.s32 @p0 $0x1  }
0x13: {  	[smem:$0x3FB0] =	sst s0;
	s0 =	simm.s32 @!p1 $0x0  }
0x14: {  	s2 =	sld [smem:$0x3F94];
	s0 =	simm.s32 @p1 $0x1  }
0x15: {  	[smem:$0x3FB1] =	sst s0;
	s0 =	simm.s32 @!p2 $0x0  }
0x16: {  	s3 =	sld [smem:$0x3FDB];
	s0 =	simm.s32 @p2 $0x1  }
0x17: {  	s4 =	simm.s32 $0x1BF5;
	[smem:$0x3FB3] =	sst s0  }
0x18: {  	s0 =	sld [smem:$0x3F96];
	_ =	swait.ge [sflag:s4], $0x0  }
0x19: {  	s7 =	sld [smem:$0x3F97]  }
0x1a: {  	s8 =	sadd.s32 $0xFFFFE003, lr  }
0x1b: {  	s9 =	sadd.s32 $0xFFFFFEF7, lr;
	s5 =	simm.s32 $0xFFFFFFFF;
	p2 =	slt.u32 s8, $0xFFFFF086  }
0x1c: {  	p1 =	slt.u32 s9, $0xF7A;
	s5 =	simm.s32 @!p2 $0x0  }
0x1d: {  	s5 =	simm.s32 @p1 $0x1;
	p0 =	seq.s32 s7, s2  }
0x1e: {  	s7 =	smul.u32 @!p0 $0xF7A, s2;
	p2 =	seq.s32 @!p0 s5, $0x0  }
0x1f: {  	s9 =	smul.u32 $0xF7A, s1;
	s8 =	simm.s32 @!p0 $0x1BF5;
	p2 =	por !p2, p0  }
0x20: {  	[sflag:s8] =	ssyncset.s32 @!p0 $0xFFFFF086;
	s6 =	sadd.s32 @!p0 s3, s7;
	s7 =	simm.s32 @!p0 $0x108  }
0x21: {  	s3 =	sadd.s32 s3, s9;
	s6 =	sadd.s32 @!p0 $0x88, s6;
	s7 =	simm.s32 @p2 $0x1082  }
0x22: {  	[simem:s7], [sflag:s8] =	dma.local @!p0 [hbm:s6], $0xF7A  }
0x23: {  	s9 =	sor.u32 $0xD0000000, s2;
	s6 =	simm.s32 $0x108;
	_ =	swait.ge @!p0 [sflag:s8], $0x0  }
0x24: {  	s3 =	sadd.s32 $0x88, s3;
	s6 =	simm.s32 @!p1 $0x1082;
	[sflag:s4] =	ssyncset.s32 $0xFFFFF086  }
0x25: {  	[simem:s6], [sflag:s4] =	dma.local [hbm:s3], $0xF7A  }
0x26: {  	[smem:$0x3F97] =	sst s1;
	(tag) =	ssettag s2;
	_ =	strace s9  }
0x27: {  	s1 =	sld [smem:$0x3FA7]  }
0x28: {  	s2 =	sld [smem:$0x3FA8]  }
0x29: {  	s4 =	sld [smem:$0x3FAA]  }
0x2a: {  	p0 =	seq.s32 s5, $0x0;
	s5 =	sld [smem:$0x3FAB]  }
0x2b: {  	s6 =	sld [smem:$0x3FAC]  }
0x2c: {  	s7 =	sld [smem:$0x3FAD]  }
0x2d: {  	s3 =	simm.s32 $0x108;
	s8 =	sld [smem:$0x3FAE]  }
0x2e: {  	s3 =	simm.s32 @!p0 $0x1082;
	s9 =	sld [smem:$0x3FAF]  }
0x2f: {  	lr =	sadd.s32 s0, s3;
	s0 =	sld [smem:$0x3FA6]  }
0x30: {  	s3 =	sld [smem:$0x3FA9]  }
0x31: {  	[smem:$0x3FB2] =	sst s10  }
0x32: {  	s10 =	sld [smem:$0x3FB0];
	_ =	sdelay $0x3  }
0x33: {  	p0 =	seq.s32 s10, $0x1;
	s10 =	sld [smem:$0x3FB2];
	_ =	sdelay $0x3  }
0x34: {  	[smem:$0x3FB2] =	sst s10  }
0x35: {  	s10 =	sld [smem:$0x3FB1];
	_ =	sdelay $0x3  }
0x36: {  	p1 =	seq.s32 s10, $0x1;
	s10 =	sld [smem:$0x3FB2];
	_ =	sdelay $0x3  }
0x37: {  	[smem:$0x3FB2] =	sst s10  }
0x38: {  	s10 =	sld [smem:$0x3FB3]  }
0x39: {  	_ = 	snop;
	(pc) =	sbr.ind lr, $3  }
0x3a: {  	_ = 	snop  }
0x3b: {  	_ = 	snop  }
0x3c: {  	p2 =	seq.s32 s10, $0x1;
	s10 =	sld [smem:$0x3FB2]  }
0x3d: {  	_ =	shalt  }
0x3e: {  	_ =	shalt  }
0x3f: {  	_ =	shalt  }
0x40: {  	_ =	shalt  }
0x41: {  	_ =	shalt  }
0x42: {  	_ =	shalt  }
0x43: {  	_ =	shalt  }
0x44: {  	_ =	shalt  }
0x45: {  	_ =	shalt  }
0x46: {  	_ =	shalt  }
0x47: {  	_ =	shalt  }
0x48: {  	_ =	shalt  }
0x49: {  	_ =	shalt  }
0x4a: {  	_ =	shalt  }
0x4b: {  	_ =	shalt  }
0x4c: {  	_ =	shalt  }
0x4d: {  	_ =	shalt  }
0x4e: {  	_ =	shalt  }
0x4f: {  	_ =	shalt  }
0x50: {  	_ =	shalt  }
0x51: {  	_ =	shalt  }
0x52: {  	_ =	shalt  }
0x53: {  	_ =	shalt  }
0x54: {  	_ =	shalt  }
0x55: {  	_ =	shalt  }
0x56: {  	_ =	shalt  }
0x57: {  	_ =	shalt  }
0x58: {  	_ =	shalt  }
0x59: {  	_ =	shalt  }
0x5a: {  	_ =	shalt  }
0x5b: {  	_ =	shalt  }
0x5c: {  	_ =	shalt  }
0x5d: {  	_ =	shalt  }
0x5e: {  	_ =	shalt  }
0x5f: {  	_ =	shalt  }
0x60: {  	_ =	shalt  }
0x61: {  	_ =	shalt  }
0x62: {  	_ =	shalt  }
0x63: {  	_ =	shalt  }
0x64: {  	_ =	shalt  }
0x65: {  	_ =	shalt  }
0x66: {  	_ =	shalt  }
0x67: {  	_ =	shalt  }
0x68: {  	_ =	shalt  }
0x69: {  	_ =	shalt  }
0x6a: {  	_ =	shalt  }
0x6b: {  	_ =	shalt  }
0x6c: {  	_ =	shalt  }
0x6d: {  	_ =	shalt  }
0x6e: {  	_ =	shalt  }
0x6f: {  	_ =	shalt  }
0x70: {  	_ =	shalt  }
0x71: {  	_ =	shalt  }
0x72: {  	_ =	shalt  }
0x73: {  	_ =	shalt  }
0x74: {  	_ =	shalt  }
0x75: {  	_ =	shalt  }
0x76: {  	_ =	shalt  }
0x77: {  	_ =	shalt  }
0x78: {  	_ =	shalt  }
0x79: {  	_ =	shalt  }
0x7a: {  	_ =	shalt  }
0x7b: {  	_ =	shalt  }
0x7c: {  	_ =	shalt  }
0x7d: {  	_ =	shalt  }
0x7e: {  	_ =	shalt  }
0x7f: {  	_ =	shalt  }
0x80: {  	_ =	shalt  }
0x81: {  	_ =	shalt  }
0x82: {  	_ =	shalt  }
0x83: {  	_ =	shalt  }
0x84: {  	_ =	shalt  }
0x85: {  	_ =	shalt  }
0x86: {  	_ =	shalt  }
0x87: {  	_ =	shalt  }
.Lfunc_end0:
.L_simem_size_0:
called_computation_lowered:
.L_overlay_start_0:
0x88: {  	s2 =	sld [smem:$0x3FD9]  }
0x89: {  	s3 =	sld [smem:$0x3FFE];
	_ =	sdelay $0x1  }
0x8a: {  	s1 =	srdreg.scid  }
0x8b: {  	s0 =	sand.u32 $0x1, s1  }
0x8c: {  	s17 =	sshll.u32 s0, $0xA;
	s2 =	sadd.s32 s3, s2  }
0x8d: {  	s2 =	sadd.s32 s2, s17  }
0x8e: {  	[smem:$0x3FBE] =	sst s2  }
0x8f: {  	_ = 	snop  }
0x90: {  	s2 =	sld [smem:$0x3FC8]  }
0x91: {  	s18 =	sld [smem:$0x3FD0];
	(tm) =	ssettm $0x1  }
0x92: {  	s4 =	sld [smem:$0x3FFB];
	_ =	sdelay $0x3  }
0x93: {  	_ =	strace s4  }
0x94: {  	s4 =	sld [smem:$0x3FFC];
	_ =	sdelay $0x3  }
0x95: {  	_ =	strace s4  }
0x96: {  	s4 =	sld [smem:$0x3FFD];
	_ =	sdelay $0x3  }
0x97: {  	_ =	strace s4  }
0x98: {  	_ =	strace $0x8FFFFFFF  }
0x99: {  	s19 =	sld [smem:$0x3FDB];
	_ =	sdelay $0x1  }
0x9a: {  	s5 =	simm.s32 $_scs_section_size  }
0x9b: {  	s6 =	simm.s32 $_size__tile_overlayer_lowered;
	s7 =	simm.s32 $_tile_overlayer_lowered  }
0x9c: {  	s22 =	simm.s32 $0x1BFF;
	s21 =	sshll.u32 s7, $0x1;
	s4 =	sadd.s32 s5, s19  }
0x9d: {  	s8 =	simm.s32 $0x0;
	s20 =	sshll.u32 s6, $0x1;
	s6 =	sadd.s32 s21, s4  }
0x9e: {  	[timem:s8], [sflag:s22] =	dma.local [hbm:s6], s20  }
0x9f: {  	_ =	swait.ge [sflag:s22], s20  }
0xa0: {  	s5 =	ssub.s32 $0x0, s20;
	[sflag:s22] =	ssyncset.done $0x0  }
0xa1: {  	[sflag:s22] =	ssyncadd.s32 s5;
	_ =	sdelay $0x1  }
0xa2: {  	s23 =	simm.s32 $0x1B8B  }
0xa3: {  	_ =	swait.ge [sflag:s23], $0x1  }
0xa4: {  	[sflag:s23] =	ssyncset.done $0x0  }
0xa5: {  	s25 =	simm.s32 $0x1B8E;
	s24 =	sld [smem:$0x3FFE];
	[sflag:s23] =	ssyncadd.s32 $0xFFFFFFFF  }
0xa6: {  	s26 =	simm.s32 $execute0_lowered;
	[smem:$0x3FD2] =	sst s25  }
0xa7: {  	s6 =	sshll.u32 s26, $0x1;
	_ =	strace $0x80000046;
	[dreg:$0x1] =	wrdreg $0xFFFFFFFF  }
0xa8: {  	s28 =	simm.s32 $_size_execute0_lowered;
	s4 =	sadd.s32 s4, s6;
	[dreg:$0x0] =	wrdreg $0x0  }
0xa9: {  	s6 =	sshll.u32 s28, $0x1;
	[dreg:$0x2] =	wrdreg s4  }
0xaa: {  	[dreg:$0x3] =	wrdreg s6  }
0xab: {  	[dreg:$0x4] =	wrdreg $0xC0  }
0xac: {  	_ =	task [dreg:s8], $0x5FFFF  }
0xad: {  	[dreg:$0x1] =	wrdreg $0xFFFFFFFF  }
0xae: {  	[dreg:$0x0] =	wrdreg $0x60  }
0xaf: {  	[dreg:$0x2] =	wrdreg s24  }
0xb0: {  	[dreg:$0x3] =	wrdreg s18  }
0xb1: {  	[dreg:$0x4] =	wrdreg s2  }
0xb2: {  	[dreg:$0x5] =	wrdreg $0x34800  }
0xb3: {  	[dreg:$0x6] =	wrdreg $0x9  }
0xb4: {  	_ =	task.clear_ibuf [dreg:s8], $0x7FFFF;
	_ =	strace $0x90000046  }
0xb5: {  	s29 =	simm.s32 $0x9;
	_ =	strace $0x80000048  }
0xb6: {  	_ =	swait.ge [sflag:s29], $0x1  }
0xb7: {  	[sflag:s29] =	ssyncadd.s32 $0xFFFFFFFF  }
0xb8: {  	_ =	strace $0x90000048  }
0xb9: {  	_ =	sfence  }
0xba: {  	s30 =	sld [smem:$0x0];
	_ =	sdelay $0x2  }
0xbb: {  	s31 =	sshll.u32 s1, $0xD;
	s1 =	sshrl.u32 s1, $0x2  }
0xbc: {  	s3 =	sand.u32 $0x4000, s31;
	s1 =	sadd.s32 s1, s30  }
0xbd: {  	s0 =	sor.u32 s3, s0;
	s1 =	sshll.u32 s1, $0x11  }
0xbe: {  	s0 =	sor.u32 s1, s0  }
0xbf: {  	s0 =	sadd.s32 $0x8F2B, s0  }
0xc0: {  	[sflag:s0] =	ssyncadd.remote.s32 $0x1  }
0xc1: {  	_ =	sfence.sel $0xFFFF  }
0xc2: {  	[dreg:$0x0] =	wrdreg $0xFFFFFFFF;
	(pc) =	sbr.abs _section_cstart, $3  }
0xc3: {  	[dreg:$0x1] =	wrdreg $0xFFFFFFFF  }
0xc4: {  	_ =	task.clear_ibuf [dreg:s8], $0x2FFFF;
	_ =	strace $0x9FFFFFFF  }
0xc5: {  	(tm) =	ssettm $0x7FFFFFFF  }
tec
execute0_lowered:
.L_overlay_start_1:
0x0: {  	(tag) =	ssettag $0x1  }
0x1: {  	s2 =	rddreg [dreg:$0x0]  }
0x2: {  	s0 =	rddreg [dreg:$0x1]  }
0x3: {  	s20 =	rddreg [dreg:$0x2]  }
0x4: {  	s3 =	rddreg [dreg:$0x3]  }
0x5: {  	s28 =	rddreg [dreg:$0x4]  }
0x6: {  	[dreg:$0x6] =	wrdreg s0  }
0x7: {  	s23 =	simm.s32 $0x0;
	[dreg:$0x8] =	wrdreg s20  }
0x8: {  	[smem:$0x7FF] =	sst s23;
	s7 =	sadd.s32 $0xE400, s2  }
0x9: {  	s24 =	sadd.s32 $0xE200, s2;
	_ =	strace $0x80000047;
	[dreg:$0x5] =	wrdreg s7  }
0xa: {  	s29 =	sadd.s32 $0x28200, s2;
	[dreg:$0x7] =	wrdreg s24  }
0xb: {  	s9 =	simm.s32 $0x200;
	[dreg:$0x9] =	wrdreg s29  }
0xc: {  	s10 =	simm.s32 $0x280;
	[dreg:$0xf] =	wrdreg s9  }
0xd: {  	s11 =	simm.s32 $0x300;
	[dreg:$0x10] =	wrdreg s10  }
0xe: {  	s12 =	simm.s32 $0x380;
	[dreg:$0x11] =	wrdreg s11  }
0xf: {  	s13 =	simm.s32 $0x400;
	[dreg:$0x12] =	wrdreg s12  }
0x10: {  	s14 =	simm.s32 $0x480;
	[dreg:$0x13] =	wrdreg s13  }
0x11: {  	s15 =	simm.s32 $0x500;
	[dreg:$0x14] =	wrdreg s14  }
0x12: {  	s16 =	simm.s32 $0x580;
	[dreg:$0x15] =	wrdreg s15  }
0x13: {  	s17 =	simm.s32 $0x600;
	[dreg:$0x16] =	wrdreg s16  }
0x14: {  	s21 =	srdreg.scid;
	s18 =	simm.s32 $0x680;
	[dreg:$0x17] =	wrdreg s17  }
0x15: {  	s26 =	stileid.u32;
	s19 =	simm.s32 $0x700;
	[dreg:$0x18] =	wrdreg s18  }
0x16: {  	s1 =	sand.u32 $0x1, s21;
	s20 =	simm.s32 $0x780;
	[dreg:$0x19] =	wrdreg s19  }
0x17: {  	s31 =	sshll.u32 s26, $0x6;
	s21 =	simm.s32 $0x800;
	[dreg:$0x1a] =	wrdreg s20  }
0x18: {  	s22 =	sshll.u32 s26, $0x1;
	s30 =	sor.u32 $0x1C02, s31;
	[dreg:$0x1b] =	wrdreg s21  }
0x19: {  	s8 =	sshll.u32 s26, $0x7;
	s7 =	simm.s32 $0x100;
	[dreg:$0xa] =	wrdreg s30  }
0x1a: {  	s25 =	sand.u32 $0x380, s8;
	s8 =	simm.s32 $0x180;
	[dreg:$0xd] =	wrdreg s7  }
0x1b: {  	s0 =	sor.u32 s1, s22;
	s22 =	simm.s32 $0x880;
	[dreg:$0xe] =	wrdreg s8  }
0x1c: {  	s24 =	simm.s32 $0x900;
	[dreg:$0x1c] =	wrdreg s22  }
0x1d: {  	s29 =	simm.s32 $0xA00;
	[dreg:$0x1d] =	wrdreg s24  }
0x1e: {  	s9 =	simm.s32 $0xD80;
	[dreg:$0x1f] =	wrdreg s29  }
0x1f: {  	s10 =	simm.s32 $0xE00;
	[smem:$0x7C1] =	sst s9  }
0x20: {  	s11 =	simm.s32 $0xE80;
	[smem:$0x7C2] =	sst s10  }
0x21: {  	s12 =	simm.s32 $0xF00;
	[smem:$0x7C3] =	sst s11  }
0x22: {  	s13 =	simm.s32 $0xF80;
	[smem:$0x7C4] =	sst s12  }
0x23: {  	s14 =	simm.s32 $0x1000;
	[smem:$0x7C5] =	sst s13  }
0x24: {  	s15 =	simm.s32 $0x1080;
	[smem:$0x7C6] =	sst s14  }
0x25: {  	s16 =	simm.s32 $0x1100;
	[smem:$0x7C7] =	sst s15  }
0x26: {  	s17 =	simm.s32 $0x1180;
	[smem:$0x7C8] =	sst s16  }
0x27: {  	s18 =	simm.s32 $0x1200;
	[smem:$0x7C9] =	sst s17  }
0x28: {  	s19 =	simm.s32 $0x1280;
	[smem:$0x7CA] =	sst s18  }
0x29: {  	s20 =	simm.s32 $0x1300;
	[smem:$0x7CB] =	sst s19  }
0x2a: {  	s21 =	simm.s32 $0x1380;
	[smem:$0x7CC] =	sst s20  }
0x2b: {  	s30 =	simm.s32 $0xA80;
	[smem:$0x7CD] =	sst s21  }
0x2c: {  	s7 =	simm.s32 $0xC80;
	[smem:$0x7BB] =	sst s30  }
0x2d: {  	s8 =	simm.s32 $0xD00;
	[smem:$0x7BF] =	sst s7  }
0x2e: {  	s22 =	simm.s32 $0x1400;
	[smem:$0x7C0] =	sst s8  }
0x2f: {  	s24 =	simm.s32 $0x1480;
	[smem:$0x7CE] =	sst s22  }
0x30: {  	s29 =	simm.s32 $0x1580;
	[smem:$0x7CF] =	sst s24  }
0x31: {  	s9 =	simm.s32 $0x1900;
	[smem:$0x7D1] =	sst s29  }
0x32: {  	s10 =	simm.s32 $0x1980;
	[smem:$0x7D8] =	sst s9  }
0x33: {  	s11 =	simm.s32 $0x1A00;
	[smem:$0x7D9] =	sst s10  }
0x34: {  	s12 =	simm.s32 $0x1A80;
	[smem:$0x7DA] =	sst s11  }
0x35: {  	s13 =	simm.s32 $0x1B00;
	[smem:$0x7DB] =	sst s12  }
0x36: {  	s14 =	simm.s32 $0x1B80;
	[smem:$0x7DC] =	sst s13  }
0x37: {  	s15 =	simm.s32 $0x1C00;
	[smem:$0x7DD] =	sst s14  }
0x38: {  	s16 =	simm.s32 $0x1C80;
	[smem:$0x7DE] =	sst s15  }
0x39: {  	s17 =	simm.s32 $0x1D00;
	[smem:$0x7DF] =	sst s16  }
0x3a: {  	s6 =	sshrl.u32 s26, $0x3;
	s18 =	simm.s32 $0x1D80;
	[smem:$0x7E0] =	sst s17  }
0x3b: {  	s5 =	smul.u32 $0x64000, s1;
	s19 =	simm.s32 $0x1E00;
	[smem:$0x7E1] =	sst s18  }
0x3c: {  	s6 =	smul.u32 $0x32000, s6;
	s20 =	simm.s32 $0x1E80;
	[smem:$0x7E2] =	sst s19  }
0x3d: {  	s21 =	simm.s32 $0x1F00;
	[smem:$0x7E3] =	sst s20  }
0x3e: {  	s5 =	sadd.s32 s5, s6;
	s6 =	simm.s32 $0xC00;
	[smem:$0x7E4] =	sst s21  }
0x3f: {  	s30 =	simm.s32 $0x1600;
	[smem:$0x7BE] =	sst s6  }
0x40: {  	s7 =	simm.s32 $0x1800;
	[smem:$0x7D2] =	sst s30  }
0x41: {  	s8 =	simm.s32 $0x1880;
	[smem:$0x7D6] =	sst s7  }
0x42: {  	s22 =	simm.s32 $0x1F80;
	[smem:$0x7D7] =	sst s8  }
0x43: {  	s24 =	simm.s32 $0x2000;
	[smem:$0x7E5] =	sst s22  }
0x44: {  	s29 =	simm.s32 $0x2100;
	[smem:$0x7E6] =	sst s24  }
0x45: {  	s9 =	simm.s32 $0x2480;
	[smem:$0x7E8] =	sst s29  }
0x46: {  	p1 =	por $0x0, $0x0;
	s10 =	simm.s32 $0x2500;
	[smem:$0x7EF] =	sst s9  }
0x47: {  	s1 =	ssub.s32 $0x2, s1;
	s11 =	simm.s32 $0x2580;
	[smem:$0x7F0] =	sst s10  }
0x48: {  	s4 =	smul.u32 $0x680, s0;
	s12 =	simm.s32 $0x2600;
	[smem:$0x7F1] =	sst s11  }
0x49: {  	p0 =	sne.s32 s0, $0x0;
	s14 =	simm.s32 $0x2680;
	[smem:$0x7F2] =	sst s12  }
0x4a: {  	s13 =	sshrl.u32 s1, $0x1;
	s16 =	simm.s32 $0x2700;
	[smem:$0x7F3] =	sst s14  }
0x4b: {  	s15 =	smul.u32 $0x19000, s26;
	s17 =	simm.s32 $0x2780;
	[smem:$0x7F4] =	sst s16  }
0x4c: {  	s19 =	simm.s32 $0x2800;
	s20 =	simm.s32 $0x2880;
	[smem:$0x7F5] =	sst s17  }
0x4d: {  	s21 =	simm.s32 $0x2900;
	s4 =	sadd.s32 s4, s2;
	[smem:$0x7F6] =	sst s19  }
0x4e: {  	s5 =	sor.u32 s25, s5;
	s25 =	simm.s32 $0x980;
	[smem:$0x7F7] =	sst s20  }
0x4f: {  	s6 =	simm.s32 $0x1780;
	s30 =	simm.s32 $0x2180;
	[smem:$0x7F8] =	sst s21  }
0x50: {  	s7 =	simm.s32 $0x2380;
	s8 =	simm.s32 $0x2400;
	[dreg:$0x1e] =	wrdreg s25  }
0x51: {  	s1 =	ssub.s32 s1, s13;
	s22 =	simm.s32 $0x2980;
	[smem:$0x7D5] =	sst s6  }
0x52: {  	s24 =	simm.s32 $0x2A00;
	s9 =	simm.s32 $0x3400;
	[smem:$0x7E9] =	sst s30  }
0x53: {  	s29 =	simm.s32 $0x2B00;
	s10 =	simm.s32 $0x7D;
	[smem:$0x7ED] =	sst s7  }
0x54: {  	s21 =	simm.s32 $0x2C80;
	s20 =	simm.s32 $0x2D00;
	[smem:$0x7EE] =	sst s8  }
0x55: {  	s19 =	simm.s32 $0x2D80;
	s17 =	simm.s32 $0x2E80;
	[smem:$0x7F9] =	sst s22  }
0x56: {  	s16 =	simm.s32 $0x2F00;
	s14 =	simm.s32 $0x3000;
	[smem:$0x7FA] =	sst s24  }
0x57: {  	s13 =	simm.s32 $0x3080;
	s4 =	sadd.s32 $0x1200, s4;
	[smem:$0x7FC] =	sst s29  }
0x58: {  	s12 =	simm.s32 $0x3100;
	s25 =	simm.s32 $0x1500;
	[dreg:$0xb] =	wrdreg s4  }
0x59: {  	s11 =	simm.s32 $0x3180;
	s6 =	simm.s32 $0x2300;
	[smem:$0x7D0] =	sst s25  }
0x5a: {  	s5 =	sshrl.u32 s5, $0x3;
	s30 =	simm.s32 $0x2B80;
	[smem:$0x7EC] =	sst s6  }
0x5b: {  	s18 =	sshrl.u32 s15, $0x2;
	s4 =	simm.s32 $0xB00;
	[smem:$0x7FD] =	sst s30  }
0x5c: {  	s2 =	sadd.s32 s5, s2;
	s5 =	simm.s32 $0xB80;
	[smem:$0x7BC] =	sst s4  }
0x5d: {  	s1 =	smax.u32 s1, $0x1;
	s25 =	simm.s32 $0x2080;
	[smem:$0x7BD] =	sst s5  }
0x5e: {  	s24 =	simm.s32 $0x2;
	s2 =	sadd.s32 $0xF200, s2;
	[smem:$0x7E7] =	sst s25  }
0x5f: {  	s22 =	simm.s32 $0x2C00;
	s4 =	simm.s32 $0x1680;
	[dreg:$0xc] =	wrdreg s2  }
0x60: {  	s0 =	sadd.s32 $0xFFFFFFFF, s1;
	s5 =	simm.s32 $0x1700;
	[smem:$0x7D3] =	sst s4  }
0x61: {  	s25 =	simm.s32 $0x2A80;
	p2 =	sne.s32 s0, $0x0;
	[smem:$0x7D4] =	sst s5  }
.Ltmp0:
0x62: {  	s15 =	simm.s32 $0x2F80;
	[smem:$0x7FB] =	sst s25;
	(pc) =	sbr.rel @!p2 .LBB2_1-.Ltmp0, $4  }
0x63: {  	s8 =	simm.s32 $0x10;
	s4 =	simm.s32 $0x2200;
	s2 =	rddreg [dreg:$0x5]  }
0x64: {  	s7 =	simm.s32 $0x3;
	s5 =	simm.s32 $0x2280;
	[smem:$0x7EA] =	sst s4  }
0x65: {  	s6 =	simm.s32 $0x1;
	[smem:$0x7EB] =	sst s5;
	s4 =	sadd.s32 s18, s3  }
0x66: {  	s5 =	simm.s32 $0x80;
	s18 =	simm.s32 $0x2E00;
	s4 =	sshrl.u32 s4, $0x3  }
0x67: {  	s1 =	rddreg [dreg:$0xa]  }
0x68: {  	[spmem:s4], [sflag:s1] =	dma.local [hbm:s2], $0xC80  }
0x69: {  	s1 =	rddreg [dreg:$0xb]  }
0x6a: {  	[tilespmem:s23], [sflag:$0x2] =	stream.linear.gather [hbm4b:s1+s23], $0x3200, $0x38;
	[tilespmem:$0xA100] =	vst v63  }
0x6b: {  	s2 =	rddreg [dreg:$0x6]  }
0x6c: {  	[tilespmem:s9], [sflag:$0x2] =	stream.linear.gather [hbm4b:s2+s23], $0x80, $0x38;
	[tilespmem:$0xA100] =	vst v63  }
0x6d: {  	_ =	swait.ge [sflag:s24], $0xC80  }
0x6e: {  	[sflag:s24] =	ssyncset.done $0x0  }
0x6f: {  	[sflag:s24] =	ssyncadd.s32 $0xFFFFF380  }
0x70: {  	_ =	swait.ge [sflag:s24], $0x3200  }
0x71: {  	[sflag:s24] =	ssyncset.done $0x0  }
0x72: {  	[sflag:s24] =	ssyncadd.s32 $0xFFFFCE00  }
0x73: {  	_ =	swait.ge [sflag:s24], $0x80  }
0x74: {  	[sflag:s24] =	ssyncset.done $0x0  }
0x75: {  	[sflag:s24] =	ssyncadd.s32 $0xFFFFFF80  }
0x76: {  	s26 =	simm.s32 @!p0 $0x0;
	[bflag:$0x0] =	sbarrier.arrive $0xFFFF  }
0x77: {  	s28 =	simm.s32 @!p0 $0x9880;
	s25 =	simm.s32 @!p0 $0x3;
	s1 =	rddreg [dreg:$0x7]  }
0x78: {  	[tilespmem:s28], [sflag:$0x3] =	stream.linear.gather @!p0 [hbm4b:s1+s26], $0x80, $0x38;
	[tilespmem:$0xA100] =	vst v63  }
0x79: {  	_ =	swait.ge @!p0 [sflag:s25], $0x80  }
0x7a: {  	s29 =	simm.s32 @!p0 $0x10;
	[sflag:s25] =	ssyncset.done @!p0 $0x0  }
0x7b: {  	s30 =	simm.s32 @!p0 $0x9900;
	s1 =	rddreg [dreg:$0x8];
	[sflag:s25] =	ssyncadd.s32 @!p0 $0xFFFFFF80  }
0x7c: {  	[tilespmem:s30], [sflag:$0x2] =	stream.indirect.gather @!p0 [hbm4b:s1+s29], $0x80, s28, s29, $0xb8;
	[tilespmem:$0xA100] =	vst v63  }
0x7d: {  	_ = 	snop  }
0x7e: {  	[spmem:s3] =	stream.indirect.scatter.add.f32 [tilespmem:s9], [sflag:$0x1], $0x1, s23, s10, $0xb8;
	[tilespmem:$0xA100] =	vst v63  }
0x7f: {  	_ = 	snop  }
0x80: {  	[spmem:s3] =	stream.indirect.scatter.add.f32 [tilespmem:s9], [sflag:$0x1], $0x1, s5, s10, $0xb8;
	[tilespmem:$0xA100] =	vst v63  }
0x81: {  	s1 =	rddreg [dreg:$0xd]  }
0x82: {  	[spmem:s3] =	stream.indirect.scatter.add.f32 [tilespmem:s9], [sflag:$0x1], $0x1, s1, s10, $0xb8;
	[tilespmem:$0xA100] =	vst v63  }
0x83: {  	s2 =	rddreg [dreg:$0xe]  }
0x84: {  	[spmem:s3] =	stream.indirect.scatter.add.f32 [tilespmem:s9], [sflag:$0x1], $0x1, s2, s10, $0xb8;
	[tilespmem:$0xA100] =	vst v63  }
0x85: {  	s1 =	rddreg [dreg:$0xf]  }
0x86: {  	[spmem:s3] =	stream.indirect.scatter.add.f32 [tilespmem:s9], [sflag:$0x1], $0x1, s1, s10, $0xb8;
	[tilespmem:$0xA100] =	vst v63  }
0x87: {  	s2 =	rddreg [dreg:$0x10]  }
0x88: {  	[spmem:s3] =	stream.indirect.scatter.add.f32 [tilespmem:s9], [sflag:$0x1], $0x1, s2, s10, $0xb8;
	[tilespmem:$0xA100] =	vst v63  }
0x89: {  	s1 =	rddreg [dreg:$0x11]  }
0x8a: {  	[spmem:s3] =	stream.indirect.scatter.add.f32 [tilespmem:s9], [sflag:$0x1], $0x1, s1, s10, $0xb8;
	[tilespmem:$0xA100] =	vst v63  }
0x8b: {  	s2 =	rddreg [dreg:$0x12]  }
0x8c: {  	[spmem:s3] =	stream.indirect.scatter.add.f32 [tilespmem:s9], [sflag:$0x1], $0x1, s2, s10, $0xb8;
	[tilespmem:$0xA100] =	vst v63  }
0x8d: {  	s1 =	rddreg [dreg:$0x13]  }
0x8e: {  	[spmem:s3] =	stream.indirect.scatter.add.f32 [tilespmem:s9], [sflag:$0x1], $0x1, s1, s10, $0xb8;
	[tilespmem:$0xA100] =	vst v63  }
0x8f: {  	s2 =	rddreg [dreg:$0x14]  }
0x90: {  	[spmem:s3] =	stream.indirect.scatter.add.f32 [tilespmem:s9], [sflag:$0x1], $0x1, s2, s10, $0xb8;
	[tilespmem:$0xA100] =	vst v63  }
0x91: {  	s1 =	rddreg [dreg:$0x15]  }
0x92: {  	[spmem:s3] =	stream.indirect.scatter.add.f32 [tilespmem:s9], [sflag:$0x1], $0x1, s1, s10, $0xb8;
	[tilespmem:$0xA100] =	vst v63  }
0x93: {  	s2 =	rddreg [dreg:$0x16]  }
0x94: {  	[spmem:s3] =	stream.indirect.scatter.add.f32 [tilespmem:s9], [sflag:$0x1], $0x1, s2, s10, $0xb8;
	[tilespmem:$0xA100] =	vst v63  }
0x95: {  	s1 =	rddreg [dreg:$0x17]  }
0x96: {  	[spmem:s3] =	stream.indirect.scatter.add.f32 [tilespmem:s9], [sflag:$0x1], $0x1, s1, s10, $0xb8;
	[tilespmem:$0xA100] =	vst v63  }
0x97: {  	s2 =	rddreg [dreg:$0x18]  }
0x98: {  	[spmem:s3] =	stream.indirect.scatter.add.f32 [tilespmem:s9], [sflag:$0x1], $0x1, s2, s10, $0xb8;
	[tilespmem:$0xA100] =	vst v63  }
0x99: {  	s1 =	rddreg [dreg:$0x19]  }
0x9a: {  	[spmem:s3] =	stream.indirect.scatter.add.f32 [tilespmem:s9], [sflag:$0x1], $0x1, s1, s10, $0xb8;
	[tilespmem:$0xA100] =	vst v63  }
0x9b: {  	s2 =	rddreg [dreg:$0x1a]  }
0x9c: {  	[spmem:s3] =	stream.indirect.scatter.add.f32 [tilespmem:s9], [sflag:$0x1], $0x1, s2, s10, $0xb8;
	[tilespmem:$0xA100] =	vst v63  }
0x9d: {  	s1 =	rddreg [dreg:$0x1b]  }
0x9e: {  	[spmem:s3] =	stream.indirect.scatter.add.f32 [tilespmem:s9], [sflag:$0x1], $0x1, s1, s10, $0xb8;
	[tilespmem:$0xA100] =	vst v63  }
0x9f: {  	_ =	swait.ge [sflag:s6], $0x7D  }
0xa0: {  	[sflag:s6] =	ssyncset.done $0x0  }
0xa1: {  	s2 =	rddreg [dreg:$0x1c];
	[sflag:s6] =	ssyncadd.s32 $0xFFFFFF83  }
0xa2: {  	[spmem:s3] =	stream.indirect.scatter.add.f32 [tilespmem:s9], [sflag:$0x1], $0x1, s2, s10, $0xb8;
	[tilespmem:$0xA100] =	vst v63  }
0xa3: {  	_ =	swait.ge [sflag:s6], $0x7D  }
0xa4: {  	[sflag:s6] =	ssyncset.done $0x0  }
0xa5: {  	s2 =	rddreg [dreg:$0x1d];
	[sflag:s6] =	ssyncadd.s32 $0xFFFFFF83  }
0xa6: {  	[spmem:s3] =	stream.indirect.scatter.add.f32 [tilespmem:s9], [sflag:$0x1], $0x1, s2, s10, $0xb8;
	[tilespmem:$0xA100] =	vst v63  }
0xa7: {  	_ =	swait.ge [sflag:s6], $0x7D  }
0xa8: {  	[sflag:s6] =	ssyncset.done $0x0  }
0xa9: {  	s2 =	rddreg [dreg:$0x1e];
	[sflag:s6] =	ssyncadd.s32 $0xFFFFFF83  }
0xaa: {  	[spmem:s3] =	stream.indirect.scatter.add.f32 [tilespmem:s9], [sflag:$0x1], $0x1, s2, s10, $0xb8;
	[tilespmem:$0xA100] =	vst v63  }
0xab: {  	_ =	swait.ge [sflag:s6], $0x7D  }
0xac: {  	[sflag:s6] =	ssyncset.done $0x0  }
0xad: {  	s2 =	rddreg [dreg:$0x1f];
	[sflag:s6] =	ssyncadd.s32 $0xFFFFFF83  }
0xae: {  	[spmem:s3] =	stream.indirect.scatter.add.f32 [tilespmem:s9], [sflag:$0x1], $0x1, s2, s10, $0xb8;
	[tilespmem:$0xA100] =	vst v63  }
0xaf: {  	_ =	swait.ge [sflag:s6], $0x7D  }
0xb0: {  	s2 =	sld [smem:$0x7BB]  }
0xb1: {  	[sflag:s6] =	ssyncset.done $0x0  }
0xb2: {  	[sflag:s6] =	ssyncadd.s32 $0xFFFFFF83  }
0xb3: {  	[spmem:s3] =	stream.indirect.scatter.add.f32 [tilespmem:s9], [sflag:$0x1], $0x1, s2, s10, $0xb8;
	[tilespmem:$0xA100] =	vst v63  }
0xb4: {  	_ =	swait.ge [sflag:s6], $0x7D  }
0xb5: {  	s2 =	sld [smem:$0x7BC]  }
0xb6: {  	[sflag:s6] =	ssyncset.done $0x0  }
0xb7: {  	[sflag:s6] =	ssyncadd.s32 $0xFFFFFF83  }
0xb8: {  	[spmem:s3] =	stream.indirect.scatter.add.f32 [tilespmem:s9], [sflag:$0x1], $0x1, s2, s10, $0xb8;
	[tilespmem:$0xA100] =	vst v63  }
0xb9: {  	_ =	swait.ge [sflag:s6], $0x7D  }
0xba: {  	s2 =	sld [smem:$0x7BD]  }
0xbb: {  	[sflag:s6] =	ssyncset.done $0x0  }
0xbc: {  	[sflag:s6] =	ssyncadd.s32 $0xFFFFFF83  }
0xbd: {  	[spmem:s3] =	stream.indirect.scatter.add.f32 [tilespmem:s9], [sflag:$0x1], $0x1, s2, s10, $0xb8;
	[tilespmem:$0xA100] =	vst v63  }
0xbe: {  	_ =	swait.ge [sflag:s6], $0x7D  }
0xbf: {  	s2 =	sld [smem:$0x7BE]  }
0xc0: {  	[sflag:s6] =	ssyncset.done $0x0  }
0xc1: {  	[sflag:s6] =	ssyncadd.s32 $0xFFFFFF83  }
0xc2: {  	[spmem:s3] =	stream.indirect.scatter.add.f32 [tilespmem:s9], [sflag:$0x1], $0x1, s2, s10, $0xb8;
	[tilespmem:$0xA100] =	vst v63  }
0xc3: {  	_ =	swait.ge [sflag:s6], $0x7D  }
0xc4: {  	s2 =	sld [smem:$0x7BF]  }
0xc5: {  	[sflag:s6] =	ssyncset.done $0x0  }
0xc6: {  	[sflag:s6] =	ssyncadd.s32 $0xFFFFFF83  }
0xc7: {  	[spmem:s3] =	stream.indirect.scatter.add.f32 [tilespmem:s9], [sflag:$0x1], $0x1, s2, s10, $0xb8;
	[tilespmem:$0xA100] =	vst v63  }
0xc8: {  	_ =	swait.ge [sflag:s6], $0x7D  }
0xc9: {  	s2 =	sld [smem:$0x7C0]  }
0xca: {  	[sflag:s6] =	ssyncset.done $0x0  }
0xcb: {  	[sflag:s6] =	ssyncadd.s32 $0xFFFFFF83  }
0xcc: {  	[spmem:s3] =	stream.indirect.scatter.add.f32 [tilespmem:s9], [sflag:$0x1], $0x1, s2, s10, $0xb8;
	[tilespmem:$0xA100] =	vst v63  }
0xcd: {  	_ =	swait.ge [sflag:s6], $0x7D  }
0xce: {  	s2 =	sld [smem:$0x7C1]  }
0xcf: {  	[sflag:s6] =	ssyncset.done $0x0  }
0xd0: {  	[sflag:s6] =	ssyncadd.s32 $0xFFFFFF83  }
0xd1: {  	[spmem:s3] =	stream.indirect.scatter.add.f32 [tilespmem:s9], [sflag:$0x1], $0x1, s2, s10, $0xb8;
	[tilespmem:$0xA100] =	vst v63  }
0xd2: {  	_ =	swait.ge [sflag:s6], $0x7D  }
0xd3: {  	s2 =	sld [smem:$0x7C2]  }
0xd4: {  	[sflag:s6] =	ssyncset.done $0x0  }
0xd5: {  	[sflag:s6] =	ssyncadd.s32 $0xFFFFFF83  }
0xd6: {  	[spmem:s3] =	stream.indirect.scatter.add.f32 [tilespmem:s9], [sflag:$0x1], $0x1, s2, s10, $0xb8;
	[tilespmem:$0xA100] =	vst v63  }
0xd7: {  	_ =	swait.ge [sflag:s6], $0x7D  }
0xd8: {  	s2 =	sld [smem:$0x7C3]  }
0xd9: {  	[sflag:s6] =	ssyncset.done $0x0  }
0xda: {  	[sflag:s6] =	ssyncadd.s32 $0xFFFFFF83  }
0xdb: {  	[spmem:s3] =	stream.indirect.scatter.add.f32 [tilespmem:s9], [sflag:$0x1], $0x1, s2, s10, $0xb8;
	[tilespmem:$0xA100] =	vst v63  }
0xdc: {  	_ =	swait.ge [sflag:s6], $0x7D  }
0xdd: {  	s2 =	sld [smem:$0x7C4]  }
0xde: {  	[sflag:s6] =	ssyncset.done $0x0  }
0xdf: {  	[sflag:s6] =	ssyncadd.s32 $0xFFFFFF83  }
0xe0: {  	[spmem:s3] =	stream.indirect.scatter.add.f32 [tilespmem:s9], [sflag:$0x1], $0x1, s2, s10, $0xb8;
	[tilespmem:$0xA100] =	vst v63  }
0xe1: {  	_ =	swait.ge [sflag:s6], $0x7D  }
0xe2: {  	s2 =	sld [smem:$0x7C5]  }
0xe3: {  	[sflag:s6] =	ssyncset.done $0x0  }
0xe4: {  	[sflag:s6] =	ssyncadd.s32 $0xFFFFFF83  }
0xe5: {  	[spmem:s3] =	stream.indirect.scatter.add.f32 [tilespmem:s9], [sflag:$0x1], $0x1, s2, s10, $0xb8;
	[tilespmem:$0xA100] =	vst v63  }
0xe6: {  	_ =	swait.ge [sflag:s6], $0x7D  }
0xe7: {  	s2 =	sld [smem:$0x7C6]  }
0xe8: {  	[sflag:s6] =	ssyncset.done $0x0  }
0xe9: {  	[sflag:s6] =	ssyncadd.s32 $0xFFFFFF83  }
0xea: {  	[spmem:s3] =	stream.indirect.scatter.add.f32 [tilespmem:s9], [sflag:$0x1], $0x1, s2, s10, $0xb8;
	[tilespmem:$0xA100] =	vst v63  }
0xeb: {  	_ =	swait.ge [sflag:s6], $0x7D  }
0xec: {  	s2 =	sld [smem:$0x7C7]  }
0xed: {  	[sflag:s6] =	ssyncset.done $0x0  }
0xee: {  	[sflag:s6] =	ssyncadd.s32 $0xFFFFFF83  }
0xef: {  	[spmem:s3] =	stream.indirect.scatter.add.f32 [tilespmem:s9], [sflag:$0x1], $0x1, s2, s10, $0xb8;
	[tilespmem:$0xA100] =	vst v63  }
0xf0: {  	_ =	swait.ge [sflag:s6], $0x7D  }
0xf1: {  	s2 =	sld [smem:$0x7C8]  }
0xf2: {  	[sflag:s6] =	ssyncset.done $0x0  }
0xf3: {  	[sflag:s6] =	ssyncadd.s32 $0xFFFFFF83  }
0xf4: {  	[spmem:s3] =	stream.indirect.scatter.add.f32 [tilespmem:s9], [sflag:$0x1], $0x1, s2, s10, $0xb8;
	[tilespmem:$0xA100] =	vst v63  }
0xf5: {  	_ =	swait.ge [sflag:s6], $0x7D  }
0xf6: {  	s2 =	sld [smem:$0x7C9]  }
0xf7: {  	[sflag:s6] =	ssyncset.done $0x0  }
0xf8: {  	[sflag:s6] =	ssyncadd.s32 $0xFFFFFF83  }
0xf9: {  	[spmem:s3] =	stream.indirect.scatter.add.f32 [tilespmem:s9], [sflag:$0x1], $0x1, s2, s10, $0xb8;
	[tilespmem:$0xA100] =	vst v63  }
0xfa: {  	_ =	swait.ge [sflag:s6], $0x7D  }
0xfb: {  	s2 =	sld [smem:$0x7CA]  }
0xfc: {  	[sflag:s6] =	ssyncset.done $0x0  }
0xfd: {  	[sflag:s6] =	ssyncadd.s32 $0xFFFFFF83  }
0xfe: {  	[spmem:s3] =	stream.indirect.scatter.add.f32 [tilespmem:s9], [sflag:$0x1], $0x1, s2, s10, $0xb8;
	[tilespmem:$0xA100] =	vst v63  }
0xff: {  	_ =	swait.ge [sflag:s6], $0x7D  }
0x100: {  	s2 =	sld [smem:$0x7CB]  }
0x101: {  	[sflag:s6] =	ssyncset.done $0x0  }
0x102: {  	[sflag:s6] =	ssyncadd.s32 $0xFFFFFF83  }
0x103: {  	[spmem:s3] =	stream.indirect.scatter.add.f32 [tilespmem:s9], [sflag:$0x1], $0x1, s2, s10, $0xb8;
	[tilespmem:$0xA100] =	vst v63  }
0x104: {  	_ =	swait.ge [sflag:s6], $0x7D  }
0x105: {  	s2 =	sld [smem:$0x7CC]  }
0x106: {  	[sflag:s6] =	ssyncset.done $0x0  }
0x107: {  	[sflag:s6] =	ssyncadd.s32 $0xFFFFFF83  }
0x108: {  	[spmem:s3] =	stream.indirect.scatter.add.f32 [tilespmem:s9], [sflag:$0x1], $0x1, s2, s10, $0xb8;
	[tilespmem:$0xA100] =	vst v63  }
0x109: {  	_ =	swait.ge [sflag:s6], $0x7D  }
0x10a: {  	s2 =	sld [smem:$0x7CD]  }
0x10b: {  	[sflag:s6] =	ssyncset.done $0x0  }
0x10c: {  	[sflag:s6] =	ssyncadd.s32 $0xFFFFFF83  }
0x10d: {  	[spmem:s3] =	stream.indirect.scatter.add.f32 [tilespmem:s9], [sflag:$0x1], $0x1, s2, s10, $0xb8;
	[tilespmem:$0xA100] =	vst v63  }
0x10e: {  	_ =	swait.ge [sflag:s6], $0x7D  }
0x10f: {  	s2 =	sld [smem:$0x7CE]  }
0x110: {  	[sflag:s6] =	ssyncset.done $0x0  }
0x111: {  	[sflag:s6] =	ssyncadd.s32 $0xFFFFFF83  }
0x112: {  	[spmem:s3] =	stream.indirect.scatter.add.f32 [tilespmem:s9], [sflag:$0x1], $0x1, s2, s10, $0xb8;
	[tilespmem:$0xA100] =	vst v63  }
0x113: {  	_ =	swait.ge [sflag:s6], $0x7D  }
0x114: {  	s2 =	sld [smem:$0x7CF]  }
0x115: {  	[sflag:s6] =	ssyncset.done $0x0  }
0x116: {  	[sflag:s6] =	ssyncadd.s32 $0xFFFFFF83  }
0x117: {  	[spmem:s3] =	stream.indirect.scatter.add.f32 [tilespmem:s9], [sflag:$0x1], $0x1, s2, s10, $0xb8;
	[tilespmem:$0xA100] =	vst v63  }
0x118: {  	_ =	swait.ge [sflag:s6], $0x7D  }
0x119: {  	s2 =	sld [smem:$0x7D0]  }
0x11a: {  	[sflag:s6] =	ssyncset.done $0x0  }
0x11b: {  	[sflag:s6] =	ssyncadd.s32 $0xFFFFFF83  }
0x11c: {  	[spmem:s3] =	stream.indirect.scatter.add.f32 [tilespmem:s9], [sflag:$0x1], $0x1, s2, s10, $0xb8;
	[tilespmem:$0xA100] =	vst v63  }
0x11d: {  	_ =	swait.ge [sflag:s6], $0x7D  }
0x11e: {  	s2 =	sld [smem:$0x7D1]  }
0x11f: {  	[sflag:s6] =	ssyncset.done $0x0  }
0x120: {  	[sflag:s6] =	ssyncadd.s32 $0xFFFFFF83  }
0x121: {  	[spmem:s3] =	stream.indirect.scatter.add.f32 [tilespmem:s9], [sflag:$0x1], $0x1, s2, s10, $0xb8;
	[tilespmem:$0xA100] =	vst v63  }
0x122: {  	_ =	swait.ge [sflag:s6], $0x7D  }
0x123: {  	s2 =	sld [smem:$0x7D2]  }
0x124: {  	[sflag:s6] =	ssyncset.done $0x0  }
0x125: {  	[sflag:s6] =	ssyncadd.s32 $0xFFFFFF83  }
0x126: {  	[spmem:s3] =	stream.indirect.scatter.add.f32 [tilespmem:s9], [sflag:$0x1], $0x1, s2, s10, $0xb8;
	[tilespmem:$0xA100] =	vst v63  }
0x127: {  	_ =	swait.ge [sflag:s6], $0x7D  }
0x128: {  	s2 =	sld [smem:$0x7D3]  }
0x129: {  	[sflag:s6] =	ssyncset.done $0x0  }
0x12a: {  	[sflag:s6] =	ssyncadd.s32 $0xFFFFFF83  }
0x12b: {  	[spmem:s3] =	stream.indirect.scatter.add.f32 [tilespmem:s9], [sflag:$0x1], $0x1, s2, s10, $0xb8;
	[tilespmem:$0xA100] =	vst v63  }
0x12c: {  	_ =	swait.ge [sflag:s6], $0x7D  }
0x12d: {  	s2 =	sld [smem:$0x7D4]  }
0x12e: {  	[sflag:s6] =	ssyncset.done $0x0  }
0x12f: {  	[sflag:s6] =	ssyncadd.s32 $0xFFFFFF83  }
0x130: {  	[spmem:s3] =	stream.indirect.scatter.add.f32 [tilespmem:s9], [sflag:$0x1], $0x1, s2, s10, $0xb8;
	[tilespmem:$0xA100] =	vst v63  }
0x131: {  	_ =	swait.ge [sflag:s6], $0x7D  }
0x132: {  	s2 =	sld [smem:$0x7D5]  }
0x133: {  	[sflag:s6] =	ssyncset.done $0x0  }
0x134: {  	[sflag:s6] =	ssyncadd.s32 $0xFFFFFF83  }
0x135: {  	[spmem:s3] =	stream.indirect.scatter.add.f32 [tilespmem:s9], [sflag:$0x1], $0x1, s2, s10, $0xb8;
	[tilespmem:$0xA100] =	vst v63  }
0x136: {  	_ =	swait.ge [sflag:s6], $0x7D  }
0x137: {  	s2 =	sld [smem:$0x7D6]  }
0x138: {  	[sflag:s6] =	ssyncset.done $0x0  }
0x139: {  	[sflag:s6] =	ssyncadd.s32 $0xFFFFFF83  }
0x13a: {  	[spmem:s3] =	stream.indirect.scatter.add.f32 [tilespmem:s9], [sflag:$0x1], $0x1, s2, s10, $0xb8;
	[tilespmem:$0xA100] =	vst v63  }
0x13b: {  	_ =	swait.ge [sflag:s6], $0x7D  }
0x13c: {  	s2 =	sld [smem:$0x7D7]  }
0x13d: {  	[sflag:s6] =	ssyncset.done $0x0  }
0x13e: {  	[sflag:s6] =	ssyncadd.s32 $0xFFFFFF83  }
0x13f: {  	[spmem:s3] =	stream.indirect.scatter.add.f32 [tilespmem:s9], [sflag:$0x1], $0x1, s2, s10, $0xb8;
	[tilespmem:$0xA100] =	vst v63  }
0x140: {  	_ =	swait.ge [sflag:s6], $0x7D  }
0x141: {  	s2 =	sld [smem:$0x7D8]  }
0x142: {  	[sflag:s6] =	ssyncset.done $0x0  }
0x143: {  	[sflag:s6] =	ssyncadd.s32 $0xFFFFFF83  }
0x144: {  	[spmem:s3] =	stream.indirect.scatter.add.f32 [tilespmem:s9], [sflag:$0x1], $0x1, s2, s10, $0xb8;
	[tilespmem:$0xA100] =	vst v63  }
0x145: {  	_ =	swait.ge [sflag:s6], $0x7D  }
0x146: {  	s2 =	sld [smem:$0x7D9]  }
0x147: {  	[sflag:s6] =	ssyncset.done $0x0  }
0x148: {  	[sflag:s6] =	ssyncadd.s32 $0xFFFFFF83  }
0x149: {  	[spmem:s3] =	stream.indirect.scatter.add.f32 [tilespmem:s9], [sflag:$0x1], $0x1, s2, s10, $0xb8;
	[tilespmem:$0xA100] =	vst v63  }
0x14a: {  	_ =	swait.ge [sflag:s6], $0x7D  }
0x14b: {  	s2 =	sld [smem:$0x7DA]  }
0x14c: {  	[sflag:s6] =	ssyncset.done $0x0  }
0x14d: {  	[sflag:s6] =	ssyncadd.s32 $0xFFFFFF83  }
0x14e: {  	[spmem:s3] =	stream.indirect.scatter.add.f32 [tilespmem:s9], [sflag:$0x1], $0x1, s2, s10, $0xb8;
	[tilespmem:$0xA100] =	vst v63  }
0x14f: {  	_ =	swait.ge [sflag:s6], $0x7D  }
0x150: {  	s2 =	sld [smem:$0x7DB]  }
0x151: {  	[sflag:s6] =	ssyncset.done $0x0  }
0x152: {  	[sflag:s6] =	ssyncadd.s32 $0xFFFFFF83  }
0x153: {  	[spmem:s3] =	stream.indirect.scatter.add.f32 [tilespmem:s9], [sflag:$0x1], $0x1, s2, s10, $0xb8;
	[tilespmem:$0xA100] =	vst v63  }
0x154: {  	_ =	swait.ge [sflag:s6], $0x7D  }
0x155: {  	s2 =	sld [smem:$0x7DC]  }
0x156: {  	[sflag:s6] =	ssyncset.done $0x0  }
0x157: {  	[sflag:s6] =	ssyncadd.s32 $0xFFFFFF83  }
0x158: {  	[spmem:s3] =	stream.indirect.scatter.add.f32 [tilespmem:s9], [sflag:$0x1], $0x1, s2, s10, $0xb8;
	[tilespmem:$0xA100] =	vst v63  }
0x159: {  	_ =	swait.ge [sflag:s6], $0x7D  }
0x15a: {  	s2 =	sld [smem:$0x7DD]  }
0x15b: {  	[sflag:s6] =	ssyncset.done $0x0  }
0x15c: {  	[sflag:s6] =	ssyncadd.s32 $0xFFFFFF83  }
0x15d: {  	[spmem:s3] =	stream.indirect.scatter.add.f32 [tilespmem:s9], [sflag:$0x1], $0x1, s2, s10, $0xb8;
	[tilespmem:$0xA100] =	vst v63  }
0x15e: {  	_ =	swait.ge [sflag:s6], $0x7D  }
0x15f: {  	s2 =	sld [smem:$0x7DE]  }
0x160: {  	[sflag:s6] =	ssyncset.done $0x0  }
0x161: {  	[sflag:s6] =	ssyncadd.s32 $0xFFFFFF83  }
0x162: {  	[spmem:s3] =	stream.indirect.scatter.add.f32 [tilespmem:s9], [sflag:$0x1], $0x1, s2, s10, $0xb8;
	[tilespmem:$0xA100] =	vst v63  }
0x163: {  	_ =	swait.ge [sflag:s6], $0x7D  }
0x164: {  	s2 =	sld [smem:$0x7DF]  }
0x165: {  	[sflag:s6] =	ssyncset.done $0x0  }
0x166: {  	[sflag:s6] =	ssyncadd.s32 $0xFFFFFF83  }
0x167: {  	[spmem:s3] =	stream.indirect.scatter.add.f32 [tilespmem:s9], [sflag:$0x1], $0x1, s2, s10, $0xb8;
	[tilespmem:$0xA100] =	vst v63  }
0x168: {  	_ =	swait.ge [sflag:s6], $0x7D  }
0x169: {  	s2 =	sld [smem:$0x7E0]  }
0x16a: {  	[sflag:s6] =	ssyncset.done $0x0  }
0x16b: {  	[sflag:s6] =	ssyncadd.s32 $0xFFFFFF83  }
0x16c: {  	[spmem:s3] =	stream.indirect.scatter.add.f32 [tilespmem:s9], [sflag:$0x1], $0x1, s2, s10, $0xb8;
	[tilespmem:$0xA100] =	vst v63  }
0x16d: {  	_ =	swait.ge [sflag:s6], $0x7D  }
0x16e: {  	s2 =	sld [smem:$0x7E1]  }
0x16f: {  	[sflag:s6] =	ssyncset.done $0x0  }
0x170: {  	[sflag:s6] =	ssyncadd.s32 $0xFFFFFF83  }
0x171: {  	[spmem:s3] =	stream.indirect.scatter.add.f32 [tilespmem:s9], [sflag:$0x1], $0x1, s2, s10, $0xb8;
	[tilespmem:$0xA100] =	vst v63  }
0x172: {  	_ =	swait.ge [sflag:s6], $0x7D  }
0x173: {  	s2 =	sld [smem:$0x7E2]  }
0x174: {  	[sflag:s6] =	ssyncset.done $0x0  }
0x175: {  	[sflag:s6] =	ssyncadd.s32 $0xFFFFFF83  }
0x176: {  	[spmem:s3] =	stream.indirect.scatter.add.f32 [tilespmem:s9], [sflag:$0x1], $0x1, s2, s10, $0xb8;
	[tilespmem:$0xA100] =	vst v63  }
0x177: {  	_ =	swait.ge [sflag:s6], $0x7D  }
0x178: {  	s2 =	sld [smem:$0x7E3]  }
0x179: {  	[sflag:s6] =	ssyncset.done $0x0  }
0x17a: {  	[sflag:s6] =	ssyncadd.s32 $0xFFFFFF83  }
0x17b: {  	[spmem:s3] =	stream.indirect.scatter.add.f32 [tilespmem:s9], [sflag:$0x1], $0x1, s2, s10, $0xb8;
	[tilespmem:$0xA100] =	vst v63  }
0x17c: {  	_ =	swait.ge [sflag:s6], $0x7D  }
0x17d: {  	s2 =	sld [smem:$0x7E4]  }
0x17e: {  	[sflag:s6] =	ssyncset.done $0x0  }
0x17f: {  	[sflag:s6] =	ssyncadd.s32 $0xFFFFFF83  }
0x180: {  	[spmem:s3] =	stream.indirect.scatter.add.f32 [tilespmem:s9], [sflag:$0x1], $0x1, s2, s10, $0xb8;
	[tilespmem:$0xA100] =	vst v63  }
0x181: {  	_ =	swait.ge [sflag:s6], $0x7D  }
0x182: {  	s2 =	sld [smem:$0x7E5]  }
0x183: {  	[sflag:s6] =	ssyncset.done $0x0  }
0x184: {  	[sflag:s6] =	ssyncadd.s32 $0xFFFFFF83  }
0x185: {  	[spmem:s3] =	stream.indirect.scatter.add.f32 [tilespmem:s9], [sflag:$0x1], $0x1, s2, s10, $0xb8;
	[tilespmem:$0xA100] =	vst v63  }
0x186: {  	_ =	swait.ge [sflag:s6], $0x7D  }
0x187: {  	s2 =	sld [smem:$0x7E6]  }
0x188: {  	[sflag:s6] =	ssyncset.done $0x0  }
0x189: {  	[sflag:s6] =	ssyncadd.s32 $0xFFFFFF83  }
0x18a: {  	[spmem:s3] =	stream.indirect.scatter.add.f32 [tilespmem:s9], [sflag:$0x1], $0x1, s2, s10, $0xb8;
	[tilespmem:$0xA100] =	vst v63  }
0x18b: {  	_ =	swait.ge [sflag:s6], $0x7D  }
0x18c: {  	s2 =	sld [smem:$0x7E7]  }
0x18d: {  	[sflag:s6] =	ssyncset.done $0x0  }
0x18e: {  	[sflag:s6] =	ssyncadd.s32 $0xFFFFFF83  }
0x18f: {  	[spmem:s3] =	stream.indirect.scatter.add.f32 [tilespmem:s9], [sflag:$0x1], $0x1, s2, s10, $0xb8;
	[tilespmem:$0xA100] =	vst v63  }
0x190: {  	_ =	swait.ge [sflag:s6], $0x7D  }
0x191: {  	s2 =	sld [smem:$0x7E8]  }
0x192: {  	[sflag:s6] =	ssyncset.done $0x0  }
0x193: {  	[sflag:s6] =	ssyncadd.s32 $0xFFFFFF83  }
0x194: {  	[spmem:s3] =	stream.indirect.scatter.add.f32 [tilespmem:s9], [sflag:$0x1], $0x1, s2, s10, $0xb8;
	[tilespmem:$0xA100] =	vst v63  }
0x195: {  	_ =	swait.ge [sflag:s6], $0x7D  }
0x196: {  	s2 =	sld [smem:$0x7E9]  }
0x197: {  	[sflag:s6] =	ssyncset.done $0x0  }
0x198: {  	[sflag:s6] =	ssyncadd.s32 $0xFFFFFF83  }
0x199: {  	[spmem:s3] =	stream.indirect.scatter.add.f32 [tilespmem:s9], [sflag:$0x1], $0x1, s2, s10, $0xb8;
	[tilespmem:$0xA100] =	vst v63  }
0x19a: {  	_ =	swait.ge [sflag:s6], $0x7D  }
0x19b: {  	s2 =	sld [smem:$0x7EA]  }
0x19c: {  	[sflag:s6] =	ssyncset.done $0x0  }
0x19d: {  	[sflag:s6] =	ssyncadd.s32 $0xFFFFFF83  }
0x19e: {  	[spmem:s3] =	stream.indirect.scatter.add.f32 [tilespmem:s9], [sflag:$0x1], $0x1, s2, s10, $0xb8;
	[tilespmem:$0xA100] =	vst v63  }
0x19f: {  	_ =	swait.ge [sflag:s6], $0x7D  }
0x1a0: {  	s2 =	sld [smem:$0x7EB]  }
0x1a1: {  	[sflag:s6] =	ssyncset.done $0x0  }
0x1a2: {  	[sflag:s6] =	ssyncadd.s32 $0xFFFFFF83  }
0x1a3: {  	[spmem:s3] =	stream.indirect.scatter.add.f32 [tilespmem:s9], [sflag:$0x1], $0x1, s2, s10, $0xb8;
	[tilespmem:$0xA100] =	vst v63  }
0x1a4: {  	_ =	swait.ge [sflag:s6], $0x7D  }
0x1a5: {  	s2 =	sld [smem:$0x7EC]  }
0x1a6: {  	[sflag:s6] =	ssyncset.done $0x0  }
0x1a7: {  	[sflag:s6] =	ssyncadd.s32 $0xFFFFFF83  }
0x1a8: {  	[spmem:s3] =	stream.indirect.scatter.add.f32 [tilespmem:s9], [sflag:$0x1], $0x1, s2, s10, $0xb8;
	[tilespmem:$0xA100] =	vst v63  }
0x1a9: {  	_ =	swait.ge [sflag:s6], $0x7D  }
0x1aa: {  	s2 =	sld [smem:$0x7ED]  }
0x1ab: {  	[sflag:s6] =	ssyncset.done $0x0  }
0x1ac: {  	[sflag:s6] =	ssyncadd.s32 $0xFFFFFF83  }
0x1ad: {  	[spmem:s3] =	stream.indirect.scatter.add.f32 [tilespmem:s9], [sflag:$0x1], $0x1, s2, s10, $0xb8;
	[tilespmem:$0xA100] =	vst v63  }
0x1ae: {  	_ =	swait.ge [sflag:s6], $0x7D  }
0x1af: {  	s2 =	sld [smem:$0x7EE]  }
0x1b0: {  	[sflag:s6] =	ssyncset.done $0x0  }
0x1b1: {  	[sflag:s6] =	ssyncadd.s32 $0xFFFFFF83  }
0x1b2: {  	[spmem:s3] =	stream.indirect.scatter.add.f32 [tilespmem:s9], [sflag:$0x1], $0x1, s2, s10, $0xb8;
	[tilespmem:$0xA100] =	vst v63  }
0x1b3: {  	_ =	swait.ge [sflag:s6], $0x7D  }
0x1b4: {  	s2 =	sld [smem:$0x7EF]  }
0x1b5: {  	[sflag:s6] =	ssyncset.done $0x0  }
0x1b6: {  	[sflag:s6] =	ssyncadd.s32 $0xFFFFFF83  }
0x1b7: {  	[spmem:s3] =	stream.indirect.scatter.add.f32 [tilespmem:s9], [sflag:$0x1], $0x1, s2, s10, $0xb8;
	[tilespmem:$0xA100] =	vst v63  }
0x1b8: {  	_ =	swait.ge [sflag:s6], $0x7D  }
0x1b9: {  	s2 =	sld [smem:$0x7F0]  }
0x1ba: {  	[sflag:s6] =	ssyncset.done $0x0  }
0x1bb: {  	[sflag:s6] =	ssyncadd.s32 $0xFFFFFF83  }
0x1bc: {  	[spmem:s3] =	stream.indirect.scatter.add.f32 [tilespmem:s9], [sflag:$0x1], $0x1, s2, s10, $0xb8;
	[tilespmem:$0xA100] =	vst v63  }
0x1bd: {  	_ =	swait.ge [sflag:s6], $0x7D  }
0x1be: {  	s2 =	sld [smem:$0x7F1]  }
0x1bf: {  	[sflag:s6] =	ssyncset.done $0x0  }
0x1c0: {  	[sflag:s6] =	ssyncadd.s32 $0xFFFFFF83  }
0x1c1: {  	[spmem:s3] =	stream.indirect.scatter.add.f32 [tilespmem:s9], [sflag:$0x1], $0x1, s2, s10, $0xb8;
	[tilespmem:$0xA100] =	vst v63  }
0x1c2: {  	_ =	swait.ge [sflag:s6], $0x7D  }
0x1c3: {  	s2 =	sld [smem:$0x7F2]  }
0x1c4: {  	[sflag:s6] =	ssyncset.done $0x0  }
0x1c5: {  	[sflag:s6] =	ssyncadd.s32 $0xFFFFFF83  }
0x1c6: {  	[spmem:s3] =	stream.indirect.scatter.add.f32 [tilespmem:s9], [sflag:$0x1], $0x1, s2, s10, $0xb8;
	[tilespmem:$0xA100] =	vst v63  }
0x1c7: {  	_ =	swait.ge [sflag:s6], $0x7D  }
0x1c8: {  	s2 =	sld [smem:$0x7F3]  }
0x1c9: {  	[sflag:s6] =	ssyncset.done $0x0  }
0x1ca: {  	[sflag:s6] =	ssyncadd.s32 $0xFFFFFF83  }
0x1cb: {  	[spmem:s3] =	stream.indirect.scatter.add.f32 [tilespmem:s9], [sflag:$0x1], $0x1, s2, s10, $0xb8;
	[tilespmem:$0xA100] =	vst v63  }
0x1cc: {  	_ =	swait.ge [sflag:s6], $0x7D  }
0x1cd: {  	s2 =	sld [smem:$0x7F4]  }
0x1ce: {  	[sflag:s6] =	ssyncset.done $0x0  }
0x1cf: {  	[sflag:s6] =	ssyncadd.s32 $0xFFFFFF83  }
0x1d0: {  	[spmem:s3] =	stream.indirect.scatter.add.f32 [tilespmem:s9], [sflag:$0x1], $0x1, s2, s10, $0xb8;
	[tilespmem:$0xA100] =	vst v63  }
0x1d1: {  	_ =	swait.ge [sflag:s6], $0x7D  }
0x1d2: {  	s2 =	sld [smem:$0x7F5]  }
0x1d3: {  	[sflag:s6] =	ssyncset.done $0x0  }
0x1d4: {  	[sflag:s6] =	ssyncadd.s32 $0xFFFFFF83  }
0x1d5: {  	[spmem:s3] =	stream.indirect.scatter.add.f32 [tilespmem:s9], [sflag:$0x1], $0x1, s2, s10, $0xb8;
	[tilespmem:$0xA100] =	vst v63  }
0x1d6: {  	_ =	swait.ge [sflag:s6], $0x7D  }
0x1d7: {  	s2 =	sld [smem:$0x7F6]  }
0x1d8: {  	[sflag:s6] =	ssyncset.done $0x0  }
0x1d9: {  	[sflag:s6] =	ssyncadd.s32 $0xFFFFFF83  }
0x1da: {  	[spmem:s3] =	stream.indirect.scatter.add.f32 [tilespmem:s9], [sflag:$0x1], $0x1, s2, s10, $0xb8;
	[tilespmem:$0xA100] =	vst v63  }
0x1db: {  	_ =	swait.ge [sflag:s6], $0x7D  }
0x1dc: {  	s2 =	sld [smem:$0x7F7]  }
0x1dd: {  	[sflag:s6] =	ssyncset.done $0x0  }
0x1de: {  	[sflag:s6] =	ssyncadd.s32 $0xFFFFFF83  }
0x1df: {  	[spmem:s3] =	stream.indirect.scatter.add.f32 [tilespmem:s9], [sflag:$0x1], $0x1, s2, s10, $0xb8;
	[tilespmem:$0xA100] =	vst v63  }
0x1e0: {  	_ =	swait.ge [sflag:s6], $0x7D  }
0x1e1: {  	s2 =	sld [smem:$0x7F8]  }
0x1e2: {  	[sflag:s6] =	ssyncset.done $0x0  }
0x1e3: {  	[sflag:s6] =	ssyncadd.s32 $0xFFFFFF83  }
0x1e4: {  	[spmem:s3] =	stream.indirect.scatter.add.f32 [tilespmem:s9], [sflag:$0x1], $0x1, s2, s10, $0xb8;
	[tilespmem:$0xA100] =	vst v63  }
0x1e5: {  	_ =	swait.ge [sflag:s6], $0x7D  }
0x1e6: {  	s2 =	sld [smem:$0x7F9]  }
0x1e7: {  	[sflag:s6] =	ssyncset.done $0x0  }
0x1e8: {  	[sflag:s6] =	ssyncadd.s32 $0xFFFFFF83  }
0x1e9: {  	[spmem:s3] =	stream.indirect.scatter.add.f32 [tilespmem:s9], [sflag:$0x1], $0x1, s2, s10, $0xb8;
	[tilespmem:$0xA100] =	vst v63  }
0x1ea: {  	_ =	swait.ge [sflag:s6], $0x7D  }
0x1eb: {  	s2 =	sld [smem:$0x7FA]  }
0x1ec: {  	[sflag:s6] =	ssyncset.done $0x0  }
0x1ed: {  	[sflag:s6] =	ssyncadd.s32 $0xFFFFFF83  }
0x1ee: {  	[spmem:s3] =	stream.indirect.scatter.add.f32 [tilespmem:s9], [sflag:$0x1], $0x1, s2, s10, $0xb8;
	[tilespmem:$0xA100] =	vst v63  }
0x1ef: {  	_ =	swait.ge [sflag:s6], $0x7D  }
0x1f0: {  	s2 =	sld [smem:$0x7FB]  }
0x1f1: {  	[sflag:s6] =	ssyncset.done $0x0  }
0x1f2: {  	[sflag:s6] =	ssyncadd.s32 $0xFFFFFF83  }
0x1f3: {  	[spmem:s3] =	stream.indirect.scatter.add.f32 [tilespmem:s9], [sflag:$0x1], $0x1, s2, s10, $0xb8;
	[tilespmem:$0xA100] =	vst v63  }
0x1f4: {  	_ =	swait.ge [sflag:s6], $0x7D  }
0x1f5: {  	s2 =	sld [smem:$0x7FC]  }
0x1f6: {  	[sflag:s6] =	ssyncset.done $0x0  }
0x1f7: {  	[sflag:s6] =	ssyncadd.s32 $0xFFFFFF83  }
0x1f8: {  	[spmem:s3] =	stream.indirect.scatter.add.f32 [tilespmem:s9], [sflag:$0x1], $0x1, s2, s10, $0xb8;
	[tilespmem:$0xA100] =	vst v63  }
0x1f9: {  	_ =	swait.ge [sflag:s6], $0x7D  }
0x1fa: {  	s2 =	sld [smem:$0x7FD]  }
0x1fb: {  	[sflag:s6] =	ssyncset.done $0x0  }
0x1fc: {  	[sflag:s6] =	ssyncadd.s32 $0xFFFFFF83  }
0x1fd: {  	[spmem:s3] =	stream.indirect.scatter.add.f32 [tilespmem:s9], [sflag:$0x1], $0x1, s2, s10, $0xb8;
	[tilespmem:$0xA100] =	vst v63  }
0x1fe: {  	_ =	swait.ge [sflag:s6], $0x7D  }
0x1ff: {  	[sflag:s6] =	ssyncset.done $0x0  }
0x200: {  	[sflag:s6] =	ssyncadd.s32 $0xFFFFFF83  }
0x201: {  	[spmem:s3] =	stream.indirect.scatter.add.f32 [tilespmem:s9], [sflag:$0x1], $0x1, s22, s10, $0xb8;
	[tilespmem:$0xA100] =	vst v63  }
0x202: {  	_ =	swait.ge [sflag:s6], $0x7D  }
0x203: {  	[sflag:s6] =	ssyncset.done $0x0  }
0x204: {  	[sflag:s6] =	ssyncadd.s32 $0xFFFFFF83  }
0x205: {  	[spmem:s3] =	stream.indirect.scatter.add.f32 [tilespmem:s9], [sflag:$0x1], $0x1, s21, s10, $0xb8;
	[tilespmem:$0xA100] =	vst v63  }
0x206: {  	_ =	swait.ge [sflag:s6], $0x7D  }
0x207: {  	[sflag:s6] =	ssyncset.done $0x0  }
0x208: {  	[sflag:s6] =	ssyncadd.s32 $0xFFFFFF83  }
0x209: {  	[spmem:s3] =	stream.indirect.scatter.add.f32 [tilespmem:s9], [sflag:$0x1], $0x1, s20, s10, $0xb8;
	[tilespmem:$0xA100] =	vst v63  }
0x20a: {  	_ =	swait.ge [sflag:s6], $0x7D  }
0x20b: {  	[sflag:s6] =	ssyncset.done $0x0  }
0x20c: {  	[sflag:s6] =	ssyncadd.s32 $0xFFFFFF83  }
0x20d: {  	[spmem:s3] =	stream.indirect.scatter.add.f32 [tilespmem:s9], [sflag:$0x1], $0x1, s19, s10, $0xb8;
	[tilespmem:$0xA100] =	vst v63  }
0x20e: {  	_ =	swait.ge [sflag:s6], $0x7D  }
0x20f: {  	[sflag:s6] =	ssyncset.done $0x0  }
0x210: {  	[sflag:s6] =	ssyncadd.s32 $0xFFFFFF83  }
0x211: {  	[spmem:s3] =	stream.indirect.scatter.add.f32 [tilespmem:s9], [sflag:$0x1], $0x1, s18, s10, $0xb8;
	[tilespmem:$0xA100] =	vst v63  }
0x212: {  	_ =	swait.ge [sflag:s6], $0x7D  }
0x213: {  	[sflag:s6] =	ssyncset.done $0x0  }
0x214: {  	[sflag:s6] =	ssyncadd.s32 $0xFFFFFF83  }
0x215: {  	[spmem:s3] =	stream.indirect.scatter.add.f32 [tilespmem:s9], [sflag:$0x1], $0x1, s17, s10, $0xb8;
	[tilespmem:$0xA100] =	vst v63  }
0x216: {  	_ =	swait.ge [sflag:s6], $0x7D  }
0x217: {  	[sflag:s6] =	ssyncset.done $0x0  }
0x218: {  	[sflag:s6] =	ssyncadd.s32 $0xFFFFFF83  }
0x219: {  	[spmem:s3] =	stream.indirect.scatter.add.f32 [tilespmem:s9], [sflag:$0x1], $0x1, s16, s10, $0xb8;
	[tilespmem:$0xA100] =	vst v63  }
0x21a: {  	_ =	swait.ge [sflag:s6], $0x7D  }
0x21b: {  	[sflag:s6] =	ssyncset.done $0x0  }
0x21c: {  	[sflag:s6] =	ssyncadd.s32 $0xFFFFFF83  }
0x21d: {  	[spmem:s3] =	stream.indirect.scatter.add.f32 [tilespmem:s9], [sflag:$0x1], $0x1, s15, s10, $0xb8;
	[tilespmem:$0xA100] =	vst v63  }
0x21e: {  	_ =	swait.ge [sflag:s6], $0x7D  }
0x21f: {  	[sflag:s6] =	ssyncset.done $0x0  }
0x220: {  	[sflag:s6] =	ssyncadd.s32 $0xFFFFFF83  }
0x221: {  	[spmem:s3] =	stream.indirect.scatter.add.f32 [tilespmem:s9], [sflag:$0x1], $0x1, s14, s10, $0xb8;
	[tilespmem:$0xA100] =	vst v63  }
0x222: {  	_ =	swait.ge [sflag:s6], $0x7D  }
0x223: {  	[sflag:s6] =	ssyncset.done $0x0  }
0x224: {  	[sflag:s6] =	ssyncadd.s32 $0xFFFFFF83  }
0x225: {  	[spmem:s3] =	stream.indirect.scatter.add.f32 [tilespmem:s9], [sflag:$0x1], $0x1, s13, s10, $0xb8;
	[tilespmem:$0xA100] =	vst v63  }
0x226: {  	_ =	swait.ge [sflag:s6], $0x7D  }
0x227: {  	[sflag:s6] =	ssyncset.done $0x0  }
0x228: {  	[sflag:s6] =	ssyncadd.s32 $0xFFFFFF83  }
0x229: {  	[spmem:s3] =	stream.indirect.scatter.add.f32 [tilespmem:s9], [sflag:$0x1], $0x1, s12, s10, $0xb8;
	[tilespmem:$0xA100] =	vst v63  }
0x22a: {  	_ =	swait.ge [sflag:s6], $0x7D  }
0x22b: {  	[sflag:s6] =	ssyncset.done $0x0  }
0x22c: {  	[sflag:s6] =	ssyncadd.s32 $0xFFFFFF83  }
0x22d: {  	[spmem:s3] =	stream.indirect.scatter.add.f32 [tilespmem:s9], [sflag:$0x1], $0x1, s11, s10, $0xb8;
	[tilespmem:$0xA100] =	vst v63  }
0x22e: {  	_ =	swait.ge [sflag:s6], $0x7D  }
0x22f: {  	[sflag:s6] =	ssyncset.done $0x0  }
0x230: {  	[sflag:s6] =	ssyncadd.s32 $0xFFFFFF83  }
0x231: {  	_ =	swait.ge [sflag:s6], $0x7D  }
0x232: {  	[sflag:s6] =	ssyncset.done $0x0  }
0x233: {  	[sflag:s6] =	ssyncadd.s32 $0xFFFFFF83  }
0x234: {  	_ =	swait.ge [sflag:s6], $0x7D  }
0x235: {  	[sflag:s6] =	ssyncset.done $0x0  }
0x236: {  	[sflag:s6] =	ssyncadd.s32 $0xFFFFFF83  }
0x237: {  	_ =	swait.ge [sflag:s6], $0x7D  }
0x238: {  	[sflag:s6] =	ssyncset.done $0x0  }
0x239: {  	[sflag:s6] =	ssyncadd.s32 $0xFFFFFF83  }
0x23a: {  	_ =	swait.ge [sflag:s6], $0x7D  }
0x23b: {  	[sflag:s6] =	ssyncset.done $0x0  }
0x23c: {  	[sflag:s6] =	ssyncadd.s32 $0xFFFFFF83  }
0x23d: {  	_ =	swait.ge [sflag:s6], $0x7D  }
0x23e: {  	[sflag:s6] =	ssyncset.done $0x0  }
0x23f: {  	[sflag:s6] =	ssyncadd.s32 $0xFFFFFF83  }
0x240: {  	_ =	swait.ge [sflag:s6], $0x7D  }
0x241: {  	[sflag:s6] =	ssyncset.done $0x0  }
0x242: {  	[sflag:s6] =	ssyncadd.s32 $0xFFFFFF83  }
0x243: {  	_ =	swait.ge [sflag:s6], $0x7D  }
0x244: {  	[sflag:s6] =	ssyncset.done $0x0  }
0x245: {  	[sflag:s6] =	ssyncadd.s32 $0xFFFFFF83  }
0x246: {  	_ =	swait.ge [sflag:s6], $0x7D  }
0x247: {  	[sflag:s6] =	ssyncset.done $0x0  }
0x248: {  	[sflag:s6] =	ssyncadd.s32 $0xFFFFFF83  }
0x249: {  	_ =	swait.ge [sflag:s6], $0x7D  }
0x24a: {  	[sflag:s6] =	ssyncset.done $0x0  }
0x24b: {  	[sflag:s6] =	ssyncadd.s32 $0xFFFFFF83  }
0x24c: {  	_ =	swait.ge [sflag:s6], $0x7D  }
0x24d: {  	[sflag:s6] =	ssyncset.done $0x0  }
0x24e: {  	[sflag:s6] =	ssyncadd.s32 $0xFFFFFF83  }
0x24f: {  	_ =	swait.ge [sflag:s6], $0x7D  }
0x250: {  	[sflag:s6] =	ssyncset.done $0x0  }
0x251: {  	[sflag:s6] =	ssyncadd.s32 $0xFFFFFF83  }
0x252: {  	_ =	swait.ge [sflag:s6], $0x7D  }
0x253: {  	[sflag:s6] =	ssyncset.done $0x0  }
0x254: {  	[sflag:s6] =	ssyncadd.s32 $0xFFFFFF83  }
0x255: {  	_ =	swait.ge [sflag:s6], $0x7D  }
0x256: {  	[sflag:s6] =	ssyncset.done $0x0  }
0x257: {  	[sflag:s6] =	ssyncadd.s32 $0xFFFFFF83  }
0x258: {  	_ =	swait.ge [sflag:s6], $0x7D  }
0x259: {  	[sflag:s6] =	ssyncset.done $0x0  }
0x25a: {  	[sflag:s6] =	ssyncadd.s32 $0xFFFFFF83  }
0x25b: {  	_ =	swait.ge [sflag:s6], $0x7D  }
0x25c: {  	[sflag:s6] =	ssyncset.done $0x0  }
0x25d: {  	[sflag:s6] =	ssyncadd.s32 $0xFFFFFF83  }
0x25e: {  	_ =	swait.ge [sflag:s6], $0x7D  }
0x25f: {  	[sflag:s6] =	ssyncset.done $0x0  }
0x260: {  	[sflag:s6] =	ssyncadd.s32 $0xFFFFFF83  }
0x261: {  	[bflag:$0x0] =	sbarrier.arrive $0xFFFF  }
0x262: {  	s2 =	rddreg [dreg:$0xc]  }
0x263: {  	[smem:$0x7BA] =	sst s31;
	s31 =	sor.u32 $0x1C03, s31  }
0x264: {  	[hbm:s2@s5], [sflag:s31] =	dma.strided [spmem:s4@s8], $0xC80, s6, $0x10   }
0x265: {  	_ =	swait.ge [sflag:s7], $0xC80  }
0x266: {  	[sflag:s7] =	ssyncset.done $0x0  }
0x267: {  	s0 =	sadd.s32 $0xFFFFFFFF, s0;
	s1 =	simm.s32 @!p0 $0x2;
	[sflag:s7] =	ssyncadd.s32 $0xFFFFF380  }
0x268: {  	p2 =	sne.s32 s0, $0x0;
	_ =	swait.ge @!p0 [sflag:s1], $0x800  }
.Ltmp1:
0x269: {  	[sflag:s1] =	ssyncset.done @!p0 $0x0;
	(pc) =	sbr.rel @!p2 .LBB2_3-.Ltmp1, $4  }
0x26a: {  	s2 =	rddreg [dreg:$0x9];
	[sflag:s1] =	ssyncadd.s32 @!p0 $0xFFFFF800  }
0x26b: {  	[hbm4b:s2+s26] =	stream.linear.scatter @!p0 [tilespmem:s30], [sflag:$0x3], $0x800, $0x38;
	[tilespmem:$0xA100] =	vst v63  }
0x26c: {  	_ =	swait.ge @!p0 [sflag:s25], $0x800  }
0x26d: {  	p1 =	por $0x1, $0x1;
	s2 =	rddreg [dreg:$0x5];
	[sflag:s25] =	ssyncset.done @!p0 $0x0  }
.LBB2_4:
0x26e: {  	s8 =	rddreg [dreg:$0xa];
	[sflag:s25] =	ssyncadd.s32 @!p0 $0xFFFFF800  }
0x26f: {  	[spmem:s4], [sflag:s8] =	dma.local [hbm:s2], $0xC80  }
0x270: {  	s2 =	rddreg [dreg:$0xb]  }
0x271: {  	[tilespmem:s23], [sflag:$0x2] =	stream.linear.gather [hbm4b:s2+s23], $0x3200, $0x38;
	[tilespmem:$0xA100] =	vst v63  }
0x272: {  	s8 =	rddreg [dreg:$0x6]  }
0x273: {  	[tilespmem:s9], [sflag:$0x2] =	stream.linear.gather [hbm4b:s8+s23], $0x80, $0x38;
	[tilespmem:$0xA100] =	vst v63  }
0x274: {  	_ =	swait.ge [sflag:s24], $0xC80  }
0x275: {  	[sflag:s24] =	ssyncset.done $0x0  }
0x276: {  	[sflag:s24] =	ssyncadd.s32 $0xFFFFF380  }
0x277: {  	_ =	swait.ge [sflag:s24], $0x3200  }
0x278: {  	[sflag:s24] =	ssyncset.done $0x0  }
0x279: {  	[sflag:s24] =	ssyncadd.s32 $0xFFFFCE00  }
0x27a: {  	_ =	swait.ge [sflag:s24], $0x80  }
0x27b: {  	[sflag:s24] =	ssyncset.done $0x0  }
0x27c: {  	[sflag:s24] =	ssyncadd.s32 $0xFFFFFF80  }
0x27d: {  	[bflag:$0x0] =	sbarrier.arrive $0xFFFF  }
0x27e: {  	s2 =	rddreg [dreg:$0x7]  }
0x27f: {  	[tilespmem:s28], [sflag:$0x3] =	stream.linear.gather @!p0 [hbm4b:s2+s26], $0x80, $0x38;
	[tilespmem:$0xA100] =	vst v63  }
0x280: {  	_ =	swait.ge @!p0 [sflag:s25], $0x80  }
0x281: {  	[sflag:s25] =	ssyncset.done @!p0 $0x0  }
0x282: {  	s2 =	rddreg [dreg:$0x8];
	[sflag:s25] =	ssyncadd.s32 @!p0 $0xFFFFFF80  }
0x283: {  	[tilespmem:s30], [sflag:$0x2] =	stream.indirect.gather @!p0 [hbm4b:s2+s29], $0x80, s28, s29, $0xb8;
	[tilespmem:$0xA100] =	vst v63  }
0x284: {  	_ = 	snop  }
0x285: {  	[spmem:s3] =	stream.indirect.scatter.add.f32 [tilespmem:s9], [sflag:$0x1], $0x1, s23, s10, $0xb8;
	[tilespmem:$0xA100] =	vst v63  }
0x286: {  	_ = 	snop  }
0x287: {  	[spmem:s3] =	stream.indirect.scatter.add.f32 [tilespmem:s9], [sflag:$0x1], $0x1, s5, s10, $0xb8;
	[tilespmem:$0xA100] =	vst v63  }
0x288: {  	s2 =	rddreg [dreg:$0xd]  }
0x289: {  	[spmem:s3] =	stream.indirect.scatter.add.f32 [tilespmem:s9], [sflag:$0x1], $0x1, s2, s10, $0xb8;
	[tilespmem:$0xA100] =	vst v63  }
0x28a: {  	s8 =	rddreg [dreg:$0xe]  }
0x28b: {  	[spmem:s3] =	stream.indirect.scatter.add.f32 [tilespmem:s9], [sflag:$0x1], $0x1, s8, s10, $0xb8;
	[tilespmem:$0xA100] =	vst v63  }
0x28c: {  	s2 =	rddreg [dreg:$0xf]  }
0x28d: {  	[spmem:s3] =	stream.indirect.scatter.add.f32 [tilespmem:s9], [sflag:$0x1], $0x1, s2, s10, $0xb8;
	[tilespmem:$0xA100] =	vst v63  }
0x28e: {  	s8 =	rddreg [dreg:$0x10]  }
0x28f: {  	[spmem:s3] =	stream.indirect.scatter.add.f32 [tilespmem:s9], [sflag:$0x1], $0x1, s8, s10, $0xb8;
	[tilespmem:$0xA100] =	vst v63  }
0x290: {  	s2 =	rddreg [dreg:$0x11]  }
0x291: {  	[spmem:s3] =	stream.indirect.scatter.add.f32 [tilespmem:s9], [sflag:$0x1], $0x1, s2, s10, $0xb8;
	[tilespmem:$0xA100] =	vst v63  }
0x292: {  	s8 =	rddreg [dreg:$0x12]  }
0x293: {  	[spmem:s3] =	stream.indirect.scatter.add.f32 [tilespmem:s9], [sflag:$0x1], $0x1, s8, s10, $0xb8;
	[tilespmem:$0xA100] =	vst v63  }
0x294: {  	s2 =	rddreg [dreg:$0x13]  }
0x295: {  	[spmem:s3] =	stream.indirect.scatter.add.f32 [tilespmem:s9], [sflag:$0x1], $0x1, s2, s10, $0xb8;
	[tilespmem:$0xA100] =	vst v63  }
0x296: {  	s8 =	rddreg [dreg:$0x14]  }
0x297: {  	[spmem:s3] =	stream.indirect.scatter.add.f32 [tilespmem:s9], [sflag:$0x1], $0x1, s8, s10, $0xb8;
	[tilespmem:$0xA100] =	vst v63  }
0x298: {  	s2 =	rddreg [dreg:$0x15]  }
0x299: {  	[spmem:s3] =	stream.indirect.scatter.add.f32 [tilespmem:s9], [sflag:$0x1], $0x1, s2, s10, $0xb8;
	[tilespmem:$0xA100] =	vst v63  }
0x29a: {  	s8 =	rddreg [dreg:$0x16]  }
0x29b: {  	[spmem:s3] =	stream.indirect.scatter.add.f32 [tilespmem:s9], [sflag:$0x1], $0x1, s8, s10, $0xb8;
	[tilespmem:$0xA100] =	vst v63  }
0x29c: {  	s2 =	rddreg [dreg:$0x17]  }
0x29d: {  	[spmem:s3] =	stream.indirect.scatter.add.f32 [tilespmem:s9], [sflag:$0x1], $0x1, s2, s10, $0xb8;
	[tilespmem:$0xA100] =	vst v63  }
0x29e: {  	s8 =	rddreg [dreg:$0x18]  }
0x29f: {  	[spmem:s3] =	stream.indirect.scatter.add.f32 [tilespmem:s9], [sflag:$0x1], $0x1, s8, s10, $0xb8;
	[tilespmem:$0xA100] =	vst v63  }
0x2a0: {  	s2 =	rddreg [dreg:$0x19]  }
0x2a1: {  	[spmem:s3] =	stream.indirect.scatter.add.f32 [tilespmem:s9], [sflag:$0x1], $0x1, s2, s10, $0xb8;
	[tilespmem:$0xA100] =	vst v63  }
0x2a2: {  	s8 =	rddreg [dreg:$0x1a]  }
0x2a3: {  	[spmem:s3] =	stream.indirect.scatter.add.f32 [tilespmem:s9], [sflag:$0x1], $0x1, s8, s10, $0xb8;
	[tilespmem:$0xA100] =	vst v63  }
0x2a4: {  	s2 =	rddreg [dreg:$0x1b]  }
0x2a5: {  	[spmem:s3] =	stream.indirect.scatter.add.f32 [tilespmem:s9], [sflag:$0x1], $0x1, s2, s10, $0xb8;
	[tilespmem:$0xA100] =	vst v63  }
0x2a6: {  	_ =	swait.ge [sflag:s6], $0x7D  }
0x2a7: {  	[sflag:s6] =	ssyncset.done $0x0  }
0x2a8: {  	s2 =	rddreg [dreg:$0x1c];
	[sflag:s6] =	ssyncadd.s32 $0xFFFFFF83  }
0x2a9: {  	[spmem:s3] =	stream.indirect.scatter.add.f32 [tilespmem:s9], [sflag:$0x1], $0x1, s2, s10, $0xb8;
	[tilespmem:$0xA100] =	vst v63  }
0x2aa: {  	_ =	swait.ge [sflag:s6], $0x7D  }
0x2ab: {  	[sflag:s6] =	ssyncset.done $0x0  }
0x2ac: {  	s2 =	rddreg [dreg:$0x1d];
	[sflag:s6] =	ssyncadd.s32 $0xFFFFFF83  }
0x2ad: {  	[spmem:s3] =	stream.indirect.scatter.add.f32 [tilespmem:s9], [sflag:$0x1], $0x1, s2, s10, $0xb8;
	[tilespmem:$0xA100] =	vst v63  }
0x2ae: {  	_ =	swait.ge [sflag:s6], $0x7D  }
0x2af: {  	[sflag:s6] =	ssyncset.done $0x0  }
0x2b0: {  	s2 =	rddreg [dreg:$0x1e];
	[sflag:s6] =	ssyncadd.s32 $0xFFFFFF83  }
0x2b1: {  	[spmem:s3] =	stream.indirect.scatter.add.f32 [tilespmem:s9], [sflag:$0x1], $0x1, s2, s10, $0xb8;
	[tilespmem:$0xA100] =	vst v63  }
0x2b2: {  	_ =	swait.ge [sflag:s6], $0x7D  }
0x2b3: {  	[sflag:s6] =	ssyncset.done $0x0  }
0x2b4: {  	s2 =	rddreg [dreg:$0x1f];
	[sflag:s6] =	ssyncadd.s32 $0xFFFFFF83  }
0x2b5: {  	[spmem:s3] =	stream.indirect.scatter.add.f32 [tilespmem:s9], [sflag:$0x1], $0x1, s2, s10, $0xb8;
	[tilespmem:$0xA100] =	vst v63  }
0x2b6: {  	_ =	swait.ge [sflag:s6], $0x7D  }
0x2b7: {  	s2 =	sld [smem:$0x7BB]  }
0x2b8: {  	[sflag:s6] =	ssyncset.done $0x0  }
0x2b9: {  	[sflag:s6] =	ssyncadd.s32 $0xFFFFFF83  }
0x2ba: {  	[spmem:s3] =	stream.indirect.scatter.add.f32 [tilespmem:s9], [sflag:$0x1], $0x1, s2, s10, $0xb8;
	[tilespmem:$0xA100] =	vst v63  }
0x2bb: {  	_ =	swait.ge [sflag:s6], $0x7D  }
0x2bc: {  	s2 =	sld [smem:$0x7BC]  }
0x2bd: {  	[sflag:s6] =	ssyncset.done $0x0  }
0x2be: {  	[sflag:s6] =	ssyncadd.s32 $0xFFFFFF83  }
0x2bf: {  	[spmem:s3] =	stream.indirect.scatter.add.f32 [tilespmem:s9], [sflag:$0x1], $0x1, s2, s10, $0xb8;
	[tilespmem:$0xA100] =	vst v63  }
0x2c0: {  	_ =	swait.ge [sflag:s6], $0x7D  }
0x2c1: {  	s2 =	sld [smem:$0x7BD]  }
0x2c2: {  	[sflag:s6] =	ssyncset.done $0x0  }
0x2c3: {  	[sflag:s6] =	ssyncadd.s32 $0xFFFFFF83  }
0x2c4: {  	[spmem:s3] =	stream.indirect.scatter.add.f32 [tilespmem:s9], [sflag:$0x1], $0x1, s2, s10, $0xb8;
	[tilespmem:$0xA100] =	vst v63  }
0x2c5: {  	_ =	swait.ge [sflag:s6], $0x7D  }
0x2c6: {  	s2 =	sld [smem:$0x7BE]  }
0x2c7: {  	[sflag:s6] =	ssyncset.done $0x0  }
0x2c8: {  	[sflag:s6] =	ssyncadd.s32 $0xFFFFFF83  }
0x2c9: {  	[spmem:s3] =	stream.indirect.scatter.add.f32 [tilespmem:s9], [sflag:$0x1], $0x1, s2, s10, $0xb8;
	[tilespmem:$0xA100] =	vst v63  }
0x2ca: {  	_ =	swait.ge [sflag:s6], $0x7D  }
0x2cb: {  	s2 =	sld [smem:$0x7BF]  }
0x2cc: {  	[sflag:s6] =	ssyncset.done $0x0  }
0x2cd: {  	[sflag:s6] =	ssyncadd.s32 $0xFFFFFF83  }
0x2ce: {  	[spmem:s3] =	stream.indirect.scatter.add.f32 [tilespmem:s9], [sflag:$0x1], $0x1, s2, s10, $0xb8;
	[tilespmem:$0xA100] =	vst v63  }
0x2cf: {  	_ =	swait.ge [sflag:s6], $0x7D  }
0x2d0: {  	s2 =	sld [smem:$0x7C0]  }
0x2d1: {  	[sflag:s6] =	ssyncset.done $0x0  }
0x2d2: {  	[sflag:s6] =	ssyncadd.s32 $0xFFFFFF83  }
0x2d3: {  	[spmem:s3] =	stream.indirect.scatter.add.f32 [tilespmem:s9], [sflag:$0x1], $0x1, s2, s10, $0xb8;
	[tilespmem:$0xA100] =	vst v63  }
0x2d4: {  	_ =	swait.ge [sflag:s6], $0x7D  }
0x2d5: {  	s2 =	sld [smem:$0x7C1]  }
0x2d6: {  	[sflag:s6] =	ssyncset.done $0x0  }
0x2d7: {  	[sflag:s6] =	ssyncadd.s32 $0xFFFFFF83  }
0x2d8: {  	[spmem:s3] =	stream.indirect.scatter.add.f32 [tilespmem:s9], [sflag:$0x1], $0x1, s2, s10, $0xb8;
	[tilespmem:$0xA100] =	vst v63  }
0x2d9: {  	_ =	swait.ge [sflag:s6], $0x7D  }
0x2da: {  	s2 =	sld [smem:$0x7C2]  }
0x2db: {  	[sflag:s6] =	ssyncset.done $0x0  }
0x2dc: {  	[sflag:s6] =	ssyncadd.s32 $0xFFFFFF83  }
0x2dd: {  	[spmem:s3] =	stream.indirect.scatter.add.f32 [tilespmem:s9], [sflag:$0x1], $0x1, s2, s10, $0xb8;
	[tilespmem:$0xA100] =	vst v63  }
0x2de: {  	_ =	swait.ge [sflag:s6], $0x7D  }
0x2df: {  	s2 =	sld [smem:$0x7C3]  }
0x2e0: {  	[sflag:s6] =	ssyncset.done $0x0  }
0x2e1: {  	[sflag:s6] =	ssyncadd.s32 $0xFFFFFF83  }
0x2e2: {  	[spmem:s3] =	stream.indirect.scatter.add.f32 [tilespmem:s9], [sflag:$0x1], $0x1, s2, s10, $0xb8;
	[tilespmem:$0xA100] =	vst v63  }
0x2e3: {  	_ =	swait.ge [sflag:s6], $0x7D  }
0x2e4: {  	s2 =	sld [smem:$0x7C4]  }
0x2e5: {  	[sflag:s6] =	ssyncset.done $0x0  }
0x2e6: {  	[sflag:s6] =	ssyncadd.s32 $0xFFFFFF83  }
0x2e7: {  	[spmem:s3] =	stream.indirect.scatter.add.f32 [tilespmem:s9], [sflag:$0x1], $0x1, s2, s10, $0xb8;
	[tilespmem:$0xA100] =	vst v63  }
0x2e8: {  	_ =	swait.ge [sflag:s6], $0x7D  }
0x2e9: {  	s2 =	sld [smem:$0x7C5]  }
0x2ea: {  	[sflag:s6] =	ssyncset.done $0x0  }
0x2eb: {  	[sflag:s6] =	ssyncadd.s32 $0xFFFFFF83  }
0x2ec: {  	[spmem:s3] =	stream.indirect.scatter.add.f32 [tilespmem:s9], [sflag:$0x1], $0x1, s2, s10, $0xb8;
	[tilespmem:$0xA100] =	vst v63  }
0x2ed: {  	_ =	swait.ge [sflag:s6], $0x7D  }
0x2ee: {  	s2 =	sld [smem:$0x7C6]  }
0x2ef: {  	[sflag:s6] =	ssyncset.done $0x0  }
0x2f0: {  	[sflag:s6] =	ssyncadd.s32 $0xFFFFFF83  }
0x2f1: {  	[spmem:s3] =	stream.indirect.scatter.add.f32 [tilespmem:s9], [sflag:$0x1], $0x1, s2, s10, $0xb8;
	[tilespmem:$0xA100] =	vst v63  }
0x2f2: {  	_ =	swait.ge [sflag:s6], $0x7D  }
0x2f3: {  	s2 =	sld [smem:$0x7C7]  }
0x2f4: {  	[sflag:s6] =	ssyncset.done $0x0  }
0x2f5: {  	[sflag:s6] =	ssyncadd.s32 $0xFFFFFF83  }
0x2f6: {  	[spmem:s3] =	stream.indirect.scatter.add.f32 [tilespmem:s9], [sflag:$0x1], $0x1, s2, s10, $0xb8;
	[tilespmem:$0xA100] =	vst v63  }
0x2f7: {  	_ =	swait.ge [sflag:s6], $0x7D  }
0x2f8: {  	s2 =	sld [smem:$0x7C8]  }
0x2f9: {  	[sflag:s6] =	ssyncset.done $0x0  }
0x2fa: {  	[sflag:s6] =	ssyncadd.s32 $0xFFFFFF83  }
0x2fb: {  	[spmem:s3] =	stream.indirect.scatter.add.f32 [tilespmem:s9], [sflag:$0x1], $0x1, s2, s10, $0xb8;
	[tilespmem:$0xA100] =	vst v63  }
0x2fc: {  	_ =	swait.ge [sflag:s6], $0x7D  }
0x2fd: {  	s2 =	sld [smem:$0x7C9]  }
0x2fe: {  	[sflag:s6] =	ssyncset.done $0x0  }
0x2ff: {  	[sflag:s6] =	ssyncadd.s32 $0xFFFFFF83  }
0x300: {  	[spmem:s3] =	stream.indirect.scatter.add.f32 [tilespmem:s9], [sflag:$0x1], $0x1, s2, s10, $0xb8;
	[tilespmem:$0xA100] =	vst v63  }
0x301: {  	_ =	swait.ge [sflag:s6], $0x7D  }
0x302: {  	s2 =	sld [smem:$0x7CA]  }
0x303: {  	[sflag:s6] =	ssyncset.done $0x0  }
0x304: {  	[sflag:s6] =	ssyncadd.s32 $0xFFFFFF83  }
0x305: {  	[spmem:s3] =	stream.indirect.scatter.add.f32 [tilespmem:s9], [sflag:$0x1], $0x1, s2, s10, $0xb8;
	[tilespmem:$0xA100] =	vst v63  }
0x306: {  	_ =	swait.ge [sflag:s6], $0x7D  }
0x307: {  	s2 =	sld [smem:$0x7CB]  }
0x308: {  	[sflag:s6] =	ssyncset.done $0x0  }
0x309: {  	[sflag:s6] =	ssyncadd.s32 $0xFFFFFF83  }
0x30a: {  	[spmem:s3] =	stream.indirect.scatter.add.f32 [tilespmem:s9], [sflag:$0x1], $0x1, s2, s10, $0xb8;
	[tilespmem:$0xA100] =	vst v63  }
0x30b: {  	_ =	swait.ge [sflag:s6], $0x7D  }
0x30c: {  	s2 =	sld [smem:$0x7CC]  }
0x30d: {  	[sflag:s6] =	ssyncset.done $0x0  }
0x30e: {  	[sflag:s6] =	ssyncadd.s32 $0xFFFFFF83  }
0x30f: {  	[spmem:s3] =	stream.indirect.scatter.add.f32 [tilespmem:s9], [sflag:$0x1], $0x1, s2, s10, $0xb8;
	[tilespmem:$0xA100] =	vst v63  }
0x310: {  	_ =	swait.ge [sflag:s6], $0x7D  }
0x311: {  	s2 =	sld [smem:$0x7CD]  }
0x312: {  	[sflag:s6] =	ssyncset.done $0x0  }
0x313: {  	[sflag:s6] =	ssyncadd.s32 $0xFFFFFF83  }
0x314: {  	[spmem:s3] =	stream.indirect.scatter.add.f32 [tilespmem:s9], [sflag:$0x1], $0x1, s2, s10, $0xb8;
	[tilespmem:$0xA100] =	vst v63  }
0x315: {  	_ =	swait.ge [sflag:s6], $0x7D  }
0x316: {  	s2 =	sld [smem:$0x7CE]  }
0x317: {  	[sflag:s6] =	ssyncset.done $0x0  }
0x318: {  	[sflag:s6] =	ssyncadd.s32 $0xFFFFFF83  }
0x319: {  	[spmem:s3] =	stream.indirect.scatter.add.f32 [tilespmem:s9], [sflag:$0x1], $0x1, s2, s10, $0xb8;
	[tilespmem:$0xA100] =	vst v63  }
0x31a: {  	_ =	swait.ge [sflag:s6], $0x7D  }
0x31b: {  	s2 =	sld [smem:$0x7CF]  }
0x31c: {  	[sflag:s6] =	ssyncset.done $0x0  }
0x31d: {  	[sflag:s6] =	ssyncadd.s32 $0xFFFFFF83  }
0x31e: {  	[spmem:s3] =	stream.indirect.scatter.add.f32 [tilespmem:s9], [sflag:$0x1], $0x1, s2, s10, $0xb8;
	[tilespmem:$0xA100] =	vst v63  }
0x31f: {  	_ =	swait.ge [sflag:s6], $0x7D  }
0x320: {  	s2 =	sld [smem:$0x7D0]  }
0x321: {  	[sflag:s6] =	ssyncset.done $0x0  }
0x322: {  	[sflag:s6] =	ssyncadd.s32 $0xFFFFFF83  }
0x323: {  	[spmem:s3] =	stream.indirect.scatter.add.f32 [tilespmem:s9], [sflag:$0x1], $0x1, s2, s10, $0xb8;
	[tilespmem:$0xA100] =	vst v63  }
0x324: {  	_ =	swait.ge [sflag:s6], $0x7D  }
0x325: {  	s2 =	sld [smem:$0x7D1]  }
0x326: {  	[sflag:s6] =	ssyncset.done $0x0  }
0x327: {  	[sflag:s6] =	ssyncadd.s32 $0xFFFFFF83  }
0x328: {  	[spmem:s3] =	stream.indirect.scatter.add.f32 [tilespmem:s9], [sflag:$0x1], $0x1, s2, s10, $0xb8;
	[tilespmem:$0xA100] =	vst v63  }
0x329: {  	_ =	swait.ge [sflag:s6], $0x7D  }
0x32a: {  	s2 =	sld [smem:$0x7D2]  }
0x32b: {  	[sflag:s6] =	ssyncset.done $0x0  }
0x32c: {  	[sflag:s6] =	ssyncadd.s32 $0xFFFFFF83  }
0x32d: {  	[spmem:s3] =	stream.indirect.scatter.add.f32 [tilespmem:s9], [sflag:$0x1], $0x1, s2, s10, $0xb8;
	[tilespmem:$0xA100] =	vst v63  }
0x32e: {  	_ =	swait.ge [sflag:s6], $0x7D  }
0x32f: {  	s2 =	sld [smem:$0x7D3]  }
0x330: {  	[sflag:s6] =	ssyncset.done $0x0  }
0x331: {  	[sflag:s6] =	ssyncadd.s32 $0xFFFFFF83  }
0x332: {  	[spmem:s3] =	stream.indirect.scatter.add.f32 [tilespmem:s9], [sflag:$0x1], $0x1, s2, s10, $0xb8;
	[tilespmem:$0xA100] =	vst v63  }
0x333: {  	_ =	swait.ge [sflag:s6], $0x7D  }
0x334: {  	s2 =	sld [smem:$0x7D4]  }
0x335: {  	[sflag:s6] =	ssyncset.done $0x0  }
0x336: {  	[sflag:s6] =	ssyncadd.s32 $0xFFFFFF83  }
0x337: {  	[spmem:s3] =	stream.indirect.scatter.add.f32 [tilespmem:s9], [sflag:$0x1], $0x1, s2, s10, $0xb8;
	[tilespmem:$0xA100] =	vst v63  }
0x338: {  	_ =	swait.ge [sflag:s6], $0x7D  }
0x339: {  	s2 =	sld [smem:$0x7D5]  }
0x33a: {  	[sflag:s6] =	ssyncset.done $0x0  }
0x33b: {  	[sflag:s6] =	ssyncadd.s32 $0xFFFFFF83  }
0x33c: {  	[spmem:s3] =	stream.indirect.scatter.add.f32 [tilespmem:s9], [sflag:$0x1], $0x1, s2, s10, $0xb8;
	[tilespmem:$0xA100] =	vst v63  }
0x33d: {  	_ =	swait.ge [sflag:s6], $0x7D  }
0x33e: {  	s2 =	sld [smem:$0x7D6]  }
0x33f: {  	[sflag:s6] =	ssyncset.done $0x0  }
0x340: {  	[sflag:s6] =	ssyncadd.s32 $0xFFFFFF83  }
0x341: {  	[spmem:s3] =	stream.indirect.scatter.add.f32 [tilespmem:s9], [sflag:$0x1], $0x1, s2, s10, $0xb8;
	[tilespmem:$0xA100] =	vst v63  }
0x342: {  	_ =	swait.ge [sflag:s6], $0x7D  }
0x343: {  	s2 =	sld [smem:$0x7D7]  }
0x344: {  	[sflag:s6] =	ssyncset.done $0x0  }
0x345: {  	[sflag:s6] =	ssyncadd.s32 $0xFFFFFF83  }
0x346: {  	[spmem:s3] =	stream.indirect.scatter.add.f32 [tilespmem:s9], [sflag:$0x1], $0x1, s2, s10, $0xb8;
	[tilespmem:$0xA100] =	vst v63  }
0x347: {  	_ =	swait.ge [sflag:s6], $0x7D  }
0x348: {  	s2 =	sld [smem:$0x7D8]  }
0x349: {  	[sflag:s6] =	ssyncset.done $0x0  }
0x34a: {  	[sflag:s6] =	ssyncadd.s32 $0xFFFFFF83  }
0x34b: {  	[spmem:s3] =	stream.indirect.scatter.add.f32 [tilespmem:s9], [sflag:$0x1], $0x1, s2, s10, $0xb8;
	[tilespmem:$0xA100] =	vst v63  }
0x34c: {  	_ =	swait.ge [sflag:s6], $0x7D  }
0x34d: {  	s2 =	sld [smem:$0x7D9]  }
0x34e: {  	[sflag:s6] =	ssyncset.done $0x0  }
0x34f: {  	[sflag:s6] =	ssyncadd.s32 $0xFFFFFF83  }
0x350: {  	[spmem:s3] =	stream.indirect.scatter.add.f32 [tilespmem:s9], [sflag:$0x1], $0x1, s2, s10, $0xb8;
	[tilespmem:$0xA100] =	vst v63  }
0x351: {  	_ =	swait.ge [sflag:s6], $0x7D  }
0x352: {  	s2 =	sld [smem:$0x7DA]  }
0x353: {  	[sflag:s6] =	ssyncset.done $0x0  }
0x354: {  	[sflag:s6] =	ssyncadd.s32 $0xFFFFFF83  }
0x355: {  	[spmem:s3] =	stream.indirect.scatter.add.f32 [tilespmem:s9], [sflag:$0x1], $0x1, s2, s10, $0xb8;
	[tilespmem:$0xA100] =	vst v63  }
0x356: {  	_ =	swait.ge [sflag:s6], $0x7D  }
0x357: {  	s2 =	sld [smem:$0x7DB]  }
0x358: {  	[sflag:s6] =	ssyncset.done $0x0  }
0x359: {  	[sflag:s6] =	ssyncadd.s32 $0xFFFFFF83  }
0x35a: {  	[spmem:s3] =	stream.indirect.scatter.add.f32 [tilespmem:s9], [sflag:$0x1], $0x1, s2, s10, $0xb8;
	[tilespmem:$0xA100] =	vst v63  }
0x35b: {  	_ =	swait.ge [sflag:s6], $0x7D  }
0x35c: {  	s2 =	sld [smem:$0x7DC]  }
0x35d: {  	[sflag:s6] =	ssyncset.done $0x0  }
0x35e: {  	[sflag:s6] =	ssyncadd.s32 $0xFFFFFF83  }
0x35f: {  	[spmem:s3] =	stream.indirect.scatter.add.f32 [tilespmem:s9], [sflag:$0x1], $0x1, s2, s10, $0xb8;
	[tilespmem:$0xA100] =	vst v63  }
0x360: {  	_ =	swait.ge [sflag:s6], $0x7D  }
0x361: {  	s2 =	sld [smem:$0x7DD]  }
0x362: {  	[sflag:s6] =	ssyncset.done $0x0  }
0x363: {  	[sflag:s6] =	ssyncadd.s32 $0xFFFFFF83  }
0x364: {  	[spmem:s3] =	stream.indirect.scatter.add.f32 [tilespmem:s9], [sflag:$0x1], $0x1, s2, s10, $0xb8;
	[tilespmem:$0xA100] =	vst v63  }
0x365: {  	_ =	swait.ge [sflag:s6], $0x7D  }
0x366: {  	s2 =	sld [smem:$0x7DE]  }
0x367: {  	[sflag:s6] =	ssyncset.done $0x0  }
0x368: {  	[sflag:s6] =	ssyncadd.s32 $0xFFFFFF83  }
0x369: {  	[spmem:s3] =	stream.indirect.scatter.add.f32 [tilespmem:s9], [sflag:$0x1], $0x1, s2, s10, $0xb8;
	[tilespmem:$0xA100] =	vst v63  }
0x36a: {  	_ =	swait.ge [sflag:s6], $0x7D  }
0x36b: {  	s2 =	sld [smem:$0x7DF]  }
0x36c: {  	[sflag:s6] =	ssyncset.done $0x0  }
0x36d: {  	[sflag:s6] =	ssyncadd.s32 $0xFFFFFF83  }
0x36e: {  	[spmem:s3] =	stream.indirect.scatter.add.f32 [tilespmem:s9], [sflag:$0x1], $0x1, s2, s10, $0xb8;
	[tilespmem:$0xA100] =	vst v63  }
0x36f: {  	_ =	swait.ge [sflag:s6], $0x7D  }
0x370: {  	s2 =	sld [smem:$0x7E0]  }
0x371: {  	[sflag:s6] =	ssyncset.done $0x0  }
0x372: {  	[sflag:s6] =	ssyncadd.s32 $0xFFFFFF83  }
0x373: {  	[spmem:s3] =	stream.indirect.scatter.add.f32 [tilespmem:s9], [sflag:$0x1], $0x1, s2, s10, $0xb8;
	[tilespmem:$0xA100] =	vst v63  }
0x374: {  	_ =	swait.ge [sflag:s6], $0x7D  }
0x375: {  	s2 =	sld [smem:$0x7E1]  }
0x376: {  	[sflag:s6] =	ssyncset.done $0x0  }
0x377: {  	[sflag:s6] =	ssyncadd.s32 $0xFFFFFF83  }
0x378: {  	[spmem:s3] =	stream.indirect.scatter.add.f32 [tilespmem:s9], [sflag:$0x1], $0x1, s2, s10, $0xb8;
	[tilespmem:$0xA100] =	vst v63  }
0x379: {  	_ =	swait.ge [sflag:s6], $0x7D  }
0x37a: {  	s2 =	sld [smem:$0x7E2]  }
0x37b: {  	[sflag:s6] =	ssyncset.done $0x0  }
0x37c: {  	[sflag:s6] =	ssyncadd.s32 $0xFFFFFF83  }
0x37d: {  	[spmem:s3] =	stream.indirect.scatter.add.f32 [tilespmem:s9], [sflag:$0x1], $0x1, s2, s10, $0xb8;
	[tilespmem:$0xA100] =	vst v63  }
0x37e: {  	_ =	swait.ge [sflag:s6], $0x7D  }
0x37f: {  	s2 =	sld [smem:$0x7E3]  }
0x380: {  	[sflag:s6] =	ssyncset.done $0x0  }
0x381: {  	[sflag:s6] =	ssyncadd.s32 $0xFFFFFF83  }
0x382: {  	[spmem:s3] =	stream.indirect.scatter.add.f32 [tilespmem:s9], [sflag:$0x1], $0x1, s2, s10, $0xb8;
	[tilespmem:$0xA100] =	vst v63  }
0x383: {  	_ =	swait.ge [sflag:s6], $0x7D  }
0x384: {  	s2 =	sld [smem:$0x7E4]  }
0x385: {  	[sflag:s6] =	ssyncset.done $0x0  }
0x386: {  	[sflag:s6] =	ssyncadd.s32 $0xFFFFFF83  }
0x387: {  	[spmem:s3] =	stream.indirect.scatter.add.f32 [tilespmem:s9], [sflag:$0x1], $0x1, s2, s10, $0xb8;
	[tilespmem:$0xA100] =	vst v63  }
0x388: {  	_ =	swait.ge [sflag:s6], $0x7D  }
0x389: {  	s2 =	sld [smem:$0x7E5]  }
0x38a: {  	[sflag:s6] =	ssyncset.done $0x0  }
0x38b: {  	[sflag:s6] =	ssyncadd.s32 $0xFFFFFF83  }
0x38c: {  	[spmem:s3] =	stream.indirect.scatter.add.f32 [tilespmem:s9], [sflag:$0x1], $0x1, s2, s10, $0xb8;
	[tilespmem:$0xA100] =	vst v63  }
0x38d: {  	_ =	swait.ge [sflag:s6], $0x7D  }
0x38e: {  	s2 =	sld [smem:$0x7E6]  }
0x38f: {  	[sflag:s6] =	ssyncset.done $0x0  }
0x390: {  	[sflag:s6] =	ssyncadd.s32 $0xFFFFFF83  }
0x391: {  	[spmem:s3] =	stream.indirect.scatter.add.f32 [tilespmem:s9], [sflag:$0x1], $0x1, s2, s10, $0xb8;
	[tilespmem:$0xA100] =	vst v63  }
0x392: {  	_ =	swait.ge [sflag:s6], $0x7D  }
0x393: {  	s2 =	sld [smem:$0x7E7]  }
0x394: {  	[sflag:s6] =	ssyncset.done $0x0  }
0x395: {  	[sflag:s6] =	ssyncadd.s32 $0xFFFFFF83  }
0x396: {  	[spmem:s3] =	stream.indirect.scatter.add.f32 [tilespmem:s9], [sflag:$0x1], $0x1, s2, s10, $0xb8;
	[tilespmem:$0xA100] =	vst v63  }
0x397: {  	_ =	swait.ge [sflag:s6], $0x7D  }
0x398: {  	s2 =	sld [smem:$0x7E8]  }
0x399: {  	[sflag:s6] =	ssyncset.done $0x0  }
0x39a: {  	[sflag:s6] =	ssyncadd.s32 $0xFFFFFF83  }
0x39b: {  	[spmem:s3] =	stream.indirect.scatter.add.f32 [tilespmem:s9], [sflag:$0x1], $0x1, s2, s10, $0xb8;
	[tilespmem:$0xA100] =	vst v63  }
0x39c: {  	_ =	swait.ge [sflag:s6], $0x7D  }
0x39d: {  	s2 =	sld [smem:$0x7E9]  }
0x39e: {  	[sflag:s6] =	ssyncset.done $0x0  }
0x39f: {  	[sflag:s6] =	ssyncadd.s32 $0xFFFFFF83  }
0x3a0: {  	[spmem:s3] =	stream.indirect.scatter.add.f32 [tilespmem:s9], [sflag:$0x1], $0x1, s2, s10, $0xb8;
	[tilespmem:$0xA100] =	vst v63  }
0x3a1: {  	_ =	swait.ge [sflag:s6], $0x7D  }
0x3a2: {  	s2 =	sld [smem:$0x7EA]  }
0x3a3: {  	[sflag:s6] =	ssyncset.done $0x0  }
0x3a4: {  	[sflag:s6] =	ssyncadd.s32 $0xFFFFFF83  }
0x3a5: {  	[spmem:s3] =	stream.indirect.scatter.add.f32 [tilespmem:s9], [sflag:$0x1], $0x1, s2, s10, $0xb8;
	[tilespmem:$0xA100] =	vst v63  }
0x3a6: {  	_ =	swait.ge [sflag:s6], $0x7D  }
0x3a7: {  	s2 =	sld [smem:$0x7EB]  }
0x3a8: {  	[sflag:s6] =	ssyncset.done $0x0  }
0x3a9: {  	[sflag:s6] =	ssyncadd.s32 $0xFFFFFF83  }
0x3aa: {  	[spmem:s3] =	stream.indirect.scatter.add.f32 [tilespmem:s9], [sflag:$0x1], $0x1, s2, s10, $0xb8;
	[tilespmem:$0xA100] =	vst v63  }
0x3ab: {  	_ =	swait.ge [sflag:s6], $0x7D  }
0x3ac: {  	s2 =	sld [smem:$0x7EC]  }
0x3ad: {  	[sflag:s6] =	ssyncset.done $0x0  }
0x3ae: {  	[sflag:s6] =	ssyncadd.s32 $0xFFFFFF83  }
0x3af: {  	[spmem:s3] =	stream.indirect.scatter.add.f32 [tilespmem:s9], [sflag:$0x1], $0x1, s2, s10, $0xb8;
	[tilespmem:$0xA100] =	vst v63  }
0x3b0: {  	_ =	swait.ge [sflag:s6], $0x7D  }
0x3b1: {  	s2 =	sld [smem:$0x7ED]  }
0x3b2: {  	[sflag:s6] =	ssyncset.done $0x0  }
0x3b3: {  	[sflag:s6] =	ssyncadd.s32 $0xFFFFFF83  }
0x3b4: {  	[spmem:s3] =	stream.indirect.scatter.add.f32 [tilespmem:s9], [sflag:$0x1], $0x1, s2, s10, $0xb8;
	[tilespmem:$0xA100] =	vst v63  }
0x3b5: {  	_ =	swait.ge [sflag:s6], $0x7D  }
0x3b6: {  	s2 =	sld [smem:$0x7EE]  }
0x3b7: {  	[sflag:s6] =	ssyncset.done $0x0  }
0x3b8: {  	[sflag:s6] =	ssyncadd.s32 $0xFFFFFF83  }
0x3b9: {  	[spmem:s3] =	stream.indirect.scatter.add.f32 [tilespmem:s9], [sflag:$0x1], $0x1, s2, s10, $0xb8;
	[tilespmem:$0xA100] =	vst v63  }
0x3ba: {  	_ =	swait.ge [sflag:s6], $0x7D  }
0x3bb: {  	s2 =	sld [smem:$0x7EF]  }
0x3bc: {  	[sflag:s6] =	ssyncset.done $0x0  }
0x3bd: {  	[sflag:s6] =	ssyncadd.s32 $0xFFFFFF83  }
0x3be: {  	[spmem:s3] =	stream.indirect.scatter.add.f32 [tilespmem:s9], [sflag:$0x1], $0x1, s2, s10, $0xb8;
	[tilespmem:$0xA100] =	vst v63  }
0x3bf: {  	_ =	swait.ge [sflag:s6], $0x7D  }
0x3c0: {  	s2 =	sld [smem:$0x7F0]  }
0x3c1: {  	[sflag:s6] =	ssyncset.done $0x0  }
0x3c2: {  	[sflag:s6] =	ssyncadd.s32 $0xFFFFFF83  }
0x3c3: {  	[spmem:s3] =	stream.indirect.scatter.add.f32 [tilespmem:s9], [sflag:$0x1], $0x1, s2, s10, $0xb8;
	[tilespmem:$0xA100] =	vst v63  }
0x3c4: {  	_ =	swait.ge [sflag:s6], $0x7D  }
0x3c5: {  	s2 =	sld [smem:$0x7F1]  }
0x3c6: {  	[sflag:s6] =	ssyncset.done $0x0  }
0x3c7: {  	[sflag:s6] =	ssyncadd.s32 $0xFFFFFF83  }
0x3c8: {  	[spmem:s3] =	stream.indirect.scatter.add.f32 [tilespmem:s9], [sflag:$0x1], $0x1, s2, s10, $0xb8;
	[tilespmem:$0xA100] =	vst v63  }
0x3c9: {  	_ =	swait.ge [sflag:s6], $0x7D  }
0x3ca: {  	s2 =	sld [smem:$0x7F2]  }
0x3cb: {  	[sflag:s6] =	ssyncset.done $0x0  }
0x3cc: {  	[sflag:s6] =	ssyncadd.s32 $0xFFFFFF83  }
0x3cd: {  	[spmem:s3] =	stream.indirect.scatter.add.f32 [tilespmem:s9], [sflag:$0x1], $0x1, s2, s10, $0xb8;
	[tilespmem:$0xA100] =	vst v63  }
0x3ce: {  	_ =	swait.ge [sflag:s6], $0x7D  }
0x3cf: {  	s2 =	sld [smem:$0x7F3]  }
0x3d0: {  	[sflag:s6] =	ssyncset.done $0x0  }
0x3d1: {  	[sflag:s6] =	ssyncadd.s32 $0xFFFFFF83  }
0x3d2: {  	[spmem:s3] =	stream.indirect.scatter.add.f32 [tilespmem:s9], [sflag:$0x1], $0x1, s2, s10, $0xb8;
	[tilespmem:$0xA100] =	vst v63  }
0x3d3: {  	_ =	swait.ge [sflag:s6], $0x7D  }
0x3d4: {  	s2 =	sld [smem:$0x7F4]  }
0x3d5: {  	[sflag:s6] =	ssyncset.done $0x0  }
0x3d6: {  	[sflag:s6] =	ssyncadd.s32 $0xFFFFFF83  }
0x3d7: {  	[spmem:s3] =	stream.indirect.scatter.add.f32 [tilespmem:s9], [sflag:$0x1], $0x1, s2, s10, $0xb8;
	[tilespmem:$0xA100] =	vst v63  }
0x3d8: {  	_ =	swait.ge [sflag:s6], $0x7D  }
0x3d9: {  	s2 =	sld [smem:$0x7F5]  }
0x3da: {  	[sflag:s6] =	ssyncset.done $0x0  }
0x3db: {  	[sflag:s6] =	ssyncadd.s32 $0xFFFFFF83  }
0x3dc: {  	[spmem:s3] =	stream.indirect.scatter.add.f32 [tilespmem:s9], [sflag:$0x1], $0x1, s2, s10, $0xb8;
	[tilespmem:$0xA100] =	vst v63  }
0x3dd: {  	_ =	swait.ge [sflag:s6], $0x7D  }
0x3de: {  	s2 =	sld [smem:$0x7F6]  }
0x3df: {  	[sflag:s6] =	ssyncset.done $0x0  }
0x3e0: {  	[sflag:s6] =	ssyncadd.s32 $0xFFFFFF83  }
0x3e1: {  	[spmem:s3] =	stream.indirect.scatter.add.f32 [tilespmem:s9], [sflag:$0x1], $0x1, s2, s10, $0xb8;
	[tilespmem:$0xA100] =	vst v63  }
0x3e2: {  	_ =	swait.ge [sflag:s6], $0x7D  }
0x3e3: {  	s2 =	sld [smem:$0x7F7]  }
0x3e4: {  	[sflag:s6] =	ssyncset.done $0x0  }
0x3e5: {  	[sflag:s6] =	ssyncadd.s32 $0xFFFFFF83  }
0x3e6: {  	[spmem:s3] =	stream.indirect.scatter.add.f32 [tilespmem:s9], [sflag:$0x1], $0x1, s2, s10, $0xb8;
	[tilespmem:$0xA100] =	vst v63  }
0x3e7: {  	_ =	swait.ge [sflag:s6], $0x7D  }
0x3e8: {  	s2 =	sld [smem:$0x7F8]  }
0x3e9: {  	[sflag:s6] =	ssyncset.done $0x0  }
0x3ea: {  	[sflag:s6] =	ssyncadd.s32 $0xFFFFFF83  }
0x3eb: {  	[spmem:s3] =	stream.indirect.scatter.add.f32 [tilespmem:s9], [sflag:$0x1], $0x1, s2, s10, $0xb8;
	[tilespmem:$0xA100] =	vst v63  }
0x3ec: {  	_ =	swait.ge [sflag:s6], $0x7D  }
0x3ed: {  	s2 =	sld [smem:$0x7F9]  }
0x3ee: {  	[sflag:s6] =	ssyncset.done $0x0  }
0x3ef: {  	[sflag:s6] =	ssyncadd.s32 $0xFFFFFF83  }
0x3f0: {  	[spmem:s3] =	stream.indirect.scatter.add.f32 [tilespmem:s9], [sflag:$0x1], $0x1, s2, s10, $0xb8;
	[tilespmem:$0xA100] =	vst v63  }
0x3f1: {  	_ =	swait.ge [sflag:s6], $0x7D  }
0x3f2: {  	s2 =	sld [smem:$0x7FA]  }
0x3f3: {  	[sflag:s6] =	ssyncset.done $0x0  }
0x3f4: {  	[sflag:s6] =	ssyncadd.s32 $0xFFFFFF83  }
0x3f5: {  	[spmem:s3] =	stream.indirect.scatter.add.f32 [tilespmem:s9], [sflag:$0x1], $0x1, s2, s10, $0xb8;
	[tilespmem:$0xA100] =	vst v63  }
0x3f6: {  	_ =	swait.ge [sflag:s6], $0x7D  }
0x3f7: {  	s2 =	sld [smem:$0x7FB]  }
0x3f8: {  	[sflag:s6] =	ssyncset.done $0x0  }
0x3f9: {  	[sflag:s6] =	ssyncadd.s32 $0xFFFFFF83  }
0x3fa: {  	[spmem:s3] =	stream.indirect.scatter.add.f32 [tilespmem:s9], [sflag:$0x1], $0x1, s2, s10, $0xb8;
	[tilespmem:$0xA100] =	vst v63  }
0x3fb: {  	_ =	swait.ge [sflag:s6], $0x7D  }
0x3fc: {  	s2 =	sld [smem:$0x7FC]  }
0x3fd: {  	[sflag:s6] =	ssyncset.done $0x0  }
0x3fe: {  	[sflag:s6] =	ssyncadd.s32 $0xFFFFFF83  }
0x3ff: {  	[spmem:s3] =	stream.indirect.scatter.add.f32 [tilespmem:s9], [sflag:$0x1], $0x1, s2, s10, $0xb8;
	[tilespmem:$0xA100] =	vst v63  }
0x400: {  	_ =	swait.ge [sflag:s6], $0x7D  }
0x401: {  	s2 =	sld [smem:$0x7FD]  }
0x402: {  	[sflag:s6] =	ssyncset.done $0x0  }
0x403: {  	[sflag:s6] =	ssyncadd.s32 $0xFFFFFF83  }
0x404: {  	[spmem:s3] =	stream.indirect.scatter.add.f32 [tilespmem:s9], [sflag:$0x1], $0x1, s2, s10, $0xb8;
	[tilespmem:$0xA100] =	vst v63  }
0x405: {  	_ =	swait.ge [sflag:s6], $0x7D  }
0x406: {  	[sflag:s6] =	ssyncset.done $0x0  }
0x407: {  	[sflag:s6] =	ssyncadd.s32 $0xFFFFFF83  }
0x408: {  	[spmem:s3] =	stream.indirect.scatter.add.f32 [tilespmem:s9], [sflag:$0x1], $0x1, s22, s10, $0xb8;
	[tilespmem:$0xA100] =	vst v63  }
0x409: {  	_ =	swait.ge [sflag:s6], $0x7D  }
0x40a: {  	[sflag:s6] =	ssyncset.done $0x0  }
0x40b: {  	[sflag:s6] =	ssyncadd.s32 $0xFFFFFF83  }
0x40c: {  	[spmem:s3] =	stream.indirect.scatter.add.f32 [tilespmem:s9], [sflag:$0x1], $0x1, s21, s10, $0xb8;
	[tilespmem:$0xA100] =	vst v63  }
0x40d: {  	_ =	swait.ge [sflag:s6], $0x7D  }
0x40e: {  	[sflag:s6] =	ssyncset.done $0x0  }
0x40f: {  	[sflag:s6] =	ssyncadd.s32 $0xFFFFFF83  }
0x410: {  	[spmem:s3] =	stream.indirect.scatter.add.f32 [tilespmem:s9], [sflag:$0x1], $0x1, s20, s10, $0xb8;
	[tilespmem:$0xA100] =	vst v63  }
0x411: {  	_ =	swait.ge [sflag:s6], $0x7D  }
0x412: {  	[sflag:s6] =	ssyncset.done $0x0  }
0x413: {  	[sflag:s6] =	ssyncadd.s32 $0xFFFFFF83  }
0x414: {  	[spmem:s3] =	stream.indirect.scatter.add.f32 [tilespmem:s9], [sflag:$0x1], $0x1, s19, s10, $0xb8;
	[tilespmem:$0xA100] =	vst v63  }
0x415: {  	_ =	swait.ge [sflag:s6], $0x7D  }
0x416: {  	[sflag:s6] =	ssyncset.done $0x0  }
0x417: {  	[sflag:s6] =	ssyncadd.s32 $0xFFFFFF83  }
0x418: {  	[spmem:s3] =	stream.indirect.scatter.add.f32 [tilespmem:s9], [sflag:$0x1], $0x1, s18, s10, $0xb8;
	[tilespmem:$0xA100] =	vst v63  }
0x419: {  	_ =	swait.ge [sflag:s6], $0x7D  }
0x41a: {  	[sflag:s6] =	ssyncset.done $0x0  }
0x41b: {  	[sflag:s6] =	ssyncadd.s32 $0xFFFFFF83  }
0x41c: {  	[spmem:s3] =	stream.indirect.scatter.add.f32 [tilespmem:s9], [sflag:$0x1], $0x1, s17, s10, $0xb8;
	[tilespmem:$0xA100] =	vst v63  }
0x41d: {  	_ =	swait.ge [sflag:s6], $0x7D  }
0x41e: {  	[sflag:s6] =	ssyncset.done $0x0  }
0x41f: {  	[sflag:s6] =	ssyncadd.s32 $0xFFFFFF83  }
0x420: {  	[spmem:s3] =	stream.indirect.scatter.add.f32 [tilespmem:s9], [sflag:$0x1], $0x1, s16, s10, $0xb8;
	[tilespmem:$0xA100] =	vst v63  }
0x421: {  	_ =	swait.ge [sflag:s6], $0x7D  }
0x422: {  	[sflag:s6] =	ssyncset.done $0x0  }
0x423: {  	[sflag:s6] =	ssyncadd.s32 $0xFFFFFF83  }
0x424: {  	[spmem:s3] =	stream.indirect.scatter.add.f32 [tilespmem:s9], [sflag:$0x1], $0x1, s15, s10, $0xb8;
	[tilespmem:$0xA100] =	vst v63  }
0x425: {  	_ =	swait.ge [sflag:s6], $0x7D  }
0x426: {  	[sflag:s6] =	ssyncset.done $0x0  }
0x427: {  	[sflag:s6] =	ssyncadd.s32 $0xFFFFFF83  }
0x428: {  	[spmem:s3] =	stream.indirect.scatter.add.f32 [tilespmem:s9], [sflag:$0x1], $0x1, s14, s10, $0xb8;
	[tilespmem:$0xA100] =	vst v63  }
0x429: {  	_ =	swait.ge [sflag:s6], $0x7D  }
0x42a: {  	[sflag:s6] =	ssyncset.done $0x0  }
0x42b: {  	[sflag:s6] =	ssyncadd.s32 $0xFFFFFF83  }
0x42c: {  	[spmem:s3] =	stream.indirect.scatter.add.f32 [tilespmem:s9], [sflag:$0x1], $0x1, s13, s10, $0xb8;
	[tilespmem:$0xA100] =	vst v63  }
0x42d: {  	_ =	swait.ge [sflag:s6], $0x7D  }
0x42e: {  	[sflag:s6] =	ssyncset.done $0x0  }
0x42f: {  	[sflag:s6] =	ssyncadd.s32 $0xFFFFFF83  }
0x430: {  	[spmem:s3] =	stream.indirect.scatter.add.f32 [tilespmem:s9], [sflag:$0x1], $0x1, s12, s10, $0xb8;
	[tilespmem:$0xA100] =	vst v63  }
0x431: {  	_ =	swait.ge [sflag:s6], $0x7D  }
0x432: {  	[sflag:s6] =	ssyncset.done $0x0  }
0x433: {  	[sflag:s6] =	ssyncadd.s32 $0xFFFFFF83  }
0x434: {  	[spmem:s3] =	stream.indirect.scatter.add.f32 [tilespmem:s9], [sflag:$0x1], $0x1, s11, s10, $0xb8;
	[tilespmem:$0xA100] =	vst v63  }
0x435: {  	_ =	swait.ge [sflag:s6], $0x7D  }
0x436: {  	[sflag:s6] =	ssyncset.done $0x0  }
0x437: {  	[sflag:s6] =	ssyncadd.s32 $0xFFFFFF83  }
0x438: {  	_ =	swait.ge [sflag:s6], $0x7D  }
0x439: {  	[sflag:s6] =	ssyncset.done $0x0  }
0x43a: {  	[sflag:s6] =	ssyncadd.s32 $0xFFFFFF83  }
0x43b: {  	_ =	swait.ge [sflag:s6], $0x7D  }
0x43c: {  	[sflag:s6] =	ssyncset.done $0x0  }
0x43d: {  	[sflag:s6] =	ssyncadd.s32 $0xFFFFFF83  }
0x43e: {  	_ =	swait.ge [sflag:s6], $0x7D  }
0x43f: {  	[sflag:s6] =	ssyncset.done $0x0  }
0x440: {  	[sflag:s6] =	ssyncadd.s32 $0xFFFFFF83  }
0x441: {  	_ =	swait.ge [sflag:s6], $0x7D  }
0x442: {  	[sflag:s6] =	ssyncset.done $0x0  }
0x443: {  	[sflag:s6] =	ssyncadd.s32 $0xFFFFFF83  }
0x444: {  	_ =	swait.ge [sflag:s6], $0x7D  }
0x445: {  	[sflag:s6] =	ssyncset.done $0x0  }
0x446: {  	[sflag:s6] =	ssyncadd.s32 $0xFFFFFF83  }
0x447: {  	_ =	swait.ge [sflag:s6], $0x7D  }
0x448: {  	[sflag:s6] =	ssyncset.done $0x0  }
0x449: {  	[sflag:s6] =	ssyncadd.s32 $0xFFFFFF83  }
0x44a: {  	_ =	swait.ge [sflag:s6], $0x7D  }
0x44b: {  	[sflag:s6] =	ssyncset.done $0x0  }
0x44c: {  	[sflag:s6] =	ssyncadd.s32 $0xFFFFFF83  }
0x44d: {  	_ =	swait.ge [sflag:s6], $0x7D  }
0x44e: {  	[sflag:s6] =	ssyncset.done $0x0  }
0x44f: {  	[sflag:s6] =	ssyncadd.s32 $0xFFFFFF83  }
0x450: {  	_ =	swait.ge [sflag:s6], $0x7D  }
0x451: {  	[sflag:s6] =	ssyncset.done $0x0  }
0x452: {  	[sflag:s6] =	ssyncadd.s32 $0xFFFFFF83  }
0x453: {  	_ =	swait.ge [sflag:s6], $0x7D  }
0x454: {  	[sflag:s6] =	ssyncset.done $0x0  }
0x455: {  	[sflag:s6] =	ssyncadd.s32 $0xFFFFFF83  }
0x456: {  	_ =	swait.ge [sflag:s6], $0x7D  }
0x457: {  	[sflag:s6] =	ssyncset.done $0x0  }
0x458: {  	[sflag:s6] =	ssyncadd.s32 $0xFFFFFF83  }
0x459: {  	_ =	swait.ge [sflag:s6], $0x7D  }
0x45a: {  	[sflag:s6] =	ssyncset.done $0x0  }
0x45b: {  	[sflag:s6] =	ssyncadd.s32 $0xFFFFFF83  }
0x45c: {  	_ =	swait.ge [sflag:s6], $0x7D  }
0x45d: {  	[sflag:s6] =	ssyncset.done $0x0  }
0x45e: {  	[sflag:s6] =	ssyncadd.s32 $0xFFFFFF83  }
0x45f: {  	_ =	swait.ge [sflag:s6], $0x7D  }
0x460: {  	[sflag:s6] =	ssyncset.done $0x0  }
0x461: {  	[sflag:s6] =	ssyncadd.s32 $0xFFFFFF83  }
0x462: {  	_ =	swait.ge [sflag:s6], $0x7D  }
0x463: {  	[sflag:s6] =	ssyncset.done $0x0  }
0x464: {  	[sflag:s6] =	ssyncadd.s32 $0xFFFFFF83  }
0x465: {  	_ =	swait.ge [sflag:s6], $0x7D  }
0x466: {  	[sflag:s6] =	ssyncset.done $0x0  }
0x467: {  	[sflag:s6] =	ssyncadd.s32 $0xFFFFFF83  }
0x468: {  	[bflag:$0x0] =	sbarrier.arrive $0xFFFF  }
0x469: {  	s8 =	simm.s32 $0x10;
	s2 =	rddreg [dreg:$0xc]  }
0x46a: {  	[hbm:s2@s5], [sflag:s31] =	dma.strided [spmem:s4@s8], $0xC80, s6, $0x10   }
0x46b: {  	_ =	swait.ge [sflag:s7], $0xC80  }
0x46c: {  	[sflag:s7] =	ssyncset.done $0x0  }
0x46d: {  	s0 =	sadd.s32 $0xFFFFFFFF, s0;
	[sflag:s7] =	ssyncadd.s32 $0xFFFFF380  }
0x46e: {  	p2 =	sne.s32 s0, $0x0;
	_ =	swait.ge @!p0 [sflag:s1], $0x800  }
.Ltmp2:
0x46f: {  	[sflag:s1] =	ssyncset.done @!p0 $0x0;
	(pc) =	sbr.rel @p2 .LBB2_4-.Ltmp2, $4  }
0x470: {  	s2 =	rddreg [dreg:$0x9];
	[sflag:s1] =	ssyncadd.s32 @!p0 $0xFFFFF800  }
0x471: {  	[hbm4b:s2+s26] =	stream.linear.scatter @!p0 [tilespmem:s30], [sflag:$0x3], $0x800, $0x38;
	[tilespmem:$0xA100] =	vst v63  }
0x472: {  	_ =	swait.ge @!p0 [sflag:s25], $0x800  }
0x473: {  	s2 =	rddreg [dreg:$0x5];
	[sflag:s25] =	ssyncset.done @!p0 $0x0  }
0x474: {  	s28 =	rddreg [dreg:$0x4]  }
0x475: {  	s29 =	simm.s32 $0x10;
	s26 =	stileid.u32;
	s31 =	sld [smem:$0x7BA]  }
.LBB2_6:
0x476: {  	p1 =	por p0, !p1  }
0x477: {  	s0 =	rddreg [dreg:$0xa];
	[sflag:s25] =	ssyncadd.s32 @!p1 $0xFFFFF800  }
0x478: {  	[spmem:s4], [sflag:s0] =	dma.local [hbm:s2], $0xC80  }
0x479: {  	s0 =	rddreg [dreg:$0xb]  }
0x47a: {  	[tilespmem:s23], [sflag:$0x2] =	stream.linear.gather [hbm4b:s0+s23], $0x3200, $0x38;
	[tilespmem:$0xA100] =	vst v63  }
0x47b: {  	s1 =	rddreg [dreg:$0x6]  }
0x47c: {  	[tilespmem:s9], [sflag:$0x2] =	stream.linear.gather [hbm4b:s1+s23], $0x80, $0x38;
	[tilespmem:$0xA100] =	vst v63  }
0x47d: {  	_ =	swait.ge [sflag:s24], $0xC80  }
0x47e: {  	[sflag:s24] =	ssyncset.done $0x0  }
0x47f: {  	[sflag:s24] =	ssyncadd.s32 $0xFFFFF380  }
0x480: {  	_ =	swait.ge [sflag:s24], $0x3200  }
0x481: {  	[sflag:s24] =	ssyncset.done $0x0  }
0x482: {  	[sflag:s24] =	ssyncadd.s32 $0xFFFFCE00  }
0x483: {  	_ =	swait.ge [sflag:s24], $0x80  }
0x484: {  	[sflag:s24] =	ssyncset.done $0x0  }
0x485: {  	[sflag:s24] =	ssyncadd.s32 $0xFFFFFF80  }
0x486: {  	[bflag:$0x0] =	sbarrier.arrive $0xFFFF  }
0x487: {  	s2 =	simm.s32 @!p0 $0x9880;
	s0 =	simm.s32 @!p0 $0x0;
	s1 =	rddreg [dreg:$0x7]  }
0x488: {  	[tilespmem:s2], [sflag:$0x3] =	stream.linear.gather @!p0 [hbm4b:s1+s0], $0x80, $0x38;
	[tilespmem:$0xA100] =	vst v63  }
0x489: {  	s1 =	simm.s32 @!p0 $0x3  }
0x48a: {  	_ =	swait.ge @!p0 [sflag:s1], $0x80  }
0x48b: {  	s25 =	simm.s32 @!p0 $0x10;
	[sflag:s1] =	ssyncset.done @!p0 $0x0  }
0x48c: {  	s24 =	simm.s32 @!p0 $0x9900;
	s8 =	rddreg [dreg:$0x8];
	[sflag:s1] =	ssyncadd.s32 @!p0 $0xFFFFFF80  }
0x48d: {  	[tilespmem:s24], [sflag:$0x2] =	stream.indirect.gather @!p0 [hbm4b:s8+s25], $0x80, s2, s25, $0xb8;
	[tilespmem:$0xA100] =	vst v63  }
0x48e: {  	_ = 	snop  }
0x48f: {  	[spmem:s3] =	stream.indirect.scatter.add.f32 [tilespmem:s9], [sflag:$0x1], $0x1, s23, s10, $0xb8;
	[tilespmem:$0xA100] =	vst v63  }
0x490: {  	_ = 	snop  }
0x491: {  	[spmem:s3] =	stream.indirect.scatter.add.f32 [tilespmem:s9], [sflag:$0x1], $0x1, s5, s10, $0xb8;
	[tilespmem:$0xA100] =	vst v63  }
0x492: {  	s23 =	rddreg [dreg:$0xd]  }
0x493: {  	[spmem:s3] =	stream.indirect.scatter.add.f32 [tilespmem:s9], [sflag:$0x1], $0x1, s23, s10, $0xb8;
	[tilespmem:$0xA100] =	vst v63  }
0x494: {  	s25 =	rddreg [dreg:$0xe]  }
0x495: {  	[spmem:s3] =	stream.indirect.scatter.add.f32 [tilespmem:s9], [sflag:$0x1], $0x1, s25, s10, $0xb8;
	[tilespmem:$0xA100] =	vst v63  }
0x496: {  	s30 =	rddreg [dreg:$0xf]  }
0x497: {  	[spmem:s3] =	stream.indirect.scatter.add.f32 [tilespmem:s9], [sflag:$0x1], $0x1, s30, s10, $0xb8;
	[tilespmem:$0xA100] =	vst v63  }
0x498: {  	s23 =	rddreg [dreg:$0x10]  }
0x499: {  	[spmem:s3] =	stream.indirect.scatter.add.f32 [tilespmem:s9], [sflag:$0x1], $0x1, s23, s10, $0xb8;
	[tilespmem:$0xA100] =	vst v63  }
0x49a: {  	s25 =	rddreg [dreg:$0x11]  }
0x49b: {  	[spmem:s3] =	stream.indirect.scatter.add.f32 [tilespmem:s9], [sflag:$0x1], $0x1, s25, s10, $0xb8;
	[tilespmem:$0xA100] =	vst v63  }
0x49c: {  	s30 =	rddreg [dreg:$0x12]  }
0x49d: {  	[spmem:s3] =	stream.indirect.scatter.add.f32 [tilespmem:s9], [sflag:$0x1], $0x1, s30, s10, $0xb8;
	[tilespmem:$0xA100] =	vst v63  }
0x49e: {  	s23 =	rddreg [dreg:$0x13]  }
0x49f: {  	[spmem:s3] =	stream.indirect.scatter.add.f32 [tilespmem:s9], [sflag:$0x1], $0x1, s23, s10, $0xb8;
	[tilespmem:$0xA100] =	vst v63  }
0x4a0: {  	s25 =	rddreg [dreg:$0x14]  }
0x4a1: {  	[spmem:s3] =	stream.indirect.scatter.add.f32 [tilespmem:s9], [sflag:$0x1], $0x1, s25, s10, $0xb8;
	[tilespmem:$0xA100] =	vst v63  }
0x4a2: {  	s30 =	rddreg [dreg:$0x15]  }
0x4a3: {  	[spmem:s3] =	stream.indirect.scatter.add.f32 [tilespmem:s9], [sflag:$0x1], $0x1, s30, s10, $0xb8;
	[tilespmem:$0xA100] =	vst v63  }
0x4a4: {  	s23 =	rddreg [dreg:$0x16]  }
0x4a5: {  	[spmem:s3] =	stream.indirect.scatter.add.f32 [tilespmem:s9], [sflag:$0x1], $0x1, s23, s10, $0xb8;
	[tilespmem:$0xA100] =	vst v63  }
0x4a6: {  	s25 =	rddreg [dreg:$0x17]  }
0x4a7: {  	[spmem:s3] =	stream.indirect.scatter.add.f32 [tilespmem:s9], [sflag:$0x1], $0x1, s25, s10, $0xb8;
	[tilespmem:$0xA100] =	vst v63  }
0x4a8: {  	s30 =	rddreg [dreg:$0x18]  }
0x4a9: {  	[spmem:s3] =	stream.indirect.scatter.add.f32 [tilespmem:s9], [sflag:$0x1], $0x1, s30, s10, $0xb8;
	[tilespmem:$0xA100] =	vst v63  }
0x4aa: {  	s23 =	rddreg [dreg:$0x19]  }
0x4ab: {  	[spmem:s3] =	stream.indirect.scatter.add.f32 [tilespmem:s9], [sflag:$0x1], $0x1, s23, s10, $0xb8;
	[tilespmem:$0xA100] =	vst v63  }
0x4ac: {  	s25 =	rddreg [dreg:$0x1a]  }
0x4ad: {  	[spmem:s3] =	stream.indirect.scatter.add.f32 [tilespmem:s9], [sflag:$0x1], $0x1, s25, s10, $0xb8;
	[tilespmem:$0xA100] =	vst v63  }
0x4ae: {  	s30 =	rddreg [dreg:$0x1b]  }
0x4af: {  	[spmem:s3] =	stream.indirect.scatter.add.f32 [tilespmem:s9], [sflag:$0x1], $0x1, s30, s10, $0xb8;
	[tilespmem:$0xA100] =	vst v63  }
0x4b0: {  	_ =	swait.ge [sflag:s6], $0x7D  }
0x4b1: {  	[sflag:s6] =	ssyncset.done $0x0  }
0x4b2: {  	s8 =	rddreg [dreg:$0x1c];
	[sflag:s6] =	ssyncadd.s32 $0xFFFFFF83  }
0x4b3: {  	[spmem:s3] =	stream.indirect.scatter.add.f32 [tilespmem:s9], [sflag:$0x1], $0x1, s8, s10, $0xb8;
	[tilespmem:$0xA100] =	vst v63  }
0x4b4: {  	_ =	swait.ge [sflag:s6], $0x7D  }
0x4b5: {  	[sflag:s6] =	ssyncset.done $0x0  }
0x4b6: {  	s23 =	rddreg [dreg:$0x1d];
	[sflag:s6] =	ssyncadd.s32 $0xFFFFFF83  }
0x4b7: {  	[spmem:s3] =	stream.indirect.scatter.add.f32 [tilespmem:s9], [sflag:$0x1], $0x1, s23, s10, $0xb8;
	[tilespmem:$0xA100] =	vst v63  }
0x4b8: {  	_ =	swait.ge [sflag:s6], $0x7D  }
0x4b9: {  	[sflag:s6] =	ssyncset.done $0x0  }
0x4ba: {  	s25 =	rddreg [dreg:$0x1e];
	[sflag:s6] =	ssyncadd.s32 $0xFFFFFF83  }
0x4bb: {  	[spmem:s3] =	stream.indirect.scatter.add.f32 [tilespmem:s9], [sflag:$0x1], $0x1, s25, s10, $0xb8;
	[tilespmem:$0xA100] =	vst v63  }
0x4bc: {  	_ =	swait.ge [sflag:s6], $0x7D  }
0x4bd: {  	[sflag:s6] =	ssyncset.done $0x0  }
0x4be: {  	s30 =	rddreg [dreg:$0x1f];
	[sflag:s6] =	ssyncadd.s32 $0xFFFFFF83  }
0x4bf: {  	[spmem:s3] =	stream.indirect.scatter.add.f32 [tilespmem:s9], [sflag:$0x1], $0x1, s30, s10, $0xb8;
	[tilespmem:$0xA100] =	vst v63  }
0x4c0: {  	_ =	swait.ge [sflag:s6], $0x7D  }
0x4c1: {  	s8 =	sld [smem:$0x7BB]  }
0x4c2: {  	[sflag:s6] =	ssyncset.done $0x0  }
0x4c3: {  	[sflag:s6] =	ssyncadd.s32 $0xFFFFFF83  }
0x4c4: {  	[spmem:s3] =	stream.indirect.scatter.add.f32 [tilespmem:s9], [sflag:$0x1], $0x1, s8, s10, $0xb8;
	[tilespmem:$0xA100] =	vst v63  }
0x4c5: {  	_ =	swait.ge [sflag:s6], $0x7D  }
0x4c6: {  	s23 =	sld [smem:$0x7BC]  }
0x4c7: {  	[sflag:s6] =	ssyncset.done $0x0  }
0x4c8: {  	[sflag:s6] =	ssyncadd.s32 $0xFFFFFF83  }
0x4c9: {  	[spmem:s3] =	stream.indirect.scatter.add.f32 [tilespmem:s9], [sflag:$0x1], $0x1, s23, s10, $0xb8;
	[tilespmem:$0xA100] =	vst v63  }
0x4ca: {  	_ =	swait.ge [sflag:s6], $0x7D  }
0x4cb: {  	s25 =	sld [smem:$0x7BD]  }
0x4cc: {  	[sflag:s6] =	ssyncset.done $0x0  }
0x4cd: {  	[sflag:s6] =	ssyncadd.s32 $0xFFFFFF83  }
0x4ce: {  	[spmem:s3] =	stream.indirect.scatter.add.f32 [tilespmem:s9], [sflag:$0x1], $0x1, s25, s10, $0xb8;
	[tilespmem:$0xA100] =	vst v63  }
0x4cf: {  	_ =	swait.ge [sflag:s6], $0x7D  }
0x4d0: {  	s30 =	sld [smem:$0x7BE]  }
0x4d1: {  	[sflag:s6] =	ssyncset.done $0x0  }
0x4d2: {  	[sflag:s6] =	ssyncadd.s32 $0xFFFFFF83  }
0x4d3: {  	[spmem:s3] =	stream.indirect.scatter.add.f32 [tilespmem:s9], [sflag:$0x1], $0x1, s30, s10, $0xb8;
	[tilespmem:$0xA100] =	vst v63  }
0x4d4: {  	_ =	swait.ge [sflag:s6], $0x7D  }
0x4d5: {  	s8 =	sld [smem:$0x7BF]  }
0x4d6: {  	[sflag:s6] =	ssyncset.done $0x0  }
0x4d7: {  	[sflag:s6] =	ssyncadd.s32 $0xFFFFFF83  }
0x4d8: {  	[spmem:s3] =	stream.indirect.scatter.add.f32 [tilespmem:s9], [sflag:$0x1], $0x1, s8, s10, $0xb8;
	[tilespmem:$0xA100] =	vst v63  }
0x4d9: {  	_ =	swait.ge [sflag:s6], $0x7D  }
0x4da: {  	s23 =	sld [smem:$0x7C0]  }
0x4db: {  	[sflag:s6] =	ssyncset.done $0x0  }
0x4dc: {  	[sflag:s6] =	ssyncadd.s32 $0xFFFFFF83  }
0x4dd: {  	[spmem:s3] =	stream.indirect.scatter.add.f32 [tilespmem:s9], [sflag:$0x1], $0x1, s23, s10, $0xb8;
	[tilespmem:$0xA100] =	vst v63  }
0x4de: {  	_ =	swait.ge [sflag:s6], $0x7D  }
0x4df: {  	s25 =	sld [smem:$0x7C1]  }
0x4e0: {  	[sflag:s6] =	ssyncset.done $0x0  }
0x4e1: {  	[sflag:s6] =	ssyncadd.s32 $0xFFFFFF83  }
0x4e2: {  	[spmem:s3] =	stream.indirect.scatter.add.f32 [tilespmem:s9], [sflag:$0x1], $0x1, s25, s10, $0xb8;
	[tilespmem:$0xA100] =	vst v63  }
0x4e3: {  	_ =	swait.ge [sflag:s6], $0x7D  }
0x4e4: {  	s30 =	sld [smem:$0x7C2]  }
0x4e5: {  	[sflag:s6] =	ssyncset.done $0x0  }
0x4e6: {  	[sflag:s6] =	ssyncadd.s32 $0xFFFFFF83  }
0x4e7: {  	[spmem:s3] =	stream.indirect.scatter.add.f32 [tilespmem:s9], [sflag:$0x1], $0x1, s30, s10, $0xb8;
	[tilespmem:$0xA100] =	vst v63  }
0x4e8: {  	_ =	swait.ge [sflag:s6], $0x7D  }
0x4e9: {  	s8 =	sld [smem:$0x7C3]  }
0x4ea: {  	[sflag:s6] =	ssyncset.done $0x0  }
0x4eb: {  	[sflag:s6] =	ssyncadd.s32 $0xFFFFFF83  }
0x4ec: {  	[spmem:s3] =	stream.indirect.scatter.add.f32 [tilespmem:s9], [sflag:$0x1], $0x1, s8, s10, $0xb8;
	[tilespmem:$0xA100] =	vst v63  }
0x4ed: {  	_ =	swait.ge [sflag:s6], $0x7D  }
0x4ee: {  	s23 =	sld [smem:$0x7C4]  }
0x4ef: {  	[sflag:s6] =	ssyncset.done $0x0  }
0x4f0: {  	[sflag:s6] =	ssyncadd.s32 $0xFFFFFF83  }
0x4f1: {  	[spmem:s3] =	stream.indirect.scatter.add.f32 [tilespmem:s9], [sflag:$0x1], $0x1, s23, s10, $0xb8;
	[tilespmem:$0xA100] =	vst v63  }
0x4f2: {  	_ =	swait.ge [sflag:s6], $0x7D  }
0x4f3: {  	s25 =	sld [smem:$0x7C5]  }
0x4f4: {  	[sflag:s6] =	ssyncset.done $0x0  }
0x4f5: {  	[sflag:s6] =	ssyncadd.s32 $0xFFFFFF83  }
0x4f6: {  	[spmem:s3] =	stream.indirect.scatter.add.f32 [tilespmem:s9], [sflag:$0x1], $0x1, s25, s10, $0xb8;
	[tilespmem:$0xA100] =	vst v63  }
0x4f7: {  	_ =	swait.ge [sflag:s6], $0x7D  }
0x4f8: {  	s30 =	sld [smem:$0x7C6]  }
0x4f9: {  	[sflag:s6] =	ssyncset.done $0x0  }
0x4fa: {  	[sflag:s6] =	ssyncadd.s32 $0xFFFFFF83  }
0x4fb: {  	[spmem:s3] =	stream.indirect.scatter.add.f32 [tilespmem:s9], [sflag:$0x1], $0x1, s30, s10, $0xb8;
	[tilespmem:$0xA100] =	vst v63  }
0x4fc: {  	_ =	swait.ge [sflag:s6], $0x7D  }
0x4fd: {  	s8 =	sld [smem:$0x7C7]  }
0x4fe: {  	[sflag:s6] =	ssyncset.done $0x0  }
0x4ff: {  	[sflag:s6] =	ssyncadd.s32 $0xFFFFFF83  }
0x500: {  	[spmem:s3] =	stream.indirect.scatter.add.f32 [tilespmem:s9], [sflag:$0x1], $0x1, s8, s10, $0xb8;
	[tilespmem:$0xA100] =	vst v63  }
0x501: {  	_ =	swait.ge [sflag:s6], $0x7D  }
0x502: {  	s23 =	sld [smem:$0x7C8]  }
0x503: {  	[sflag:s6] =	ssyncset.done $0x0  }
0x504: {  	[sflag:s6] =	ssyncadd.s32 $0xFFFFFF83  }
0x505: {  	[spmem:s3] =	stream.indirect.scatter.add.f32 [tilespmem:s9], [sflag:$0x1], $0x1, s23, s10, $0xb8;
	[tilespmem:$0xA100] =	vst v63  }
0x506: {  	_ =	swait.ge [sflag:s6], $0x7D  }
0x507: {  	s25 =	sld [smem:$0x7C9]  }
0x508: {  	[sflag:s6] =	ssyncset.done $0x0  }
0x509: {  	[sflag:s6] =	ssyncadd.s32 $0xFFFFFF83  }
0x50a: {  	[spmem:s3] =	stream.indirect.scatter.add.f32 [tilespmem:s9], [sflag:$0x1], $0x1, s25, s10, $0xb8;
	[tilespmem:$0xA100] =	vst v63  }
0x50b: {  	_ =	swait.ge [sflag:s6], $0x7D  }
0x50c: {  	s30 =	sld [smem:$0x7CA]  }
0x50d: {  	[sflag:s6] =	ssyncset.done $0x0  }
0x50e: {  	[sflag:s6] =	ssyncadd.s32 $0xFFFFFF83  }
0x50f: {  	[spmem:s3] =	stream.indirect.scatter.add.f32 [tilespmem:s9], [sflag:$0x1], $0x1, s30, s10, $0xb8;
	[tilespmem:$0xA100] =	vst v63  }
0x510: {  	_ =	swait.ge [sflag:s6], $0x7D  }
0x511: {  	s8 =	sld [smem:$0x7CB]  }
0x512: {  	[sflag:s6] =	ssyncset.done $0x0  }
0x513: {  	[sflag:s6] =	ssyncadd.s32 $0xFFFFFF83  }
0x514: {  	[spmem:s3] =	stream.indirect.scatter.add.f32 [tilespmem:s9], [sflag:$0x1], $0x1, s8, s10, $0xb8;
	[tilespmem:$0xA100] =	vst v63  }
0x515: {  	_ =	swait.ge [sflag:s6], $0x7D  }
0x516: {  	s23 =	sld [smem:$0x7CC]  }
0x517: {  	[sflag:s6] =	ssyncset.done $0x0  }
0x518: {  	[sflag:s6] =	ssyncadd.s32 $0xFFFFFF83  }
0x519: {  	[spmem:s3] =	stream.indirect.scatter.add.f32 [tilespmem:s9], [sflag:$0x1], $0x1, s23, s10, $0xb8;
	[tilespmem:$0xA100] =	vst v63  }
0x51a: {  	_ =	swait.ge [sflag:s6], $0x7D  }
0x51b: {  	s25 =	sld [smem:$0x7CD]  }
0x51c: {  	[sflag:s6] =	ssyncset.done $0x0  }
0x51d: {  	[sflag:s6] =	ssyncadd.s32 $0xFFFFFF83  }
0x51e: {  	[spmem:s3] =	stream.indirect.scatter.add.f32 [tilespmem:s9], [sflag:$0x1], $0x1, s25, s10, $0xb8;
	[tilespmem:$0xA100] =	vst v63  }
0x51f: {  	_ =	swait.ge [sflag:s6], $0x7D  }
0x520: {  	s30 =	sld [smem:$0x7CE]  }
0x521: {  	[sflag:s6] =	ssyncset.done $0x0  }
0x522: {  	[sflag:s6] =	ssyncadd.s32 $0xFFFFFF83  }
0x523: {  	[spmem:s3] =	stream.indirect.scatter.add.f32 [tilespmem:s9], [sflag:$0x1], $0x1, s30, s10, $0xb8;
	[tilespmem:$0xA100] =	vst v63  }
0x524: {  	_ =	swait.ge [sflag:s6], $0x7D  }
0x525: {  	s8 =	sld [smem:$0x7CF]  }
0x526: {  	[sflag:s6] =	ssyncset.done $0x0  }
0x527: {  	[sflag:s6] =	ssyncadd.s32 $0xFFFFFF83  }
0x528: {  	[spmem:s3] =	stream.indirect.scatter.add.f32 [tilespmem:s9], [sflag:$0x1], $0x1, s8, s10, $0xb8;
	[tilespmem:$0xA100] =	vst v63  }
0x529: {  	_ =	swait.ge [sflag:s6], $0x7D  }
0x52a: {  	s23 =	sld [smem:$0x7D0]  }
0x52b: {  	[sflag:s6] =	ssyncset.done $0x0  }
0x52c: {  	[sflag:s6] =	ssyncadd.s32 $0xFFFFFF83  }
0x52d: {  	[spmem:s3] =	stream.indirect.scatter.add.f32 [tilespmem:s9], [sflag:$0x1], $0x1, s23, s10, $0xb8;
	[tilespmem:$0xA100] =	vst v63  }
0x52e: {  	_ =	swait.ge [sflag:s6], $0x7D  }
0x52f: {  	s25 =	sld [smem:$0x7D1]  }
0x530: {  	[sflag:s6] =	ssyncset.done $0x0  }
0x531: {  	[sflag:s6] =	ssyncadd.s32 $0xFFFFFF83  }
0x532: {  	[spmem:s3] =	stream.indirect.scatter.add.f32 [tilespmem:s9], [sflag:$0x1], $0x1, s25, s10, $0xb8;
	[tilespmem:$0xA100] =	vst v63  }
0x533: {  	_ =	swait.ge [sflag:s6], $0x7D  }
0x534: {  	s30 =	sld [smem:$0x7D2]  }
0x535: {  	[sflag:s6] =	ssyncset.done $0x0  }
0x536: {  	[sflag:s6] =	ssyncadd.s32 $0xFFFFFF83  }
0x537: {  	[spmem:s3] =	stream.indirect.scatter.add.f32 [tilespmem:s9], [sflag:$0x1], $0x1, s30, s10, $0xb8;
	[tilespmem:$0xA100] =	vst v63  }
0x538: {  	_ =	swait.ge [sflag:s6], $0x7D  }
0x539: {  	s8 =	sld [smem:$0x7D3]  }
0x53a: {  	[sflag:s6] =	ssyncset.done $0x0  }
0x53b: {  	[sflag:s6] =	ssyncadd.s32 $0xFFFFFF83  }
0x53c: {  	[spmem:s3] =	stream.indirect.scatter.add.f32 [tilespmem:s9], [sflag:$0x1], $0x1, s8, s10, $0xb8;
	[tilespmem:$0xA100] =	vst v63  }
0x53d: {  	_ =	swait.ge [sflag:s6], $0x7D  }
0x53e: {  	s23 =	sld [smem:$0x7D4]  }
0x53f: {  	[sflag:s6] =	ssyncset.done $0x0  }
0x540: {  	[sflag:s6] =	ssyncadd.s32 $0xFFFFFF83  }
0x541: {  	[spmem:s3] =	stream.indirect.scatter.add.f32 [tilespmem:s9], [sflag:$0x1], $0x1, s23, s10, $0xb8;
	[tilespmem:$0xA100] =	vst v63  }
0x542: {  	_ =	swait.ge [sflag:s6], $0x7D  }
0x543: {  	s25 =	sld [smem:$0x7D5]  }
0x544: {  	[sflag:s6] =	ssyncset.done $0x0  }
0x545: {  	[sflag:s6] =	ssyncadd.s32 $0xFFFFFF83  }
0x546: {  	[spmem:s3] =	stream.indirect.scatter.add.f32 [tilespmem:s9], [sflag:$0x1], $0x1, s25, s10, $0xb8;
	[tilespmem:$0xA100] =	vst v63  }
0x547: {  	_ =	swait.ge [sflag:s6], $0x7D  }
0x548: {  	s30 =	sld [smem:$0x7D6]  }
0x549: {  	[sflag:s6] =	ssyncset.done $0x0  }
0x54a: {  	[sflag:s6] =	ssyncadd.s32 $0xFFFFFF83  }
0x54b: {  	[spmem:s3] =	stream.indirect.scatter.add.f32 [tilespmem:s9], [sflag:$0x1], $0x1, s30, s10, $0xb8;
	[tilespmem:$0xA100] =	vst v63  }
0x54c: {  	_ =	swait.ge [sflag:s6], $0x7D  }
0x54d: {  	s8 =	sld [smem:$0x7D7]  }
0x54e: {  	[sflag:s6] =	ssyncset.done $0x0  }
0x54f: {  	[sflag:s6] =	ssyncadd.s32 $0xFFFFFF83  }
0x550: {  	[spmem:s3] =	stream.indirect.scatter.add.f32 [tilespmem:s9], [sflag:$0x1], $0x1, s8, s10, $0xb8;
	[tilespmem:$0xA100] =	vst v63  }
0x551: {  	_ =	swait.ge [sflag:s6], $0x7D  }
0x552: {  	s23 =	sld [smem:$0x7D8]  }
0x553: {  	[sflag:s6] =	ssyncset.done $0x0  }
0x554: {  	[sflag:s6] =	ssyncadd.s32 $0xFFFFFF83  }
0x555: {  	[spmem:s3] =	stream.indirect.scatter.add.f32 [tilespmem:s9], [sflag:$0x1], $0x1, s23, s10, $0xb8;
	[tilespmem:$0xA100] =	vst v63  }
0x556: {  	_ =	swait.ge [sflag:s6], $0x7D  }
0x557: {  	s25 =	sld [smem:$0x7D9]  }
0x558: {  	[sflag:s6] =	ssyncset.done $0x0  }
0x559: {  	[sflag:s6] =	ssyncadd.s32 $0xFFFFFF83  }
0x55a: {  	[spmem:s3] =	stream.indirect.scatter.add.f32 [tilespmem:s9], [sflag:$0x1], $0x1, s25, s10, $0xb8;
	[tilespmem:$0xA100] =	vst v63  }
0x55b: {  	_ =	swait.ge [sflag:s6], $0x7D  }
0x55c: {  	s30 =	sld [smem:$0x7DA]  }
0x55d: {  	[sflag:s6] =	ssyncset.done $0x0  }
0x55e: {  	[sflag:s6] =	ssyncadd.s32 $0xFFFFFF83  }
0x55f: {  	[spmem:s3] =	stream.indirect.scatter.add.f32 [tilespmem:s9], [sflag:$0x1], $0x1, s30, s10, $0xb8;
	[tilespmem:$0xA100] =	vst v63  }
0x560: {  	_ =	swait.ge [sflag:s6], $0x7D  }
0x561: {  	s8 =	sld [smem:$0x7DB]  }
0x562: {  	[sflag:s6] =	ssyncset.done $0x0  }
0x563: {  	[sflag:s6] =	ssyncadd.s32 $0xFFFFFF83  }
0x564: {  	[spmem:s3] =	stream.indirect.scatter.add.f32 [tilespmem:s9], [sflag:$0x1], $0x1, s8, s10, $0xb8;
	[tilespmem:$0xA100] =	vst v63  }
0x565: {  	_ =	swait.ge [sflag:s6], $0x7D  }
0x566: {  	s23 =	sld [smem:$0x7DC]  }
0x567: {  	[sflag:s6] =	ssyncset.done $0x0  }
0x568: {  	[sflag:s6] =	ssyncadd.s32 $0xFFFFFF83  }
0x569: {  	[spmem:s3] =	stream.indirect.scatter.add.f32 [tilespmem:s9], [sflag:$0x1], $0x1, s23, s10, $0xb8;
	[tilespmem:$0xA100] =	vst v63  }
0x56a: {  	_ =	swait.ge [sflag:s6], $0x7D  }
0x56b: {  	s25 =	sld [smem:$0x7DD]  }
0x56c: {  	[sflag:s6] =	ssyncset.done $0x0  }
0x56d: {  	[sflag:s6] =	ssyncadd.s32 $0xFFFFFF83  }
0x56e: {  	[spmem:s3] =	stream.indirect.scatter.add.f32 [tilespmem:s9], [sflag:$0x1], $0x1, s25, s10, $0xb8;
	[tilespmem:$0xA100] =	vst v63  }
0x56f: {  	_ =	swait.ge [sflag:s6], $0x7D  }
0x570: {  	s30 =	sld [smem:$0x7DE]  }
0x571: {  	[sflag:s6] =	ssyncset.done $0x0  }
0x572: {  	[sflag:s6] =	ssyncadd.s32 $0xFFFFFF83  }
0x573: {  	[spmem:s3] =	stream.indirect.scatter.add.f32 [tilespmem:s9], [sflag:$0x1], $0x1, s30, s10, $0xb8;
	[tilespmem:$0xA100] =	vst v63  }
0x574: {  	_ =	swait.ge [sflag:s6], $0x7D  }
0x575: {  	s8 =	sld [smem:$0x7DF]  }
0x576: {  	[sflag:s6] =	ssyncset.done $0x0  }
0x577: {  	[sflag:s6] =	ssyncadd.s32 $0xFFFFFF83  }
0x578: {  	[spmem:s3] =	stream.indirect.scatter.add.f32 [tilespmem:s9], [sflag:$0x1], $0x1, s8, s10, $0xb8;
	[tilespmem:$0xA100] =	vst v63  }
0x579: {  	_ =	swait.ge [sflag:s6], $0x7D  }
0x57a: {  	s23 =	sld [smem:$0x7E0]  }
0x57b: {  	[sflag:s6] =	ssyncset.done $0x0  }
0x57c: {  	[sflag:s6] =	ssyncadd.s32 $0xFFFFFF83  }
0x57d: {  	[spmem:s3] =	stream.indirect.scatter.add.f32 [tilespmem:s9], [sflag:$0x1], $0x1, s23, s10, $0xb8;
	[tilespmem:$0xA100] =	vst v63  }
0x57e: {  	_ =	swait.ge [sflag:s6], $0x7D  }
0x57f: {  	s25 =	sld [smem:$0x7E1]  }
0x580: {  	[sflag:s6] =	ssyncset.done $0x0  }
0x581: {  	[sflag:s6] =	ssyncadd.s32 $0xFFFFFF83  }
0x582: {  	[spmem:s3] =	stream.indirect.scatter.add.f32 [tilespmem:s9], [sflag:$0x1], $0x1, s25, s10, $0xb8;
	[tilespmem:$0xA100] =	vst v63  }
0x583: {  	_ =	swait.ge [sflag:s6], $0x7D  }
0x584: {  	s30 =	sld [smem:$0x7E2]  }
0x585: {  	[sflag:s6] =	ssyncset.done $0x0  }
0x586: {  	[sflag:s6] =	ssyncadd.s32 $0xFFFFFF83  }
0x587: {  	[spmem:s3] =	stream.indirect.scatter.add.f32 [tilespmem:s9], [sflag:$0x1], $0x1, s30, s10, $0xb8;
	[tilespmem:$0xA100] =	vst v63  }
0x588: {  	_ =	swait.ge [sflag:s6], $0x7D  }
0x589: {  	s8 =	sld [smem:$0x7E3]  }
0x58a: {  	[sflag:s6] =	ssyncset.done $0x0  }
0x58b: {  	[sflag:s6] =	ssyncadd.s32 $0xFFFFFF83  }
0x58c: {  	[spmem:s3] =	stream.indirect.scatter.add.f32 [tilespmem:s9], [sflag:$0x1], $0x1, s8, s10, $0xb8;
	[tilespmem:$0xA100] =	vst v63  }
0x58d: {  	_ =	swait.ge [sflag:s6], $0x7D  }
0x58e: {  	s23 =	sld [smem:$0x7E4]  }
0x58f: {  	[sflag:s6] =	ssyncset.done $0x0  }
0x590: {  	[sflag:s6] =	ssyncadd.s32 $0xFFFFFF83  }
0x591: {  	[spmem:s3] =	stream.indirect.scatter.add.f32 [tilespmem:s9], [sflag:$0x1], $0x1, s23, s10, $0xb8;
	[tilespmem:$0xA100] =	vst v63  }
0x592: {  	_ =	swait.ge [sflag:s6], $0x7D  }
0x593: {  	s25 =	sld [smem:$0x7E5]  }
0x594: {  	[sflag:s6] =	ssyncset.done $0x0  }
0x595: {  	[sflag:s6] =	ssyncadd.s32 $0xFFFFFF83  }
0x596: {  	[spmem:s3] =	stream.indirect.scatter.add.f32 [tilespmem:s9], [sflag:$0x1], $0x1, s25, s10, $0xb8;
	[tilespmem:$0xA100] =	vst v63  }
0x597: {  	_ =	swait.ge [sflag:s6], $0x7D  }
0x598: {  	s30 =	sld [smem:$0x7E6]  }
0x599: {  	[sflag:s6] =	ssyncset.done $0x0  }
0x59a: {  	[sflag:s6] =	ssyncadd.s32 $0xFFFFFF83  }
0x59b: {  	[spmem:s3] =	stream.indirect.scatter.add.f32 [tilespmem:s9], [sflag:$0x1], $0x1, s30, s10, $0xb8;
	[tilespmem:$0xA100] =	vst v63  }
0x59c: {  	_ =	swait.ge [sflag:s6], $0x7D  }
0x59d: {  	s8 =	sld [smem:$0x7E7]  }
0x59e: {  	[sflag:s6] =	ssyncset.done $0x0  }
0x59f: {  	[sflag:s6] =	ssyncadd.s32 $0xFFFFFF83  }
0x5a0: {  	[spmem:s3] =	stream.indirect.scatter.add.f32 [tilespmem:s9], [sflag:$0x1], $0x1, s8, s10, $0xb8;
	[tilespmem:$0xA100] =	vst v63  }
0x5a1: {  	_ =	swait.ge [sflag:s6], $0x7D  }
0x5a2: {  	s23 =	sld [smem:$0x7E8]  }
0x5a3: {  	[sflag:s6] =	ssyncset.done $0x0  }
0x5a4: {  	[sflag:s6] =	ssyncadd.s32 $0xFFFFFF83  }
0x5a5: {  	[spmem:s3] =	stream.indirect.scatter.add.f32 [tilespmem:s9], [sflag:$0x1], $0x1, s23, s10, $0xb8;
	[tilespmem:$0xA100] =	vst v63  }
0x5a6: {  	_ =	swait.ge [sflag:s6], $0x7D  }
0x5a7: {  	s25 =	sld [smem:$0x7E9]  }
0x5a8: {  	[sflag:s6] =	ssyncset.done $0x0  }
0x5a9: {  	[sflag:s6] =	ssyncadd.s32 $0xFFFFFF83  }
0x5aa: {  	[spmem:s3] =	stream.indirect.scatter.add.f32 [tilespmem:s9], [sflag:$0x1], $0x1, s25, s10, $0xb8;
	[tilespmem:$0xA100] =	vst v63  }
0x5ab: {  	_ =	swait.ge [sflag:s6], $0x7D  }
0x5ac: {  	s30 =	sld [smem:$0x7EA]  }
0x5ad: {  	[sflag:s6] =	ssyncset.done $0x0  }
0x5ae: {  	[sflag:s6] =	ssyncadd.s32 $0xFFFFFF83  }
0x5af: {  	[spmem:s3] =	stream.indirect.scatter.add.f32 [tilespmem:s9], [sflag:$0x1], $0x1, s30, s10, $0xb8;
	[tilespmem:$0xA100] =	vst v63  }
0x5b0: {  	_ =	swait.ge [sflag:s6], $0x7D  }
0x5b1: {  	s8 =	sld [smem:$0x7EB]  }
0x5b2: {  	[sflag:s6] =	ssyncset.done $0x0  }
0x5b3: {  	[sflag:s6] =	ssyncadd.s32 $0xFFFFFF83  }
0x5b4: {  	[spmem:s3] =	stream.indirect.scatter.add.f32 [tilespmem:s9], [sflag:$0x1], $0x1, s8, s10, $0xb8;
	[tilespmem:$0xA100] =	vst v63  }
0x5b5: {  	_ =	swait.ge [sflag:s6], $0x7D  }
0x5b6: {  	s23 =	sld [smem:$0x7EC]  }
0x5b7: {  	[sflag:s6] =	ssyncset.done $0x0  }
0x5b8: {  	[sflag:s6] =	ssyncadd.s32 $0xFFFFFF83  }
0x5b9: {  	[spmem:s3] =	stream.indirect.scatter.add.f32 [tilespmem:s9], [sflag:$0x1], $0x1, s23, s10, $0xb8;
	[tilespmem:$0xA100] =	vst v63  }
0x5ba: {  	_ =	swait.ge [sflag:s6], $0x7D  }
0x5bb: {  	s25 =	sld [smem:$0x7ED]  }
0x5bc: {  	[sflag:s6] =	ssyncset.done $0x0  }
0x5bd: {  	[sflag:s6] =	ssyncadd.s32 $0xFFFFFF83  }
0x5be: {  	[spmem:s3] =	stream.indirect.scatter.add.f32 [tilespmem:s9], [sflag:$0x1], $0x1, s25, s10, $0xb8;
	[tilespmem:$0xA100] =	vst v63  }
0x5bf: {  	_ =	swait.ge [sflag:s6], $0x7D  }
0x5c0: {  	s30 =	sld [smem:$0x7EE]  }
0x5c1: {  	[sflag:s6] =	ssyncset.done $0x0  }
0x5c2: {  	[sflag:s6] =	ssyncadd.s32 $0xFFFFFF83  }
0x5c3: {  	[spmem:s3] =	stream.indirect.scatter.add.f32 [tilespmem:s9], [sflag:$0x1], $0x1, s30, s10, $0xb8;
	[tilespmem:$0xA100] =	vst v63  }
0x5c4: {  	_ =	swait.ge [sflag:s6], $0x7D  }
0x5c5: {  	s8 =	sld [smem:$0x7EF]  }
0x5c6: {  	[sflag:s6] =	ssyncset.done $0x0  }
0x5c7: {  	[sflag:s6] =	ssyncadd.s32 $0xFFFFFF83  }
0x5c8: {  	[spmem:s3] =	stream.indirect.scatter.add.f32 [tilespmem:s9], [sflag:$0x1], $0x1, s8, s10, $0xb8;
	[tilespmem:$0xA100] =	vst v63  }
0x5c9: {  	_ =	swait.ge [sflag:s6], $0x7D  }
0x5ca: {  	s23 =	sld [smem:$0x7F0]  }
0x5cb: {  	[sflag:s6] =	ssyncset.done $0x0  }
0x5cc: {  	[sflag:s6] =	ssyncadd.s32 $0xFFFFFF83  }
0x5cd: {  	[spmem:s3] =	stream.indirect.scatter.add.f32 [tilespmem:s9], [sflag:$0x1], $0x1, s23, s10, $0xb8;
	[tilespmem:$0xA100] =	vst v63  }
0x5ce: {  	_ =	swait.ge [sflag:s6], $0x7D  }
0x5cf: {  	s25 =	sld [smem:$0x7F1]  }
0x5d0: {  	[sflag:s6] =	ssyncset.done $0x0  }
0x5d1: {  	[sflag:s6] =	ssyncadd.s32 $0xFFFFFF83  }
0x5d2: {  	[spmem:s3] =	stream.indirect.scatter.add.f32 [tilespmem:s9], [sflag:$0x1], $0x1, s25, s10, $0xb8;
	[tilespmem:$0xA100] =	vst v63  }
0x5d3: {  	_ =	swait.ge [sflag:s6], $0x7D  }
0x5d4: {  	s30 =	sld [smem:$0x7F2]  }
0x5d5: {  	[sflag:s6] =	ssyncset.done $0x0  }
0x5d6: {  	[sflag:s6] =	ssyncadd.s32 $0xFFFFFF83  }
0x5d7: {  	[spmem:s3] =	stream.indirect.scatter.add.f32 [tilespmem:s9], [sflag:$0x1], $0x1, s30, s10, $0xb8;
	[tilespmem:$0xA100] =	vst v63  }
0x5d8: {  	_ =	swait.ge [sflag:s6], $0x7D  }
0x5d9: {  	s8 =	sld [smem:$0x7F3]  }
0x5da: {  	[sflag:s6] =	ssyncset.done $0x0  }
0x5db: {  	[sflag:s6] =	ssyncadd.s32 $0xFFFFFF83  }
0x5dc: {  	[spmem:s3] =	stream.indirect.scatter.add.f32 [tilespmem:s9], [sflag:$0x1], $0x1, s8, s10, $0xb8;
	[tilespmem:$0xA100] =	vst v63  }
0x5dd: {  	_ =	swait.ge [sflag:s6], $0x7D  }
0x5de: {  	s23 =	sld [smem:$0x7F4]  }
0x5df: {  	[sflag:s6] =	ssyncset.done $0x0  }
0x5e0: {  	[sflag:s6] =	ssyncadd.s32 $0xFFFFFF83  }
0x5e1: {  	[spmem:s3] =	stream.indirect.scatter.add.f32 [tilespmem:s9], [sflag:$0x1], $0x1, s23, s10, $0xb8;
	[tilespmem:$0xA100] =	vst v63  }
0x5e2: {  	_ =	swait.ge [sflag:s6], $0x7D  }
0x5e3: {  	s25 =	sld [smem:$0x7F5]  }
0x5e4: {  	[sflag:s6] =	ssyncset.done $0x0  }
0x5e5: {  	[sflag:s6] =	ssyncadd.s32 $0xFFFFFF83  }
0x5e6: {  	[spmem:s3] =	stream.indirect.scatter.add.f32 [tilespmem:s9], [sflag:$0x1], $0x1, s25, s10, $0xb8;
	[tilespmem:$0xA100] =	vst v63  }
0x5e7: {  	_ =	swait.ge [sflag:s6], $0x7D  }
0x5e8: {  	s30 =	sld [smem:$0x7F6]  }
0x5e9: {  	[sflag:s6] =	ssyncset.done $0x0  }
0x5ea: {  	[sflag:s6] =	ssyncadd.s32 $0xFFFFFF83  }
0x5eb: {  	[spmem:s3] =	stream.indirect.scatter.add.f32 [tilespmem:s9], [sflag:$0x1], $0x1, s30, s10, $0xb8;
	[tilespmem:$0xA100] =	vst v63  }
0x5ec: {  	_ =	swait.ge [sflag:s6], $0x7D  }
0x5ed: {  	s8 =	sld [smem:$0x7F7]  }
0x5ee: {  	[sflag:s6] =	ssyncset.done $0x0  }
0x5ef: {  	[sflag:s6] =	ssyncadd.s32 $0xFFFFFF83  }
0x5f0: {  	[spmem:s3] =	stream.indirect.scatter.add.f32 [tilespmem:s9], [sflag:$0x1], $0x1, s8, s10, $0xb8;
	[tilespmem:$0xA100] =	vst v63  }
0x5f1: {  	_ =	swait.ge [sflag:s6], $0x7D  }
0x5f2: {  	s23 =	sld [smem:$0x7F8]  }
0x5f3: {  	[sflag:s6] =	ssyncset.done $0x0  }
0x5f4: {  	[sflag:s6] =	ssyncadd.s32 $0xFFFFFF83  }
0x5f5: {  	[spmem:s3] =	stream.indirect.scatter.add.f32 [tilespmem:s9], [sflag:$0x1], $0x1, s23, s10, $0xb8;
	[tilespmem:$0xA100] =	vst v63  }
0x5f6: {  	_ =	swait.ge [sflag:s6], $0x7D  }
0x5f7: {  	s25 =	sld [smem:$0x7F9]  }
0x5f8: {  	[sflag:s6] =	ssyncset.done $0x0  }
0x5f9: {  	[sflag:s6] =	ssyncadd.s32 $0xFFFFFF83  }
0x5fa: {  	[spmem:s3] =	stream.indirect.scatter.add.f32 [tilespmem:s9], [sflag:$0x1], $0x1, s25, s10, $0xb8;
	[tilespmem:$0xA100] =	vst v63  }
0x5fb: {  	_ =	swait.ge [sflag:s6], $0x7D  }
0x5fc: {  	s30 =	sld [smem:$0x7FA]  }
0x5fd: {  	[sflag:s6] =	ssyncset.done $0x0  }
0x5fe: {  	[sflag:s6] =	ssyncadd.s32 $0xFFFFFF83  }
0x5ff: {  	[spmem:s3] =	stream.indirect.scatter.add.f32 [tilespmem:s9], [sflag:$0x1], $0x1, s30, s10, $0xb8;
	[tilespmem:$0xA100] =	vst v63  }
0x600: {  	_ =	swait.ge [sflag:s6], $0x7D  }
0x601: {  	s8 =	sld [smem:$0x7FB]  }
0x602: {  	[sflag:s6] =	ssyncset.done $0x0  }
0x603: {  	[sflag:s6] =	ssyncadd.s32 $0xFFFFFF83  }
0x604: {  	[spmem:s3] =	stream.indirect.scatter.add.f32 [tilespmem:s9], [sflag:$0x1], $0x1, s8, s10, $0xb8;
	[tilespmem:$0xA100] =	vst v63  }
0x605: {  	_ =	swait.ge [sflag:s6], $0x7D  }
0x606: {  	s23 =	sld [smem:$0x7FC]  }
0x607: {  	[sflag:s6] =	ssyncset.done $0x0  }
0x608: {  	[sflag:s6] =	ssyncadd.s32 $0xFFFFFF83  }
0x609: {  	[spmem:s3] =	stream.indirect.scatter.add.f32 [tilespmem:s9], [sflag:$0x1], $0x1, s23, s10, $0xb8;
	[tilespmem:$0xA100] =	vst v63  }
0x60a: {  	_ =	swait.ge [sflag:s6], $0x7D  }
0x60b: {  	s25 =	sld [smem:$0x7FD]  }
0x60c: {  	[sflag:s6] =	ssyncset.done $0x0  }
0x60d: {  	[sflag:s6] =	ssyncadd.s32 $0xFFFFFF83  }
0x60e: {  	[spmem:s3] =	stream.indirect.scatter.add.f32 [tilespmem:s9], [sflag:$0x1], $0x1, s25, s10, $0xb8;
	[tilespmem:$0xA100] =	vst v63  }
0x60f: {  	_ =	swait.ge [sflag:s6], $0x7D  }
0x610: {  	[sflag:s6] =	ssyncset.done $0x0  }
0x611: {  	[sflag:s6] =	ssyncadd.s32 $0xFFFFFF83  }
0x612: {  	[spmem:s3] =	stream.indirect.scatter.add.f32 [tilespmem:s9], [sflag:$0x1], $0x1, s22, s10, $0xb8;
	[tilespmem:$0xA100] =	vst v63  }
0x613: {  	_ =	swait.ge [sflag:s6], $0x7D  }
0x614: {  	[sflag:s6] =	ssyncset.done $0x0  }
0x615: {  	[sflag:s6] =	ssyncadd.s32 $0xFFFFFF83  }
0x616: {  	[spmem:s3] =	stream.indirect.scatter.add.f32 [tilespmem:s9], [sflag:$0x1], $0x1, s21, s10, $0xb8;
	[tilespmem:$0xA100] =	vst v63  }
0x617: {  	_ =	swait.ge [sflag:s6], $0x7D  }
0x618: {  	[sflag:s6] =	ssyncset.done $0x0  }
0x619: {  	[sflag:s6] =	ssyncadd.s32 $0xFFFFFF83  }
0x61a: {  	[spmem:s3] =	stream.indirect.scatter.add.f32 [tilespmem:s9], [sflag:$0x1], $0x1, s20, s10, $0xb8;
	[tilespmem:$0xA100] =	vst v63  }
0x61b: {  	_ =	swait.ge [sflag:s6], $0x7D  }
0x61c: {  	[sflag:s6] =	ssyncset.done $0x0  }
0x61d: {  	[sflag:s6] =	ssyncadd.s32 $0xFFFFFF83  }
0x61e: {  	[spmem:s3] =	stream.indirect.scatter.add.f32 [tilespmem:s9], [sflag:$0x1], $0x1, s19, s10, $0xb8;
	[tilespmem:$0xA100] =	vst v63  }
0x61f: {  	_ =	swait.ge [sflag:s6], $0x7D  }
0x620: {  	[sflag:s6] =	ssyncset.done $0x0  }
0x621: {  	[sflag:s6] =	ssyncadd.s32 $0xFFFFFF83  }
0x622: {  	[spmem:s3] =	stream.indirect.scatter.add.f32 [tilespmem:s9], [sflag:$0x1], $0x1, s18, s10, $0xb8;
	[tilespmem:$0xA100] =	vst v63  }
0x623: {  	_ =	swait.ge [sflag:s6], $0x7D  }
0x624: {  	[sflag:s6] =	ssyncset.done $0x0  }
0x625: {  	[sflag:s6] =	ssyncadd.s32 $0xFFFFFF83  }
0x626: {  	[spmem:s3] =	stream.indirect.scatter.add.f32 [tilespmem:s9], [sflag:$0x1], $0x1, s17, s10, $0xb8;
	[tilespmem:$0xA100] =	vst v63  }
0x627: {  	_ =	swait.ge [sflag:s6], $0x7D  }
0x628: {  	[sflag:s6] =	ssyncset.done $0x0  }
0x629: {  	[sflag:s6] =	ssyncadd.s32 $0xFFFFFF83  }
0x62a: {  	[spmem:s3] =	stream.indirect.scatter.add.f32 [tilespmem:s9], [sflag:$0x1], $0x1, s16, s10, $0xb8;
	[tilespmem:$0xA100] =	vst v63  }
0x62b: {  	_ =	swait.ge [sflag:s6], $0x7D  }
0x62c: {  	[sflag:s6] =	ssyncset.done $0x0  }
0x62d: {  	[sflag:s6] =	ssyncadd.s32 $0xFFFFFF83  }
0x62e: {  	[spmem:s3] =	stream.indirect.scatter.add.f32 [tilespmem:s9], [sflag:$0x1], $0x1, s15, s10, $0xb8;
	[tilespmem:$0xA100] =	vst v63  }
0x62f: {  	_ =	swait.ge [sflag:s6], $0x7D  }
0x630: {  	[sflag:s6] =	ssyncset.done $0x0  }
0x631: {  	[sflag:s6] =	ssyncadd.s32 $0xFFFFFF83  }
0x632: {  	[spmem:s3] =	stream.indirect.scatter.add.f32 [tilespmem:s9], [sflag:$0x1], $0x1, s14, s10, $0xb8;
	[tilespmem:$0xA100] =	vst v63  }
0x633: {  	_ =	swait.ge [sflag:s6], $0x7D  }
0x634: {  	[sflag:s6] =	ssyncset.done $0x0  }
0x635: {  	[sflag:s6] =	ssyncadd.s32 $0xFFFFFF83  }
0x636: {  	[spmem:s3] =	stream.indirect.scatter.add.f32 [tilespmem:s9], [sflag:$0x1], $0x1, s13, s10, $0xb8;
	[tilespmem:$0xA100] =	vst v63  }
0x637: {  	_ =	swait.ge [sflag:s6], $0x7D  }
0x638: {  	[sflag:s6] =	ssyncset.done $0x0  }
0x639: {  	[sflag:s6] =	ssyncadd.s32 $0xFFFFFF83  }
0x63a: {  	[spmem:s3] =	stream.indirect.scatter.add.f32 [tilespmem:s9], [sflag:$0x1], $0x1, s12, s10, $0xb8;
	[tilespmem:$0xA100] =	vst v63  }
0x63b: {  	_ =	swait.ge [sflag:s6], $0x7D  }
0x63c: {  	[sflag:s6] =	ssyncset.done $0x0  }
0x63d: {  	[sflag:s6] =	ssyncadd.s32 $0xFFFFFF83  }
0x63e: {  	[spmem:s3] =	stream.indirect.scatter.add.f32 [tilespmem:s9], [sflag:$0x1], $0x1, s11, s10, $0xb8;
	[tilespmem:$0xA100] =	vst v63  }
0x63f: {  	_ =	swait.ge [sflag:s6], $0x7D  }
0x640: {  	[sflag:s6] =	ssyncset.done $0x0  }
0x641: {  	[sflag:s6] =	ssyncadd.s32 $0xFFFFFF83  }
0x642: {  	_ =	swait.ge [sflag:s6], $0x7D  }
0x643: {  	[sflag:s6] =	ssyncset.done $0x0  }
0x644: {  	[sflag:s6] =	ssyncadd.s32 $0xFFFFFF83  }
0x645: {  	_ =	swait.ge [sflag:s6], $0x7D  }
0x646: {  	[sflag:s6] =	ssyncset.done $0x0  }
0x647: {  	[sflag:s6] =	ssyncadd.s32 $0xFFFFFF83  }
0x648: {  	_ =	swait.ge [sflag:s6], $0x7D  }
0x649: {  	[sflag:s6] =	ssyncset.done $0x0  }
0x64a: {  	[sflag:s6] =	ssyncadd.s32 $0xFFFFFF83  }
0x64b: {  	_ =	swait.ge [sflag:s6], $0x7D  }
0x64c: {  	[sflag:s6] =	ssyncset.done $0x0  }
0x64d: {  	[sflag:s6] =	ssyncadd.s32 $0xFFFFFF83  }
0x64e: {  	_ =	swait.ge [sflag:s6], $0x7D  }
0x64f: {  	[sflag:s6] =	ssyncset.done $0x0  }
0x650: {  	[sflag:s6] =	ssyncadd.s32 $0xFFFFFF83  }
0x651: {  	_ =	swait.ge [sflag:s6], $0x7D  }
0x652: {  	[sflag:s6] =	ssyncset.done $0x0  }
0x653: {  	[sflag:s6] =	ssyncadd.s32 $0xFFFFFF83  }
0x654: {  	_ =	swait.ge [sflag:s6], $0x7D  }
0x655: {  	[sflag:s6] =	ssyncset.done $0x0  }
0x656: {  	[sflag:s6] =	ssyncadd.s32 $0xFFFFFF83  }
0x657: {  	_ =	swait.ge [sflag:s6], $0x7D  }
0x658: {  	[sflag:s6] =	ssyncset.done $0x0  }
0x659: {  	[sflag:s6] =	ssyncadd.s32 $0xFFFFFF83  }
0x65a: {  	_ =	swait.ge [sflag:s6], $0x7D  }
0x65b: {  	[sflag:s6] =	ssyncset.done $0x0  }
0x65c: {  	[sflag:s6] =	ssyncadd.s32 $0xFFFFFF83  }
0x65d: {  	_ =	swait.ge [sflag:s6], $0x7D  }
0x65e: {  	[sflag:s6] =	ssyncset.done $0x0  }
0x65f: {  	[sflag:s6] =	ssyncadd.s32 $0xFFFFFF83  }
0x660: {  	_ =	swait.ge [sflag:s6], $0x7D  }
0x661: {  	[sflag:s6] =	ssyncset.done $0x0  }
0x662: {  	[sflag:s6] =	ssyncadd.s32 $0xFFFFFF83  }
0x663: {  	_ =	swait.ge [sflag:s6], $0x7D  }
0x664: {  	[sflag:s6] =	ssyncset.done $0x0  }
0x665: {  	[sflag:s6] =	ssyncadd.s32 $0xFFFFFF83  }
0x666: {  	_ =	swait.ge [sflag:s6], $0x7D  }
0x667: {  	[sflag:s6] =	ssyncset.done $0x0  }
0x668: {  	[sflag:s6] =	ssyncadd.s32 $0xFFFFFF83  }
0x669: {  	_ =	swait.ge [sflag:s6], $0x7D  }
0x66a: {  	[sflag:s6] =	ssyncset.done $0x0  }
0x66b: {  	[sflag:s6] =	ssyncadd.s32 $0xFFFFFF83  }
0x66c: {  	_ =	swait.ge [sflag:s6], $0x7D  }
0x66d: {  	[sflag:s6] =	ssyncset.done $0x0  }
0x66e: {  	[sflag:s6] =	ssyncadd.s32 $0xFFFFFF83  }
0x66f: {  	_ =	swait.ge [sflag:s6], $0x7D  }
0x670: {  	[sflag:s6] =	ssyncset.done $0x0  }
0x671: {  	[sflag:s6] =	ssyncadd.s32 $0xFFFFFF83  }
0x672: {  	[bflag:$0x0] =	sbarrier.arrive $0xFFFF  }
0x673: {  	s31 =	sor.u32 $0x1C03, s31;
	s30 =	rddreg [dreg:$0xc]  }
0x674: {  	[hbm:s30@s5], [sflag:s31] =	dma.strided [spmem:s4@s29], $0xC80, s6, $0x10   }
0x675: {  	_ =	swait.ge [sflag:s7], $0xC80  }
0x676: {  	[sflag:s7] =	ssyncset.done $0x0  }
0x677: {  	s2 =	simm.s32 @!p0 $0x2;
	[sflag:s7] =	ssyncadd.s32 $0xFFFFF380  }
0x678: {  	_ =	swait.ge @!p0 [sflag:s2], $0x800  }
0x679: {  	[sflag:s2] =	ssyncset.done @!p0 $0x0  }
0x67a: {  	s3 =	rddreg [dreg:$0x9];
	[sflag:s2] =	ssyncadd.s32 @!p0 $0xFFFFF800  }
0x67b: {  	[hbm4b:s3+s0] =	stream.linear.scatter @!p0 [tilespmem:s24], [sflag:$0x3], $0x800, $0x38;
	[tilespmem:$0xA100] =	vst v63  }
0x67c: {  	_ =	swait.ge @!p0 [sflag:s1], $0x800  }
0x67d: {  	[sflag:s1] =	ssyncset.done @!p0 $0x0  }
0x67e: {  	[sflag:s1] =	ssyncadd.s32 @!p0 $0xFFFFF800  }
0x67f: {  	_ =	sfence.sel $0x180000  }
0x680: {  	[bflag:$0x0] =	sbarrier.arrive $0xFFFF  }
0x681: {  	p0 =	sne.s32 s26, $0x0;
	_ =	strace $0x90000047  }
0x682: {  	s0 =	sadd.s32 @!p0 $0x100000, s28;
	[bflag:$0x2] =	sbarrier.arrive $0xFFFF  }
0x683: {  	[sflag:s0] =	ssyncadd.tile.s32 @!p0 $0x1;
	_ =	shalt  }
.LBB2_1:
.Ltmp3:
0x684: {  	(pc) =	sbr.rel .LBB2_6-.Ltmp3, $2  }
0x685: {  	_ =	sdelay $0x2  }
0x686: {  	s29 =	simm.s32 $0x10  }
.LBB2_3:
.Ltmp4:
0x687: {  	(pc) =	sbr.rel .LBB2_6-.Ltmp4, $3  }
0x688: {  	_ =	sdelay $0x1  }
0x689: {  	s28 =	rddreg [dreg:$0x4]  }
0x68a: {  	s29 =	simm.s32 $0x10;
	s26 =	stileid.u32;
	s31 =	sld [smem:$0x7BA]  }
.Lfunc_end2:
_tile_overlayer_lowered:
.L_overlay_start_2:
0x68b: {  	(tag) =	ssettag $0x2  }
0x68c: {  	s0 =	rddreg [dreg:$0x0];
	s2 =	stileid.u32  }
0x68d: {  	s1 =	rddreg [dreg:$0x1];
	p0 =	sne.s32 s2, $0x0  }
0x68e: {  	s3 =	rddreg [dreg:$0x2];
	[bflag:$0x3] =	sbarrier.arrive $0xFFFF;
	s2 =	simm.s32 @!p0 $0x1C03  }
0x68f: {  	[timem:s3], [sflag:s2] =	dma.local @!p0 [hbm:s0], s1  }
0x690: {  	s0 =	simm.s32 @!p0 $0x3  }
0x691: {  	_ =	swait.ge @!p0 [sflag:s0], s1  }
0x692: {  	s1 =	ssub.s32 @!p0 $0x0, s1;
	[sflag:s0] =	ssyncset.done @!p0 $0x0  }
0x693: {  	[sflag:s0] =	ssyncadd.s32 @!p0 s1  }
0x694: {  	[bflag:$0x3] =	sbarrier.arrive $0xFFFF  }
0x695: {  	_ =	shalt  }

</sc_bundles>
